<compile_context>
chip_gen: v7x
topology: tpu7x:2x2x1
jax: 0.10.2.dev20260603
libtpu: 0.0.44.dev20260713+nightly
codegen_flags: <defaults>
</compile_context>

<pallas_src>
import functools

import jax
import jax.numpy as jnp
from jax import lax
from jax.experimental import pallas as pl
from jax.experimental.pallas import tpu as pltpu
from jax.experimental.pallas import tpu_sc as plsc

EPS = 1e-5
B = 8
N = 2048
K = 20
KP = 24
NEG = -3.0e38
GW = 128


def _pdtopk_body(xf_ref, xr_ref, idx_ref, pd_ref, *, bn):
    b = pl.program_id(0)
    Xf = xf_ref[0]
    Xr = xr_ref[0]
    G = lax.dot_general(Xr, Xf, (((1,), (1,)), ((), ())),
                        precision=lax.Precision.DEFAULT,
                        preferred_element_type=jnp.float32)
    xxf = jnp.sum(Xf * Xf, axis=1)
    xxr = jnp.sum(Xr * Xr, axis=1)
    pd_ref[...] = (2.0 * G - xxf[None, :]) - xxr[:, None]
    iota = lax.broadcasted_iota(jnp.int32, (bn, N), 1)
    kiota = lax.broadcasted_iota(jnp.int32, (bn, KP), 1)

    def step(t, acc):
        pd = pd_ref[...]
        m = jnp.max(pd, axis=1, keepdims=True)
        cand = jnp.where(pd == m, iota, N)
        idxt = jnp.min(cand, axis=1)
        acc0 = jnp.broadcast_to(idxt[:, None], (bn, KP))
        acc = jnp.where(t == 0, acc0, jnp.where(kiota == t, idxt[:, None], acc))
        pd_ref[...] = jnp.where(iota == idxt[:, None], NEG, pd)
        return acc

    acc = lax.fori_loop(0, K, step, jnp.zeros((bn, KP), jnp.int32))
    idx_ref[0] = acc + b * N


def _pdtopk(X, bn=2048, interpret=False):
    c = X.shape[-1]
    bh = X.shape[0]
    nb = N // bn
    return pl.pallas_call(
        functools.partial(_pdtopk_body, bn=bn),
        grid=(bh, nb),
        in_specs=[
            pl.BlockSpec((1, N, c), lambda b, i: (b, 0, 0)),
            pl.BlockSpec((1, bn, c), lambda b, i: (b, i, 0)),
        ],
        out_specs=pl.BlockSpec((1, bn, KP), lambda b, i: (b, i, 0)),
        out_shape=jax.ShapeDtypeStruct((bh, N, KP), jnp.int32),
        scratch_shapes=[pltpu.VMEM((bn, N), jnp.float32)],
        interpret=interpret,
    )(X, X)


def _gather_sc(xtab, idx_flat):
    info = plsc.get_sparse_core_info()
    nw = info.num_cores * info.num_subcores
    rows = xtab.shape[0]
    ppw = rows // nw
    gp = 4
    nidx = gp * KP
    ng = ppw // gp
    mesh = plsc.VectorSubcoreMesh(core_axis_name="c", subcore_axis_name="s")

    @functools.partial(
        pl.kernel,
        out_type=jax.ShapeDtypeStruct((rows * KP, GW), jnp.float32),
        mesh=mesh,
        scratch_types=[
            pltpu.VMEM((ppw * KP,), jnp.int32),
            pltpu.VMEM((nidx, GW), jnp.float32),
            pltpu.VMEM((nidx, GW), jnp.float32),
            pltpu.SemaphoreType.DMA,
            pltpu.SemaphoreType.DMA,
        ],
    )
    def gsc(idx_hbm, xtab_hbm, out_hbm, idx_v, buf0, buf1, sem0, sem1):
        wid = lax.axis_index("s") * info.num_cores + lax.axis_index("c")
        base = wid * ppw
        pltpu.sync_copy(idx_hbm.at[pl.ds(base * KP, ppw * KP)], idx_v)
        bufs = (buf0, buf1)
        sems = (sem0, sem1)

        def start(g, j):
            pltpu.make_async_copy(
                xtab_hbm.at[idx_v.at[pl.ds(g * nidx, nidx)]], bufs[j], sems[j]
            ).start()

        start(0, 0)
        start(1, 1)

        def pair(i, carry):
            for j in range(2):
                g = 2 * i + j
                pltpu.make_async_copy(
                    xtab_hbm.at[idx_v.at[pl.ds(0, nidx)]], bufs[j], sems[j]
                ).wait()
                pltpu.sync_copy(
                    bufs[j], out_hbm.at[pl.ds(base * KP + g * nidx, nidx)]
                )

                @pl.when(g + 2 < ng)
                def _():
                    start(g + 2, j)
            return carry

        lax.fori_loop(0, ng // 2, pair, 0)

    return gsc(idx_flat, xtab)


def _edgeconv_body(x_ref, f_ref, wa_ref, wb_ref, g_ref, b_ref, o_ref,
                   *, bn, cin, cout):
    Xi = x_ref[0]
    F = f_ref[0][:, :cin]
    XiR = jnp.broadcast_to(Xi[:, None, :], (bn, KP, cin)).reshape(bn * KP, cin)
    D = F - XiR
    A = lax.dot_general(D, wa_ref[...], (((1,), (0,)), ((), ())),
                        precision=lax.Precision.DEFAULT,
                        preferred_element_type=jnp.float32)
    M = jnp.max(A.reshape(bn, KP, cout), axis=1)
    ZB = lax.dot_general(Xi, wb_ref[...], (((1,), (0,)), ((), ())),
                         precision=lax.Precision.DEFAULT,
                         preferred_element_type=jnp.float32)
    v = (M + ZB) / jnp.sqrt(1.0 + EPS) * g_ref[...] + b_ref[...]
    o_ref[0] = jnp.where(v >= 0, v, 0.2 * v)


def _edgeconv(X, F, Wat, Wbt, gv, bv, bn=256, interpret=False):
    cin = X.shape[-1]
    cout = Wat.shape[-1]
    bh = X.shape[0]
    nb = N // bn
    return pl.pallas_call(
        functools.partial(_edgeconv_body, bn=bn, cin=cin, cout=cout),
        grid=(bh, nb),
        in_specs=[
            pl.BlockSpec((1, bn, cin), lambda b, i: (b, i, 0)),
            pl.BlockSpec((1, bn * KP, GW), lambda b, i: (b, i, 0)),
            pl.BlockSpec((cin, cout), lambda b, i: (0, 0)),
            pl.BlockSpec((cin, cout), lambda b, i: (0, 0)),
            pl.BlockSpec((1, cout), lambda b, i: (0, 0)),
            pl.BlockSpec((1, cout), lambda b, i: (0, 0)),
        ],
        out_specs=pl.BlockSpec((1, bn, cout), lambda b, i: (b, i, 0)),
        out_shape=jax.ShapeDtypeStruct((bh, N, cout), jnp.float32),
        interpret=interpret,
    )(X, F, Wat, Wbt, gv, bv)


def _pool_body(x1_ref, x2_ref, x3_ref, x4_ref, w_ref, b_ref, p1_ref, ps_ref):
    nb = pl.program_id(1)
    xc = jnp.concatenate([x1_ref[0], x2_ref[0], x3_ref[0], x4_ref[0]], axis=1)
    H = lax.dot_general(xc, w_ref[...], (((1,), (1,)), ((), ())),
                        precision=lax.Precision.DEFAULT,
                        preferred_element_type=jnp.float32) + b_ref[...]
    H = jnp.maximum(H, 0.2 * H)
    pmax = jnp.max(H, axis=0)[None, :]
    psum = jnp.sum(H, axis=0)[None, :]

    @pl.when(nb == 0)
    def _():
        p1_ref[0] = pmax
        ps_ref[0] = psum

    @pl.when(nb != 0)
    def _():
        p1_ref[0] = jnp.maximum(p1_ref[0], pmax)
        ps_ref[0] = ps_ref[0] + psum


def _pool(x1, x2, x3, x4, W5s, b5v, bn=512, interpret=False):
    nb = N // bn
    return pl.pallas_call(
        _pool_body,
        grid=(B, nb),
        in_specs=[
            pl.BlockSpec((1, bn, 64), lambda b, i: (b, i, 0)),
            pl.BlockSpec((1, bn, 64), lambda b, i: (b, i, 0)),
            pl.BlockSpec((1, bn, 128), lambda b, i: (b, i, 0)),
            pl.BlockSpec((1, bn, 256), lambda b, i: (b, i, 0)),
            pl.BlockSpec((1024, 512), lambda b, i: (0, 0)),
            pl.BlockSpec((1, 1024), lambda b, i: (0, 0)),
        ],
        out_specs=[
            pl.BlockSpec((1, 1, 1024), lambda b, i: (b, 0, 0)),
            pl.BlockSpec((1, 1, 1024), lambda b, i: (b, 0, 0)),
        ],
        out_shape=[
            jax.ShapeDtypeStruct((B, 1, 1024), jnp.float32),
            jax.ShapeDtypeStruct((B, 1, 1024), jnp.float32),
        ],
        interpret=interpret,
    )(x1, x2, x3, x4, W5s, b5v)


def _mlp_body(p1_ref, ps_ref, l1_ref, b6_ref, l2_ref, b7_ref, l3_ref, bl3_ref,
              out_ref, m1_ref, m2_ref, m3_ref):
    h = jnp.concatenate([p1_ref[...], ps_ref[...] * (1.0 / N)], axis=1)
    m1_ref[...] = h
    h2 = lax.dot_general(h, l1_ref[...], (((1,), (0,)), ((), ())),
                         precision=lax.Precision.DEFAULT,
                         preferred_element_type=jnp.float32) + b6_ref[...]
    h2 = jnp.maximum(h2, 0.2 * h2)
    m2_ref[...] = h2
    h3 = lax.dot_general(h2, l2_ref[...], (((1,), (0,)), ((), ())),
                         precision=lax.Precision.DEFAULT,
                         preferred_element_type=jnp.float32) + b7_ref[...]
    h3 = jnp.maximum(h3, 0.2 * h3)
    m3_ref[...] = h3
    lg = lax.dot_general(h3, l3_ref[...], (((1,), (0,)), ((), ())),
                         precision=lax.Precision.DEFAULT,
                         preferred_element_type=jnp.float32) + bl3_ref[...]
    sh = lg - jnp.max(lg, axis=1, keepdims=True)
    lse = jnp.log(jnp.sum(jnp.exp(sh), axis=1, keepdims=True))
    out_ref[...] = sh - lse


def _mlp(p1, ps, L1t, b6v, L2t, b7v, L3t, bl3v, interpret=False):
    return pl.pallas_call(
        _mlp_body,
        out_shape=[
            jax.ShapeDtypeStruct((B, 40), jnp.float32),
            jax.ShapeDtypeStruct((B, 2048), jnp.float32),
            jax.ShapeDtypeStruct((B, 512), jnp.float32),
            jax.ShapeDtypeStruct((B, 256), jnp.float32),
        ],
        interpret=interpret,
    )(p1, ps, L1t, b6v, L2t, b7v, L3t, bl3v)


def kernel(x, W1, g1, b1, W2, g2, b2, W3, g3, b3, W4, g4, b4, W5, g5, b5,
           L1, g6, b6, L2, bL2, g7, b7, L3, bL3):
    X = x.reshape(B, N, 3)
    s_inv = 1.0 / jnp.sqrt(1.0 + EPS)

    def _tab(Xh, cin):
        t = Xh.reshape(Xh.shape[0] * N, cin)
        if cin < GW:
            t = jnp.pad(t, ((0, 0), (0, GW - cin)))
        return t

    NC = 2
    bc = B // NC
    chunks = [X[i * bc:(i + 1) * bc] for i in range(NC)]
    outs = []
    for (W, g, b, cin) in [(W1, g1, b1, 3), (W2, g2, b2, 64),
                           (W3, g3, b3, 64), (W4, g4, b4, 128)]:
        Wat, Wbt = W[:, :cin].T, W[:, cin:].T
        gv, bv = g[None, :], b[None, :]
        Fs = [None] * NC
        for i in range(NC):
            idx = _pdtopk(chunks[i])
            Fs[i] = _gather_sc(_tab(chunks[i], cin), idx.reshape(-1))
            if i > 0:
                chunks[i - 1] = _edgeconv(
                    chunks[i - 1], Fs[i - 1].reshape(bc, N * KP, GW),
                    Wat, Wbt, gv, bv)
        chunks[NC - 1] = _edgeconv(
            chunks[NC - 1], Fs[NC - 1].reshape(bc, N * KP, GW),
            Wat, Wbt, gv, bv)
        outs.append(jnp.concatenate(chunks, axis=0))
    x1, x2, x3, x4 = outs

    W5s = W5 * (g5 * s_inv)[:, None]
    p1, ps = _pool(x1, x2, x3, x4, W5s, b5[None, :])
    p1 = p1.reshape(B, 1024)
    ps = ps.reshape(B, 1024)

    L1t = (L1 * (g6 * s_inv)[:, None]).T
    L2t = (L2 * (g7 * s_inv)[:, None]).T
    b7v = (bL2 * (g7 * s_inv) + b7)[None, :]
    out, m1, m2, m3 = _mlp(p1, ps, L1t, b6[None, :], L2t, b7v, L3.T, bL3[None, :])
    return (out, m1, m2, m3)

# --- scband reference (transcript-rebuilt; emitter-appended) ---
"""Pipeline reference for scband-get-model-56538949484643 (READ-ONLY COPY).

The authoritative reference and input builder live on the scoring server;
editing this copy changes nothing except your own understanding.
"""

import jax, jax.numpy as jnp
import numpy as np

EPS = 1e-5

def setup_inputs(seed: int = 0) -> dict:
    key = jax.random.key(seed)
    ks = jax.random.split(key, 16)
    def p(i, shape):
        return jax.random.normal(ks[i], shape, dtype=jnp.float32) * 0.05
    inp = {}
    inp['x'] = jax.random.normal(ks[0], (8, 8, 256, 3), dtype=jnp.float32)
    inp['W1'] = p(1, (64, 6));    inp['g1'] = jnp.ones(64, jnp.float32);   inp['b1'] = jnp.zeros(64, jnp.float32)
    inp['W2'] = p(2, (64, 128));  inp['g2'] = jnp.ones(64, jnp.float32);   inp['b2'] = jnp.zeros(64, jnp.float32)
    inp['W3'] = p(3, (128, 128)); inp['g3'] = jnp.ones(128, jnp.float32);  inp['b3'] = jnp.zeros(128, jnp.float32)
    inp['W4'] = p(4, (256, 256)); inp['g4'] = jnp.ones(256, jnp.float32);  inp['b4'] = jnp.zeros(256, jnp.float32)
    inp['W5'] = p(5, (1024, 512)); inp['g5'] = jnp.ones(1024, jnp.float32); inp['b5'] = jnp.zeros(1024, jnp.float32)
    inp['L1'] = p(6, (512, 2048)); inp['g6'] = jnp.ones(512, jnp.float32);  inp['b6'] = jnp.zeros(512, jnp.float32)
    inp['L2'] = p(7, (256, 512)); inp['bL2'] = jnp.zeros(256, jnp.float32)
    inp['g7'] = jnp.ones(256, jnp.float32); inp['b7'] = jnp.zeros(256, jnp.float32)
    inp['L3'] = p(8, (40, 256)); inp['bL3'] = jnp.zeros(40, jnp.float32)
    return inp

def _knn(x, k):
    inner = -2.0 * jnp.matmul(jnp.transpose(x, (0, 2, 1)), x)
    xx = jnp.sum(x ** 2, axis=1, keepdims=True)
    pd = -xx - inner - jnp.transpose(xx, (0, 2, 1))
    return jax.lax.top_k(pd, k)[1]

def _graph_feature(x, k):
    B, C, N = x.shape
    idx = _knn(x, k)
    idx = idx + (jnp.arange(B, dtype=idx.dtype)[:, None, None] * N)
    xt = jnp.transpose(x, (0, 2, 1)).reshape(B * N, C)
    feat = xt[idx.reshape(-1)].reshape(B, N, k, C)
    xr = xt.reshape(B, N, 1, C)
    feature = jnp.concatenate([feat - xr, jnp.broadcast_to(xr, (B, N, k, C))], axis=3)
    return jnp.transpose(feature, (0, 3, 1, 2))

def _lrelu(v):
    return jnp.where(v >= 0, v, 0.2 * v)

def _bn2(v, g, b):
    return (v / jnp.sqrt(1.0 + EPS)) * g[None, :, None, None] + b[None, :, None, None]

def _bn1c(v, g, b):
    return (v / jnp.sqrt(1.0 + EPS)) * g[None, :, None] + b[None, :, None]

def _bn1(v, g, b):
    return (v / jnp.sqrt(1.0 + EPS)) * g[None, :] + b[None, :]

def reference(x, W1, g1, b1, W2, g2, b2, W3, g3, b3, W4, g4, b4, W5, g5, b5, L1, g6, b6, L2, bL2, g7, b7, L3, bL3):
    k = 20
    B, F_, Nn, _ = x.shape
    x = x.reshape(B, F_ * Nn, 3)
    x = jnp.transpose(x, (0, 2, 1))
    h = _graph_feature(x, k)
    h = _lrelu(_bn2(jnp.einsum('oc,bcnk->bonk', W1, h), g1, b1))
    x1 = jnp.max(h, axis=-1)
    h = _graph_feature(x1, k)
    h = _lrelu(_bn2(jnp.einsum('oc,bcnk->bonk', W2, h), g2, b2))
    x2 = jnp.max(h, axis=-1)
    h = _graph_feature(x2, k)
    h = _lrelu(_bn2(jnp.einsum('oc,bcnk->bonk', W3, h), g3, b3))
    x3 = jnp.max(h, axis=-1)
    h = _graph_feature(x3, k)
    h = _lrelu(_bn2(jnp.einsum('oc,bcnk->bonk', W4, h), g4, b4))
    x4 = jnp.max(h, axis=-1)
    h = jnp.concatenate([x1, x2, x3, x4], axis=1)
    h = _lrelu(_bn1c(jnp.einsum('oc,bcn->bon', W5, h), g5, b5))
    p1 = jnp.max(h, axis=-1)
    p2 = jnp.mean(h, axis=-1)
    h = jnp.concatenate([p1, p2], axis=1)
    m1 = jax.lax.stop_gradient(h)
    h = _lrelu(_bn1(h @ L1.T, g6, b6))
    m2 = jax.lax.stop_gradient(h)
    h = _lrelu(_bn1(h @ L2.T + bL2, g7, b7))
    m3 = jax.lax.stop_gradient(h)
    h = h @ L3.T + bL3
    out = jax.nn.log_softmax(h, axis=-1)
    return (out, m1, m2, m3)

if __name__ == "__main__":
    import jax
    _d = setup_inputs()
    print(jax.jit(kernel)(*tuple(_d.values())))

</pallas_src>

<mosaic_0001>
#map = affine_map<(d0, d1) -> (0)>
#map1 = affine_map<(d0, d1) -> (0, 0)>
module attributes {stable_mosaic.version = 14 : i64} {
  func.func @gsc(%arg0: i32, %arg1: i32, %arg2: memref<196608xi32, #tpu.memory_space<hbm>>, %arg3: memref<8192x128xf32, #tpu.memory_space<hbm>>, %arg4: memref<196608x128xf32, #tpu.memory_space<hbm>>, %arg5: memref<6144xi32, #tpu.memory_space<vmem>>, %arg6: memref<96x128xf32, #tpu.memory_space<vmem>>, %arg7: memref<96x128xf32, #tpu.memory_space<vmem>>, %arg8: memref<!tpu.dma_semaphore, #tpu.memory_space<semaphore_mem>>, %arg9: memref<!tpu.dma_semaphore, #tpu.memory_space<semaphore_mem>>) attributes {dimension_semantics = [#tpu.dimension_semantics<core_parallel>, #tpu.dimension_semantics<subcore_parallel>], iteration_bounds = array<i64: 2, 16>, scalar_prefetch = 0 : i64, scratch_operands = 5 : i64, tpu.core_type = #tpu.core_type<sc_vector_subcore>, window_params = [{transform_indices = #map}, {transform_indices = #map1}, {transform_indices = #map1}]} {
    %mul3A = arith.constant 2 : i32
    %mul3A_0 = arith.muli %arg1, %mul3A : i32
    %add3A = arith.addi %mul3A_0, %arg0 : i32
    %mul3A_1 = arith.constant 256 : i32
    %mul3A_2 = arith.muli %add3A, %mul3A_1 : i32
    %mul3A_3 = arith.constant 24 : i32
    %mul3A_4 = arith.muli %mul3A_2, %mul3A_3 : i32
    "tpu.region"() ({
      %run_scoped3A = tpu.sem_alloc : memref<!tpu.dma_semaphore, #tpu.memory_space<semaphore_mem>>
      %dma_start3A_19 = tpu.memref_slice %arg2[%mul3A_4] : memref<196608xi32, #tpu.memory_space<hbm>> -> memref<6144xi32, #tpu.memory_space<hbm>>
      %dma_start3A_20 = tpu.memref_slice %arg2[%mul3A_4] : memref<196608xi32, #tpu.memory_space<hbm>> -> memref<6144xi32, #tpu.memory_space<hbm>>
      tpu.enqueue_dma source(%dma_start3A_20 : memref<6144xi32, #tpu.memory_space<hbm>>) target(%arg5 : memref<6144xi32, #tpu.memory_space<vmem>>) target_semaphore(%run_scoped3A : memref<!tpu.dma_semaphore, #tpu.memory_space<semaphore_mem>>)
      %dma_wait3A = tpu.memref_slice %arg2[%mul3A_4] : memref<196608xi32, #tpu.memory_space<hbm>> -> memref<6144xi32, #tpu.memory_space<hbm>>
      %dma_wait3A_21 = tpu.memref_slice %arg2[%mul3A_4] : memref<196608xi32, #tpu.memory_space<hbm>> -> memref<6144xi32, #tpu.memory_space<hbm>>
      tpu.wait_dma2 semaphore(%run_scoped3A : memref<!tpu.dma_semaphore, #tpu.memory_space<semaphore_mem>>) src(%dma_wait3A_21 : memref<6144xi32, #tpu.memory_space<hbm>>) dst(%arg5 : memref<6144xi32, #tpu.memory_space<vmem>>)
      tpu.yield
    }) : () -> ()
    %dma_start3A = arith.constant 0 : i32
    %dma_start3A_5 = tpu.memref_slice %arg5[%dma_start3A] : memref<6144xi32, #tpu.memory_space<vmem>> -> memref<96xi32, #tpu.memory_space<vmem>>
    %dma_start3A_6 = arith.constant 0 : i32
    %dma_start3A_7 = arith.constant 0 : i32
    %dma_start3A_8 = tpu.memref_slice %arg3[%dma_start3A_6, %dma_start3A_7] : memref<8192x128xf32, #tpu.memory_space<hbm>> -> memref<8192x128xf32, #tpu.memory_space<hbm>>
    tpu.enqueue_indirect_dma source(%dma_start3A_8 : memref<8192x128xf32, #tpu.memory_space<hbm>>) target(%arg6 : memref<96x128xf32, #tpu.memory_space<vmem>>) offsets(%dma_start3A_5 : memref<96xi32, #tpu.memory_space<vmem>>) semaphore(%arg8 : memref<!tpu.dma_semaphore, #tpu.memory_space<semaphore_mem>>)
    %dma_start3A_9 = arith.constant 96 : i32
    %dma_start3A_10 = tpu.memref_slice %arg5[%dma_start3A_9] : memref<6144xi32, #tpu.memory_space<vmem>> -> memref<96xi32, #tpu.memory_space<vmem>>
    %dma_start3A_11 = arith.constant 0 : i32
    %dma_start3A_12 = arith.constant 0 : i32
    %dma_start3A_13 = tpu.memref_slice %arg3[%dma_start3A_11, %dma_start3A_12] : memref<8192x128xf32, #tpu.memory_space<hbm>> -> memref<8192x128xf32, #tpu.memory_space<hbm>>
    tpu.enqueue_indirect_dma source(%dma_start3A_13 : memref<8192x128xf32, #tpu.memory_space<hbm>>) target(%arg7 : memref<96x128xf32, #tpu.memory_space<vmem>>) offsets(%dma_start3A_10 : memref<96xi32, #tpu.memory_space<vmem>>) semaphore(%arg9 : memref<!tpu.dma_semaphore, #tpu.memory_space<semaphore_mem>>)
    %scan3A = arith.constant 0 : i32
    %scan3A_14 = arith.constant 0 : i32
    %scan3A_15 = arith.constant 32 : i32
    %scan3A_16 = arith.addi %scan3A_14, %scan3A_15 : i32
    %scan3A_17 = arith.constant 1 : i32
    scf.for %scan3A_19 = %scan3A_14 to %scan3A_16 step %scan3A_17  : i32 {
      %mul3A_20 = arith.constant 2 : i32
      %mul3A_21 = arith.muli %mul3A_20, %scan3A_19 : i32
      %add3A_22 = arith.constant 0 : i32
      %add3A_23 = arith.addi %mul3A_21, %add3A_22 : i32
      %dma_wait3A = arith.constant 0 : i32
      %dma_wait3A_24 = tpu.memref_slice %arg5[%dma_wait3A] : memref<6144xi32, #tpu.memory_space<vmem>> -> memref<96xi32, #tpu.memory_space<vmem>>
      %dma_wait3A_25 = arith.constant 0 : i32
      %dma_wait3A_26 = arith.constant 0 : i32
      %dma_wait3A_27 = tpu.memref_slice %arg3[%dma_wait3A_25, %dma_wait3A_26] : memref<8192x128xf32, #tpu.memory_space<hbm>> -> memref<8192x128xf32, #tpu.memory_space<hbm>>
      tpu.wait_indirect_dma semaphore(%arg8 : memref<!tpu.dma_semaphore, #tpu.memory_space<semaphore_mem>>) src(%dma_wait3A_27 : memref<8192x128xf32, #tpu.memory_space<hbm>>) dst(%arg6 : memref<96x128xf32, #tpu.memory_space<vmem>>)
      %mul3A_28 = arith.constant 24 : i32
      %mul3A_29 = arith.muli %mul3A_2, %mul3A_28 : i32
      %mul3A_30 = arith.constant 96 : i32
      %mul3A_31 = arith.muli %add3A_23, %mul3A_30 : i32
      %add3A_32 = arith.addi %mul3A_29, %mul3A_31 : i32
      "tpu.region"() ({
        %run_scoped3A = tpu.sem_alloc : memref<!tpu.dma_semaphore, #tpu.memory_space<semaphore_mem>>
        %dma_start3A_58 = arith.constant 0 : i32
        %dma_start3A_59 = tpu.memref_slice %arg4[%add3A_32, %dma_start3A_58] : memref<196608x128xf32, #tpu.memory_space<hbm>> -> memref<96x128xf32, #tpu.memory_space<hbm>>
        %dma_start3A_60 = arith.constant 0 : i32
        %dma_start3A_61 = tpu.memref_slice %arg4[%add3A_32, %dma_start3A_60] : memref<196608x128xf32, #tpu.memory_space<hbm>> -> memref<96x128xf32, #tpu.memory_space<hbm>>
        tpu.enqueue_dma source(%arg6 : memref<96x128xf32, #tpu.memory_space<vmem>>) target(%dma_start3A_61 : memref<96x128xf32, #tpu.memory_space<hbm>>) target_semaphore(%run_scoped3A : memref<!tpu.dma_semaphore, #tpu.memory_space<semaphore_mem>>)
        %dma_wait3A_62 = arith.constant 0 : i32
        %dma_wait3A_63 = tpu.memref_slice %arg4[%add3A_32, %dma_wait3A_62] : memref<196608x128xf32, #tpu.memory_space<hbm>> -> memref<96x128xf32, #tpu.memory_space<hbm>>
        %dma_wait3A_64 = arith.constant 0 : i32
        %dma_wait3A_65 = tpu.memref_slice %arg4[%add3A_32, %dma_wait3A_64] : memref<196608x128xf32, #tpu.memory_space<hbm>> -> memref<96x128xf32, #tpu.memory_space<hbm>>
        tpu.wait_dma2 semaphore(%run_scoped3A : memref<!tpu.dma_semaphore, #tpu.memory_space<semaphore_mem>>) src(%arg6 : memref<96x128xf32, #tpu.memory_space<vmem>>) dst(%dma_wait3A_65 : memref<96x128xf32, #tpu.memory_space<hbm>>)
        tpu.yield
      }) : () -> ()
      %add3A_33 = arith.constant 2 : i32
      %add3A_34 = arith.addi %add3A_23, %add3A_33 : i32
      %lt3A = arith.constant 64 : i32
      %lt3A_35 = arith.cmpi slt, %add3A_34, %lt3A : i32
      %convert_element_type3A = arith.extui %lt3A_35 : i1 to i32
      %cond3A = arith.constant 0 : i32
      %cond3A_36 = arith.cmpi ne, %convert_element_type3A, %cond3A : i32
      scf.if %cond3A_36 {
        %add3A_58 = arith.constant 2 : i32
        %add3A_59 = arith.addi %add3A_23, %add3A_58 : i32
        %mul3A_60 = arith.constant 96 : i32
        %mul3A_61 = arith.muli %add3A_59, %mul3A_60 : i32
        %dma_start3A_62 = tpu.memref_slice %arg5[%mul3A_61] : memref<6144xi32, #tpu.memory_space<vmem>> -> memref<96xi32, #tpu.memory_space<vmem>>
        %dma_start3A_63 = arith.constant 0 : i32
        %dma_start3A_64 = arith.constant 0 : i32
        %dma_start3A_65 = tpu.memref_slice %arg3[%dma_start3A_63, %dma_start3A_64] : memref<8192x128xf32, #tpu.memory_space<hbm>> -> memref<8192x128xf32, #tpu.memory_space<hbm>>
        tpu.enqueue_indirect_dma source(%dma_start3A_65 : memref<8192x128xf32, #tpu.memory_space<hbm>>) target(%arg6 : memref<96x128xf32, #tpu.memory_space<vmem>>) offsets(%dma_start3A_62 : memref<96xi32, #tpu.memory_space<vmem>>) semaphore(%arg8 : memref<!tpu.dma_semaphore, #tpu.memory_space<semaphore_mem>>)
      } else {
      }
      %mul3A_37 = arith.constant 2 : i32
      %mul3A_38 = arith.muli %mul3A_37, %scan3A_19 : i32
      %add3A_39 = arith.constant 1 : i32
      %add3A_40 = arith.addi %mul3A_38, %add3A_39 : i32
      %dma_wait3A_41 = arith.constant 0 : i32
      %dma_wait3A_42 = tpu.memref_slice %arg5[%dma_wait3A_41] : memref<6144xi32, #tpu.memory_space<vmem>> -> memref<96xi32, #tpu.memory_space<vmem>>
      %dma_wait3A_43 = arith.constant 0 : i32
      %dma_wait3A_44 = arith.constant 0 : i32
      %dma_wait3A_45 = tpu.memref_slice %arg3[%dma_wait3A_43, %dma_wait3A_44] : memref<8192x128xf32, #tpu.memory_space<hbm>> -> memref<8192x128xf32, #tpu.memory_space<hbm>>
      tpu.wait_indirect_dma semaphore(%arg9 : memref<!tpu.dma_semaphore, #tpu.memory_space<semaphore_mem>>) src(%dma_wait3A_45 : memref<8192x128xf32, #tpu.memory_space<hbm>>) dst(%arg7 : memref<96x128xf32, #tpu.memory_space<vmem>>)
      %mul3A_46 = arith.constant 24 : i32
      %mul3A_47 = arith.muli %mul3A_2, %mul3A_46 : i32
      %mul3A_48 = arith.constant 96 : i32
      %mul3A_49 = arith.muli %add3A_40, %mul3A_48 : i32
      %add3A_50 = arith.addi %mul3A_47, %mul3A_49 : i32
      "tpu.region"() ({
        %run_scoped3A = tpu.sem_alloc : memref<!tpu.dma_semaphore, #tpu.memory_space<semaphore_mem>>
        %dma_start3A_58 = arith.constant 0 : i32
        %dma_start3A_59 = tpu.memref_slice %arg4[%add3A_50, %dma_start3A_58] : memref<196608x128xf32, #tpu.memory_space<hbm>> -> memref<96x128xf32, #tpu.memory_space<hbm>>
        %dma_start3A_60 = arith.constant 0 : i32
        %dma_start3A_61 = tpu.memref_slice %arg4[%add3A_50, %dma_start3A_60] : memref<196608x128xf32, #tpu.memory_space<hbm>> -> memref<96x128xf32, #tpu.memory_space<hbm>>
        tpu.enqueue_dma source(%arg7 : memref<96x128xf32, #tpu.memory_space<vmem>>) target(%dma_start3A_61 : memref<96x128xf32, #tpu.memory_space<hbm>>) target_semaphore(%run_scoped3A : memref<!tpu.dma_semaphore, #tpu.memory_space<semaphore_mem>>)
        %dma_wait3A_62 = arith.constant 0 : i32
        %dma_wait3A_63 = tpu.memref_slice %arg4[%add3A_50, %dma_wait3A_62] : memref<196608x128xf32, #tpu.memory_space<hbm>> -> memref<96x128xf32, #tpu.memory_space<hbm>>
        %dma_wait3A_64 = arith.constant 0 : i32
        %dma_wait3A_65 = tpu.memref_slice %arg4[%add3A_50, %dma_wait3A_64] : memref<196608x128xf32, #tpu.memory_space<hbm>> -> memref<96x128xf32, #tpu.memory_space<hbm>>
        tpu.wait_dma2 semaphore(%run_scoped3A : memref<!tpu.dma_semaphore, #tpu.memory_space<semaphore_mem>>) src(%arg7 : memref<96x128xf32, #tpu.memory_space<vmem>>) dst(%dma_wait3A_65 : memref<96x128xf32, #tpu.memory_space<hbm>>)
        tpu.yield
      }) : () -> ()
      %add3A_51 = arith.constant 2 : i32
      %add3A_52 = arith.addi %add3A_40, %add3A_51 : i32
      %lt3A_53 = arith.constant 64 : i32
      %lt3A_54 = arith.cmpi slt, %add3A_52, %lt3A_53 : i32
      %convert_element_type3A_55 = arith.extui %lt3A_54 : i1 to i32
      %cond3A_56 = arith.constant 0 : i32
      %cond3A_57 = arith.cmpi ne, %convert_element_type3A_55, %cond3A_56 : i32
      scf.if %cond3A_57 {
        %add3A_58 = arith.constant 2 : i32
        %add3A_59 = arith.addi %add3A_40, %add3A_58 : i32
        %mul3A_60 = arith.constant 96 : i32
        %mul3A_61 = arith.muli %add3A_59, %mul3A_60 : i32
        %dma_start3A_62 = tpu.memref_slice %arg5[%mul3A_61] : memref<6144xi32, #tpu.memory_space<vmem>> -> memref<96xi32, #tpu.memory_space<vmem>>
        %dma_start3A_63 = arith.constant 0 : i32
        %dma_start3A_64 = arith.constant 0 : i32
        %dma_start3A_65 = tpu.memref_slice %arg3[%dma_start3A_63, %dma_start3A_64] : memref<8192x128xf32, #tpu.memory_space<hbm>> -> memref<8192x128xf32, #tpu.memory_space<hbm>>
        tpu.enqueue_indirect_dma source(%dma_start3A_65 : memref<8192x128xf32, #tpu.memory_space<hbm>>) target(%arg7 : memref<96x128xf32, #tpu.memory_space<vmem>>) offsets(%dma_start3A_62 : memref<96xi32, #tpu.memory_space<vmem>>) semaphore(%arg9 : memref<!tpu.dma_semaphore, #tpu.memory_space<semaphore_mem>>)
      } else {
      }
    }
    %scan3A_18 = arith.constant 32 : i32
    return
  }
}

#map = affine_map<(d0, d1) -> (0)>
#map1 = affine_map<(d0, d1) -> (0, 0)>
module attributes {stable_mosaic.version = 14 : i64} {
  func.func @gsc(%arg0: i32, %arg1: i32, %arg2: memref<196608xi32, #tpu.memory_space<hbm>>, %arg3: memref<8192x128xf32, #tpu.memory_space<hbm>>, %arg4: memref<196608x128xf32, #tpu.memory_space<hbm>>, %arg5: memref<6144xi32, #tpu.memory_space<vmem>>, %arg6: memref<96x128xf32, #tpu.memory_space<vmem>>, %arg7: memref<96x128xf32, #tpu.memory_space<vmem>>, %arg8: memref<!tpu.dma_semaphore, #tpu.memory_space<semaphore_mem>>, %arg9: memref<!tpu.dma_semaphore, #tpu.memory_space<semaphore_mem>>) attributes {dimension_semantics = [#tpu.dimension_semantics<core_parallel>, #tpu.dimension_semantics<subcore_parallel>], iteration_bounds = array<i64: 2, 16>, scalar_prefetch = 0 : i64, scratch_operands = 5 : i64, tpu.core_type = #tpu.core_type<sc_vector_subcore>, window_params = [{transform_indices = #map}, {transform_indices = #map1}, {transform_indices = #map1}]} {
    %mul3A = arith.constant 2 : i32
    %mul3A_0 = arith.muli %arg1, %mul3A : i32
    %add3A = arith.addi %mul3A_0, %arg0 : i32
    %mul3A_1 = arith.constant 256 : i32
    %mul3A_2 = arith.muli %add3A, %mul3A_1 : i32
    %mul3A_3 = arith.constant 24 : i32
    %mul3A_4 = arith.muli %mul3A_2, %mul3A_3 : i32
    "tpu.region"() ({
      %run_scoped3A = tpu.sem_alloc : memref<!tpu.dma_semaphore, #tpu.memory_space<semaphore_mem>>
      %dma_start3A_19 = tpu.memref_slice %arg2[%mul3A_4] : memref<196608xi32, #tpu.memory_space<hbm>> -> memref<6144xi32, #tpu.memory_space<hbm>>
      %dma_start3A_20 = tpu.memref_slice %arg2[%mul3A_4] : memref<196608xi32, #tpu.memory_space<hbm>> -> memref<6144xi32, #tpu.memory_space<hbm>>
      tpu.enqueue_dma source(%dma_start3A_20 : memref<6144xi32, #tpu.memory_space<hbm>>) target(%arg5 : memref<6144xi32, #tpu.memory_space<vmem>>) target_semaphore(%run_scoped3A : memref<!tpu.dma_semaphore, #tpu.memory_space<semaphore_mem>>)
      %dma_wait3A = tpu.memref_slice %arg2[%mul3A_4] : memref<196608xi32, #tpu.memory_space<hbm>> -> memref<6144xi32, #tpu.memory_space<hbm>>
      %dma_wait3A_21 = tpu.memref_slice %arg2[%mul3A_4] : memref<196608xi32, #tpu.memory_space<hbm>> -> memref<6144xi32, #tpu.memory_space<hbm>>
      tpu.wait_dma2 semaphore(%run_scoped3A : memref<!tpu.dma_semaphore, #tpu.memory_space<semaphore_mem>>) src(%dma_wait3A_21 : memref<6144xi32, #tpu.memory_space<hbm>>) dst(%arg5 : memref<6144xi32, #tpu.memory_space<vmem>>)
      tpu.yield
    }) : () -> ()
    %dma_start3A = arith.constant 0 : i32
    %dma_start3A_5 = tpu.memref_slice %arg5[%dma_start3A] : memref<6144xi32, #tpu.memory_space<vmem>> -> memref<96xi32, #tpu.memory_space<vmem>>
    %dma_start3A_6 = arith.constant 0 : i32
    %dma_start3A_7 = arith.constant 0 : i32
    %dma_start3A_8 = tpu.memref_slice %arg3[%dma_start3A_6, %dma_start3A_7] : memref<8192x128xf32, #tpu.memory_space<hbm>> -> memref<8192x128xf32, #tpu.memory_space<hbm>>
    tpu.enqueue_indirect_dma source(%dma_start3A_8 : memref<8192x128xf32, #tpu.memory_space<hbm>>) target(%arg6 : memref<96x128xf32, #tpu.memory_space<vmem>>) offsets(%dma_start3A_5 : memref<96xi32, #tpu.memory_space<vmem>>) semaphore(%arg8 : memref<!tpu.dma_semaphore, #tpu.memory_space<semaphore_mem>>)
    %dma_start3A_9 = arith.constant 96 : i32
    %dma_start3A_10 = tpu.memref_slice %arg5[%dma_start3A_9] : memref<6144xi32, #tpu.memory_space<vmem>> -> memref<96xi32, #tpu.memory_space<vmem>>
    %dma_start3A_11 = arith.constant 0 : i32
    %dma_start3A_12 = arith.constant 0 : i32
    %dma_start3A_13 = tpu.memref_slice %arg3[%dma_start3A_11, %dma_start3A_12] : memref<8192x128xf32, #tpu.memory_space<hbm>> -> memref<8192x128xf32, #tpu.memory_space<hbm>>
    tpu.enqueue_indirect_dma source(%dma_start3A_13 : memref<8192x128xf32, #tpu.memory_space<hbm>>) target(%arg7 : memref<96x128xf32, #tpu.memory_space<vmem>>) offsets(%dma_start3A_10 : memref<96xi32, #tpu.memory_space<vmem>>) semaphore(%arg9 : memref<!tpu.dma_semaphore, #tpu.memory_space<semaphore_mem>>)
    %scan3A = arith.constant 0 : i32
    %scan3A_14 = arith.constant 0 : i32
    %scan3A_15 = arith.constant 32 : i32
    %scan3A_16 = arith.addi %scan3A_14, %scan3A_15 : i32
    %scan3A_17 = arith.constant 1 : i32
    scf.for %scan3A_19 = %scan3A_14 to %scan3A_16 step %scan3A_17  : i32 {
      %mul3A_20 = arith.constant 2 : i32
      %mul3A_21 = arith.muli %mul3A_20, %scan3A_19 : i32
      %add3A_22 = arith.constant 0 : i32
      %add3A_23 = arith.addi %mul3A_21, %add3A_22 : i32
      %dma_wait3A = arith.constant 0 : i32
      %dma_wait3A_24 = tpu.memref_slice %arg5[%dma_wait3A] : memref<6144xi32, #tpu.memory_space<vmem>> -> memref<96xi32, #tpu.memory_space<vmem>>
      %dma_wait3A_25 = arith.constant 0 : i32
      %dma_wait3A_26 = arith.constant 0 : i32
      %dma_wait3A_27 = tpu.memref_slice %arg3[%dma_wait3A_25, %dma_wait3A_26] : memref<8192x128xf32, #tpu.memory_space<hbm>> -> memref<8192x128xf32, #tpu.memory_space<hbm>>
      tpu.wait_indirect_dma semaphore(%arg8 : memref<!tpu.dma_semaphore, #tpu.memory_space<semaphore_mem>>) src(%dma_wait3A_27 : memref<8192x128xf32, #tpu.memory_space<hbm>>) dst(%arg6 : memref<96x128xf32, #tpu.memory_space<vmem>>)
      %mul3A_28 = arith.constant 24 : i32
      %mul3A_29 = arith.muli %mul3A_2, %mul3A_28 : i32
      %mul3A_30 = arith.constant 96 : i32
      %mul3A_31 = arith.muli %add3A_23, %mul3A_30 : i32
      %add3A_32 = arith.addi %mul3A_29, %mul3A_31 : i32
      "tpu.region"() ({
        %run_scoped3A = tpu.sem_alloc : memref<!tpu.dma_semaphore, #tpu.memory_space<semaphore_mem>>
        %dma_start3A_58 = arith.constant 0 : i32
        %dma_start3A_59 = tpu.memref_slice %arg4[%add3A_32, %dma_start3A_58] : memref<196608x128xf32, #tpu.memory_space<hbm>> -> memref<96x128xf32, #tpu.memory_space<hbm>>
        %dma_start3A_60 = arith.constant 0 : i32
        %dma_start3A_61 = tpu.memref_slice %arg4[%add3A_32, %dma_start3A_60] : memref<196608x128xf32, #tpu.memory_space<hbm>> -> memref<96x128xf32, #tpu.memory_space<hbm>>
        tpu.enqueue_dma source(%arg6 : memref<96x128xf32, #tpu.memory_space<vmem>>) target(%dma_start3A_61 : memref<96x128xf32, #tpu.memory_space<hbm>>) target_semaphore(%run_scoped3A : memref<!tpu.dma_semaphore, #tpu.memory_space<semaphore_mem>>)
        %dma_wait3A_62 = arith.constant 0 : i32
        %dma_wait3A_63 = tpu.memref_slice %arg4[%add3A_32, %dma_wait3A_62] : memref<196608x128xf32, #tpu.memory_space<hbm>> -> memref<96x128xf32, #tpu.memory_space<hbm>>
        %dma_wait3A_64 = arith.constant 0 : i32
        %dma_wait3A_65 = tpu.memref_slice %arg4[%add3A_32, %dma_wait3A_64] : memref<196608x128xf32, #tpu.memory_space<hbm>> -> memref<96x128xf32, #tpu.memory_space<hbm>>
        tpu.wait_dma2 semaphore(%run_scoped3A : memref<!tpu.dma_semaphore, #tpu.memory_space<semaphore_mem>>) src(%arg6 : memref<96x128xf32, #tpu.memory_space<vmem>>) dst(%dma_wait3A_65 : memref<96x128xf32, #tpu.memory_space<hbm>>)
        tpu.yield
      }) : () -> ()
      %add3A_33 = arith.constant 2 : i32
      %add3A_34 = arith.addi %add3A_23, %add3A_33 : i32
      %lt3A = arith.constant 64 : i32
      %lt3A_35 = arith.cmpi slt, %add3A_34, %lt3A : i32
      %convert_element_type3A = arith.extui %lt3A_35 : i1 to i32
      %cond3A = arith.constant 0 : i32
      %cond3A_36 = arith.cmpi ne, %convert_element_type3A, %cond3A : i32
      scf.if %cond3A_36 {
        %add3A_58 = arith.constant 2 : i32
        %add3A_59 = arith.addi %add3A_23, %add3A_58 : i32
        %mul3A_60 = arith.constant 96 : i32
        %mul3A_61 = arith.muli %add3A_59, %mul3A_60 : i32
        %dma_start3A_62 = tpu.memref_slice %arg5[%mul3A_61] : memref<6144xi32, #tpu.memory_space<vmem>> -> memref<96xi32, #tpu.memory_space<vmem>>
        %dma_start3A_63 = arith.constant 0 : i32
        %dma_start3A_64 = arith.constant 0 : i32
        %dma_start3A_65 = tpu.memref_slice %arg3[%dma_start3A_63, %dma_start3A_64] : memref<8192x128xf32, #tpu.memory_space<hbm>> -> memref<8192x128xf32, #tpu.memory_space<hbm>>
        tpu.enqueue_indirect_dma source(%dma_start3A_65 : memref<8192x128xf32, #tpu.memory_space<hbm>>) target(%arg6 : memref<96x128xf32, #tpu.memory_space<vmem>>) offsets(%dma_start3A_62 : memref<96xi32, #tpu.memory_space<vmem>>) semaphore(%arg8 : memref<!tpu.dma_semaphore, #tpu.memory_space<semaphore_mem>>)
      } else {
      }
      %mul3A_37 = arith.constant 2 : i32
      %mul3A_38 = arith.muli %mul3A_37, %scan3A_19 : i32
      %add3A_39 = arith.constant 1 : i32
      %add3A_40 = arith.addi %mul3A_38, %add3A_39 : i32
      %dma_wait3A_41 = arith.constant 0 : i32
      %dma_wait3A_42 = tpu.memref_slice %arg5[%dma_wait3A_41] : memref<6144xi32, #tpu.memory_space<vmem>> -> memref<96xi32, #tpu.memory_space<vmem>>
      %dma_wait3A_43 = arith.constant 0 : i32
      %dma_wait3A_44 = arith.constant 0 : i32
      %dma_wait3A_45 = tpu.memref_slice %arg3[%dma_wait3A_43, %dma_wait3A_44] : memref<8192x128xf32, #tpu.memory_space<hbm>> -> memref<8192x128xf32, #tpu.memory_space<hbm>>
      tpu.wait_indirect_dma semaphore(%arg9 : memref<!tpu.dma_semaphore, #tpu.memory_space<semaphore_mem>>) src(%dma_wait3A_45 : memref<8192x128xf32, #tpu.memory_space<hbm>>) dst(%arg7 : memref<96x128xf32, #tpu.memory_space<vmem>>)
      %mul3A_46 = arith.constant 24 : i32
      %mul3A_47 = arith.muli %mul3A_2, %mul3A_46 : i32
      %mul3A_48 = arith.constant 96 : i32
      %mul3A_49 = arith.muli %add3A_40, %mul3A_48 : i32
      %add3A_50 = arith.addi %mul3A_47, %mul3A_49 : i32
      "tpu.region"() ({
        %run_scoped3A = tpu.sem_alloc : memref<!tpu.dma_semaphore, #tpu.memory_space<semaphore_mem>>
        %dma_start3A_58 = arith.constant 0 : i32
        %dma_start3A_59 = tpu.memref_slice %arg4[%add3A_50, %dma_start3A_58] : memref<196608x128xf32, #tpu.memory_space<hbm>> -> memref<96x128xf32, #tpu.memory_space<hbm>>
        %dma_start3A_60 = arith.constant 0 : i32
        %dma_start3A_61 = tpu.memref_slice %arg4[%add3A_50, %dma_start3A_60] : memref<196608x128xf32, #tpu.memory_space<hbm>> -> memref<96x128xf32, #tpu.memory_space<hbm>>
        tpu.enqueue_dma source(%arg7 : memref<96x128xf32, #tpu.memory_space<vmem>>) target(%dma_start3A_61 : memref<96x128xf32, #tpu.memory_space<hbm>>) target_semaphore(%run_scoped3A : memref<!tpu.dma_semaphore, #tpu.memory_space<semaphore_mem>>)
        %dma_wait3A_62 = arith.constant 0 : i32
        %dma_wait3A_63 = tpu.memref_slice %arg4[%add3A_50, %dma_wait3A_62] : memref<196608x128xf32, #tpu.memory_space<hbm>> -> memref<96x128xf32, #tpu.memory_space<hbm>>
        %dma_wait3A_64 = arith.constant 0 : i32
        %dma_wait3A_65 = tpu.memref_slice %arg4[%add3A_50, %dma_wait3A_64] : memref<196608x128xf32, #tpu.memory_space<hbm>> -> memref<96x128xf32, #tpu.memory_space<hbm>>
        tpu.wait_dma2 semaphore(%run_scoped3A : memref<!tpu.dma_semaphore, #tpu.memory_space<semaphore_mem>>) src(%arg7 : memref<96x128xf32, #tpu.memory_space<vmem>>) dst(%dma_wait3A_65 : memref<96x128xf32, #tpu.memory_space<hbm>>)
        tpu.yield
      }) : () -> ()
      %add3A_51 = arith.constant 2 : i32
      %add3A_52 = arith.addi %add3A_40, %add3A_51 : i32
      %lt3A_53 = arith.constant 64 : i32
      %lt3A_54 = arith.cmpi slt, %add3A_52, %lt3A_53 : i32
      %convert_element_type3A_55 = arith.extui %lt3A_54 : i1 to i32
      %cond3A_56 = arith.constant 0 : i32
      %cond3A_57 = arith.cmpi ne, %convert_element_type3A_55, %cond3A_56 : i32
      scf.if %cond3A_57 {
        %add3A_58 = arith.constant 2 : i32
        %add3A_59 = arith.addi %add3A_40, %add3A_58 : i32
        %mul3A_60 = arith.constant 96 : i32
        %mul3A_61 = arith.muli %add3A_59, %mul3A_60 : i32
        %dma_start3A_62 = tpu.memref_slice %arg5[%mul3A_61] : memref<6144xi32, #tpu.memory_space<vmem>> -> memref<96xi32, #tpu.memory_space<vmem>>
        %dma_start3A_63 = arith.constant 0 : i32
        %dma_start3A_64 = arith.constant 0 : i32
        %dma_start3A_65 = tpu.memref_slice %arg3[%dma_start3A_63, %dma_start3A_64] : memref<8192x128xf32, #tpu.memory_space<hbm>> -> memref<8192x128xf32, #tpu.memory_space<hbm>>
        tpu.enqueue_indirect_dma source(%dma_start3A_65 : memref<8192x128xf32, #tpu.memory_space<hbm>>) target(%arg7 : memref<96x128xf32, #tpu.memory_space<vmem>>) offsets(%dma_start3A_62 : memref<96xi32, #tpu.memory_space<vmem>>) semaphore(%arg9 : memref<!tpu.dma_semaphore, #tpu.memory_space<semaphore_mem>>)
      } else {
      }
    }
    %scan3A_18 = arith.constant 32 : i32
    return
  }
}

#map = affine_map<(d0, d1) -> (0)>
#map1 = affine_map<(d0, d1) -> (0, 0)>
module attributes {stable_mosaic.version = 14 : i64} {
  func.func @gsc(%arg0: i32, %arg1: i32, %arg2: memref<196608xi32, #tpu.memory_space<hbm>>, %arg3: memref<8192x128xf32, #tpu.memory_space<hbm>>, %arg4: memref<196608x128xf32, #tpu.memory_space<hbm>>, %arg5: memref<6144xi32, #tpu.memory_space<vmem>>, %arg6: memref<96x128xf32, #tpu.memory_space<vmem>>, %arg7: memref<96x128xf32, #tpu.memory_space<vmem>>, %arg8: memref<!tpu.dma_semaphore, #tpu.memory_space<semaphore_mem>>, %arg9: memref<!tpu.dma_semaphore, #tpu.memory_space<semaphore_mem>>) attributes {dimension_semantics = [#tpu.dimension_semantics<core_parallel>, #tpu.dimension_semantics<subcore_parallel>], iteration_bounds = array<i64: 2, 16>, scalar_prefetch = 0 : i64, scratch_operands = 5 : i64, tpu.core_type = #tpu.core_type<sc_vector_subcore>, window_params = [{transform_indices = #map}, {transform_indices = #map1}, {transform_indices = #map1}]} {
    %mul3A = arith.constant 2 : i32
    %mul3A_0 = arith.muli %arg1, %mul3A : i32
    %add3A = arith.addi %mul3A_0, %arg0 : i32
    %mul3A_1 = arith.constant 256 : i32
    %mul3A_2 = arith.muli %add3A, %mul3A_1 : i32
    %mul3A_3 = arith.constant 24 : i32
    %mul3A_4 = arith.muli %mul3A_2, %mul3A_3 : i32
    "tpu.region"() ({
      %run_scoped3A = tpu.sem_alloc : memref<!tpu.dma_semaphore, #tpu.memory_space<semaphore_mem>>
      %dma_start3A_19 = tpu.memref_slice %arg2[%mul3A_4] : memref<196608xi32, #tpu.memory_space<hbm>> -> memref<6144xi32, #tpu.memory_space<hbm>>
      %dma_start3A_20 = tpu.memref_slice %arg2[%mul3A_4] : memref<196608xi32, #tpu.memory_space<hbm>> -> memref<6144xi32, #tpu.memory_space<hbm>>
      tpu.enqueue_dma source(%dma_start3A_20 : memref<6144xi32, #tpu.memory_space<hbm>>) target(%arg5 : memref<6144xi32, #tpu.memory_space<vmem>>) target_semaphore(%run_scoped3A : memref<!tpu.dma_semaphore, #tpu.memory_space<semaphore_mem>>)
      %dma_wait3A = tpu.memref_slice %arg2[%mul3A_4] : memref<196608xi32, #tpu.memory_space<hbm>> -> memref<6144xi32, #tpu.memory_space<hbm>>
      %dma_wait3A_21 = tpu.memref_slice %arg2[%mul3A_4] : memref<196608xi32, #tpu.memory_space<hbm>> -> memref<6144xi32, #tpu.memory_space<hbm>>
      tpu.wait_dma2 semaphore(%run_scoped3A : memref<!tpu.dma_semaphore, #tpu.memory_space<semaphore_mem>>) src(%dma_wait3A_21 : memref<6144xi32, #tpu.memory_space<hbm>>) dst(%arg5 : memref<6144xi32, #tpu.memory_space<vmem>>)
      tpu.yield
    }) : () -> ()
    %dma_start3A = arith.constant 0 : i32
    %dma_start3A_5 = tpu.memref_slice %arg5[%dma_start3A] : memref<6144xi32, #tpu.memory_space<vmem>> -> memref<96xi32, #tpu.memory_space<vmem>>
    %dma_start3A_6 = arith.constant 0 : i32
    %dma_start3A_7 = arith.constant 0 : i32
    %dma_start3A_8 = tpu.memref_slice %arg3[%dma_start3A_6, %dma_start3A_7] : memref<8192x128xf32, #tpu.memory_space<hbm>> -> memref<8192x128xf32, #tpu.memory_space<hbm>>
    tpu.enqueue_indirect_dma source(%dma_start3A_8 : memref<8192x128xf32, #tpu.memory_space<hbm>>) target(%arg6 : memref<96x128xf32, #tpu.memory_space<vmem>>) offsets(%dma_start3A_5 : memref<96xi32, #tpu.memory_space<vmem>>) semaphore(%arg8 : memref<!tpu.dma_semaphore, #tpu.memory_space<semaphore_mem>>)
    %dma_start3A_9 = arith.constant 96 : i32
    %dma_start3A_10 = tpu.memref_slice %arg5[%dma_start3A_9] : memref<6144xi32, #tpu.memory_space<vmem>> -> memref<96xi32, #tpu.memory_space<vmem>>
    %dma_start3A_11 = arith.constant 0 : i32
    %dma_start3A_12 = arith.constant 0 : i32
    %dma_start3A_13 = tpu.memref_slice %arg3[%dma_start3A_11, %dma_start3A_12] : memref<8192x128xf32, #tpu.memory_space<hbm>> -> memref<8192x128xf32, #tpu.memory_space<hbm>>
    tpu.enqueue_indirect_dma source(%dma_start3A_13 : memref<8192x128xf32, #tpu.memory_space<hbm>>) target(%arg7 : memref<96x128xf32, #tpu.memory_space<vmem>>) offsets(%dma_start3A_10 : memref<96xi32, #tpu.memory_space<vmem>>) semaphore(%arg9 : memref<!tpu.dma_semaphore, #tpu.memory_space<semaphore_mem>>)
    %scan3A = arith.constant 0 : i32
    %scan3A_14 = arith.constant 0 : i32
    %scan3A_15 = arith.constant 32 : i32
    %scan3A_16 = arith.addi %scan3A_14, %scan3A_15 : i32
    %scan3A_17 = arith.constant 1 : i32
    scf.for %scan3A_19 = %scan3A_14 to %scan3A_16 step %scan3A_17  : i32 {
      %mul3A_20 = arith.constant 2 : i32
      %mul3A_21 = arith.muli %mul3A_20, %scan3A_19 : i32
      %add3A_22 = arith.constant 0 : i32
      %add3A_23 = arith.addi %mul3A_21, %add3A_22 : i32
      %dma_wait3A = arith.constant 0 : i32
      %dma_wait3A_24 = tpu.memref_slice %arg5[%dma_wait3A] : memref<6144xi32, #tpu.memory_space<vmem>> -> memref<96xi32, #tpu.memory_space<vmem>>
      %dma_wait3A_25 = arith.constant 0 : i32
      %dma_wait3A_26 = arith.constant 0 : i32
      %dma_wait3A_27 = tpu.memref_slice %arg3[%dma_wait3A_25, %dma_wait3A_26] : memref<8192x128xf32, #tpu.memory_space<hbm>> -> memref<8192x128xf32, #tpu.memory_space<hbm>>
      tpu.wait_indirect_dma semaphore(%arg8 : memref<!tpu.dma_semaphore, #tpu.memory_space<semaphore_mem>>) src(%dma_wait3A_27 : memref<8192x128xf32, #tpu.memory_space<hbm>>) dst(%arg6 : memref<96x128xf32, #tpu.memory_space<vmem>>)
      %mul3A_28 = arith.constant 24 : i32
      %mul3A_29 = arith.muli %mul3A_2, %mul3A_28 : i32
      %mul3A_30 = arith.constant 96 : i32
      %mul3A_31 = arith.muli %add3A_23, %mul3A_30 : i32
      %add3A_32 = arith.addi %mul3A_29, %mul3A_31 : i32
      "tpu.region"() ({
        %run_scoped3A = tpu.sem_alloc : memref<!tpu.dma_semaphore, #tpu.memory_space<semaphore_mem>>
        %dma_start3A_58 = arith.constant 0 : i32
        %dma_start3A_59 = tpu.memref_slice %arg4[%add3A_32, %dma_start3A_58] : memref<196608x128xf32, #tpu.memory_space<hbm>> -> memref<96x128xf32, #tpu.memory_space<hbm>>
        %dma_start3A_60 = arith.constant 0 : i32
        %dma_start3A_61 = tpu.memref_slice %arg4[%add3A_32, %dma_start3A_60] : memref<196608x128xf32, #tpu.memory_space<hbm>> -> memref<96x128xf32, #tpu.memory_space<hbm>>
        tpu.enqueue_dma source(%arg6 : memref<96x128xf32, #tpu.memory_space<vmem>>) target(%dma_start3A_61 : memref<96x128xf32, #tpu.memory_space<hbm>>) target_semaphore(%run_scoped3A : memref<!tpu.dma_semaphore, #tpu.memory_space<semaphore_mem>>)
        %dma_wait3A_62 = arith.constant 0 : i32
        %dma_wait3A_63 = tpu.memref_slice %arg4[%add3A_32, %dma_wait3A_62] : memref<196608x128xf32, #tpu.memory_space<hbm>> -> memref<96x128xf32, #tpu.memory_space<hbm>>
        %dma_wait3A_64 = arith.constant 0 : i32
        %dma_wait3A_65 = tpu.memref_slice %arg4[%add3A_32, %dma_wait3A_64] : memref<196608x128xf32, #tpu.memory_space<hbm>> -> memref<96x128xf32, #tpu.memory_space<hbm>>
        tpu.wait_dma2 semaphore(%run_scoped3A : memref<!tpu.dma_semaphore, #tpu.memory_space<semaphore_mem>>) src(%arg6 : memref<96x128xf32, #tpu.memory_space<vmem>>) dst(%dma_wait3A_65 : memref<96x128xf32, #tpu.memory_space<hbm>>)
        tpu.yield
      }) : () -> ()
      %add3A_33 = arith.constant 2 : i32
      %add3A_34 = arith.addi %add3A_23, %add3A_33 : i32
      %lt3A = arith.constant 64 : i32
      %lt3A_35 = arith.cmpi slt, %add3A_34, %lt3A : i32
      %convert_element_type3A = arith.extui %lt3A_35 : i1 to i32
      %cond3A = arith.constant 0 : i32
      %cond3A_36 = arith.cmpi ne, %convert_element_type3A, %cond3A : i32
      scf.if %cond3A_36 {
        %add3A_58 = arith.constant 2 : i32
        %add3A_59 = arith.addi %add3A_23, %add3A_58 : i32
        %mul3A_60 = arith.constant 96 : i32
        %mul3A_61 = arith.muli %add3A_59, %mul3A_60 : i32
        %dma_start3A_62 = tpu.memref_slice %arg5[%mul3A_61] : memref<6144xi32, #tpu.memory_space<vmem>> -> memref<96xi32, #tpu.memory_space<vmem>>
        %dma_start3A_63 = arith.constant 0 : i32
        %dma_start3A_64 = arith.constant 0 : i32
        %dma_start3A_65 = tpu.memref_slice %arg3[%dma_start3A_63, %dma_start3A_64] : memref<8192x128xf32, #tpu.memory_space<hbm>> -> memref<8192x128xf32, #tpu.memory_space<hbm>>
        tpu.enqueue_indirect_dma source(%dma_start3A_65 : memref<8192x128xf32, #tpu.memory_space<hbm>>) target(%arg6 : memref<96x128xf32, #tpu.memory_space<vmem>>) offsets(%dma_start3A_62 : memref<96xi32, #tpu.memory_space<vmem>>) semaphore(%arg8 : memref<!tpu.dma_semaphore, #tpu.memory_space<semaphore_mem>>)
      } else {
      }
      %mul3A_37 = arith.constant 2 : i32
      %mul3A_38 = arith.muli %mul3A_37, %scan3A_19 : i32
      %add3A_39 = arith.constant 1 : i32
      %add3A_40 = arith.addi %mul3A_38, %add3A_39 : i32
      %dma_wait3A_41 = arith.constant 0 : i32
      %dma_wait3A_42 = tpu.memref_slice %arg5[%dma_wait3A_41] : memref<6144xi32, #tpu.memory_space<vmem>> -> memref<96xi32, #tpu.memory_space<vmem>>
      %dma_wait3A_43 = arith.constant 0 : i32
      %dma_wait3A_44 = arith.constant 0 : i32
      %dma_wait3A_45 = tpu.memref_slice %arg3[%dma_wait3A_43, %dma_wait3A_44] : memref<8192x128xf32, #tpu.memory_space<hbm>> -> memref<8192x128xf32, #tpu.memory_space<hbm>>
      tpu.wait_indirect_dma semaphore(%arg9 : memref<!tpu.dma_semaphore, #tpu.memory_space<semaphore_mem>>) src(%dma_wait3A_45 : memref<8192x128xf32, #tpu.memory_space<hbm>>) dst(%arg7 : memref<96x128xf32, #tpu.memory_space<vmem>>)
      %mul3A_46 = arith.constant 24 : i32
      %mul3A_47 = arith.muli %mul3A_2, %mul3A_46 : i32
      %mul3A_48 = arith.constant 96 : i32
      %mul3A_49 = arith.muli %add3A_40, %mul3A_48 : i32
      %add3A_50 = arith.addi %mul3A_47, %mul3A_49 : i32
      "tpu.region"() ({
        %run_scoped3A = tpu.sem_alloc : memref<!tpu.dma_semaphore, #tpu.memory_space<semaphore_mem>>
        %dma_start3A_58 = arith.constant 0 : i32
        %dma_start3A_59 = tpu.memref_slice %arg4[%add3A_50, %dma_start3A_58] : memref<196608x128xf32, #tpu.memory_space<hbm>> -> memref<96x128xf32, #tpu.memory_space<hbm>>
        %dma_start3A_60 = arith.constant 0 : i32
        %dma_start3A_61 = tpu.memref_slice %arg4[%add3A_50, %dma_start3A_60] : memref<196608x128xf32, #tpu.memory_space<hbm>> -> memref<96x128xf32, #tpu.memory_space<hbm>>
        tpu.enqueue_dma source(%arg7 : memref<96x128xf32, #tpu.memory_space<vmem>>) target(%dma_start3A_61 : memref<96x128xf32, #tpu.memory_space<hbm>>) target_semaphore(%run_scoped3A : memref<!tpu.dma_semaphore, #tpu.memory_space<semaphore_mem>>)
        %dma_wait3A_62 = arith.constant 0 : i32
        %dma_wait3A_63 = tpu.memref_slice %arg4[%add3A_50, %dma_wait3A_62] : memref<196608x128xf32, #tpu.memory_space<hbm>> -> memref<96x128xf32, #tpu.memory_space<hbm>>
        %dma_wait3A_64 = arith.constant 0 : i32
        %dma_wait3A_65 = tpu.memref_slice %arg4[%add3A_50, %dma_wait3A_64] : memref<196608x128xf32, #tpu.memory_space<hbm>> -> memref<96x128xf32, #tpu.memory_space<hbm>>
        tpu.wait_dma2 semaphore(%run_scoped3A : memref<!tpu.dma_semaphore, #tpu.memory_space<semaphore_mem>>) src(%arg7 : memref<96x128xf32, #tpu.memory_space<vmem>>) dst(%dma_wait3A_65 : memref<96x128xf32, #tpu.memory_space<hbm>>)
        tpu.yield
      }) : () -> ()
      %add3A_51 = arith.constant 2 : i32
      %add3A_52 = arith.addi %add3A_40, %add3A_51 : i32
      %lt3A_53 = arith.constant 64 : i32
      %lt3A_54 = arith.cmpi slt, %add3A_52, %lt3A_53 : i32
      %convert_element_type3A_55 = arith.extui %lt3A_54 : i1 to i32
      %cond3A_56 = arith.constant 0 : i32
      %cond3A_57 = arith.cmpi ne, %convert_element_type3A_55, %cond3A_56 : i32
      scf.if %cond3A_57 {
        %add3A_58 = arith.constant 2 : i32
        %add3A_59 = arith.addi %add3A_40, %add3A_58 : i32
        %mul3A_60 = arith.constant 96 : i32
        %mul3A_61 = arith.muli %add3A_59, %mul3A_60 : i32
        %dma_start3A_62 = tpu.memref_slice %arg5[%mul3A_61] : memref<6144xi32, #tpu.memory_space<vmem>> -> memref<96xi32, #tpu.memory_space<vmem>>
        %dma_start3A_63 = arith.constant 0 : i32
        %dma_start3A_64 = arith.constant 0 : i32
        %dma_start3A_65 = tpu.memref_slice %arg3[%dma_start3A_63, %dma_start3A_64] : memref<8192x128xf32, #tpu.memory_space<hbm>> -> memref<8192x128xf32, #tpu.memory_space<hbm>>
        tpu.enqueue_indirect_dma source(%dma_start3A_65 : memref<8192x128xf32, #tpu.memory_space<hbm>>) target(%arg7 : memref<96x128xf32, #tpu.memory_space<vmem>>) offsets(%dma_start3A_62 : memref<96xi32, #tpu.memory_space<vmem>>) semaphore(%arg9 : memref<!tpu.dma_semaphore, #tpu.memory_space<semaphore_mem>>)
      } else {
      }
    }
    %scan3A_18 = arith.constant 32 : i32
    return
  }
}

#map = affine_map<(d0, d1) -> (0)>
#map1 = affine_map<(d0, d1) -> (0, 0)>
module attributes {stable_mosaic.version = 14 : i64} {
  func.func @gsc(%arg0: i32, %arg1: i32, %arg2: memref<196608xi32, #tpu.memory_space<hbm>>, %arg3: memref<8192x128xf32, #tpu.memory_space<hbm>>, %arg4: memref<196608x128xf32, #tpu.memory_space<hbm>>, %arg5: memref<6144xi32, #tpu.memory_space<vmem>>, %arg6: memref<96x128xf32, #tpu.memory_space<vmem>>, %arg7: memref<96x128xf32, #tpu.memory_space<vmem>>, %arg8: memref<!tpu.dma_semaphore, #tpu.memory_space<semaphore_mem>>, %arg9: memref<!tpu.dma_semaphore, #tpu.memory_space<semaphore_mem>>) attributes {dimension_semantics = [#tpu.dimension_semantics<core_parallel>, #tpu.dimension_semantics<subcore_parallel>], iteration_bounds = array<i64: 2, 16>, scalar_prefetch = 0 : i64, scratch_operands = 5 : i64, tpu.core_type = #tpu.core_type<sc_vector_subcore>, window_params = [{transform_indices = #map}, {transform_indices = #map1}, {transform_indices = #map1}]} {
    %mul3A = arith.constant 2 : i32
    %mul3A_0 = arith.muli %arg1, %mul3A : i32
    %add3A = arith.addi %mul3A_0, %arg0 : i32
    %mul3A_1 = arith.constant 256 : i32
    %mul3A_2 = arith.muli %add3A, %mul3A_1 : i32
    %mul3A_3 = arith.constant 24 : i32
    %mul3A_4 = arith.muli %mul3A_2, %mul3A_3 : i32
    "tpu.region"() ({
      %run_scoped3A = tpu.sem_alloc : memref<!tpu.dma_semaphore, #tpu.memory_space<semaphore_mem>>
      %dma_start3A_19 = tpu.memref_slice %arg2[%mul3A_4] : memref<196608xi32, #tpu.memory_space<hbm>> -> memref<6144xi32, #tpu.memory_space<hbm>>
      %dma_start3A_20 = tpu.memref_slice %arg2[%mul3A_4] : memref<196608xi32, #tpu.memory_space<hbm>> -> memref<6144xi32, #tpu.memory_space<hbm>>
      tpu.enqueue_dma source(%dma_start3A_20 : memref<6144xi32, #tpu.memory_space<hbm>>) target(%arg5 : memref<6144xi32, #tpu.memory_space<vmem>>) target_semaphore(%run_scoped3A : memref<!tpu.dma_semaphore, #tpu.memory_space<semaphore_mem>>)
      %dma_wait3A = tpu.memref_slice %arg2[%mul3A_4] : memref<196608xi32, #tpu.memory_space<hbm>> -> memref<6144xi32, #tpu.memory_space<hbm>>
      %dma_wait3A_21 = tpu.memref_slice %arg2[%mul3A_4] : memref<196608xi32, #tpu.memory_space<hbm>> -> memref<6144xi32, #tpu.memory_space<hbm>>
      tpu.wait_dma2 semaphore(%run_scoped3A : memref<!tpu.dma_semaphore, #tpu.memory_space<semaphore_mem>>) src(%dma_wait3A_21 : memref<6144xi32, #tpu.memory_space<hbm>>) dst(%arg5 : memref<6144xi32, #tpu.memory_space<vmem>>)
      tpu.yield
    }) : () -> ()
    %dma_start3A = arith.constant 0 : i32
    %dma_start3A_5 = tpu.memref_slice %arg5[%dma_start3A] : memref<6144xi32, #tpu.memory_space<vmem>> -> memref<96xi32, #tpu.memory_space<vmem>>
    %dma_start3A_6 = arith.constant 0 : i32
    %dma_start3A_7 = arith.constant 0 : i32
    %dma_start3A_8 = tpu.memref_slice %arg3[%dma_start3A_6, %dma_start3A_7] : memref<8192x128xf32, #tpu.memory_space<hbm>> -> memref<8192x128xf32, #tpu.memory_space<hbm>>
    tpu.enqueue_indirect_dma source(%dma_start3A_8 : memref<8192x128xf32, #tpu.memory_space<hbm>>) target(%arg6 : memref<96x128xf32, #tpu.memory_space<vmem>>) offsets(%dma_start3A_5 : memref<96xi32, #tpu.memory_space<vmem>>) semaphore(%arg8 : memref<!tpu.dma_semaphore, #tpu.memory_space<semaphore_mem>>)
    %dma_start3A_9 = arith.constant 96 : i32
    %dma_start3A_10 = tpu.memref_slice %arg5[%dma_start3A_9] : memref<6144xi32, #tpu.memory_space<vmem>> -> memref<96xi32, #tpu.memory_space<vmem>>
    %dma_start3A_11 = arith.constant 0 : i32
    %dma_start3A_12 = arith.constant 0 : i32
    %dma_start3A_13 = tpu.memref_slice %arg3[%dma_start3A_11, %dma_start3A_12] : memref<8192x128xf32, #tpu.memory_space<hbm>> -> memref<8192x128xf32, #tpu.memory_space<hbm>>
    tpu.enqueue_indirect_dma source(%dma_start3A_13 : memref<8192x128xf32, #tpu.memory_space<hbm>>) target(%arg7 : memref<96x128xf32, #tpu.memory_space<vmem>>) offsets(%dma_start3A_10 : memref<96xi32, #tpu.memory_space<vmem>>) semaphore(%arg9 : memref<!tpu.dma_semaphore, #tpu.memory_space<semaphore_mem>>)
    %scan3A = arith.constant 0 : i32
    %scan3A_14 = arith.constant 0 : i32
    %scan3A_15 = arith.constant 32 : i32
    %scan3A_16 = arith.addi %scan3A_14, %scan3A_15 : i32
    %scan3A_17 = arith.constant 1 : i32
    scf.for %scan3A_19 = %scan3A_14 to %scan3A_16 step %scan3A_17  : i32 {
      %mul3A_20 = arith.constant 2 : i32
      %mul3A_21 = arith.muli %mul3A_20, %scan3A_19 : i32
      %add3A_22 = arith.constant 0 : i32
      %add3A_23 = arith.addi %mul3A_21, %add3A_22 : i32
      %dma_wait3A = arith.constant 0 : i32
      %dma_wait3A_24 = tpu.memref_slice %arg5[%dma_wait3A] : memref<6144xi32, #tpu.memory_space<vmem>> -> memref<96xi32, #tpu.memory_space<vmem>>
      %dma_wait3A_25 = arith.constant 0 : i32
      %dma_wait3A_26 = arith.constant 0 : i32
      %dma_wait3A_27 = tpu.memref_slice %arg3[%dma_wait3A_25, %dma_wait3A_26] : memref<8192x128xf32, #tpu.memory_space<hbm>> -> memref<8192x128xf32, #tpu.memory_space<hbm>>
      tpu.wait_indirect_dma semaphore(%arg8 : memref<!tpu.dma_semaphore, #tpu.memory_space<semaphore_mem>>) src(%dma_wait3A_27 : memref<8192x128xf32, #tpu.memory_space<hbm>>) dst(%arg6 : memref<96x128xf32, #tpu.memory_space<vmem>>)
      %mul3A_28 = arith.constant 24 : i32
      %mul3A_29 = arith.muli %mul3A_2, %mul3A_28 : i32
      %mul3A_30 = arith.constant 96 : i32
      %mul3A_31 = arith.muli %add3A_23, %mul3A_30 : i32
      %add3A_32 = arith.addi %mul3A_29, %mul3A_31 : i32
      "tpu.region"() ({
        %run_scoped3A = tpu.sem_alloc : memref<!tpu.dma_semaphore, #tpu.memory_space<semaphore_mem>>
        %dma_start3A_58 = arith.constant 0 : i32
        %dma_start3A_59 = tpu.memref_slice %arg4[%add3A_32, %dma_start3A_58] : memref<196608x128xf32, #tpu.memory_space<hbm>> -> memref<96x128xf32, #tpu.memory_space<hbm>>
        %dma_start3A_60 = arith.constant 0 : i32
        %dma_start3A_61 = tpu.memref_slice %arg4[%add3A_32, %dma_start3A_60] : memref<196608x128xf32, #tpu.memory_space<hbm>> -> memref<96x128xf32, #tpu.memory_space<hbm>>
        tpu.enqueue_dma source(%arg6 : memref<96x128xf32, #tpu.memory_space<vmem>>) target(%dma_start3A_61 : memref<96x128xf32, #tpu.memory_space<hbm>>) target_semaphore(%run_scoped3A : memref<!tpu.dma_semaphore, #tpu.memory_space<semaphore_mem>>)
        %dma_wait3A_62 = arith.constant 0 : i32
        %dma_wait3A_63 = tpu.memref_slice %arg4[%add3A_32, %dma_wait3A_62] : memref<196608x128xf32, #tpu.memory_space<hbm>> -> memref<96x128xf32, #tpu.memory_space<hbm>>
        %dma_wait3A_64 = arith.constant 0 : i32
        %dma_wait3A_65 = tpu.memref_slice %arg4[%add3A_32, %dma_wait3A_64] : memref<196608x128xf32, #tpu.memory_space<hbm>> -> memref<96x128xf32, #tpu.memory_space<hbm>>
        tpu.wait_dma2 semaphore(%run_scoped3A : memref<!tpu.dma_semaphore, #tpu.memory_space<semaphore_mem>>) src(%arg6 : memref<96x128xf32, #tpu.memory_space<vmem>>) dst(%dma_wait3A_65 : memref<96x128xf32, #tpu.memory_space<hbm>>)
        tpu.yield
      }) : () -> ()
      %add3A_33 = arith.constant 2 : i32
      %add3A_34 = arith.addi %add3A_23, %add3A_33 : i32
      %lt3A = arith.constant 64 : i32
      %lt3A_35 = arith.cmpi slt, %add3A_34, %lt3A : i32
      %convert_element_type3A = arith.extui %lt3A_35 : i1 to i32
      %cond3A = arith.constant 0 : i32
      %cond3A_36 = arith.cmpi ne, %convert_element_type3A, %cond3A : i32
      scf.if %cond3A_36 {
        %add3A_58 = arith.constant 2 : i32
        %add3A_59 = arith.addi %add3A_23, %add3A_58 : i32
        %mul3A_60 = arith.constant 96 : i32
        %mul3A_61 = arith.muli %add3A_59, %mul3A_60 : i32
        %dma_start3A_62 = tpu.memref_slice %arg5[%mul3A_61] : memref<6144xi32, #tpu.memory_space<vmem>> -> memref<96xi32, #tpu.memory_space<vmem>>
        %dma_start3A_63 = arith.constant 0 : i32
        %dma_start3A_64 = arith.constant 0 : i32
        %dma_start3A_65 = tpu.memref_slice %arg3[%dma_start3A_63, %dma_start3A_64] : memref<8192x128xf32, #tpu.memory_space<hbm>> -> memref<8192x128xf32, #tpu.memory_space<hbm>>
        tpu.enqueue_indirect_dma source(%dma_start3A_65 : memref<8192x128xf32, #tpu.memory_space<hbm>>) target(%arg6 : memref<96x128xf32, #tpu.memory_space<vmem>>) offsets(%dma_start3A_62 : memref<96xi32, #tpu.memory_space<vmem>>) semaphore(%arg8 : memref<!tpu.dma_semaphore, #tpu.memory_space<semaphore_mem>>)
      } else {
      }
      %mul3A_37 = arith.constant 2 : i32
      %mul3A_38 = arith.muli %mul3A_37, %scan3A_19 : i32
      %add3A_39 = arith.constant 1 : i32
      %add3A_40 = arith.addi %mul3A_38, %add3A_39 : i32
      %dma_wait3A_41 = arith.constant 0 : i32
      %dma_wait3A_42 = tpu.memref_slice %arg5[%dma_wait3A_41] : memref<6144xi32, #tpu.memory_space<vmem>> -> memref<96xi32, #tpu.memory_space<vmem>>
      %dma_wait3A_43 = arith.constant 0 : i32
      %dma_wait3A_44 = arith.constant 0 : i32
      %dma_wait3A_45 = tpu.memref_slice %arg3[%dma_wait3A_43, %dma_wait3A_44] : memref<8192x128xf32, #tpu.memory_space<hbm>> -> memref<8192x128xf32, #tpu.memory_space<hbm>>
      tpu.wait_indirect_dma semaphore(%arg9 : memref<!tpu.dma_semaphore, #tpu.memory_space<semaphore_mem>>) src(%dma_wait3A_45 : memref<8192x128xf32, #tpu.memory_space<hbm>>) dst(%arg7 : memref<96x128xf32, #tpu.memory_space<vmem>>)
      %mul3A_46 = arith.constant 24 : i32
      %mul3A_47 = arith.muli %mul3A_2, %mul3A_46 : i32
      %mul3A_48 = arith.constant 96 : i32
      %mul3A_49 = arith.muli %add3A_40, %mul3A_48 : i32
      %add3A_50 = arith.addi %mul3A_47, %mul3A_49 : i32
      "tpu.region"() ({
        %run_scoped3A = tpu.sem_alloc : memref<!tpu.dma_semaphore, #tpu.memory_space<semaphore_mem>>
        %dma_start3A_58 = arith.constant 0 : i32
        %dma_start3A_59 = tpu.memref_slice %arg4[%add3A_50, %dma_start3A_58] : memref<196608x128xf32, #tpu.memory_space<hbm>> -> memref<96x128xf32, #tpu.memory_space<hbm>>
        %dma_start3A_60 = arith.constant 0 : i32
        %dma_start3A_61 = tpu.memref_slice %arg4[%add3A_50, %dma_start3A_60] : memref<196608x128xf32, #tpu.memory_space<hbm>> -> memref<96x128xf32, #tpu.memory_space<hbm>>
        tpu.enqueue_dma source(%arg7 : memref<96x128xf32, #tpu.memory_space<vmem>>) target(%dma_start3A_61 : memref<96x128xf32, #tpu.memory_space<hbm>>) target_semaphore(%run_scoped3A : memref<!tpu.dma_semaphore, #tpu.memory_space<semaphore_mem>>)
        %dma_wait3A_62 = arith.constant 0 : i32
        %dma_wait3A_63 = tpu.memref_slice %arg4[%add3A_50, %dma_wait3A_62] : memref<196608x128xf32, #tpu.memory_space<hbm>> -> memref<96x128xf32, #tpu.memory_space<hbm>>
        %dma_wait3A_64 = arith.constant 0 : i32
        %dma_wait3A_65 = tpu.memref_slice %arg4[%add3A_50, %dma_wait3A_64] : memref<196608x128xf32, #tpu.memory_space<hbm>> -> memref<96x128xf32, #tpu.memory_space<hbm>>
        tpu.wait_dma2 semaphore(%run_scoped3A : memref<!tpu.dma_semaphore, #tpu.memory_space<semaphore_mem>>) src(%arg7 : memref<96x128xf32, #tpu.memory_space<vmem>>) dst(%dma_wait3A_65 : memref<96x128xf32, #tpu.memory_space<hbm>>)
        tpu.yield
      }) : () -> ()
      %add3A_51 = arith.constant 2 : i32
      %add3A_52 = arith.addi %add3A_40, %add3A_51 : i32
      %lt3A_53 = arith.constant 64 : i32
      %lt3A_54 = arith.cmpi slt, %add3A_52, %lt3A_53 : i32
      %convert_element_type3A_55 = arith.extui %lt3A_54 : i1 to i32
      %cond3A_56 = arith.constant 0 : i32
      %cond3A_57 = arith.cmpi ne, %convert_element_type3A_55, %cond3A_56 : i32
      scf.if %cond3A_57 {
        %add3A_58 = arith.constant 2 : i32
        %add3A_59 = arith.addi %add3A_40, %add3A_58 : i32
        %mul3A_60 = arith.constant 96 : i32
        %mul3A_61 = arith.muli %add3A_59, %mul3A_60 : i32
        %dma_start3A_62 = tpu.memref_slice %arg5[%mul3A_61] : memref<6144xi32, #tpu.memory_space<vmem>> -> memref<96xi32, #tpu.memory_space<vmem>>
        %dma_start3A_63 = arith.constant 0 : i32
        %dma_start3A_64 = arith.constant 0 : i32
        %dma_start3A_65 = tpu.memref_slice %arg3[%dma_start3A_63, %dma_start3A_64] : memref<8192x128xf32, #tpu.memory_space<hbm>> -> memref<8192x128xf32, #tpu.memory_space<hbm>>
        tpu.enqueue_indirect_dma source(%dma_start3A_65 : memref<8192x128xf32, #tpu.memory_space<hbm>>) target(%arg7 : memref<96x128xf32, #tpu.memory_space<vmem>>) offsets(%dma_start3A_62 : memref<96xi32, #tpu.memory_space<vmem>>) semaphore(%arg9 : memref<!tpu.dma_semaphore, #tpu.memory_space<semaphore_mem>>)
      } else {
      }
    }
    %scan3A_18 = arith.constant 32 : i32
    return
  }
}

#map = affine_map<(d0, d1) -> (0)>
#map1 = affine_map<(d0, d1) -> (0, 0)>
module attributes {stable_mosaic.version = 14 : i64} {
  func.func @gsc(%arg0: i32, %arg1: i32, %arg2: memref<196608xi32, #tpu.memory_space<hbm>>, %arg3: memref<8192x128xf32, #tpu.memory_space<hbm>>, %arg4: memref<196608x128xf32, #tpu.memory_space<hbm>>, %arg5: memref<6144xi32, #tpu.memory_space<vmem>>, %arg6: memref<96x128xf32, #tpu.memory_space<vmem>>, %arg7: memref<96x128xf32, #tpu.memory_space<vmem>>, %arg8: memref<!tpu.dma_semaphore, #tpu.memory_space<semaphore_mem>>, %arg9: memref<!tpu.dma_semaphore, #tpu.memory_space<semaphore_mem>>) attributes {dimension_semantics = [#tpu.dimension_semantics<core_parallel>, #tpu.dimension_semantics<subcore_parallel>], iteration_bounds = array<i64: 2, 16>, scalar_prefetch = 0 : i64, scratch_operands = 5 : i64, tpu.core_type = #tpu.core_type<sc_vector_subcore>, window_params = [{transform_indices = #map}, {transform_indices = #map1}, {transform_indices = #map1}]} {
    %mul3A = arith.constant 2 : i32
    %mul3A_0 = arith.muli %arg1, %mul3A : i32
    %add3A = arith.addi %mul3A_0, %arg0 : i32
    %mul3A_1 = arith.constant 256 : i32
    %mul3A_2 = arith.muli %add3A, %mul3A_1 : i32
    %mul3A_3 = arith.constant 24 : i32
    %mul3A_4 = arith.muli %mul3A_2, %mul3A_3 : i32
    "tpu.region"() ({
      %run_scoped3A = tpu.sem_alloc : memref<!tpu.dma_semaphore, #tpu.memory_space<semaphore_mem>>
      %dma_start3A_19 = tpu.memref_slice %arg2[%mul3A_4] : memref<196608xi32, #tpu.memory_space<hbm>> -> memref<6144xi32, #tpu.memory_space<hbm>>
      %dma_start3A_20 = tpu.memref_slice %arg2[%mul3A_4] : memref<196608xi32, #tpu.memory_space<hbm>> -> memref<6144xi32, #tpu.memory_space<hbm>>
      tpu.enqueue_dma source(%dma_start3A_20 : memref<6144xi32, #tpu.memory_space<hbm>>) target(%arg5 : memref<6144xi32, #tpu.memory_space<vmem>>) target_semaphore(%run_scoped3A : memref<!tpu.dma_semaphore, #tpu.memory_space<semaphore_mem>>)
      %dma_wait3A = tpu.memref_slice %arg2[%mul3A_4] : memref<196608xi32, #tpu.memory_space<hbm>> -> memref<6144xi32, #tpu.memory_space<hbm>>
      %dma_wait3A_21 = tpu.memref_slice %arg2[%mul3A_4] : memref<196608xi32, #tpu.memory_space<hbm>> -> memref<6144xi32, #tpu.memory_space<hbm>>
      tpu.wait_dma2 semaphore(%run_scoped3A : memref<!tpu.dma_semaphore, #tpu.memory_space<semaphore_mem>>) src(%dma_wait3A_21 : memref<6144xi32, #tpu.memory_space<hbm>>) dst(%arg5 : memref<6144xi32, #tpu.memory_space<vmem>>)
      tpu.yield
    }) : () -> ()
    %dma_start3A = arith.constant 0 : i32
    %dma_start3A_5 = tpu.memref_slice %arg5[%dma_start3A] : memref<6144xi32, #tpu.memory_space<vmem>> -> memref<96xi32, #tpu.memory_space<vmem>>
    %dma_start3A_6 = arith.constant 0 : i32
    %dma_start3A_7 = arith.constant 0 : i32
    %dma_start3A_8 = tpu.memref_slice %arg3[%dma_start3A_6, %dma_start3A_7] : memref<8192x128xf32, #tpu.memory_space<hbm>> -> memref<8192x128xf32, #tpu.memory_space<hbm>>
    tpu.enqueue_indirect_dma source(%dma_start3A_8 : memref<8192x128xf32, #tpu.memory_space<hbm>>) target(%arg6 : memref<96x128xf32, #tpu.memory_space<vmem>>) offsets(%dma_start3A_5 : memref<96xi32, #tpu.memory_space<vmem>>) semaphore(%arg8 : memref<!tpu.dma_semaphore, #tpu.memory_space<semaphore_mem>>)
    %dma_start3A_9 = arith.constant 96 : i32
    %dma_start3A_10 = tpu.memref_slice %arg5[%dma_start3A_9] : memref<6144xi32, #tpu.memory_space<vmem>> -> memref<96xi32, #tpu.memory_space<vmem>>
    %dma_start3A_11 = arith.constant 0 : i32
    %dma_start3A_12 = arith.constant 0 : i32
    %dma_start3A_13 = tpu.memref_slice %arg3[%dma_start3A_11, %dma_start3A_12] : memref<8192x128xf32, #tpu.memory_space<hbm>> -> memref<8192x128xf32, #tpu.memory_space<hbm>>
    tpu.enqueue_indirect_dma source(%dma_start3A_13 : memref<8192x128xf32, #tpu.memory_space<hbm>>) target(%arg7 : memref<96x128xf32, #tpu.memory_space<vmem>>) offsets(%dma_start3A_10 : memref<96xi32, #tpu.memory_space<vmem>>) semaphore(%arg9 : memref<!tpu.dma_semaphore, #tpu.memory_space<semaphore_mem>>)
    %scan3A = arith.constant 0 : i32
    %scan3A_14 = arith.constant 0 : i32
    %scan3A_15 = arith.constant 32 : i32
    %scan3A_16 = arith.addi %scan3A_14, %scan3A_15 : i32
    %scan3A_17 = arith.constant 1 : i32
    scf.for %scan3A_19 = %scan3A_14 to %scan3A_16 step %scan3A_17  : i32 {
      %mul3A_20 = arith.constant 2 : i32
      %mul3A_21 = arith.muli %mul3A_20, %scan3A_19 : i32
      %add3A_22 = arith.constant 0 : i32
      %add3A_23 = arith.addi %mul3A_21, %add3A_22 : i32
      %dma_wait3A = arith.constant 0 : i32
      %dma_wait3A_24 = tpu.memref_slice %arg5[%dma_wait3A] : memref<6144xi32, #tpu.memory_space<vmem>> -> memref<96xi32, #tpu.memory_space<vmem>>
      %dma_wait3A_25 = arith.constant 0 : i32
      %dma_wait3A_26 = arith.constant 0 : i32
      %dma_wait3A_27 = tpu.memref_slice %arg3[%dma_wait3A_25, %dma_wait3A_26] : memref<8192x128xf32, #tpu.memory_space<hbm>> -> memref<8192x128xf32, #tpu.memory_space<hbm>>
      tpu.wait_indirect_dma semaphore(%arg8 : memref<!tpu.dma_semaphore, #tpu.memory_space<semaphore_mem>>) src(%dma_wait3A_27 : memref<8192x128xf32, #tpu.memory_space<hbm>>) dst(%arg6 : memref<96x128xf32, #tpu.memory_space<vmem>>)
      %mul3A_28 = arith.constant 24 : i32
      %mul3A_29 = arith.muli %mul3A_2, %mul3A_28 : i32
      %mul3A_30 = arith.constant 96 : i32
      %mul3A_31 = arith.muli %add3A_23, %mul3A_30 : i32
      %add3A_32 = arith.addi %mul3A_29, %mul3A_31 : i32
      "tpu.region"() ({
        %run_scoped3A = tpu.sem_alloc : memref<!tpu.dma_semaphore, #tpu.memory_space<semaphore_mem>>
        %dma_start3A_58 = arith.constant 0 : i32
        %dma_start3A_59 = tpu.memref_slice %arg4[%add3A_32, %dma_start3A_58] : memref<196608x128xf32, #tpu.memory_space<hbm>> -> memref<96x128xf32, #tpu.memory_space<hbm>>
        %dma_start3A_60 = arith.constant 0 : i32
        %dma_start3A_61 = tpu.memref_slice %arg4[%add3A_32, %dma_start3A_60] : memref<196608x128xf32, #tpu.memory_space<hbm>> -> memref<96x128xf32, #tpu.memory_space<hbm>>
        tpu.enqueue_dma source(%arg6 : memref<96x128xf32, #tpu.memory_space<vmem>>) target(%dma_start3A_61 : memref<96x128xf32, #tpu.memory_space<hbm>>) target_semaphore(%run_scoped3A : memref<!tpu.dma_semaphore, #tpu.memory_space<semaphore_mem>>)
        %dma_wait3A_62 = arith.constant 0 : i32
        %dma_wait3A_63 = tpu.memref_slice %arg4[%add3A_32, %dma_wait3A_62] : memref<196608x128xf32, #tpu.memory_space<hbm>> -> memref<96x128xf32, #tpu.memory_space<hbm>>
        %dma_wait3A_64 = arith.constant 0 : i32
        %dma_wait3A_65 = tpu.memref_slice %arg4[%add3A_32, %dma_wait3A_64] : memref<196608x128xf32, #tpu.memory_space<hbm>> -> memref<96x128xf32, #tpu.memory_space<hbm>>
        tpu.wait_dma2 semaphore(%run_scoped3A : memref<!tpu.dma_semaphore, #tpu.memory_space<semaphore_mem>>) src(%arg6 : memref<96x128xf32, #tpu.memory_space<vmem>>) dst(%dma_wait3A_65 : memref<96x128xf32, #tpu.memory_space<hbm>>)
        tpu.yield
      }) : () -> ()
      %add3A_33 = arith.constant 2 : i32
      %add3A_34 = arith.addi %add3A_23, %add3A_33 : i32
      %lt3A = arith.constant 64 : i32
      %lt3A_35 = arith.cmpi slt, %add3A_34, %lt3A : i32
      %convert_element_type3A = arith.extui %lt3A_35 : i1 to i32
      %cond3A = arith.constant 0 : i32
      %cond3A_36 = arith.cmpi ne, %convert_element_type3A, %cond3A : i32
      scf.if %cond3A_36 {
        %add3A_58 = arith.constant 2 : i32
        %add3A_59 = arith.addi %add3A_23, %add3A_58 : i32
        %mul3A_60 = arith.constant 96 : i32
        %mul3A_61 = arith.muli %add3A_59, %mul3A_60 : i32
        %dma_start3A_62 = tpu.memref_slice %arg5[%mul3A_61] : memref<6144xi32, #tpu.memory_space<vmem>> -> memref<96xi32, #tpu.memory_space<vmem>>
        %dma_start3A_63 = arith.constant 0 : i32
        %dma_start3A_64 = arith.constant 0 : i32
        %dma_start3A_65 = tpu.memref_slice %arg3[%dma_start3A_63, %dma_start3A_64] : memref<8192x128xf32, #tpu.memory_space<hbm>> -> memref<8192x128xf32, #tpu.memory_space<hbm>>
        tpu.enqueue_indirect_dma source(%dma_start3A_65 : memref<8192x128xf32, #tpu.memory_space<hbm>>) target(%arg6 : memref<96x128xf32, #tpu.memory_space<vmem>>) offsets(%dma_start3A_62 : memref<96xi32, #tpu.memory_space<vmem>>) semaphore(%arg8 : memref<!tpu.dma_semaphore, #tpu.memory_space<semaphore_mem>>)
      } else {
      }
      %mul3A_37 = arith.constant 2 : i32
      %mul3A_38 = arith.muli %mul3A_37, %scan3A_19 : i32
      %add3A_39 = arith.constant 1 : i32
      %add3A_40 = arith.addi %mul3A_38, %add3A_39 : i32
      %dma_wait3A_41 = arith.constant 0 : i32
      %dma_wait3A_42 = tpu.memref_slice %arg5[%dma_wait3A_41] : memref<6144xi32, #tpu.memory_space<vmem>> -> memref<96xi32, #tpu.memory_space<vmem>>
      %dma_wait3A_43 = arith.constant 0 : i32
      %dma_wait3A_44 = arith.constant 0 : i32
      %dma_wait3A_45 = tpu.memref_slice %arg3[%dma_wait3A_43, %dma_wait3A_44] : memref<8192x128xf32, #tpu.memory_space<hbm>> -> memref<8192x128xf32, #tpu.memory_space<hbm>>
      tpu.wait_indirect_dma semaphore(%arg9 : memref<!tpu.dma_semaphore, #tpu.memory_space<semaphore_mem>>) src(%dma_wait3A_45 : memref<8192x128xf32, #tpu.memory_space<hbm>>) dst(%arg7 : memref<96x128xf32, #tpu.memory_space<vmem>>)
      %mul3A_46 = arith.constant 24 : i32
      %mul3A_47 = arith.muli %mul3A_2, %mul3A_46 : i32
      %mul3A_48 = arith.constant 96 : i32
      %mul3A_49 = arith.muli %add3A_40, %mul3A_48 : i32
      %add3A_50 = arith.addi %mul3A_47, %mul3A_49 : i32
      "tpu.region"() ({
        %run_scoped3A = tpu.sem_alloc : memref<!tpu.dma_semaphore, #tpu.memory_space<semaphore_mem>>
        %dma_start3A_58 = arith.constant 0 : i32
        %dma_start3A_59 = tpu.memref_slice %arg4[%add3A_50, %dma_start3A_58] : memref<196608x128xf32, #tpu.memory_space<hbm>> -> memref<96x128xf32, #tpu.memory_space<hbm>>
        %dma_start3A_60 = arith.constant 0 : i32
        %dma_start3A_61 = tpu.memref_slice %arg4[%add3A_50, %dma_start3A_60] : memref<196608x128xf32, #tpu.memory_space<hbm>> -> memref<96x128xf32, #tpu.memory_space<hbm>>
        tpu.enqueue_dma source(%arg7 : memref<96x128xf32, #tpu.memory_space<vmem>>) target(%dma_start3A_61 : memref<96x128xf32, #tpu.memory_space<hbm>>) target_semaphore(%run_scoped3A : memref<!tpu.dma_semaphore, #tpu.memory_space<semaphore_mem>>)
        %dma_wait3A_62 = arith.constant 0 : i32
        %dma_wait3A_63 = tpu.memref_slice %arg4[%add3A_50, %dma_wait3A_62] : memref<196608x128xf32, #tpu.memory_space<hbm>> -> memref<96x128xf32, #tpu.memory_space<hbm>>
        %dma_wait3A_64 = arith.constant 0 : i32
        %dma_wait3A_65 = tpu.memref_slice %arg4[%add3A_50, %dma_wait3A_64] : memref<196608x128xf32, #tpu.memory_space<hbm>> -> memref<96x128xf32, #tpu.memory_space<hbm>>
        tpu.wait_dma2 semaphore(%run_scoped3A : memref<!tpu.dma_semaphore, #tpu.memory_space<semaphore_mem>>) src(%arg7 : memref<96x128xf32, #tpu.memory_space<vmem>>) dst(%dma_wait3A_65 : memref<96x128xf32, #tpu.memory_space<hbm>>)
        tpu.yield
      }) : () -> ()
      %add3A_51 = arith.constant 2 : i32
      %add3A_52 = arith.addi %add3A_40, %add3A_51 : i32
      %lt3A_53 = arith.constant 64 : i32
      %lt3A_54 = arith.cmpi slt, %add3A_52, %lt3A_53 : i32
      %convert_element_type3A_55 = arith.extui %lt3A_54 : i1 to i32
      %cond3A_56 = arith.constant 0 : i32
      %cond3A_57 = arith.cmpi ne, %convert_element_type3A_55, %cond3A_56 : i32
      scf.if %cond3A_57 {
        %add3A_58 = arith.constant 2 : i32
        %add3A_59 = arith.addi %add3A_40, %add3A_58 : i32
        %mul3A_60 = arith.constant 96 : i32
        %mul3A_61 = arith.muli %add3A_59, %mul3A_60 : i32
        %dma_start3A_62 = tpu.memref_slice %arg5[%mul3A_61] : memref<6144xi32, #tpu.memory_space<vmem>> -> memref<96xi32, #tpu.memory_space<vmem>>
        %dma_start3A_63 = arith.constant 0 : i32
        %dma_start3A_64 = arith.constant 0 : i32
        %dma_start3A_65 = tpu.memref_slice %arg3[%dma_start3A_63, %dma_start3A_64] : memref<8192x128xf32, #tpu.memory_space<hbm>> -> memref<8192x128xf32, #tpu.memory_space<hbm>>
        tpu.enqueue_indirect_dma source(%dma_start3A_65 : memref<8192x128xf32, #tpu.memory_space<hbm>>) target(%arg7 : memref<96x128xf32, #tpu.memory_space<vmem>>) offsets(%dma_start3A_62 : memref<96xi32, #tpu.memory_space<vmem>>) semaphore(%arg9 : memref<!tpu.dma_semaphore, #tpu.memory_space<semaphore_mem>>)
      } else {
      }
    }
    %scan3A_18 = arith.constant 32 : i32
    return
  }
}

#map = affine_map<(d0, d1) -> (0)>
#map1 = affine_map<(d0, d1) -> (0, 0)>
module attributes {stable_mosaic.version = 14 : i64} {
  func.func @gsc(%arg0: i32, %arg1: i32, %arg2: memref<196608xi32, #tpu.memory_space<hbm>>, %arg3: memref<8192x128xf32, #tpu.memory_space<hbm>>, %arg4: memref<196608x128xf32, #tpu.memory_space<hbm>>, %arg5: memref<6144xi32, #tpu.memory_space<vmem>>, %arg6: memref<96x128xf32, #tpu.memory_space<vmem>>, %arg7: memref<96x128xf32, #tpu.memory_space<vmem>>, %arg8: memref<!tpu.dma_semaphore, #tpu.memory_space<semaphore_mem>>, %arg9: memref<!tpu.dma_semaphore, #tpu.memory_space<semaphore_mem>>) attributes {dimension_semantics = [#tpu.dimension_semantics<core_parallel>, #tpu.dimension_semantics<subcore_parallel>], iteration_bounds = array<i64: 2, 16>, scalar_prefetch = 0 : i64, scratch_operands = 5 : i64, tpu.core_type = #tpu.core_type<sc_vector_subcore>, window_params = [{transform_indices = #map}, {transform_indices = #map1}, {transform_indices = #map1}]} {
    %mul3A = arith.constant 2 : i32
    %mul3A_0 = arith.muli %arg1, %mul3A : i32
    %add3A = arith.addi %mul3A_0, %arg0 : i32
    %mul3A_1 = arith.constant 256 : i32
    %mul3A_2 = arith.muli %add3A, %mul3A_1 : i32
    %mul3A_3 = arith.constant 24 : i32
    %mul3A_4 = arith.muli %mul3A_2, %mul3A_3 : i32
    "tpu.region"() ({
      %run_scoped3A = tpu.sem_alloc : memref<!tpu.dma_semaphore, #tpu.memory_space<semaphore_mem>>
      %dma_start3A_19 = tpu.memref_slice %arg2[%mul3A_4] : memref<196608xi32, #tpu.memory_space<hbm>> -> memref<6144xi32, #tpu.memory_space<hbm>>
      %dma_start3A_20 = tpu.memref_slice %arg2[%mul3A_4] : memref<196608xi32, #tpu.memory_space<hbm>> -> memref<6144xi32, #tpu.memory_space<hbm>>
      tpu.enqueue_dma source(%dma_start3A_20 : memref<6144xi32, #tpu.memory_space<hbm>>) target(%arg5 : memref<6144xi32, #tpu.memory_space<vmem>>) target_semaphore(%run_scoped3A : memref<!tpu.dma_semaphore, #tpu.memory_space<semaphore_mem>>)
      %dma_wait3A = tpu.memref_slice %arg2[%mul3A_4] : memref<196608xi32, #tpu.memory_space<hbm>> -> memref<6144xi32, #tpu.memory_space<hbm>>
      %dma_wait3A_21 = tpu.memref_slice %arg2[%mul3A_4] : memref<196608xi32, #tpu.memory_space<hbm>> -> memref<6144xi32, #tpu.memory_space<hbm>>
      tpu.wait_dma2 semaphore(%run_scoped3A : memref<!tpu.dma_semaphore, #tpu.memory_space<semaphore_mem>>) src(%dma_wait3A_21 : memref<6144xi32, #tpu.memory_space<hbm>>) dst(%arg5 : memref<6144xi32, #tpu.memory_space<vmem>>)
      tpu.yield
    }) : () -> ()
    %dma_start3A = arith.constant 0 : i32
    %dma_start3A_5 = tpu.memref_slice %arg5[%dma_start3A] : memref<6144xi32, #tpu.memory_space<vmem>> -> memref<96xi32, #tpu.memory_space<vmem>>
    %dma_start3A_6 = arith.constant 0 : i32
    %dma_start3A_7 = arith.constant 0 : i32
    %dma_start3A_8 = tpu.memref_slice %arg3[%dma_start3A_6, %dma_start3A_7] : memref<8192x128xf32, #tpu.memory_space<hbm>> -> memref<8192x128xf32, #tpu.memory_space<hbm>>
    tpu.enqueue_indirect_dma source(%dma_start3A_8 : memref<8192x128xf32, #tpu.memory_space<hbm>>) target(%arg6 : memref<96x128xf32, #tpu.memory_space<vmem>>) offsets(%dma_start3A_5 : memref<96xi32, #tpu.memory_space<vmem>>) semaphore(%arg8 : memref<!tpu.dma_semaphore, #tpu.memory_space<semaphore_mem>>)
    %dma_start3A_9 = arith.constant 96 : i32
    %dma_start3A_10 = tpu.memref_slice %arg5[%dma_start3A_9] : memref<6144xi32, #tpu.memory_space<vmem>> -> memref<96xi32, #tpu.memory_space<vmem>>
    %dma_start3A_11 = arith.constant 0 : i32
    %dma_start3A_12 = arith.constant 0 : i32
    %dma_start3A_13 = tpu.memref_slice %arg3[%dma_start3A_11, %dma_start3A_12] : memref<8192x128xf32, #tpu.memory_space<hbm>> -> memref<8192x128xf32, #tpu.memory_space<hbm>>
    tpu.enqueue_indirect_dma source(%dma_start3A_13 : memref<8192x128xf32, #tpu.memory_space<hbm>>) target(%arg7 : memref<96x128xf32, #tpu.memory_space<vmem>>) offsets(%dma_start3A_10 : memref<96xi32, #tpu.memory_space<vmem>>) semaphore(%arg9 : memref<!tpu.dma_semaphore, #tpu.memory_space<semaphore_mem>>)
    %scan3A = arith.constant 0 : i32
    %scan3A_14 = arith.constant 0 : i32
    %scan3A_15 = arith.constant 32 : i32
    %scan3A_16 = arith.addi %scan3A_14, %scan3A_15 : i32
    %scan3A_17 = arith.constant 1 : i32
    scf.for %scan3A_19 = %scan3A_14 to %scan3A_16 step %scan3A_17  : i32 {
      %mul3A_20 = arith.constant 2 : i32
      %mul3A_21 = arith.muli %mul3A_20, %scan3A_19 : i32
      %add3A_22 = arith.constant 0 : i32
      %add3A_23 = arith.addi %mul3A_21, %add3A_22 : i32
      %dma_wait3A = arith.constant 0 : i32
      %dma_wait3A_24 = tpu.memref_slice %arg5[%dma_wait3A] : memref<6144xi32, #tpu.memory_space<vmem>> -> memref<96xi32, #tpu.memory_space<vmem>>
      %dma_wait3A_25 = arith.constant 0 : i32
      %dma_wait3A_26 = arith.constant 0 : i32
      %dma_wait3A_27 = tpu.memref_slice %arg3[%dma_wait3A_25, %dma_wait3A_26] : memref<8192x128xf32, #tpu.memory_space<hbm>> -> memref<8192x128xf32, #tpu.memory_space<hbm>>
      tpu.wait_indirect_dma semaphore(%arg8 : memref<!tpu.dma_semaphore, #tpu.memory_space<semaphore_mem>>) src(%dma_wait3A_27 : memref<8192x128xf32, #tpu.memory_space<hbm>>) dst(%arg6 : memref<96x128xf32, #tpu.memory_space<vmem>>)
      %mul3A_28 = arith.constant 24 : i32
      %mul3A_29 = arith.muli %mul3A_2, %mul3A_28 : i32
      %mul3A_30 = arith.constant 96 : i32
      %mul3A_31 = arith.muli %add3A_23, %mul3A_30 : i32
      %add3A_32 = arith.addi %mul3A_29, %mul3A_31 : i32
      "tpu.region"() ({
        %run_scoped3A = tpu.sem_alloc : memref<!tpu.dma_semaphore, #tpu.memory_space<semaphore_mem>>
        %dma_start3A_58 = arith.constant 0 : i32
        %dma_start3A_59 = tpu.memref_slice %arg4[%add3A_32, %dma_start3A_58] : memref<196608x128xf32, #tpu.memory_space<hbm>> -> memref<96x128xf32, #tpu.memory_space<hbm>>
        %dma_start3A_60 = arith.constant 0 : i32
        %dma_start3A_61 = tpu.memref_slice %arg4[%add3A_32, %dma_start3A_60] : memref<196608x128xf32, #tpu.memory_space<hbm>> -> memref<96x128xf32, #tpu.memory_space<hbm>>
        tpu.enqueue_dma source(%arg6 : memref<96x128xf32, #tpu.memory_space<vmem>>) target(%dma_start3A_61 : memref<96x128xf32, #tpu.memory_space<hbm>>) target_semaphore(%run_scoped3A : memref<!tpu.dma_semaphore, #tpu.memory_space<semaphore_mem>>)
        %dma_wait3A_62 = arith.constant 0 : i32
        %dma_wait3A_63 = tpu.memref_slice %arg4[%add3A_32, %dma_wait3A_62] : memref<196608x128xf32, #tpu.memory_space<hbm>> -> memref<96x128xf32, #tpu.memory_space<hbm>>
        %dma_wait3A_64 = arith.constant 0 : i32
        %dma_wait3A_65 = tpu.memref_slice %arg4[%add3A_32, %dma_wait3A_64] : memref<196608x128xf32, #tpu.memory_space<hbm>> -> memref<96x128xf32, #tpu.memory_space<hbm>>
        tpu.wait_dma2 semaphore(%run_scoped3A : memref<!tpu.dma_semaphore, #tpu.memory_space<semaphore_mem>>) src(%arg6 : memref<96x128xf32, #tpu.memory_space<vmem>>) dst(%dma_wait3A_65 : memref<96x128xf32, #tpu.memory_space<hbm>>)
        tpu.yield
      }) : () -> ()
      %add3A_33 = arith.constant 2 : i32
      %add3A_34 = arith.addi %add3A_23, %add3A_33 : i32
      %lt3A = arith.constant 64 : i32
      %lt3A_35 = arith.cmpi slt, %add3A_34, %lt3A : i32
      %convert_element_type3A = arith.extui %lt3A_35 : i1 to i32
      %cond3A = arith.constant 0 : i32
      %cond3A_36 = arith.cmpi ne, %convert_element_type3A, %cond3A : i32
      scf.if %cond3A_36 {
        %add3A_58 = arith.constant 2 : i32
        %add3A_59 = arith.addi %add3A_23, %add3A_58 : i32
        %mul3A_60 = arith.constant 96 : i32
        %mul3A_61 = arith.muli %add3A_59, %mul3A_60 : i32
        %dma_start3A_62 = tpu.memref_slice %arg5[%mul3A_61] : memref<6144xi32, #tpu.memory_space<vmem>> -> memref<96xi32, #tpu.memory_space<vmem>>
        %dma_start3A_63 = arith.constant 0 : i32
        %dma_start3A_64 = arith.constant 0 : i32
        %dma_start3A_65 = tpu.memref_slice %arg3[%dma_start3A_63, %dma_start3A_64] : memref<8192x128xf32, #tpu.memory_space<hbm>> -> memref<8192x128xf32, #tpu.memory_space<hbm>>
        tpu.enqueue_indirect_dma source(%dma_start3A_65 : memref<8192x128xf32, #tpu.memory_space<hbm>>) target(%arg6 : memref<96x128xf32, #tpu.memory_space<vmem>>) offsets(%dma_start3A_62 : memref<96xi32, #tpu.memory_space<vmem>>) semaphore(%arg8 : memref<!tpu.dma_semaphore, #tpu.memory_space<semaphore_mem>>)
      } else {
      }
      %mul3A_37 = arith.constant 2 : i32
      %mul3A_38 = arith.muli %mul3A_37, %scan3A_19 : i32
      %add3A_39 = arith.constant 1 : i32
      %add3A_40 = arith.addi %mul3A_38, %add3A_39 : i32
      %dma_wait3A_41 = arith.constant 0 : i32
      %dma_wait3A_42 = tpu.memref_slice %arg5[%dma_wait3A_41] : memref<6144xi32, #tpu.memory_space<vmem>> -> memref<96xi32, #tpu.memory_space<vmem>>
      %dma_wait3A_43 = arith.constant 0 : i32
      %dma_wait3A_44 = arith.constant 0 : i32
      %dma_wait3A_45 = tpu.memref_slice %arg3[%dma_wait3A_43, %dma_wait3A_44] : memref<8192x128xf32, #tpu.memory_space<hbm>> -> memref<8192x128xf32, #tpu.memory_space<hbm>>
      tpu.wait_indirect_dma semaphore(%arg9 : memref<!tpu.dma_semaphore, #tpu.memory_space<semaphore_mem>>) src(%dma_wait3A_45 : memref<8192x128xf32, #tpu.memory_space<hbm>>) dst(%arg7 : memref<96x128xf32, #tpu.memory_space<vmem>>)
      %mul3A_46 = arith.constant 24 : i32
      %mul3A_47 = arith.muli %mul3A_2, %mul3A_46 : i32
      %mul3A_48 = arith.constant 96 : i32
      %mul3A_49 = arith.muli %add3A_40, %mul3A_48 : i32
      %add3A_50 = arith.addi %mul3A_47, %mul3A_49 : i32
      "tpu.region"() ({
        %run_scoped3A = tpu.sem_alloc : memref<!tpu.dma_semaphore, #tpu.memory_space<semaphore_mem>>
        %dma_start3A_58 = arith.constant 0 : i32
        %dma_start3A_59 = tpu.memref_slice %arg4[%add3A_50, %dma_start3A_58] : memref<196608x128xf32, #tpu.memory_space<hbm>> -> memref<96x128xf32, #tpu.memory_space<hbm>>
        %dma_start3A_60 = arith.constant 0 : i32
        %dma_start3A_61 = tpu.memref_slice %arg4[%add3A_50, %dma_start3A_60] : memref<196608x128xf32, #tpu.memory_space<hbm>> -> memref<96x128xf32, #tpu.memory_space<hbm>>
        tpu.enqueue_dma source(%arg7 : memref<96x128xf32, #tpu.memory_space<vmem>>) target(%dma_start3A_61 : memref<96x128xf32, #tpu.memory_space<hbm>>) target_semaphore(%run_scoped3A : memref<!tpu.dma_semaphore, #tpu.memory_space<semaphore_mem>>)
        %dma_wait3A_62 = arith.constant 0 : i32
        %dma_wait3A_63 = tpu.memref_slice %arg4[%add3A_50, %dma_wait3A_62] : memref<196608x128xf32, #tpu.memory_space<hbm>> -> memref<96x128xf32, #tpu.memory_space<hbm>>
        %dma_wait3A_64 = arith.constant 0 : i32
        %dma_wait3A_65 = tpu.memref_slice %arg4[%add3A_50, %dma_wait3A_64] : memref<196608x128xf32, #tpu.memory_space<hbm>> -> memref<96x128xf32, #tpu.memory_space<hbm>>
        tpu.wait_dma2 semaphore(%run_scoped3A : memref<!tpu.dma_semaphore, #tpu.memory_space<semaphore_mem>>) src(%arg7 : memref<96x128xf32, #tpu.memory_space<vmem>>) dst(%dma_wait3A_65 : memref<96x128xf32, #tpu.memory_space<hbm>>)
        tpu.yield
      }) : () -> ()
      %add3A_51 = arith.constant 2 : i32
      %add3A_52 = arith.addi %add3A_40, %add3A_51 : i32
      %lt3A_53 = arith.constant 64 : i32
      %lt3A_54 = arith.cmpi slt, %add3A_52, %lt3A_53 : i32
      %convert_element_type3A_55 = arith.extui %lt3A_54 : i1 to i32
      %cond3A_56 = arith.constant 0 : i32
      %cond3A_57 = arith.cmpi ne, %convert_element_type3A_55, %cond3A_56 : i32
      scf.if %cond3A_57 {
        %add3A_58 = arith.constant 2 : i32
        %add3A_59 = arith.addi %add3A_40, %add3A_58 : i32
        %mul3A_60 = arith.constant 96 : i32
        %mul3A_61 = arith.muli %add3A_59, %mul3A_60 : i32
        %dma_start3A_62 = tpu.memref_slice %arg5[%mul3A_61] : memref<6144xi32, #tpu.memory_space<vmem>> -> memref<96xi32, #tpu.memory_space<vmem>>
        %dma_start3A_63 = arith.constant 0 : i32
        %dma_start3A_64 = arith.constant 0 : i32
        %dma_start3A_65 = tpu.memref_slice %arg3[%dma_start3A_63, %dma_start3A_64] : memref<8192x128xf32, #tpu.memory_space<hbm>> -> memref<8192x128xf32, #tpu.memory_space<hbm>>
        tpu.enqueue_indirect_dma source(%dma_start3A_65 : memref<8192x128xf32, #tpu.memory_space<hbm>>) target(%arg7 : memref<96x128xf32, #tpu.memory_space<vmem>>) offsets(%dma_start3A_62 : memref<96xi32, #tpu.memory_space<vmem>>) semaphore(%arg9 : memref<!tpu.dma_semaphore, #tpu.memory_space<semaphore_mem>>)
      } else {
      }
    }
    %scan3A_18 = arith.constant 32 : i32
    return
  }
}

#map = affine_map<(d0, d1) -> (0)>
#map1 = affine_map<(d0, d1) -> (0, 0)>
module attributes {stable_mosaic.version = 14 : i64} {
  func.func @gsc(%arg0: i32, %arg1: i32, %arg2: memref<196608xi32, #tpu.memory_space<hbm>>, %arg3: memref<8192x128xf32, #tpu.memory_space<hbm>>, %arg4: memref<196608x128xf32, #tpu.memory_space<hbm>>, %arg5: memref<6144xi32, #tpu.memory_space<vmem>>, %arg6: memref<96x128xf32, #tpu.memory_space<vmem>>, %arg7: memref<96x128xf32, #tpu.memory_space<vmem>>, %arg8: memref<!tpu.dma_semaphore, #tpu.memory_space<semaphore_mem>>, %arg9: memref<!tpu.dma_semaphore, #tpu.memory_space<semaphore_mem>>) attributes {dimension_semantics = [#tpu.dimension_semantics<core_parallel>, #tpu.dimension_semantics<subcore_parallel>], iteration_bounds = array<i64: 2, 16>, scalar_prefetch = 0 : i64, scratch_operands = 5 : i64, tpu.core_type = #tpu.core_type<sc_vector_subcore>, window_params = [{transform_indices = #map}, {transform_indices = #map1}, {transform_indices = #map1}]} {
    %mul3A = arith.constant 2 : i32
    %mul3A_0 = arith.muli %arg1, %mul3A : i32
    %add3A = arith.addi %mul3A_0, %arg0 : i32
    %mul3A_1 = arith.constant 256 : i32
    %mul3A_2 = arith.muli %add3A, %mul3A_1 : i32
    %mul3A_3 = arith.constant 24 : i32
    %mul3A_4 = arith.muli %mul3A_2, %mul3A_3 : i32
    "tpu.region"() ({
      %run_scoped3A = tpu.sem_alloc : memref<!tpu.dma_semaphore, #tpu.memory_space<semaphore_mem>>
      %dma_start3A_19 = tpu.memref_slice %arg2[%mul3A_4] : memref<196608xi32, #tpu.memory_space<hbm>> -> memref<6144xi32, #tpu.memory_space<hbm>>
      %dma_start3A_20 = tpu.memref_slice %arg2[%mul3A_4] : memref<196608xi32, #tpu.memory_space<hbm>> -> memref<6144xi32, #tpu.memory_space<hbm>>
      tpu.enqueue_dma source(%dma_start3A_20 : memref<6144xi32, #tpu.memory_space<hbm>>) target(%arg5 : memref<6144xi32, #tpu.memory_space<vmem>>) target_semaphore(%run_scoped3A : memref<!tpu.dma_semaphore, #tpu.memory_space<semaphore_mem>>)
      %dma_wait3A = tpu.memref_slice %arg2[%mul3A_4] : memref<196608xi32, #tpu.memory_space<hbm>> -> memref<6144xi32, #tpu.memory_space<hbm>>
      %dma_wait3A_21 = tpu.memref_slice %arg2[%mul3A_4] : memref<196608xi32, #tpu.memory_space<hbm>> -> memref<6144xi32, #tpu.memory_space<hbm>>
      tpu.wait_dma2 semaphore(%run_scoped3A : memref<!tpu.dma_semaphore, #tpu.memory_space<semaphore_mem>>) src(%dma_wait3A_21 : memref<6144xi32, #tpu.memory_space<hbm>>) dst(%arg5 : memref<6144xi32, #tpu.memory_space<vmem>>)
      tpu.yield
    }) : () -> ()
    %dma_start3A = arith.constant 0 : i32
    %dma_start3A_5 = tpu.memref_slice %arg5[%dma_start3A] : memref<6144xi32, #tpu.memory_space<vmem>> -> memref<96xi32, #tpu.memory_space<vmem>>
    %dma_start3A_6 = arith.constant 0 : i32
    %dma_start3A_7 = arith.constant 0 : i32
    %dma_start3A_8 = tpu.memref_slice %arg3[%dma_start3A_6, %dma_start3A_7] : memref<8192x128xf32, #tpu.memory_space<hbm>> -> memref<8192x128xf32, #tpu.memory_space<hbm>>
    tpu.enqueue_indirect_dma source(%dma_start3A_8 : memref<8192x128xf32, #tpu.memory_space<hbm>>) target(%arg6 : memref<96x128xf32, #tpu.memory_space<vmem>>) offsets(%dma_start3A_5 : memref<96xi32, #tpu.memory_space<vmem>>) semaphore(%arg8 : memref<!tpu.dma_semaphore, #tpu.memory_space<semaphore_mem>>)
    %dma_start3A_9 = arith.constant 96 : i32
    %dma_start3A_10 = tpu.memref_slice %arg5[%dma_start3A_9] : memref<6144xi32, #tpu.memory_space<vmem>> -> memref<96xi32, #tpu.memory_space<vmem>>
    %dma_start3A_11 = arith.constant 0 : i32
    %dma_start3A_12 = arith.constant 0 : i32
    %dma_start3A_13 = tpu.memref_slice %arg3[%dma_start3A_11, %dma_start3A_12] : memref<8192x128xf32, #tpu.memory_space<hbm>> -> memref<8192x128xf32, #tpu.memory_space<hbm>>
    tpu.enqueue_indirect_dma source(%dma_start3A_13 : memref<8192x128xf32, #tpu.memory_space<hbm>>) target(%arg7 : memref<96x128xf32, #tpu.memory_space<vmem>>) offsets(%dma_start3A_10 : memref<96xi32, #tpu.memory_space<vmem>>) semaphore(%arg9 : memref<!tpu.dma_semaphore, #tpu.memory_space<semaphore_mem>>)
    %scan3A = arith.constant 0 : i32
    %scan3A_14 = arith.constant 0 : i32
    %scan3A_15 = arith.constant 32 : i32
    %scan3A_16 = arith.addi %scan3A_14, %scan3A_15 : i32
    %scan3A_17 = arith.constant 1 : i32
    scf.for %scan3A_19 = %scan3A_14 to %scan3A_16 step %scan3A_17  : i32 {
      %mul3A_20 = arith.constant 2 : i32
      %mul3A_21 = arith.muli %mul3A_20, %scan3A_19 : i32
      %add3A_22 = arith.constant 0 : i32
      %add3A_23 = arith.addi %mul3A_21, %add3A_22 : i32
      %dma_wait3A = arith.constant 0 : i32
      %dma_wait3A_24 = tpu.memref_slice %arg5[%dma_wait3A] : memref<6144xi32, #tpu.memory_space<vmem>> -> memref<96xi32, #tpu.memory_space<vmem>>
      %dma_wait3A_25 = arith.constant 0 : i32
      %dma_wait3A_26 = arith.constant 0 : i32
      %dma_wait3A_27 = tpu.memref_slice %arg3[%dma_wait3A_25, %dma_wait3A_26] : memref<8192x128xf32, #tpu.memory_space<hbm>> -> memref<8192x128xf32, #tpu.memory_space<hbm>>
      tpu.wait_indirect_dma semaphore(%arg8 : memref<!tpu.dma_semaphore, #tpu.memory_space<semaphore_mem>>) src(%dma_wait3A_27 : memref<8192x128xf32, #tpu.memory_space<hbm>>) dst(%arg6 : memref<96x128xf32, #tpu.memory_space<vmem>>)
      %mul3A_28 = arith.constant 24 : i32
      %mul3A_29 = arith.muli %mul3A_2, %mul3A_28 : i32
      %mul3A_30 = arith.constant 96 : i32
      %mul3A_31 = arith.muli %add3A_23, %mul3A_30 : i32
      %add3A_32 = arith.addi %mul3A_29, %mul3A_31 : i32
      "tpu.region"() ({
        %run_scoped3A = tpu.sem_alloc : memref<!tpu.dma_semaphore, #tpu.memory_space<semaphore_mem>>
        %dma_start3A_58 = arith.constant 0 : i32
        %dma_start3A_59 = tpu.memref_slice %arg4[%add3A_32, %dma_start3A_58] : memref<196608x128xf32, #tpu.memory_space<hbm>> -> memref<96x128xf32, #tpu.memory_space<hbm>>
        %dma_start3A_60 = arith.constant 0 : i32
        %dma_start3A_61 = tpu.memref_slice %arg4[%add3A_32, %dma_start3A_60] : memref<196608x128xf32, #tpu.memory_space<hbm>> -> memref<96x128xf32, #tpu.memory_space<hbm>>
        tpu.enqueue_dma source(%arg6 : memref<96x128xf32, #tpu.memory_space<vmem>>) target(%dma_start3A_61 : memref<96x128xf32, #tpu.memory_space<hbm>>) target_semaphore(%run_scoped3A : memref<!tpu.dma_semaphore, #tpu.memory_space<semaphore_mem>>)
        %dma_wait3A_62 = arith.constant 0 : i32
        %dma_wait3A_63 = tpu.memref_slice %arg4[%add3A_32, %dma_wait3A_62] : memref<196608x128xf32, #tpu.memory_space<hbm>> -> memref<96x128xf32, #tpu.memory_space<hbm>>
        %dma_wait3A_64 = arith.constant 0 : i32
        %dma_wait3A_65 = tpu.memref_slice %arg4[%add3A_32, %dma_wait3A_64] : memref<196608x128xf32, #tpu.memory_space<hbm>> -> memref<96x128xf32, #tpu.memory_space<hbm>>
        tpu.wait_dma2 semaphore(%run_scoped3A : memref<!tpu.dma_semaphore, #tpu.memory_space<semaphore_mem>>) src(%arg6 : memref<96x128xf32, #tpu.memory_space<vmem>>) dst(%dma_wait3A_65 : memref<96x128xf32, #tpu.memory_space<hbm>>)
        tpu.yield
      }) : () -> ()
      %add3A_33 = arith.constant 2 : i32
      %add3A_34 = arith.addi %add3A_23, %add3A_33 : i32
      %lt3A = arith.constant 64 : i32
      %lt3A_35 = arith.cmpi slt, %add3A_34, %lt3A : i32
      %convert_element_type3A = arith.extui %lt3A_35 : i1 to i32
      %cond3A = arith.constant 0 : i32
      %cond3A_36 = arith.cmpi ne, %convert_element_type3A, %cond3A : i32
      scf.if %cond3A_36 {
        %add3A_58 = arith.constant 2 : i32
        %add3A_59 = arith.addi %add3A_23, %add3A_58 : i32
        %mul3A_60 = arith.constant 96 : i32
        %mul3A_61 = arith.muli %add3A_59, %mul3A_60 : i32
        %dma_start3A_62 = tpu.memref_slice %arg5[%mul3A_61] : memref<6144xi32, #tpu.memory_space<vmem>> -> memref<96xi32, #tpu.memory_space<vmem>>
        %dma_start3A_63 = arith.constant 0 : i32
        %dma_start3A_64 = arith.constant 0 : i32
        %dma_start3A_65 = tpu.memref_slice %arg3[%dma_start3A_63, %dma_start3A_64] : memref<8192x128xf32, #tpu.memory_space<hbm>> -> memref<8192x128xf32, #tpu.memory_space<hbm>>
        tpu.enqueue_indirect_dma source(%dma_start3A_65 : memref<8192x128xf32, #tpu.memory_space<hbm>>) target(%arg6 : memref<96x128xf32, #tpu.memory_space<vmem>>) offsets(%dma_start3A_62 : memref<96xi32, #tpu.memory_space<vmem>>) semaphore(%arg8 : memref<!tpu.dma_semaphore, #tpu.memory_space<semaphore_mem>>)
      } else {
      }
      %mul3A_37 = arith.constant 2 : i32
      %mul3A_38 = arith.muli %mul3A_37, %scan3A_19 : i32
      %add3A_39 = arith.constant 1 : i32
      %add3A_40 = arith.addi %mul3A_38, %add3A_39 : i32
      %dma_wait3A_41 = arith.constant 0 : i32
      %dma_wait3A_42 = tpu.memref_slice %arg5[%dma_wait3A_41] : memref<6144xi32, #tpu.memory_space<vmem>> -> memref<96xi32, #tpu.memory_space<vmem>>
      %dma_wait3A_43 = arith.constant 0 : i32
      %dma_wait3A_44 = arith.constant 0 : i32
      %dma_wait3A_45 = tpu.memref_slice %arg3[%dma_wait3A_43, %dma_wait3A_44] : memref<8192x128xf32, #tpu.memory_space<hbm>> -> memref<8192x128xf32, #tpu.memory_space<hbm>>
      tpu.wait_indirect_dma semaphore(%arg9 : memref<!tpu.dma_semaphore, #tpu.memory_space<semaphore_mem>>) src(%dma_wait3A_45 : memref<8192x128xf32, #tpu.memory_space<hbm>>) dst(%arg7 : memref<96x128xf32, #tpu.memory_space<vmem>>)
      %mul3A_46 = arith.constant 24 : i32
      %mul3A_47 = arith.muli %mul3A_2, %mul3A_46 : i32
      %mul3A_48 = arith.constant 96 : i32
      %mul3A_49 = arith.muli %add3A_40, %mul3A_48 : i32
      %add3A_50 = arith.addi %mul3A_47, %mul3A_49 : i32
      "tpu.region"() ({
        %run_scoped3A = tpu.sem_alloc : memref<!tpu.dma_semaphore, #tpu.memory_space<semaphore_mem>>
        %dma_start3A_58 = arith.constant 0 : i32
        %dma_start3A_59 = tpu.memref_slice %arg4[%add3A_50, %dma_start3A_58] : memref<196608x128xf32, #tpu.memory_space<hbm>> -> memref<96x128xf32, #tpu.memory_space<hbm>>
        %dma_start3A_60 = arith.constant 0 : i32
        %dma_start3A_61 = tpu.memref_slice %arg4[%add3A_50, %dma_start3A_60] : memref<196608x128xf32, #tpu.memory_space<hbm>> -> memref<96x128xf32, #tpu.memory_space<hbm>>
        tpu.enqueue_dma source(%arg7 : memref<96x128xf32, #tpu.memory_space<vmem>>) target(%dma_start3A_61 : memref<96x128xf32, #tpu.memory_space<hbm>>) target_semaphore(%run_scoped3A : memref<!tpu.dma_semaphore, #tpu.memory_space<semaphore_mem>>)
        %dma_wait3A_62 = arith.constant 0 : i32
        %dma_wait3A_63 = tpu.memref_slice %arg4[%add3A_50, %dma_wait3A_62] : memref<196608x128xf32, #tpu.memory_space<hbm>> -> memref<96x128xf32, #tpu.memory_space<hbm>>
        %dma_wait3A_64 = arith.constant 0 : i32
        %dma_wait3A_65 = tpu.memref_slice %arg4[%add3A_50, %dma_wait3A_64] : memref<196608x128xf32, #tpu.memory_space<hbm>> -> memref<96x128xf32, #tpu.memory_space<hbm>>
        tpu.wait_dma2 semaphore(%run_scoped3A : memref<!tpu.dma_semaphore, #tpu.memory_space<semaphore_mem>>) src(%arg7 : memref<96x128xf32, #tpu.memory_space<vmem>>) dst(%dma_wait3A_65 : memref<96x128xf32, #tpu.memory_space<hbm>>)
        tpu.yield
      }) : () -> ()
      %add3A_51 = arith.constant 2 : i32
      %add3A_52 = arith.addi %add3A_40, %add3A_51 : i32
      %lt3A_53 = arith.constant 64 : i32
      %lt3A_54 = arith.cmpi slt, %add3A_52, %lt3A_53 : i32
      %convert_element_type3A_55 = arith.extui %lt3A_54 : i1 to i32
      %cond3A_56 = arith.constant 0 : i32
      %cond3A_57 = arith.cmpi ne, %convert_element_type3A_55, %cond3A_56 : i32
      scf.if %cond3A_57 {
        %add3A_58 = arith.constant 2 : i32
        %add3A_59 = arith.addi %add3A_40, %add3A_58 : i32
        %mul3A_60 = arith.constant 96 : i32
        %mul3A_61 = arith.muli %add3A_59, %mul3A_60 : i32
        %dma_start3A_62 = tpu.memref_slice %arg5[%mul3A_61] : memref<6144xi32, #tpu.memory_space<vmem>> -> memref<96xi32, #tpu.memory_space<vmem>>
        %dma_start3A_63 = arith.constant 0 : i32
        %dma_start3A_64 = arith.constant 0 : i32
        %dma_start3A_65 = tpu.memref_slice %arg3[%dma_start3A_63, %dma_start3A_64] : memref<8192x128xf32, #tpu.memory_space<hbm>> -> memref<8192x128xf32, #tpu.memory_space<hbm>>
        tpu.enqueue_indirect_dma source(%dma_start3A_65 : memref<8192x128xf32, #tpu.memory_space<hbm>>) target(%arg7 : memref<96x128xf32, #tpu.memory_space<vmem>>) offsets(%dma_start3A_62 : memref<96xi32, #tpu.memory_space<vmem>>) semaphore(%arg9 : memref<!tpu.dma_semaphore, #tpu.memory_space<semaphore_mem>>)
      } else {
      }
    }
    %scan3A_18 = arith.constant 32 : i32
    return
  }
}

#map = affine_map<(d0, d1) -> (0)>
#map1 = affine_map<(d0, d1) -> (0, 0)>
module attributes {stable_mosaic.version = 14 : i64} {
  func.func @gsc(%arg0: i32, %arg1: i32, %arg2: memref<196608xi32, #tpu.memory_space<hbm>>, %arg3: memref<8192x128xf32, #tpu.memory_space<hbm>>, %arg4: memref<196608x128xf32, #tpu.memory_space<hbm>>, %arg5: memref<6144xi32, #tpu.memory_space<vmem>>, %arg6: memref<96x128xf32, #tpu.memory_space<vmem>>, %arg7: memref<96x128xf32, #tpu.memory_space<vmem>>, %arg8: memref<!tpu.dma_semaphore, #tpu.memory_space<semaphore_mem>>, %arg9: memref<!tpu.dma_semaphore, #tpu.memory_space<semaphore_mem>>) attributes {dimension_semantics = [#tpu.dimension_semantics<core_parallel>, #tpu.dimension_semantics<subcore_parallel>], iteration_bounds = array<i64: 2, 16>, scalar_prefetch = 0 : i64, scratch_operands = 5 : i64, tpu.core_type = #tpu.core_type<sc_vector_subcore>, window_params = [{transform_indices = #map}, {transform_indices = #map1}, {transform_indices = #map1}]} {
    %mul3A = arith.constant 2 : i32
    %mul3A_0 = arith.muli %arg1, %mul3A : i32
    %add3A = arith.addi %mul3A_0, %arg0 : i32
    %mul3A_1 = arith.constant 256 : i32
    %mul3A_2 = arith.muli %add3A, %mul3A_1 : i32
    %mul3A_3 = arith.constant 24 : i32
    %mul3A_4 = arith.muli %mul3A_2, %mul3A_3 : i32
    "tpu.region"() ({
      %run_scoped3A = tpu.sem_alloc : memref<!tpu.dma_semaphore, #tpu.memory_space<semaphore_mem>>
      %dma_start3A_19 = tpu.memref_slice %arg2[%mul3A_4] : memref<196608xi32, #tpu.memory_space<hbm>> -> memref<6144xi32, #tpu.memory_space<hbm>>
      %dma_start3A_20 = tpu.memref_slice %arg2[%mul3A_4] : memref<196608xi32, #tpu.memory_space<hbm>> -> memref<6144xi32, #tpu.memory_space<hbm>>
      tpu.enqueue_dma source(%dma_start3A_20 : memref<6144xi32, #tpu.memory_space<hbm>>) target(%arg5 : memref<6144xi32, #tpu.memory_space<vmem>>) target_semaphore(%run_scoped3A : memref<!tpu.dma_semaphore, #tpu.memory_space<semaphore_mem>>)
      %dma_wait3A = tpu.memref_slice %arg2[%mul3A_4] : memref<196608xi32, #tpu.memory_space<hbm>> -> memref<6144xi32, #tpu.memory_space<hbm>>
      %dma_wait3A_21 = tpu.memref_slice %arg2[%mul3A_4] : memref<196608xi32, #tpu.memory_space<hbm>> -> memref<6144xi32, #tpu.memory_space<hbm>>
      tpu.wait_dma2 semaphore(%run_scoped3A : memref<!tpu.dma_semaphore, #tpu.memory_space<semaphore_mem>>) src(%dma_wait3A_21 : memref<6144xi32, #tpu.memory_space<hbm>>) dst(%arg5 : memref<6144xi32, #tpu.memory_space<vmem>>)
      tpu.yield
    }) : () -> ()
    %dma_start3A = arith.constant 0 : i32
    %dma_start3A_5 = tpu.memref_slice %arg5[%dma_start3A] : memref<6144xi32, #tpu.memory_space<vmem>> -> memref<96xi32, #tpu.memory_space<vmem>>
    %dma_start3A_6 = arith.constant 0 : i32
    %dma_start3A_7 = arith.constant 0 : i32
    %dma_start3A_8 = tpu.memref_slice %arg3[%dma_start3A_6, %dma_start3A_7] : memref<8192x128xf32, #tpu.memory_space<hbm>> -> memref<8192x128xf32, #tpu.memory_space<hbm>>
    tpu.enqueue_indirect_dma source(%dma_start3A_8 : memref<8192x128xf32, #tpu.memory_space<hbm>>) target(%arg6 : memref<96x128xf32, #tpu.memory_space<vmem>>) offsets(%dma_start3A_5 : memref<96xi32, #tpu.memory_space<vmem>>) semaphore(%arg8 : memref<!tpu.dma_semaphore, #tpu.memory_space<semaphore_mem>>)
    %dma_start3A_9 = arith.constant 96 : i32
    %dma_start3A_10 = tpu.memref_slice %arg5[%dma_start3A_9] : memref<6144xi32, #tpu.memory_space<vmem>> -> memref<96xi32, #tpu.memory_space<vmem>>
    %dma_start3A_11 = arith.constant 0 : i32
    %dma_start3A_12 = arith.constant 0 : i32
    %dma_start3A_13 = tpu.memref_slice %arg3[%dma_start3A_11, %dma_start3A_12] : memref<8192x128xf32, #tpu.memory_space<hbm>> -> memref<8192x128xf32, #tpu.memory_space<hbm>>
    tpu.enqueue_indirect_dma source(%dma_start3A_13 : memref<8192x128xf32, #tpu.memory_space<hbm>>) target(%arg7 : memref<96x128xf32, #tpu.memory_space<vmem>>) offsets(%dma_start3A_10 : memref<96xi32, #tpu.memory_space<vmem>>) semaphore(%arg9 : memref<!tpu.dma_semaphore, #tpu.memory_space<semaphore_mem>>)
    %scan3A = arith.constant 0 : i32
    %scan3A_14 = arith.constant 0 : i32
    %scan3A_15 = arith.constant 32 : i32
    %scan3A_16 = arith.addi %scan3A_14, %scan3A_15 : i32
    %scan3A_17 = arith.constant 1 : i32
    scf.for %scan3A_19 = %scan3A_14 to %scan3A_16 step %scan3A_17  : i32 {
      %mul3A_20 = arith.constant 2 : i32
      %mul3A_21 = arith.muli %mul3A_20, %scan3A_19 : i32
      %add3A_22 = arith.constant 0 : i32
      %add3A_23 = arith.addi %mul3A_21, %add3A_22 : i32
      %dma_wait3A = arith.constant 0 : i32
      %dma_wait3A_24 = tpu.memref_slice %arg5[%dma_wait3A] : memref<6144xi32, #tpu.memory_space<vmem>> -> memref<96xi32, #tpu.memory_space<vmem>>
      %dma_wait3A_25 = arith.constant 0 : i32
      %dma_wait3A_26 = arith.constant 0 : i32
      %dma_wait3A_27 = tpu.memref_slice %arg3[%dma_wait3A_25, %dma_wait3A_26] : memref<8192x128xf32, #tpu.memory_space<hbm>> -> memref<8192x128xf32, #tpu.memory_space<hbm>>
      tpu.wait_indirect_dma semaphore(%arg8 : memref<!tpu.dma_semaphore, #tpu.memory_space<semaphore_mem>>) src(%dma_wait3A_27 : memref<8192x128xf32, #tpu.memory_space<hbm>>) dst(%arg6 : memref<96x128xf32, #tpu.memory_space<vmem>>)
      %mul3A_28 = arith.constant 24 : i32
      %mul3A_29 = arith.muli %mul3A_2, %mul3A_28 : i32
      %mul3A_30 = arith.constant 96 : i32
      %mul3A_31 = arith.muli %add3A_23, %mul3A_30 : i32
      %add3A_32 = arith.addi %mul3A_29, %mul3A_31 : i32
      "tpu.region"() ({
        %run_scoped3A = tpu.sem_alloc : memref<!tpu.dma_semaphore, #tpu.memory_space<semaphore_mem>>
        %dma_start3A_58 = arith.constant 0 : i32
        %dma_start3A_59 = tpu.memref_slice %arg4[%add3A_32, %dma_start3A_58] : memref<196608x128xf32, #tpu.memory_space<hbm>> -> memref<96x128xf32, #tpu.memory_space<hbm>>
        %dma_start3A_60 = arith.constant 0 : i32
        %dma_start3A_61 = tpu.memref_slice %arg4[%add3A_32, %dma_start3A_60] : memref<196608x128xf32, #tpu.memory_space<hbm>> -> memref<96x128xf32, #tpu.memory_space<hbm>>
        tpu.enqueue_dma source(%arg6 : memref<96x128xf32, #tpu.memory_space<vmem>>) target(%dma_start3A_61 : memref<96x128xf32, #tpu.memory_space<hbm>>) target_semaphore(%run_scoped3A : memref<!tpu.dma_semaphore, #tpu.memory_space<semaphore_mem>>)
        %dma_wait3A_62 = arith.constant 0 : i32
        %dma_wait3A_63 = tpu.memref_slice %arg4[%add3A_32, %dma_wait3A_62] : memref<196608x128xf32, #tpu.memory_space<hbm>> -> memref<96x128xf32, #tpu.memory_space<hbm>>
        %dma_wait3A_64 = arith.constant 0 : i32
        %dma_wait3A_65 = tpu.memref_slice %arg4[%add3A_32, %dma_wait3A_64] : memref<196608x128xf32, #tpu.memory_space<hbm>> -> memref<96x128xf32, #tpu.memory_space<hbm>>
        tpu.wait_dma2 semaphore(%run_scoped3A : memref<!tpu.dma_semaphore, #tpu.memory_space<semaphore_mem>>) src(%arg6 : memref<96x128xf32, #tpu.memory_space<vmem>>) dst(%dma_wait3A_65 : memref<96x128xf32, #tpu.memory_space<hbm>>)
        tpu.yield
      }) : () -> ()
      %add3A_33 = arith.constant 2 : i32
      %add3A_34 = arith.addi %add3A_23, %add3A_33 : i32
      %lt3A = arith.constant 64 : i32
      %lt3A_35 = arith.cmpi slt, %add3A_34, %lt3A : i32
      %convert_element_type3A = arith.extui %lt3A_35 : i1 to i32
      %cond3A = arith.constant 0 : i32
      %cond3A_36 = arith.cmpi ne, %convert_element_type3A, %cond3A : i32
      scf.if %cond3A_36 {
        %add3A_58 = arith.constant 2 : i32
        %add3A_59 = arith.addi %add3A_23, %add3A_58 : i32
        %mul3A_60 = arith.constant 96 : i32
        %mul3A_61 = arith.muli %add3A_59, %mul3A_60 : i32
        %dma_start3A_62 = tpu.memref_slice %arg5[%mul3A_61] : memref<6144xi32, #tpu.memory_space<vmem>> -> memref<96xi32, #tpu.memory_space<vmem>>
        %dma_start3A_63 = arith.constant 0 : i32
        %dma_start3A_64 = arith.constant 0 : i32
        %dma_start3A_65 = tpu.memref_slice %arg3[%dma_start3A_63, %dma_start3A_64] : memref<8192x128xf32, #tpu.memory_space<hbm>> -> memref<8192x128xf32, #tpu.memory_space<hbm>>
        tpu.enqueue_indirect_dma source(%dma_start3A_65 : memref<8192x128xf32, #tpu.memory_space<hbm>>) target(%arg6 : memref<96x128xf32, #tpu.memory_space<vmem>>) offsets(%dma_start3A_62 : memref<96xi32, #tpu.memory_space<vmem>>) semaphore(%arg8 : memref<!tpu.dma_semaphore, #tpu.memory_space<semaphore_mem>>)
      } else {
      }
      %mul3A_37 = arith.constant 2 : i32
      %mul3A_38 = arith.muli %mul3A_37, %scan3A_19 : i32
      %add3A_39 = arith.constant 1 : i32
      %add3A_40 = arith.addi %mul3A_38, %add3A_39 : i32
      %dma_wait3A_41 = arith.constant 0 : i32
      %dma_wait3A_42 = tpu.memref_slice %arg5[%dma_wait3A_41] : memref<6144xi32, #tpu.memory_space<vmem>> -> memref<96xi32, #tpu.memory_space<vmem>>
      %dma_wait3A_43 = arith.constant 0 : i32
      %dma_wait3A_44 = arith.constant 0 : i32
      %dma_wait3A_45 = tpu.memref_slice %arg3[%dma_wait3A_43, %dma_wait3A_44] : memref<8192x128xf32, #tpu.memory_space<hbm>> -> memref<8192x128xf32, #tpu.memory_space<hbm>>
      tpu.wait_indirect_dma semaphore(%arg9 : memref<!tpu.dma_semaphore, #tpu.memory_space<semaphore_mem>>) src(%dma_wait3A_45 : memref<8192x128xf32, #tpu.memory_space<hbm>>) dst(%arg7 : memref<96x128xf32, #tpu.memory_space<vmem>>)
      %mul3A_46 = arith.constant 24 : i32
      %mul3A_47 = arith.muli %mul3A_2, %mul3A_46 : i32
      %mul3A_48 = arith.constant 96 : i32
      %mul3A_49 = arith.muli %add3A_40, %mul3A_48 : i32
      %add3A_50 = arith.addi %mul3A_47, %mul3A_49 : i32
      "tpu.region"() ({
        %run_scoped3A = tpu.sem_alloc : memref<!tpu.dma_semaphore, #tpu.memory_space<semaphore_mem>>
        %dma_start3A_58 = arith.constant 0 : i32
        %dma_start3A_59 = tpu.memref_slice %arg4[%add3A_50, %dma_start3A_58] : memref<196608x128xf32, #tpu.memory_space<hbm>> -> memref<96x128xf32, #tpu.memory_space<hbm>>
        %dma_start3A_60 = arith.constant 0 : i32
        %dma_start3A_61 = tpu.memref_slice %arg4[%add3A_50, %dma_start3A_60] : memref<196608x128xf32, #tpu.memory_space<hbm>> -> memref<96x128xf32, #tpu.memory_space<hbm>>
        tpu.enqueue_dma source(%arg7 : memref<96x128xf32, #tpu.memory_space<vmem>>) target(%dma_start3A_61 : memref<96x128xf32, #tpu.memory_space<hbm>>) target_semaphore(%run_scoped3A : memref<!tpu.dma_semaphore, #tpu.memory_space<semaphore_mem>>)
        %dma_wait3A_62 = arith.constant 0 : i32
        %dma_wait3A_63 = tpu.memref_slice %arg4[%add3A_50, %dma_wait3A_62] : memref<196608x128xf32, #tpu.memory_space<hbm>> -> memref<96x128xf32, #tpu.memory_space<hbm>>
        %dma_wait3A_64 = arith.constant 0 : i32
        %dma_wait3A_65 = tpu.memref_slice %arg4[%add3A_50, %dma_wait3A_64] : memref<196608x128xf32, #tpu.memory_space<hbm>> -> memref<96x128xf32, #tpu.memory_space<hbm>>
        tpu.wait_dma2 semaphore(%run_scoped3A : memref<!tpu.dma_semaphore, #tpu.memory_space<semaphore_mem>>) src(%arg7 : memref<96x128xf32, #tpu.memory_space<vmem>>) dst(%dma_wait3A_65 : memref<96x128xf32, #tpu.memory_space<hbm>>)
        tpu.yield
      }) : () -> ()
      %add3A_51 = arith.constant 2 : i32
      %add3A_52 = arith.addi %add3A_40, %add3A_51 : i32
      %lt3A_53 = arith.constant 64 : i32
      %lt3A_54 = arith.cmpi slt, %add3A_52, %lt3A_53 : i32
      %convert_element_type3A_55 = arith.extui %lt3A_54 : i1 to i32
      %cond3A_56 = arith.constant 0 : i32
      %cond3A_57 = arith.cmpi ne, %convert_element_type3A_55, %cond3A_56 : i32
      scf.if %cond3A_57 {
        %add3A_58 = arith.constant 2 : i32
        %add3A_59 = arith.addi %add3A_40, %add3A_58 : i32
        %mul3A_60 = arith.constant 96 : i32
        %mul3A_61 = arith.muli %add3A_59, %mul3A_60 : i32
        %dma_start3A_62 = tpu.memref_slice %arg5[%mul3A_61] : memref<6144xi32, #tpu.memory_space<vmem>> -> memref<96xi32, #tpu.memory_space<vmem>>
        %dma_start3A_63 = arith.constant 0 : i32
        %dma_start3A_64 = arith.constant 0 : i32
        %dma_start3A_65 = tpu.memref_slice %arg3[%dma_start3A_63, %dma_start3A_64] : memref<8192x128xf32, #tpu.memory_space<hbm>> -> memref<8192x128xf32, #tpu.memory_space<hbm>>
        tpu.enqueue_indirect_dma source(%dma_start3A_65 : memref<8192x128xf32, #tpu.memory_space<hbm>>) target(%arg7 : memref<96x128xf32, #tpu.memory_space<vmem>>) offsets(%dma_start3A_62 : memref<96xi32, #tpu.memory_space<vmem>>) semaphore(%arg9 : memref<!tpu.dma_semaphore, #tpu.memory_space<semaphore_mem>>)
      } else {
      }
    }
    %scan3A_18 = arith.constant 32 : i32
    return
  }
}

module attributes {stable_mosaic.version = 14 : i64} {
  func.func @_pdtopk_body(%arg0: i32, %arg1: i32, %arg2: memref<1x2048x3xf32, #tpu.memory_space<vmem>>, %arg3: memref<1x2048x3xf32, #tpu.memory_space<vmem>>, %arg4: memref<1x2048x24xi32, #tpu.memory_space<vmem>>, %arg5: memref<2048x2048xf32, #tpu.memory_space<vmem>>) attributes {dimension_semantics = [#tpu.dimension_semantics<arbitrary>, #tpu.dimension_semantics<arbitrary>], iteration_bounds = array<i64: 4, 1>, scalar_prefetch = 0 : i64, scratch_operands = 1 : i64, tpu.core_type = #tpu.core_type<tc>, window_params = [{transform_indices = @transform_0, window_bounds = array<i64: 1, 2048, 3>}, {transform_indices = @transform_1, window_bounds = array<i64: 1, 2048, 3>}, {transform_indices = @transform_2, window_bounds = array<i64: 1, 2048, 24>}]} {
    %get3A = arith.constant 0 : index
    %get3A_0 = arith.constant 0 : index
    %get3A_1 = arith.constant 0 : index
    %get3A_2 = vector.load %arg2[%get3A, %get3A_0, %get3A_1] : memref<1x2048x3xf32, #tpu.memory_space<vmem>>, vector<1x2048x3xf32>
    %get3A_3 = vector.shape_cast %get3A_2 : vector<1x2048x3xf32> to vector<2048x3xf32>
    %get3A_4 = arith.constant 0 : index
    %get3A_5 = arith.constant 0 : index
    %get3A_6 = arith.constant 0 : index
    %get3A_7 = vector.load %arg3[%get3A_4, %get3A_5, %get3A_6] : memref<1x2048x3xf32, #tpu.memory_space<vmem>>, vector<1x2048x3xf32>
    %get3A_8 = vector.shape_cast %get3A_7 : vector<1x2048x3xf32> to vector<2048x3xf32>
    %dot_general3A = arith.constant dense<0.000000e+00> : vector<2048x2048xf32>
    %dot_general3A_9 = tpu.matmul %get3A_8, %get3A_3, %dot_general3A {dimension_numbers = #tpu.dot_dimension_numbers<[1], [1], [0], [0], [0, 0, 1, 0], [], []>, transpose_lhs_hint = false} : vector<2048x3xf32>, vector<2048x3xf32>, vector<2048x2048xf32> -> vector<2048x2048xf32>
    %mul3A = arith.mulf %get3A_3, %get3A_3 : vector<2048x3xf32>
    %reduce_sum3A = arith.constant dense<0.000000e+00> : vector<2048xf32>
    %reduce_sum3A_10 = vector.multi_reduction <add>, %mul3A, %reduce_sum3A [1] : vector<2048x3xf32> to vector<2048xf32>
    %mul3A_11 = arith.mulf %get3A_8, %get3A_8 : vector<2048x3xf32>
    %reduce_sum3A_12 = arith.constant dense<0.000000e+00> : vector<2048xf32>
    %reduce_sum3A_13 = vector.multi_reduction <add>, %mul3A_11, %reduce_sum3A_12 [1] : vector<2048x3xf32> to vector<2048xf32>
    %mul3A_14 = arith.constant 2.000000e+00 : f32
    %mul3A_15 = vector.broadcast %mul3A_14 : f32 to vector<2048x2048xf32>
    %mul3A_16 = arith.mulf %mul3A_15, %dot_general3A_9 : vector<2048x2048xf32>
    %broadcast_in_dim3A = vector.shape_cast %reduce_sum3A_10 : vector<2048xf32> to vector<1x2048xf32>
    %sub3A = vector.broadcast %broadcast_in_dim3A : vector<1x2048xf32> to vector<2048x2048xf32>
    %sub3A_17 = arith.subf %mul3A_16, %sub3A : vector<2048x2048xf32>
    %broadcast_in_dim3A_18 = vector.shape_cast %reduce_sum3A_13 : vector<2048xf32> to vector<2048x1xf32>
    %sub3A_19 = vector.broadcast %broadcast_in_dim3A_18 : vector<2048x1xf32> to vector<2048x2048xf32>
    %sub3A_20 = arith.subf %sub3A_17, %sub3A_19 : vector<2048x2048xf32>
    %swap3A = arith.constant 0 : index
    %swap3A_21 = arith.constant 0 : index
    %swap3A_22 = vector.load %arg5[%swap3A, %swap3A_21] : memref<2048x2048xf32, #tpu.memory_space<vmem>>, vector<2048x2048xf32>
    tpu.vector_store %arg5[%swap3A, %swap3A_21], %sub3A_20 {strides = array<i32>} : memref<2048x2048xf32, #tpu.memory_space<vmem>>, vector<2048x2048xf32>,
    %iota3A = tpu.iota {dimensions = array<i32: 1>} : vector<2048x2048xi32>
    %iota3A_23 = tpu.iota {dimensions = array<i32: 1>} : vector<2048x24xi32>
    %broadcast_in_dim3A_24 = arith.constant 0 : i32
    %broadcast_in_dim3A_25 = vector.broadcast %broadcast_in_dim3A_24 : i32 to vector<2048x24xi32>
    %scan3A = arith.constant 0 : i32
    %scan3A_26 = arith.constant 20 : i32
    %scan3A_27 = arith.addi %scan3A, %scan3A_26 : i32
    %scan3A_28 = arith.constant 1 : i32
    %scan3A_29 = scf.for %scan3A_40 = %scan3A to %scan3A_27 step %scan3A_28 iter_args(%scan3A_41 = %broadcast_in_dim3A_25) -> (vector<2048x24xi32>)  : i32 {
      %get3A_42 = arith.constant 0 : index
      %get3A_43 = arith.constant 0 : index
      %get3A_44 = vector.load %arg5[%get3A_42, %get3A_43] : memref<2048x2048xf32, #tpu.memory_space<vmem>>, vector<2048x2048xf32>
      %reduce_max3A = arith.constant dense<0xFF800000> : vector<2048xf32>
      %reduce_max3A_45 = vector.multi_reduction <maximumf>, %get3A_44, %reduce_max3A [1] : vector<2048x2048xf32> to vector<2048xf32>
      %broadcast_in_dim3A_46 = vector.shape_cast %reduce_max3A_45 : vector<2048xf32> to vector<2048x1xf32>
      %eq3A = vector.broadcast %broadcast_in_dim3A_46 : vector<2048x1xf32> to vector<2048x2048xf32>
      %eq3A_47 = arith.cmpf oeq, %get3A_44, %eq3A : vector<2048x2048xf32>
      %jit3A = arith.constant 2048 : i32
      %broadcast_in_dim3A_48 = vector.broadcast %jit3A : i32 to vector<2048x2048xi32>
      %select_n3A = arith.select %eq3A_47, %iota3A, %broadcast_in_dim3A_48 : vector<2048x2048xi1>, vector<2048x2048xi32>
      %reduce_min3A = arith.constant dense<2147483647> : vector<2048xi32>
      %reduce_min3A_49 = vector.multi_reduction <minsi>, %select_n3A, %reduce_min3A [1] : vector<2048x2048xi32> to vector<2048xi32>
      %broadcast_in_dim3A_50 = vector.shape_cast %reduce_min3A_49 : vector<2048xi32> to vector<2048x1xi32>
      %broadcast_in_dim3A_51 = vector.shape_cast %broadcast_in_dim3A_50 : vector<2048x1xi32> to vector<2048x1xi32>
      %broadcast_in_dim3A_52 = vector.broadcast %broadcast_in_dim3A_51 : vector<2048x1xi32> to vector<2048x24xi32>
      %eq3A_53 = arith.constant 0 : i32
      %eq3A_54 = arith.cmpi eq, %scan3A_40, %eq3A_53 : i32
      %eq3A_55 = vector.broadcast %scan3A_40 : i32 to vector<2048x24xi32>
      %eq3A_56 = arith.cmpi eq, %iota3A_23, %eq3A_55 : vector<2048x24xi32>
      %broadcast_in_dim3A_57 = vector.shape_cast %reduce_min3A_49 : vector<2048xi32> to vector<2048x1xi32>
      %broadcast_in_dim3A_58 = vector.shape_cast %broadcast_in_dim3A_57 : vector<2048x1xi32> to vector<2048x1xi32>
      %broadcast_in_dim3A_59 = vector.broadcast %broadcast_in_dim3A_58 : vector<2048x1xi32> to vector<2048x24xi32>
      %select_n3A_60 = arith.select %eq3A_56, %broadcast_in_dim3A_59, %scan3A_41 : vector<2048x24xi1>, vector<2048x24xi32>
      %select_n3A_61 = arith.select %eq3A_54, %broadcast_in_dim3A_52, %select_n3A_60 : vector<2048x24xi32>
      %broadcast_in_dim3A_62 = vector.shape_cast %reduce_min3A_49 : vector<2048xi32> to vector<2048x1xi32>
      %eq3A_63 = vector.broadcast %broadcast_in_dim3A_62 : vector<2048x1xi32> to vector<2048x2048xi32>
      %eq3A_64 = arith.cmpi eq, %iota3A, %eq3A_63 : vector<2048x2048xi32>
      %jit3A_65 = arith.constant -3.000000e+38 : f32
      %broadcast_in_dim3A_66 = vector.broadcast %jit3A_65 : f32 to vector<2048x2048xf32>
      %select_n3A_67 = arith.select %eq3A_64, %broadcast_in_dim3A_66, %get3A_44 : vector<2048x2048xi1>, vector<2048x2048xf32>
      %swap3A_68 = arith.constant 0 : index
      %swap3A_69 = arith.constant 0 : index
      %swap3A_70 = vector.load %arg5[%swap3A_68, %swap3A_69] : memref<2048x2048xf32, #tpu.memory_space<vmem>>, vector<2048x2048xf32>
      tpu.vector_store %arg5[%swap3A_68, %swap3A_69], %select_n3A_67 {strides = array<i32>} : memref<2048x2048xf32, #tpu.memory_space<vmem>>, vector<2048x2048xf32>,
      scf.yield %select_n3A_61 : vector<2048x24xi32>
    }
    %scan3A_30 = arith.constant 20 : i32
    %mul3A_31 = arith.constant 2048 : i32
    %mul3A_32 = arith.muli %arg0, %mul3A_31 : i32
    %add3A = vector.broadcast %mul3A_32 : i32 to vector<2048x24xi32>
    %add3A_33 = arith.addi %scan3A_29, %add3A : vector<2048x24xi32>
    %swap3A_34 = arith.constant 0 : index
    %swap3A_35 = arith.constant 0 : index
    %swap3A_36 = arith.constant 0 : index
    %swap3A_37 = vector.load %arg4[%swap3A_34, %swap3A_35, %swap3A_36] : memref<1x2048x24xi32, #tpu.memory_space<vmem>>, vector<1x2048x24xi32>
    %swap3A_38 = vector.shape_cast %swap3A_37 : vector<1x2048x24xi32> to vector<2048x24xi32>
    %swap3A_39 = vector.shape_cast %add3A_33 : vector<2048x24xi32> to vector<1x2048x24xi32>
    tpu.vector_store %arg4[%swap3A_34, %swap3A_35, %swap3A_36], %swap3A_39 {strides = array<i32>} : memref<1x2048x24xi32, #tpu.memory_space<vmem>>, vector<1x2048x24xi32>,
    return
  }
  func.func @transform_0(%arg0: i32, %arg1: i32) -> (i32, i32, i32) {
    %c0_i32 = arith.constant 0 : i32
    %c0_i32_0 = arith.constant 0 : i32
    %c0_i32_1 = arith.constant 0 : i32
    return %arg0, %c0_i32, %c0_i32_0 : i32, i32, i32
  }
  func.func @transform_1(%arg0: i32, %arg1: i32) -> (i32, i32, i32) {
    %c0_i32 = arith.constant 0 : i32
    %c0_i32_0 = arith.constant 0 : i32
    return %arg0, %arg1, %c0_i32 : i32, i32, i32
  }
  func.func @transform_2(%arg0: i32, %arg1: i32) -> (i32, i32, i32) {
    %c0_i32 = arith.constant 0 : i32
    %c0_i32_0 = arith.constant 0 : i32
    return %arg0, %arg1, %c0_i32 : i32, i32, i32
  }
}

module attributes {stable_mosaic.version = 14 : i64} {
  func.func @_edgeconv_body(%arg0: i32, %arg1: i32, %arg2: memref<1x256x3xf32, #tpu.memory_space<vmem>>, %arg3: memref<1x6144x128xf32, #tpu.memory_space<vmem>>, %arg4: memref<3x64xf32, #tpu.memory_space<vmem>>, %arg5: memref<3x64xf32, #tpu.memory_space<vmem>>, %arg6: memref<1x64xf32, #tpu.memory_space<vmem>>, %arg7: memref<1x64xf32, #tpu.memory_space<vmem>>, %arg8: memref<1x256x64xf32, #tpu.memory_space<vmem>>) attributes {dimension_semantics = [#tpu.dimension_semantics<arbitrary>, #tpu.dimension_semantics<arbitrary>], iteration_bounds = array<i64: 4, 8>, scalar_prefetch = 0 : i64, scratch_operands = 0 : i64, tpu.core_type = #tpu.core_type<tc>, window_params = [{transform_indices = @transform_0, window_bounds = array<i64: 1, 256, 3>}, {transform_indices = @transform_1, window_bounds = array<i64: 1, 6144, 128>}, {pipeline_mode = #tpu.pipeline_mode<synchronous>, transform_indices = @transform_2, window_bounds = array<i64: 3, 64>}, {pipeline_mode = #tpu.pipeline_mode<synchronous>, transform_indices = @transform_3, window_bounds = array<i64: 3, 64>}, {pipeline_mode = #tpu.pipeline_mode<synchronous>, transform_indices = @transform_4, window_bounds = array<i64: 1, 64>}, {pipeline_mode = #tpu.pipeline_mode<synchronous>, transform_indices = @transform_5, window_bounds = array<i64: 1, 64>}, {transform_indices = @transform_6, window_bounds = array<i64: 1, 256, 64>}]} {
    %get3A = arith.constant 0 : index
    %get3A_0 = arith.constant 0 : index
    %get3A_1 = arith.constant 0 : index
    %get3A_2 = vector.load %arg2[%get3A, %get3A_0, %get3A_1] : memref<1x256x3xf32, #tpu.memory_space<vmem>>, vector<1x256x3xf32>
    %get3A_3 = vector.shape_cast %get3A_2 : vector<1x256x3xf32> to vector<256x3xf32>
    %get3A_4 = arith.constant 0 : index
    %get3A_5 = arith.constant 0 : index
    %get3A_6 = arith.constant 0 : index
    %get3A_7 = vector.load %arg3[%get3A_4, %get3A_5, %get3A_6] : memref<1x6144x128xf32, #tpu.memory_space<vmem>>, vector<1x6144x128xf32>
    %get3A_8 = vector.shape_cast %get3A_7 : vector<1x6144x128xf32> to vector<6144x128xf32>
    %slice3A = vector.extract_strided_slice %get3A_8 {offsets = [0, 0], sizes = [6144, 3], strides = [1, 1]} : vector<6144x128xf32> to vector<6144x3xf32>
    %broadcast_in_dim3A = vector.shape_cast %get3A_3 : vector<256x3xf32> to vector<256x1x3xf32>
    %broadcast_in_dim3A_9 = vector.shape_cast %broadcast_in_dim3A : vector<256x1x3xf32> to vector<256x1x3xf32>
    %broadcast_in_dim3A_10 = vector.broadcast %broadcast_in_dim3A_9 : vector<256x1x3xf32> to vector<256x24x3xf32>
    %reshape3A = vector.shape_cast %broadcast_in_dim3A_10 : vector<256x24x3xf32> to vector<6144x3xf32>
    %sub3A = arith.subf %slice3A, %reshape3A : vector<6144x3xf32>
    %get3A_11 = arith.constant 0 : index
    %get3A_12 = arith.constant 0 : index
    %get3A_13 = vector.load %arg4[%get3A_11, %get3A_12] : memref<3x64xf32, #tpu.memory_space<vmem>>, vector<3x64xf32>
    %dot_general3A = arith.constant dense<0.000000e+00> : vector<6144x64xf32>
    %dot_general3A_14 = tpu.matmul %sub3A, %get3A_13, %dot_general3A {dimension_numbers = #tpu.dot_dimension_numbers<[1], [0], [0], [1], [0, 0, 1, 1], [], []>, transpose_lhs_hint = false} : vector<6144x3xf32>, vector<3x64xf32>, vector<6144x64xf32> -> vector<6144x64xf32>
    %reshape3A_15 = vector.shape_cast %dot_general3A_14 : vector<6144x64xf32> to vector<256x24x64xf32>
    %reduce_max3A = arith.constant dense<0xFF800000> : vector<256x64xf32>
    %reduce_max3A_16 = vector.multi_reduction <maximumf>, %reshape3A_15, %reduce_max3A [1] : vector<256x24x64xf32> to vector<256x64xf32>
    %get3A_17 = arith.constant 0 : index
    %get3A_18 = arith.constant 0 : index
    %get3A_19 = vector.load %arg5[%get3A_17, %get3A_18] : memref<3x64xf32, #tpu.memory_space<vmem>>, vector<3x64xf32>
    %dot_general3A_20 = arith.constant dense<0.000000e+00> : vector<256x64xf32>
    %dot_general3A_21 = tpu.matmul %get3A_3, %get3A_19, %dot_general3A_20 {dimension_numbers = #tpu.dot_dimension_numbers<[1], [0], [0], [1], [0, 0, 1, 1], [], []>, transpose_lhs_hint = false} : vector<256x3xf32>, vector<3x64xf32>, vector<256x64xf32> -> vector<256x64xf32>
    %add3A = arith.addf %reduce_max3A_16, %dot_general3A_21 : vector<256x64xf32>
    %sqrt3A = arith.constant 1.000010e+00 : f32
    %sqrt3A_22 = math.sqrt %sqrt3A : f32
    %div3A = vector.broadcast %sqrt3A_22 : f32 to vector<256x64xf32>
    %div3A_23 = arith.divf %add3A, %div3A : vector<256x64xf32>
    %get3A_24 = arith.constant 0 : index
    %get3A_25 = arith.constant 0 : index
    %get3A_26 = vector.load %arg6[%get3A_24, %get3A_25] : memref<1x64xf32, #tpu.memory_space<vmem>>, vector<1x64xf32>
    %mul3A = vector.broadcast %get3A_26 : vector<1x64xf32> to vector<256x64xf32>
    %mul3A_27 = arith.mulf %div3A_23, %mul3A : vector<256x64xf32>
    %get3A_28 = arith.constant 0 : index
    %get3A_29 = arith.constant 0 : index
    %get3A_30 = vector.load %arg7[%get3A_28, %get3A_29] : memref<1x64xf32, #tpu.memory_space<vmem>>, vector<1x64xf32>
    %add3A_31 = vector.broadcast %get3A_30 : vector<1x64xf32> to vector<256x64xf32>
    %add3A_32 = arith.addf %mul3A_27, %add3A_31 : vector<256x64xf32>
    %ge3A = arith.constant 0.000000e+00 : f32
    %ge3A_33 = vector.broadcast %ge3A : f32 to vector<256x64xf32>
    %ge3A_34 = arith.cmpf oge, %add3A_32, %ge3A_33 : vector<256x64xf32>
    %mul3A_35 = arith.constant 2.000000e-01 : f32
    %mul3A_36 = vector.broadcast %mul3A_35 : f32 to vector<256x64xf32>
    %mul3A_37 = arith.mulf %mul3A_36, %add3A_32 : vector<256x64xf32>
    %select_n3A = arith.select %ge3A_34, %add3A_32, %mul3A_37 : vector<256x64xi1>, vector<256x64xf32>
    %swap3A = arith.constant 0 : index
    %swap3A_38 = arith.constant 0 : index
    %swap3A_39 = arith.constant 0 : index
    %swap3A_40 = vector.load %arg8[%swap3A, %swap3A_38, %swap3A_39] : memref<1x256x64xf32, #tpu.memory_space<vmem>>, vector<1x256x64xf32>
    %swap3A_41 = vector.shape_cast %swap3A_40 : vector<1x256x64xf32> to vector<256x64xf32>
    %swap3A_42 = vector.shape_cast %select_n3A : vector<256x64xf32> to vector<1x256x64xf32>
    tpu.vector_store %arg8[%swap3A, %swap3A_38, %swap3A_39], %swap3A_42 {strides = array<i32>} : memref<1x256x64xf32, #tpu.memory_space<vmem>>, vector<1x256x64xf32>,
    return
  }
  func.func @transform_0(%arg0: i32, %arg1: i32) -> (i32, i32, i32) {
    %c0_i32 = arith.constant 0 : i32
    %c0_i32_0 = arith.constant 0 : i32
    return %arg0, %arg1, %c0_i32 : i32, i32, i32
  }
  func.func @transform_1(%arg0: i32, %arg1: i32) -> (i32, i32, i32) {
    %c0_i32 = arith.constant 0 : i32
    %c0_i32_0 = arith.constant 0 : i32
    return %arg0, %arg1, %c0_i32 : i32, i32, i32
  }
  func.func @transform_2(%arg0: i32, %arg1: i32) -> (i32, i32) {
    %c0_i32 = arith.constant 0 : i32
    %c0_i32_0 = arith.constant 0 : i32
    %c0_i32_1 = arith.constant 0 : i32
    return %c0_i32, %c0_i32_0 : i32, i32
  }
  func.func @transform_3(%arg0: i32, %arg1: i32) -> (i32, i32) {
    %c0_i32 = arith.constant 0 : i32
    %c0_i32_0 = arith.constant 0 : i32
    %c0_i32_1 = arith.constant 0 : i32
    return %c0_i32, %c0_i32_0 : i32, i32
  }
  func.func @transform_4(%arg0: i32, %arg1: i32) -> (i32, i32) {
    %c0_i32 = arith.constant 0 : i32
    %c0_i32_0 = arith.constant 0 : i32
    %c0_i32_1 = arith.constant 0 : i32
    return %c0_i32, %c0_i32_0 : i32, i32
  }
  func.func @transform_5(%arg0: i32, %arg1: i32) -> (i32, i32) {
    %c0_i32 = arith.constant 0 : i32
    %c0_i32_0 = arith.constant 0 : i32
    %c0_i32_1 = arith.constant 0 : i32
    return %c0_i32, %c0_i32_0 : i32, i32
  }
  func.func @transform_6(%arg0: i32, %arg1: i32) -> (i32, i32, i32) {
    %c0_i32 = arith.constant 0 : i32
    %c0_i32_0 = arith.constant 0 : i32
    return %arg0, %arg1, %c0_i32 : i32, i32, i32
  }
}

module attributes {stable_mosaic.version = 14 : i64} {
  func.func @_pdtopk_body(%arg0: i32, %arg1: i32, %arg2: memref<1x2048x64xf32, #tpu.memory_space<vmem>>, %arg3: memref<1x2048x64xf32, #tpu.memory_space<vmem>>, %arg4: memref<1x2048x24xi32, #tpu.memory_space<vmem>>, %arg5: memref<2048x2048xf32, #tpu.memory_space<vmem>>) attributes {dimension_semantics = [#tpu.dimension_semantics<arbitrary>, #tpu.dimension_semantics<arbitrary>], iteration_bounds = array<i64: 4, 1>, scalar_prefetch = 0 : i64, scratch_operands = 1 : i64, tpu.core_type = #tpu.core_type<tc>, window_params = [{transform_indices = @transform_0, window_bounds = array<i64: 1, 2048, 64>}, {transform_indices = @transform_1, window_bounds = array<i64: 1, 2048, 64>}, {transform_indices = @transform_2, window_bounds = array<i64: 1, 2048, 24>}]} {
    %get3A = arith.constant 0 : index
    %get3A_0 = arith.constant 0 : index
    %get3A_1 = arith.constant 0 : index
    %get3A_2 = vector.load %arg2[%get3A, %get3A_0, %get3A_1] : memref<1x2048x64xf32, #tpu.memory_space<vmem>>, vector<1x2048x64xf32>
    %get3A_3 = vector.shape_cast %get3A_2 : vector<1x2048x64xf32> to vector<2048x64xf32>
    %get3A_4 = arith.constant 0 : index
    %get3A_5 = arith.constant 0 : index
    %get3A_6 = arith.constant 0 : index
    %get3A_7 = vector.load %arg3[%get3A_4, %get3A_5, %get3A_6] : memref<1x2048x64xf32, #tpu.memory_space<vmem>>, vector<1x2048x64xf32>
    %get3A_8 = vector.shape_cast %get3A_7 : vector<1x2048x64xf32> to vector<2048x64xf32>
    %dot_general3A = arith.constant dense<0.000000e+00> : vector<2048x2048xf32>
    %dot_general3A_9 = tpu.matmul %get3A_8, %get3A_3, %dot_general3A {dimension_numbers = #tpu.dot_dimension_numbers<[1], [1], [0], [0], [0, 0, 1, 0], [], []>, transpose_lhs_hint = false} : vector<2048x64xf32>, vector<2048x64xf32>, vector<2048x2048xf32> -> vector<2048x2048xf32>
    %mul3A = arith.mulf %get3A_3, %get3A_3 : vector<2048x64xf32>
    %reduce_sum3A = arith.constant dense<0.000000e+00> : vector<2048xf32>
    %reduce_sum3A_10 = vector.multi_reduction <add>, %mul3A, %reduce_sum3A [1] : vector<2048x64xf32> to vector<2048xf32>
    %mul3A_11 = arith.mulf %get3A_8, %get3A_8 : vector<2048x64xf32>
    %reduce_sum3A_12 = arith.constant dense<0.000000e+00> : vector<2048xf32>
    %reduce_sum3A_13 = vector.multi_reduction <add>, %mul3A_11, %reduce_sum3A_12 [1] : vector<2048x64xf32> to vector<2048xf32>
    %mul3A_14 = arith.constant 2.000000e+00 : f32
    %mul3A_15 = vector.broadcast %mul3A_14 : f32 to vector<2048x2048xf32>
    %mul3A_16 = arith.mulf %mul3A_15, %dot_general3A_9 : vector<2048x2048xf32>
    %broadcast_in_dim3A = vector.shape_cast %reduce_sum3A_10 : vector<2048xf32> to vector<1x2048xf32>
    %sub3A = vector.broadcast %broadcast_in_dim3A : vector<1x2048xf32> to vector<2048x2048xf32>
    %sub3A_17 = arith.subf %mul3A_16, %sub3A : vector<2048x2048xf32>
    %broadcast_in_dim3A_18 = vector.shape_cast %reduce_sum3A_13 : vector<2048xf32> to vector<2048x1xf32>
    %sub3A_19 = vector.broadcast %broadcast_in_dim3A_18 : vector<2048x1xf32> to vector<2048x2048xf32>
    %sub3A_20 = arith.subf %sub3A_17, %sub3A_19 : vector<2048x2048xf32>
    %swap3A = arith.constant 0 : index
    %swap3A_21 = arith.constant 0 : index
    %swap3A_22 = vector.load %arg5[%swap3A, %swap3A_21] : memref<2048x2048xf32, #tpu.memory_space<vmem>>, vector<2048x2048xf32>
    tpu.vector_store %arg5[%swap3A, %swap3A_21], %sub3A_20 {strides = array<i32>} : memref<2048x2048xf32, #tpu.memory_space<vmem>>, vector<2048x2048xf32>,
    %iota3A = tpu.iota {dimensions = array<i32: 1>} : vector<2048x2048xi32>
    %iota3A_23 = tpu.iota {dimensions = array<i32: 1>} : vector<2048x24xi32>
    %broadcast_in_dim3A_24 = arith.constant 0 : i32
    %broadcast_in_dim3A_25 = vector.broadcast %broadcast_in_dim3A_24 : i32 to vector<2048x24xi32>
    %scan3A = arith.constant 0 : i32
    %scan3A_26 = arith.constant 20 : i32
    %scan3A_27 = arith.addi %scan3A, %scan3A_26 : i32
    %scan3A_28 = arith.constant 1 : i32
    %scan3A_29 = scf.for %scan3A_40 = %scan3A to %scan3A_27 step %scan3A_28 iter_args(%scan3A_41 = %broadcast_in_dim3A_25) -> (vector<2048x24xi32>)  : i32 {
      %get3A_42 = arith.constant 0 : index
      %get3A_43 = arith.constant 0 : index
      %get3A_44 = vector.load %arg5[%get3A_42, %get3A_43] : memref<2048x2048xf32, #tpu.memory_space<vmem>>, vector<2048x2048xf32>
      %reduce_max3A = arith.constant dense<0xFF800000> : vector<2048xf32>
      %reduce_max3A_45 = vector.multi_reduction <maximumf>, %get3A_44, %reduce_max3A [1] : vector<2048x2048xf32> to vector<2048xf32>
      %broadcast_in_dim3A_46 = vector.shape_cast %reduce_max3A_45 : vector<2048xf32> to vector<2048x1xf32>
      %eq3A = vector.broadcast %broadcast_in_dim3A_46 : vector<2048x1xf32> to vector<2048x2048xf32>
      %eq3A_47 = arith.cmpf oeq, %get3A_44, %eq3A : vector<2048x2048xf32>
      %jit3A = arith.constant 2048 : i32
      %broadcast_in_dim3A_48 = vector.broadcast %jit3A : i32 to vector<2048x2048xi32>
      %select_n3A = arith.select %eq3A_47, %iota3A, %broadcast_in_dim3A_48 : vector<2048x2048xi1>, vector<2048x2048xi32>
      %reduce_min3A = arith.constant dense<2147483647> : vector<2048xi32>
      %reduce_min3A_49 = vector.multi_reduction <minsi>, %select_n3A, %reduce_min3A [1] : vector<2048x2048xi32> to vector<2048xi32>
      %broadcast_in_dim3A_50 = vector.shape_cast %reduce_min3A_49 : vector<2048xi32> to vector<2048x1xi32>
      %broadcast_in_dim3A_51 = vector.shape_cast %broadcast_in_dim3A_50 : vector<2048x1xi32> to vector<2048x1xi32>
      %broadcast_in_dim3A_52 = vector.broadcast %broadcast_in_dim3A_51 : vector<2048x1xi32> to vector<2048x24xi32>
      %eq3A_53 = arith.constant 0 : i32
      %eq3A_54 = arith.cmpi eq, %scan3A_40, %eq3A_53 : i32
      %eq3A_55 = vector.broadcast %scan3A_40 : i32 to vector<2048x24xi32>
      %eq3A_56 = arith.cmpi eq, %iota3A_23, %eq3A_55 : vector<2048x24xi32>
      %broadcast_in_dim3A_57 = vector.shape_cast %reduce_min3A_49 : vector<2048xi32> to vector<2048x1xi32>
      %broadcast_in_dim3A_58 = vector.shape_cast %broadcast_in_dim3A_57 : vector<2048x1xi32> to vector<2048x1xi32>
      %broadcast_in_dim3A_59 = vector.broadcast %broadcast_in_dim3A_58 : vector<2048x1xi32> to vector<2048x24xi32>
      %select_n3A_60 = arith.select %eq3A_56, %broadcast_in_dim3A_59, %scan3A_41 : vector<2048x24xi1>, vector<2048x24xi32>
      %select_n3A_61 = arith.select %eq3A_54, %broadcast_in_dim3A_52, %select_n3A_60 : vector<2048x24xi32>
      %broadcast_in_dim3A_62 = vector.shape_cast %reduce_min3A_49 : vector<2048xi32> to vector<2048x1xi32>
      %eq3A_63 = vector.broadcast %broadcast_in_dim3A_62 : vector<2048x1xi32> to vector<2048x2048xi32>
      %eq3A_64 = arith.cmpi eq, %iota3A, %eq3A_63 : vector<2048x2048xi32>
      %jit3A_65 = arith.constant -3.000000e+38 : f32
      %broadcast_in_dim3A_66 = vector.broadcast %jit3A_65 : f32 to vector<2048x2048xf32>
      %select_n3A_67 = arith.select %eq3A_64, %broadcast_in_dim3A_66, %get3A_44 : vector<2048x2048xi1>, vector<2048x2048xf32>
      %swap3A_68 = arith.constant 0 : index
      %swap3A_69 = arith.constant 0 : index
      %swap3A_70 = vector.load %arg5[%swap3A_68, %swap3A_69] : memref<2048x2048xf32, #tpu.memory_space<vmem>>, vector<2048x2048xf32>
      tpu.vector_store %arg5[%swap3A_68, %swap3A_69], %select_n3A_67 {strides = array<i32>} : memref<2048x2048xf32, #tpu.memory_space<vmem>>, vector<2048x2048xf32>,
      scf.yield %select_n3A_61 : vector<2048x24xi32>
    }
    %scan3A_30 = arith.constant 20 : i32
    %mul3A_31 = arith.constant 2048 : i32
    %mul3A_32 = arith.muli %arg0, %mul3A_31 : i32
    %add3A = vector.broadcast %mul3A_32 : i32 to vector<2048x24xi32>
    %add3A_33 = arith.addi %scan3A_29, %add3A : vector<2048x24xi32>
    %swap3A_34 = arith.constant 0 : index
    %swap3A_35 = arith.constant 0 : index
    %swap3A_36 = arith.constant 0 : index
    %swap3A_37 = vector.load %arg4[%swap3A_34, %swap3A_35, %swap3A_36] : memref<1x2048x24xi32, #tpu.memory_space<vmem>>, vector<1x2048x24xi32>
    %swap3A_38 = vector.shape_cast %swap3A_37 : vector<1x2048x24xi32> to vector<2048x24xi32>
    %swap3A_39 = vector.shape_cast %add3A_33 : vector<2048x24xi32> to vector<1x2048x24xi32>
    tpu.vector_store %arg4[%swap3A_34, %swap3A_35, %swap3A_36], %swap3A_39 {strides = array<i32>} : memref<1x2048x24xi32, #tpu.memory_space<vmem>>, vector<1x2048x24xi32>,
    return
  }
  func.func @transform_0(%arg0: i32, %arg1: i32) -> (i32, i32, i32) {
    %c0_i32 = arith.constant 0 : i32
    %c0_i32_0 = arith.constant 0 : i32
    %c0_i32_1 = arith.constant 0 : i32
    return %arg0, %c0_i32, %c0_i32_0 : i32, i32, i32
  }
  func.func @transform_1(%arg0: i32, %arg1: i32) -> (i32, i32, i32) {
    %c0_i32 = arith.constant 0 : i32
    %c0_i32_0 = arith.constant 0 : i32
    return %arg0, %arg1, %c0_i32 : i32, i32, i32
  }
  func.func @transform_2(%arg0: i32, %arg1: i32) -> (i32, i32, i32) {
    %c0_i32 = arith.constant 0 : i32
    %c0_i32_0 = arith.constant 0 : i32
    return %arg0, %arg1, %c0_i32 : i32, i32, i32
  }
}

module attributes {stable_mosaic.version = 14 : i64} {
  func.func @_edgeconv_body(%arg0: i32, %arg1: i32, %arg2: memref<1x256x64xf32, #tpu.memory_space<vmem>>, %arg3: memref<1x6144x128xf32, #tpu.memory_space<vmem>>, %arg4: memref<64x64xf32, #tpu.memory_space<vmem>>, %arg5: memref<64x64xf32, #tpu.memory_space<vmem>>, %arg6: memref<1x64xf32, #tpu.memory_space<vmem>>, %arg7: memref<1x64xf32, #tpu.memory_space<vmem>>, %arg8: memref<1x256x64xf32, #tpu.memory_space<vmem>>) attributes {dimension_semantics = [#tpu.dimension_semantics<arbitrary>, #tpu.dimension_semantics<arbitrary>], iteration_bounds = array<i64: 4, 8>, scalar_prefetch = 0 : i64, scratch_operands = 0 : i64, tpu.core_type = #tpu.core_type<tc>, window_params = [{transform_indices = @transform_0, window_bounds = array<i64: 1, 256, 64>}, {transform_indices = @transform_1, window_bounds = array<i64: 1, 6144, 128>}, {pipeline_mode = #tpu.pipeline_mode<synchronous>, transform_indices = @transform_2, window_bounds = array<i64: 64, 64>}, {pipeline_mode = #tpu.pipeline_mode<synchronous>, transform_indices = @transform_3, window_bounds = array<i64: 64, 64>}, {pipeline_mode = #tpu.pipeline_mode<synchronous>, transform_indices = @transform_4, window_bounds = array<i64: 1, 64>}, {pipeline_mode = #tpu.pipeline_mode<synchronous>, transform_indices = @transform_5, window_bounds = array<i64: 1, 64>}, {transform_indices = @transform_6, window_bounds = array<i64: 1, 256, 64>}]} {
    %get3A = arith.constant 0 : index
    %get3A_0 = arith.constant 0 : index
    %get3A_1 = arith.constant 0 : index
    %get3A_2 = vector.load %arg2[%get3A, %get3A_0, %get3A_1] : memref<1x256x64xf32, #tpu.memory_space<vmem>>, vector<1x256x64xf32>
    %get3A_3 = vector.shape_cast %get3A_2 : vector<1x256x64xf32> to vector<256x64xf32>
    %get3A_4 = arith.constant 0 : index
    %get3A_5 = arith.constant 0 : index
    %get3A_6 = arith.constant 0 : index
    %get3A_7 = vector.load %arg3[%get3A_4, %get3A_5, %get3A_6] : memref<1x6144x128xf32, #tpu.memory_space<vmem>>, vector<1x6144x128xf32>
    %get3A_8 = vector.shape_cast %get3A_7 : vector<1x6144x128xf32> to vector<6144x128xf32>
    %slice3A = vector.extract_strided_slice %get3A_8 {offsets = [0, 0], sizes = [6144, 64], strides = [1, 1]} : vector<6144x128xf32> to vector<6144x64xf32>
    %broadcast_in_dim3A = vector.shape_cast %get3A_3 : vector<256x64xf32> to vector<256x1x64xf32>
    %broadcast_in_dim3A_9 = vector.shape_cast %broadcast_in_dim3A : vector<256x1x64xf32> to vector<256x1x64xf32>
    %broadcast_in_dim3A_10 = vector.broadcast %broadcast_in_dim3A_9 : vector<256x1x64xf32> to vector<256x24x64xf32>
    %reshape3A = vector.shape_cast %broadcast_in_dim3A_10 : vector<256x24x64xf32> to vector<6144x64xf32>
    %sub3A = arith.subf %slice3A, %reshape3A : vector<6144x64xf32>
    %get3A_11 = arith.constant 0 : index
    %get3A_12 = arith.constant 0 : index
    %get3A_13 = vector.load %arg4[%get3A_11, %get3A_12] : memref<64x64xf32, #tpu.memory_space<vmem>>, vector<64x64xf32>
    %dot_general3A = arith.constant dense<0.000000e+00> : vector<6144x64xf32>
    %dot_general3A_14 = tpu.matmul %sub3A, %get3A_13, %dot_general3A {dimension_numbers = #tpu.dot_dimension_numbers<[1], [0], [0], [1], [0, 0, 1, 1], [], []>, transpose_lhs_hint = false} : vector<6144x64xf32>, vector<64x64xf32>, vector<6144x64xf32> -> vector<6144x64xf32>
    %reshape3A_15 = vector.shape_cast %dot_general3A_14 : vector<6144x64xf32> to vector<256x24x64xf32>
    %reduce_max3A = arith.constant dense<0xFF800000> : vector<256x64xf32>
    %reduce_max3A_16 = vector.multi_reduction <maximumf>, %reshape3A_15, %reduce_max3A [1] : vector<256x24x64xf32> to vector<256x64xf32>
    %get3A_17 = arith.constant 0 : index
    %get3A_18 = arith.constant 0 : index
    %get3A_19 = vector.load %arg5[%get3A_17, %get3A_18] : memref<64x64xf32, #tpu.memory_space<vmem>>, vector<64x64xf32>
    %dot_general3A_20 = arith.constant dense<0.000000e+00> : vector<256x64xf32>
    %dot_general3A_21 = tpu.matmul %get3A_3, %get3A_19, %dot_general3A_20 {dimension_numbers = #tpu.dot_dimension_numbers<[1], [0], [0], [1], [0, 0, 1, 1], [], []>, transpose_lhs_hint = false} : vector<256x64xf32>, vector<64x64xf32>, vector<256x64xf32> -> vector<256x64xf32>
    %add3A = arith.addf %reduce_max3A_16, %dot_general3A_21 : vector<256x64xf32>
    %sqrt3A = arith.constant 1.000010e+00 : f32
    %sqrt3A_22 = math.sqrt %sqrt3A : f32
    %div3A = vector.broadcast %sqrt3A_22 : f32 to vector<256x64xf32>
    %div3A_23 = arith.divf %add3A, %div3A : vector<256x64xf32>
    %get3A_24 = arith.constant 0 : index
    %get3A_25 = arith.constant 0 : index
    %get3A_26 = vector.load %arg6[%get3A_24, %get3A_25] : memref<1x64xf32, #tpu.memory_space<vmem>>, vector<1x64xf32>
    %mul3A = vector.broadcast %get3A_26 : vector<1x64xf32> to vector<256x64xf32>
    %mul3A_27 = arith.mulf %div3A_23, %mul3A : vector<256x64xf32>
    %get3A_28 = arith.constant 0 : index
    %get3A_29 = arith.constant 0 : index
    %get3A_30 = vector.load %arg7[%get3A_28, %get3A_29] : memref<1x64xf32, #tpu.memory_space<vmem>>, vector<1x64xf32>
    %add3A_31 = vector.broadcast %get3A_30 : vector<1x64xf32> to vector<256x64xf32>
    %add3A_32 = arith.addf %mul3A_27, %add3A_31 : vector<256x64xf32>
    %ge3A = arith.constant 0.000000e+00 : f32
    %ge3A_33 = vector.broadcast %ge3A : f32 to vector<256x64xf32>
    %ge3A_34 = arith.cmpf oge, %add3A_32, %ge3A_33 : vector<256x64xf32>
    %mul3A_35 = arith.constant 2.000000e-01 : f32
    %mul3A_36 = vector.broadcast %mul3A_35 : f32 to vector<256x64xf32>
    %mul3A_37 = arith.mulf %mul3A_36, %add3A_32 : vector<256x64xf32>
    %select_n3A = arith.select %ge3A_34, %add3A_32, %mul3A_37 : vector<256x64xi1>, vector<256x64xf32>
    %swap3A = arith.constant 0 : index
    %swap3A_38 = arith.constant 0 : index
    %swap3A_39 = arith.constant 0 : index
    %swap3A_40 = vector.load %arg8[%swap3A, %swap3A_38, %swap3A_39] : memref<1x256x64xf32, #tpu.memory_space<vmem>>, vector<1x256x64xf32>
    %swap3A_41 = vector.shape_cast %swap3A_40 : vector<1x256x64xf32> to vector<256x64xf32>
    %swap3A_42 = vector.shape_cast %select_n3A : vector<256x64xf32> to vector<1x256x64xf32>
    tpu.vector_store %arg8[%swap3A, %swap3A_38, %swap3A_39], %swap3A_42 {strides = array<i32>} : memref<1x256x64xf32, #tpu.memory_space<vmem>>, vector<1x256x64xf32>,
    return
  }
  func.func @transform_0(%arg0: i32, %arg1: i32) -> (i32, i32, i32) {
    %c0_i32 = arith.constant 0 : i32
    %c0_i32_0 = arith.constant 0 : i32
    return %arg0, %arg1, %c0_i32 : i32, i32, i32
  }
  func.func @transform_1(%arg0: i32, %arg1: i32) -> (i32, i32, i32) {
    %c0_i32 = arith.constant 0 : i32
    %c0_i32_0 = arith.constant 0 : i32
    return %arg0, %arg1, %c0_i32 : i32, i32, i32
  }
  func.func @transform_2(%arg0: i32, %arg1: i32) -> (i32, i32) {
    %c0_i32 = arith.constant 0 : i32
    %c0_i32_0 = arith.constant 0 : i32
    %c0_i32_1 = arith.constant 0 : i32
    return %c0_i32, %c0_i32_0 : i32, i32
  }
  func.func @transform_3(%arg0: i32, %arg1: i32) -> (i32, i32) {
    %c0_i32 = arith.constant 0 : i32
    %c0_i32_0 = arith.constant 0 : i32
    %c0_i32_1 = arith.constant 0 : i32
    return %c0_i32, %c0_i32_0 : i32, i32
  }
  func.func @transform_4(%arg0: i32, %arg1: i32) -> (i32, i32) {
    %c0_i32 = arith.constant 0 : i32
    %c0_i32_0 = arith.constant 0 : i32
    %c0_i32_1 = arith.constant 0 : i32
    return %c0_i32, %c0_i32_0 : i32, i32
  }
  func.func @transform_5(%arg0: i32, %arg1: i32) -> (i32, i32) {
    %c0_i32 = arith.constant 0 : i32
    %c0_i32_0 = arith.constant 0 : i32
    %c0_i32_1 = arith.constant 0 : i32
    return %c0_i32, %c0_i32_0 : i32, i32
  }
  func.func @transform_6(%arg0: i32, %arg1: i32) -> (i32, i32, i32) {
    %c0_i32 = arith.constant 0 : i32
    %c0_i32_0 = arith.constant 0 : i32
    return %arg0, %arg1, %c0_i32 : i32, i32, i32
  }
}

module attributes {stable_mosaic.version = 14 : i64} {
  func.func @_edgeconv_body(%arg0: i32, %arg1: i32, %arg2: memref<1x256x64xf32, #tpu.memory_space<vmem>>, %arg3: memref<1x6144x128xf32, #tpu.memory_space<vmem>>, %arg4: memref<64x128xf32, #tpu.memory_space<vmem>>, %arg5: memref<64x128xf32, #tpu.memory_space<vmem>>, %arg6: memref<1x128xf32, #tpu.memory_space<vmem>>, %arg7: memref<1x128xf32, #tpu.memory_space<vmem>>, %arg8: memref<1x256x128xf32, #tpu.memory_space<vmem>>) attributes {dimension_semantics = [#tpu.dimension_semantics<arbitrary>, #tpu.dimension_semantics<arbitrary>], iteration_bounds = array<i64: 4, 8>, scalar_prefetch = 0 : i64, scratch_operands = 0 : i64, tpu.core_type = #tpu.core_type<tc>, window_params = [{transform_indices = @transform_0, window_bounds = array<i64: 1, 256, 64>}, {transform_indices = @transform_1, window_bounds = array<i64: 1, 6144, 128>}, {pipeline_mode = #tpu.pipeline_mode<synchronous>, transform_indices = @transform_2, window_bounds = array<i64: 64, 128>}, {pipeline_mode = #tpu.pipeline_mode<synchronous>, transform_indices = @transform_3, window_bounds = array<i64: 64, 128>}, {pipeline_mode = #tpu.pipeline_mode<synchronous>, transform_indices = @transform_4, window_bounds = array<i64: 1, 128>}, {pipeline_mode = #tpu.pipeline_mode<synchronous>, transform_indices = @transform_5, window_bounds = array<i64: 1, 128>}, {transform_indices = @transform_6, window_bounds = array<i64: 1, 256, 128>}]} {
    %get3A = arith.constant 0 : index
    %get3A_0 = arith.constant 0 : index
    %get3A_1 = arith.constant 0 : index
    %get3A_2 = vector.load %arg2[%get3A, %get3A_0, %get3A_1] : memref<1x256x64xf32, #tpu.memory_space<vmem>>, vector<1x256x64xf32>
    %get3A_3 = vector.shape_cast %get3A_2 : vector<1x256x64xf32> to vector<256x64xf32>
    %get3A_4 = arith.constant 0 : index
    %get3A_5 = arith.constant 0 : index
    %get3A_6 = arith.constant 0 : index
    %get3A_7 = vector.load %arg3[%get3A_4, %get3A_5, %get3A_6] : memref<1x6144x128xf32, #tpu.memory_space<vmem>>, vector<1x6144x128xf32>
    %get3A_8 = vector.shape_cast %get3A_7 : vector<1x6144x128xf32> to vector<6144x128xf32>
    %slice3A = vector.extract_strided_slice %get3A_8 {offsets = [0, 0], sizes = [6144, 64], strides = [1, 1]} : vector<6144x128xf32> to vector<6144x64xf32>
    %broadcast_in_dim3A = vector.shape_cast %get3A_3 : vector<256x64xf32> to vector<256x1x64xf32>
    %broadcast_in_dim3A_9 = vector.shape_cast %broadcast_in_dim3A : vector<256x1x64xf32> to vector<256x1x64xf32>
    %broadcast_in_dim3A_10 = vector.broadcast %broadcast_in_dim3A_9 : vector<256x1x64xf32> to vector<256x24x64xf32>
    %reshape3A = vector.shape_cast %broadcast_in_dim3A_10 : vector<256x24x64xf32> to vector<6144x64xf32>
    %sub3A = arith.subf %slice3A, %reshape3A : vector<6144x64xf32>
    %get3A_11 = arith.constant 0 : index
    %get3A_12 = arith.constant 0 : index
    %get3A_13 = vector.load %arg4[%get3A_11, %get3A_12] : memref<64x128xf32, #tpu.memory_space<vmem>>, vector<64x128xf32>
    %dot_general3A = arith.constant dense<0.000000e+00> : vector<6144x128xf32>
    %dot_general3A_14 = tpu.matmul %sub3A, %get3A_13, %dot_general3A {dimension_numbers = #tpu.dot_dimension_numbers<[1], [0], [0], [1], [0, 0, 1, 1], [], []>, transpose_lhs_hint = false} : vector<6144x64xf32>, vector<64x128xf32>, vector<6144x128xf32> -> vector<6144x128xf32>
    %reshape3A_15 = vector.shape_cast %dot_general3A_14 : vector<6144x128xf32> to vector<256x24x128xf32>
    %reduce_max3A = arith.constant dense<0xFF800000> : vector<256x128xf32>
    %reduce_max3A_16 = vector.multi_reduction <maximumf>, %reshape3A_15, %reduce_max3A [1] : vector<256x24x128xf32> to vector<256x128xf32>
    %get3A_17 = arith.constant 0 : index
    %get3A_18 = arith.constant 0 : index
    %get3A_19 = vector.load %arg5[%get3A_17, %get3A_18] : memref<64x128xf32, #tpu.memory_space<vmem>>, vector<64x128xf32>
    %dot_general3A_20 = arith.constant dense<0.000000e+00> : vector<256x128xf32>
    %dot_general3A_21 = tpu.matmul %get3A_3, %get3A_19, %dot_general3A_20 {dimension_numbers = #tpu.dot_dimension_numbers<[1], [0], [0], [1], [0, 0, 1, 1], [], []>, transpose_lhs_hint = false} : vector<256x64xf32>, vector<64x128xf32>, vector<256x128xf32> -> vector<256x128xf32>
    %add3A = arith.addf %reduce_max3A_16, %dot_general3A_21 : vector<256x128xf32>
    %sqrt3A = arith.constant 1.000010e+00 : f32
    %sqrt3A_22 = math.sqrt %sqrt3A : f32
    %div3A = vector.broadcast %sqrt3A_22 : f32 to vector<256x128xf32>
    %div3A_23 = arith.divf %add3A, %div3A : vector<256x128xf32>
    %get3A_24 = arith.constant 0 : index
    %get3A_25 = arith.constant 0 : index
    %get3A_26 = vector.load %arg6[%get3A_24, %get3A_25] : memref<1x128xf32, #tpu.memory_space<vmem>>, vector<1x128xf32>
    %mul3A = vector.broadcast %get3A_26 : vector<1x128xf32> to vector<256x128xf32>
    %mul3A_27 = arith.mulf %div3A_23, %mul3A : vector<256x128xf32>
    %get3A_28 = arith.constant 0 : index
    %get3A_29 = arith.constant 0 : index
    %get3A_30 = vector.load %arg7[%get3A_28, %get3A_29] : memref<1x128xf32, #tpu.memory_space<vmem>>, vector<1x128xf32>
    %add3A_31 = vector.broadcast %get3A_30 : vector<1x128xf32> to vector<256x128xf32>
    %add3A_32 = arith.addf %mul3A_27, %add3A_31 : vector<256x128xf32>
    %ge3A = arith.constant 0.000000e+00 : f32
    %ge3A_33 = vector.broadcast %ge3A : f32 to vector<256x128xf32>
    %ge3A_34 = arith.cmpf oge, %add3A_32, %ge3A_33 : vector<256x128xf32>
    %mul3A_35 = arith.constant 2.000000e-01 : f32
    %mul3A_36 = vector.broadcast %mul3A_35 : f32 to vector<256x128xf32>
    %mul3A_37 = arith.mulf %mul3A_36, %add3A_32 : vector<256x128xf32>
    %select_n3A = arith.select %ge3A_34, %add3A_32, %mul3A_37 : vector<256x128xi1>, vector<256x128xf32>
    %swap3A = arith.constant 0 : index
    %swap3A_38 = arith.constant 0 : index
    %swap3A_39 = arith.constant 0 : index
    %swap3A_40 = vector.load %arg8[%swap3A, %swap3A_38, %swap3A_39] : memref<1x256x128xf32, #tpu.memory_space<vmem>>, vector<1x256x128xf32>
    %swap3A_41 = vector.shape_cast %swap3A_40 : vector<1x256x128xf32> to vector<256x128xf32>
    %swap3A_42 = vector.shape_cast %select_n3A : vector<256x128xf32> to vector<1x256x128xf32>
    tpu.vector_store %arg8[%swap3A, %swap3A_38, %swap3A_39], %swap3A_42 {strides = array<i32>} : memref<1x256x128xf32, #tpu.memory_space<vmem>>, vector<1x256x128xf32>,
    return
  }
  func.func @transform_0(%arg0: i32, %arg1: i32) -> (i32, i32, i32) {
    %c0_i32 = arith.constant 0 : i32
    %c0_i32_0 = arith.constant 0 : i32
    return %arg0, %arg1, %c0_i32 : i32, i32, i32
  }
  func.func @transform_1(%arg0: i32, %arg1: i32) -> (i32, i32, i32) {
    %c0_i32 = arith.constant 0 : i32
    %c0_i32_0 = arith.constant 0 : i32
    return %arg0, %arg1, %c0_i32 : i32, i32, i32
  }
  func.func @transform_2(%arg0: i32, %arg1: i32) -> (i32, i32) {
    %c0_i32 = arith.constant 0 : i32
    %c0_i32_0 = arith.constant 0 : i32
    %c0_i32_1 = arith.constant 0 : i32
    return %c0_i32, %c0_i32_0 : i32, i32
  }
  func.func @transform_3(%arg0: i32, %arg1: i32) -> (i32, i32) {
    %c0_i32 = arith.constant 0 : i32
    %c0_i32_0 = arith.constant 0 : i32
    %c0_i32_1 = arith.constant 0 : i32
    return %c0_i32, %c0_i32_0 : i32, i32
  }
  func.func @transform_4(%arg0: i32, %arg1: i32) -> (i32, i32) {
    %c0_i32 = arith.constant 0 : i32
    %c0_i32_0 = arith.constant 0 : i32
    %c0_i32_1 = arith.constant 0 : i32
    return %c0_i32, %c0_i32_0 : i32, i32
  }
  func.func @transform_5(%arg0: i32, %arg1: i32) -> (i32, i32) {
    %c0_i32 = arith.constant 0 : i32
    %c0_i32_0 = arith.constant 0 : i32
    %c0_i32_1 = arith.constant 0 : i32
    return %c0_i32, %c0_i32_0 : i32, i32
  }
  func.func @transform_6(%arg0: i32, %arg1: i32) -> (i32, i32, i32) {
    %c0_i32 = arith.constant 0 : i32
    %c0_i32_0 = arith.constant 0 : i32
    return %arg0, %arg1, %c0_i32 : i32, i32, i32
  }
}

module attributes {stable_mosaic.version = 14 : i64} {
  func.func @_pdtopk_body(%arg0: i32, %arg1: i32, %arg2: memref<1x2048x128xf32, #tpu.memory_space<vmem>>, %arg3: memref<1x2048x128xf32, #tpu.memory_space<vmem>>, %arg4: memref<1x2048x24xi32, #tpu.memory_space<vmem>>, %arg5: memref<2048x2048xf32, #tpu.memory_space<vmem>>) attributes {dimension_semantics = [#tpu.dimension_semantics<arbitrary>, #tpu.dimension_semantics<arbitrary>], iteration_bounds = array<i64: 4, 1>, scalar_prefetch = 0 : i64, scratch_operands = 1 : i64, tpu.core_type = #tpu.core_type<tc>, window_params = [{transform_indices = @transform_0, window_bounds = array<i64: 1, 2048, 128>}, {transform_indices = @transform_1, window_bounds = array<i64: 1, 2048, 128>}, {transform_indices = @transform_2, window_bounds = array<i64: 1, 2048, 24>}]} {
    %get3A = arith.constant 0 : index
    %get3A_0 = arith.constant 0 : index
    %get3A_1 = arith.constant 0 : index
    %get3A_2 = vector.load %arg2[%get3A, %get3A_0, %get3A_1] : memref<1x2048x128xf32, #tpu.memory_space<vmem>>, vector<1x2048x128xf32>
    %get3A_3 = vector.shape_cast %get3A_2 : vector<1x2048x128xf32> to vector<2048x128xf32>
    %get3A_4 = arith.constant 0 : index
    %get3A_5 = arith.constant 0 : index
    %get3A_6 = arith.constant 0 : index
    %get3A_7 = vector.load %arg3[%get3A_4, %get3A_5, %get3A_6] : memref<1x2048x128xf32, #tpu.memory_space<vmem>>, vector<1x2048x128xf32>
    %get3A_8 = vector.shape_cast %get3A_7 : vector<1x2048x128xf32> to vector<2048x128xf32>
    %dot_general3A = arith.constant dense<0.000000e+00> : vector<2048x2048xf32>
    %dot_general3A_9 = tpu.matmul %get3A_8, %get3A_3, %dot_general3A {dimension_numbers = #tpu.dot_dimension_numbers<[1], [1], [0], [0], [0, 0, 1, 0], [], []>, transpose_lhs_hint = false} : vector<2048x128xf32>, vector<2048x128xf32>, vector<2048x2048xf32> -> vector<2048x2048xf32>
    %mul3A = arith.mulf %get3A_3, %get3A_3 : vector<2048x128xf32>
    %reduce_sum3A = arith.constant dense<0.000000e+00> : vector<2048xf32>
    %reduce_sum3A_10 = vector.multi_reduction <add>, %mul3A, %reduce_sum3A [1] : vector<2048x128xf32> to vector<2048xf32>
    %mul3A_11 = arith.mulf %get3A_8, %get3A_8 : vector<2048x128xf32>
    %reduce_sum3A_12 = arith.constant dense<0.000000e+00> : vector<2048xf32>
    %reduce_sum3A_13 = vector.multi_reduction <add>, %mul3A_11, %reduce_sum3A_12 [1] : vector<2048x128xf32> to vector<2048xf32>
    %mul3A_14 = arith.constant 2.000000e+00 : f32
    %mul3A_15 = vector.broadcast %mul3A_14 : f32 to vector<2048x2048xf32>
    %mul3A_16 = arith.mulf %mul3A_15, %dot_general3A_9 : vector<2048x2048xf32>
    %broadcast_in_dim3A = vector.shape_cast %reduce_sum3A_10 : vector<2048xf32> to vector<1x2048xf32>
    %sub3A = vector.broadcast %broadcast_in_dim3A : vector<1x2048xf32> to vector<2048x2048xf32>
    %sub3A_17 = arith.subf %mul3A_16, %sub3A : vector<2048x2048xf32>
    %broadcast_in_dim3A_18 = vector.shape_cast %reduce_sum3A_13 : vector<2048xf32> to vector<2048x1xf32>
    %sub3A_19 = vector.broadcast %broadcast_in_dim3A_18 : vector<2048x1xf32> to vector<2048x2048xf32>
    %sub3A_20 = arith.subf %sub3A_17, %sub3A_19 : vector<2048x2048xf32>
    %swap3A = arith.constant 0 : index
    %swap3A_21 = arith.constant 0 : index
    %swap3A_22 = vector.load %arg5[%swap3A, %swap3A_21] : memref<2048x2048xf32, #tpu.memory_space<vmem>>, vector<2048x2048xf32>
    tpu.vector_store %arg5[%swap3A, %swap3A_21], %sub3A_20 {strides = array<i32>} : memref<2048x2048xf32, #tpu.memory_space<vmem>>, vector<2048x2048xf32>,
    %iota3A = tpu.iota {dimensions = array<i32: 1>} : vector<2048x2048xi32>
    %iota3A_23 = tpu.iota {dimensions = array<i32: 1>} : vector<2048x24xi32>
    %broadcast_in_dim3A_24 = arith.constant 0 : i32
    %broadcast_in_dim3A_25 = vector.broadcast %broadcast_in_dim3A_24 : i32 to vector<2048x24xi32>
    %scan3A = arith.constant 0 : i32
    %scan3A_26 = arith.constant 20 : i32
    %scan3A_27 = arith.addi %scan3A, %scan3A_26 : i32
    %scan3A_28 = arith.constant 1 : i32
    %scan3A_29 = scf.for %scan3A_40 = %scan3A to %scan3A_27 step %scan3A_28 iter_args(%scan3A_41 = %broadcast_in_dim3A_25) -> (vector<2048x24xi32>)  : i32 {
      %get3A_42 = arith.constant 0 : index
      %get3A_43 = arith.constant 0 : index
      %get3A_44 = vector.load %arg5[%get3A_42, %get3A_43] : memref<2048x2048xf32, #tpu.memory_space<vmem>>, vector<2048x2048xf32>
      %reduce_max3A = arith.constant dense<0xFF800000> : vector<2048xf32>
      %reduce_max3A_45 = vector.multi_reduction <maximumf>, %get3A_44, %reduce_max3A [1] : vector<2048x2048xf32> to vector<2048xf32>
      %broadcast_in_dim3A_46 = vector.shape_cast %reduce_max3A_45 : vector<2048xf32> to vector<2048x1xf32>
      %eq3A = vector.broadcast %broadcast_in_dim3A_46 : vector<2048x1xf32> to vector<2048x2048xf32>
      %eq3A_47 = arith.cmpf oeq, %get3A_44, %eq3A : vector<2048x2048xf32>
      %jit3A = arith.constant 2048 : i32
      %broadcast_in_dim3A_48 = vector.broadcast %jit3A : i32 to vector<2048x2048xi32>
      %select_n3A = arith.select %eq3A_47, %iota3A, %broadcast_in_dim3A_48 : vector<2048x2048xi1>, vector<2048x2048xi32>
      %reduce_min3A = arith.constant dense<2147483647> : vector<2048xi32>
      %reduce_min3A_49 = vector.multi_reduction <minsi>, %select_n3A, %reduce_min3A [1] : vector<2048x2048xi32> to vector<2048xi32>
      %broadcast_in_dim3A_50 = vector.shape_cast %reduce_min3A_49 : vector<2048xi32> to vector<2048x1xi32>
      %broadcast_in_dim3A_51 = vector.shape_cast %broadcast_in_dim3A_50 : vector<2048x1xi32> to vector<2048x1xi32>
      %broadcast_in_dim3A_52 = vector.broadcast %broadcast_in_dim3A_51 : vector<2048x1xi32> to vector<2048x24xi32>
      %eq3A_53 = arith.constant 0 : i32
      %eq3A_54 = arith.cmpi eq, %scan3A_40, %eq3A_53 : i32
      %eq3A_55 = vector.broadcast %scan3A_40 : i32 to vector<2048x24xi32>
      %eq3A_56 = arith.cmpi eq, %iota3A_23, %eq3A_55 : vector<2048x24xi32>
      %broadcast_in_dim3A_57 = vector.shape_cast %reduce_min3A_49 : vector<2048xi32> to vector<2048x1xi32>
      %broadcast_in_dim3A_58 = vector.shape_cast %broadcast_in_dim3A_57 : vector<2048x1xi32> to vector<2048x1xi32>
      %broadcast_in_dim3A_59 = vector.broadcast %broadcast_in_dim3A_58 : vector<2048x1xi32> to vector<2048x24xi32>
      %select_n3A_60 = arith.select %eq3A_56, %broadcast_in_dim3A_59, %scan3A_41 : vector<2048x24xi1>, vector<2048x24xi32>
      %select_n3A_61 = arith.select %eq3A_54, %broadcast_in_dim3A_52, %select_n3A_60 : vector<2048x24xi32>
      %broadcast_in_dim3A_62 = vector.shape_cast %reduce_min3A_49 : vector<2048xi32> to vector<2048x1xi32>
      %eq3A_63 = vector.broadcast %broadcast_in_dim3A_62 : vector<2048x1xi32> to vector<2048x2048xi32>
      %eq3A_64 = arith.cmpi eq, %iota3A, %eq3A_63 : vector<2048x2048xi32>
      %jit3A_65 = arith.constant -3.000000e+38 : f32
      %broadcast_in_dim3A_66 = vector.broadcast %jit3A_65 : f32 to vector<2048x2048xf32>
      %select_n3A_67 = arith.select %eq3A_64, %broadcast_in_dim3A_66, %get3A_44 : vector<2048x2048xi1>, vector<2048x2048xf32>
      %swap3A_68 = arith.constant 0 : index
      %swap3A_69 = arith.constant 0 : index
      %swap3A_70 = vector.load %arg5[%swap3A_68, %swap3A_69] : memref<2048x2048xf32, #tpu.memory_space<vmem>>, vector<2048x2048xf32>
      tpu.vector_store %arg5[%swap3A_68, %swap3A_69], %select_n3A_67 {strides = array<i32>} : memref<2048x2048xf32, #tpu.memory_space<vmem>>, vector<2048x2048xf32>,
      scf.yield %select_n3A_61 : vector<2048x24xi32>
    }
    %scan3A_30 = arith.constant 20 : i32
    %mul3A_31 = arith.constant 2048 : i32
    %mul3A_32 = arith.muli %arg0, %mul3A_31 : i32
    %add3A = vector.broadcast %mul3A_32 : i32 to vector<2048x24xi32>
    %add3A_33 = arith.addi %scan3A_29, %add3A : vector<2048x24xi32>
    %swap3A_34 = arith.constant 0 : index
    %swap3A_35 = arith.constant 0 : index
    %swap3A_36 = arith.constant 0 : index
    %swap3A_37 = vector.load %arg4[%swap3A_34, %swap3A_35, %swap3A_36] : memref<1x2048x24xi32, #tpu.memory_space<vmem>>, vector<1x2048x24xi32>
    %swap3A_38 = vector.shape_cast %swap3A_37 : vector<1x2048x24xi32> to vector<2048x24xi32>
    %swap3A_39 = vector.shape_cast %add3A_33 : vector<2048x24xi32> to vector<1x2048x24xi32>
    tpu.vector_store %arg4[%swap3A_34, %swap3A_35, %swap3A_36], %swap3A_39 {strides = array<i32>} : memref<1x2048x24xi32, #tpu.memory_space<vmem>>, vector<1x2048x24xi32>,
    return
  }
  func.func @transform_0(%arg0: i32, %arg1: i32) -> (i32, i32, i32) {
    %c0_i32 = arith.constant 0 : i32
    %c0_i32_0 = arith.constant 0 : i32
    %c0_i32_1 = arith.constant 0 : i32
    return %arg0, %c0_i32, %c0_i32_0 : i32, i32, i32
  }
  func.func @transform_1(%arg0: i32, %arg1: i32) -> (i32, i32, i32) {
    %c0_i32 = arith.constant 0 : i32
    %c0_i32_0 = arith.constant 0 : i32
    return %arg0, %arg1, %c0_i32 : i32, i32, i32
  }
  func.func @transform_2(%arg0: i32, %arg1: i32) -> (i32, i32, i32) {
    %c0_i32 = arith.constant 0 : i32
    %c0_i32_0 = arith.constant 0 : i32
    return %arg0, %arg1, %c0_i32 : i32, i32, i32
  }
}

module attributes {stable_mosaic.version = 14 : i64} {
  func.func @_edgeconv_body(%arg0: i32, %arg1: i32, %arg2: memref<1x256x128xf32, #tpu.memory_space<vmem>>, %arg3: memref<1x6144x128xf32, #tpu.memory_space<vmem>>, %arg4: memref<128x256xf32, #tpu.memory_space<vmem>>, %arg5: memref<128x256xf32, #tpu.memory_space<vmem>>, %arg6: memref<1x256xf32, #tpu.memory_space<vmem>>, %arg7: memref<1x256xf32, #tpu.memory_space<vmem>>, %arg8: memref<1x256x256xf32, #tpu.memory_space<vmem>>) attributes {dimension_semantics = [#tpu.dimension_semantics<arbitrary>, #tpu.dimension_semantics<arbitrary>], iteration_bounds = array<i64: 4, 8>, scalar_prefetch = 0 : i64, scratch_operands = 0 : i64, tpu.core_type = #tpu.core_type<tc>, window_params = [{transform_indices = @transform_0, window_bounds = array<i64: 1, 256, 128>}, {transform_indices = @transform_1, window_bounds = array<i64: 1, 6144, 128>}, {pipeline_mode = #tpu.pipeline_mode<synchronous>, transform_indices = @transform_2, window_bounds = array<i64: 128, 256>}, {pipeline_mode = #tpu.pipeline_mode<synchronous>, transform_indices = @transform_3, window_bounds = array<i64: 128, 256>}, {pipeline_mode = #tpu.pipeline_mode<synchronous>, transform_indices = @transform_4, window_bounds = array<i64: 1, 256>}, {pipeline_mode = #tpu.pipeline_mode<synchronous>, transform_indices = @transform_5, window_bounds = array<i64: 1, 256>}, {transform_indices = @transform_6, window_bounds = array<i64: 1, 256, 256>}]} {
    %get3A = arith.constant 0 : index
    %get3A_0 = arith.constant 0 : index
    %get3A_1 = arith.constant 0 : index
    %get3A_2 = vector.load %arg2[%get3A, %get3A_0, %get3A_1] : memref<1x256x128xf32, #tpu.memory_space<vmem>>, vector<1x256x128xf32>
    %get3A_3 = vector.shape_cast %get3A_2 : vector<1x256x128xf32> to vector<256x128xf32>
    %get3A_4 = arith.constant 0 : index
    %get3A_5 = arith.constant 0 : index
    %get3A_6 = arith.constant 0 : index
    %get3A_7 = vector.load %arg3[%get3A_4, %get3A_5, %get3A_6] : memref<1x6144x128xf32, #tpu.memory_space<vmem>>, vector<1x6144x128xf32>
    %get3A_8 = vector.shape_cast %get3A_7 : vector<1x6144x128xf32> to vector<6144x128xf32>
    %broadcast_in_dim3A = vector.shape_cast %get3A_3 : vector<256x128xf32> to vector<256x1x128xf32>
    %broadcast_in_dim3A_9 = vector.shape_cast %broadcast_in_dim3A : vector<256x1x128xf32> to vector<256x1x128xf32>
    %broadcast_in_dim3A_10 = vector.broadcast %broadcast_in_dim3A_9 : vector<256x1x128xf32> to vector<256x24x128xf32>
    %reshape3A = vector.shape_cast %broadcast_in_dim3A_10 : vector<256x24x128xf32> to vector<6144x128xf32>
    %sub3A = arith.subf %get3A_8, %reshape3A : vector<6144x128xf32>
    %get3A_11 = arith.constant 0 : index
    %get3A_12 = arith.constant 0 : index
    %get3A_13 = vector.load %arg4[%get3A_11, %get3A_12] : memref<128x256xf32, #tpu.memory_space<vmem>>, vector<128x256xf32>
    %dot_general3A = arith.constant dense<0.000000e+00> : vector<6144x256xf32>
    %dot_general3A_14 = tpu.matmul %sub3A, %get3A_13, %dot_general3A {dimension_numbers = #tpu.dot_dimension_numbers<[1], [0], [0], [1], [0, 0, 1, 1], [], []>, transpose_lhs_hint = false} : vector<6144x128xf32>, vector<128x256xf32>, vector<6144x256xf32> -> vector<6144x256xf32>
    %reshape3A_15 = vector.shape_cast %dot_general3A_14 : vector<6144x256xf32> to vector<256x24x256xf32>
    %reduce_max3A = arith.constant dense<0xFF800000> : vector<256x256xf32>
    %reduce_max3A_16 = vector.multi_reduction <maximumf>, %reshape3A_15, %reduce_max3A [1] : vector<256x24x256xf32> to vector<256x256xf32>
    %get3A_17 = arith.constant 0 : index
    %get3A_18 = arith.constant 0 : index
    %get3A_19 = vector.load %arg5[%get3A_17, %get3A_18] : memref<128x256xf32, #tpu.memory_space<vmem>>, vector<128x256xf32>
    %dot_general3A_20 = arith.constant dense<0.000000e+00> : vector<256x256xf32>
    %dot_general3A_21 = tpu.matmul %get3A_3, %get3A_19, %dot_general3A_20 {dimension_numbers = #tpu.dot_dimension_numbers<[1], [0], [0], [1], [0, 0, 1, 1], [], []>, transpose_lhs_hint = false} : vector<256x128xf32>, vector<128x256xf32>, vector<256x256xf32> -> vector<256x256xf32>
    %add3A = arith.addf %reduce_max3A_16, %dot_general3A_21 : vector<256x256xf32>
    %sqrt3A = arith.constant 1.000010e+00 : f32
    %sqrt3A_22 = math.sqrt %sqrt3A : f32
    %div3A = vector.broadcast %sqrt3A_22 : f32 to vector<256x256xf32>
    %div3A_23 = arith.divf %add3A, %div3A : vector<256x256xf32>
    %get3A_24 = arith.constant 0 : index
    %get3A_25 = arith.constant 0 : index
    %get3A_26 = vector.load %arg6[%get3A_24, %get3A_25] : memref<1x256xf32, #tpu.memory_space<vmem>>, vector<1x256xf32>
    %mul3A = vector.broadcast %get3A_26 : vector<1x256xf32> to vector<256x256xf32>
    %mul3A_27 = arith.mulf %div3A_23, %mul3A : vector<256x256xf32>
    %get3A_28 = arith.constant 0 : index
    %get3A_29 = arith.constant 0 : index
    %get3A_30 = vector.load %arg7[%get3A_28, %get3A_29] : memref<1x256xf32, #tpu.memory_space<vmem>>, vector<1x256xf32>
    %add3A_31 = vector.broadcast %get3A_30 : vector<1x256xf32> to vector<256x256xf32>
    %add3A_32 = arith.addf %mul3A_27, %add3A_31 : vector<256x256xf32>
    %ge3A = arith.constant 0.000000e+00 : f32
    %ge3A_33 = vector.broadcast %ge3A : f32 to vector<256x256xf32>
    %ge3A_34 = arith.cmpf oge, %add3A_32, %ge3A_33 : vector<256x256xf32>
    %mul3A_35 = arith.constant 2.000000e-01 : f32
    %mul3A_36 = vector.broadcast %mul3A_35 : f32 to vector<256x256xf32>
    %mul3A_37 = arith.mulf %mul3A_36, %add3A_32 : vector<256x256xf32>
    %select_n3A = arith.select %ge3A_34, %add3A_32, %mul3A_37 : vector<256x256xi1>, vector<256x256xf32>
    %swap3A = arith.constant 0 : index
    %swap3A_38 = arith.constant 0 : index
    %swap3A_39 = arith.constant 0 : index
    %swap3A_40 = vector.load %arg8[%swap3A, %swap3A_38, %swap3A_39] : memref<1x256x256xf32, #tpu.memory_space<vmem>>, vector<1x256x256xf32>
    %swap3A_41 = vector.shape_cast %swap3A_40 : vector<1x256x256xf32> to vector<256x256xf32>
    %swap3A_42 = vector.shape_cast %select_n3A : vector<256x256xf32> to vector<1x256x256xf32>
    tpu.vector_store %arg8[%swap3A, %swap3A_38, %swap3A_39], %swap3A_42 {strides = array<i32>} : memref<1x256x256xf32, #tpu.memory_space<vmem>>, vector<1x256x256xf32>,
    return
  }
  func.func @transform_0(%arg0: i32, %arg1: i32) -> (i32, i32, i32) {
    %c0_i32 = arith.constant 0 : i32
    %c0_i32_0 = arith.constant 0 : i32
    return %arg0, %arg1, %c0_i32 : i32, i32, i32
  }
  func.func @transform_1(%arg0: i32, %arg1: i32) -> (i32, i32, i32) {
    %c0_i32 = arith.constant 0 : i32
    %c0_i32_0 = arith.constant 0 : i32
    return %arg0, %arg1, %c0_i32 : i32, i32, i32
  }
  func.func @transform_2(%arg0: i32, %arg1: i32) -> (i32, i32) {
    %c0_i32 = arith.constant 0 : i32
    %c0_i32_0 = arith.constant 0 : i32
    %c0_i32_1 = arith.constant 0 : i32
    return %c0_i32, %c0_i32_0 : i32, i32
  }
  func.func @transform_3(%arg0: i32, %arg1: i32) -> (i32, i32) {
    %c0_i32 = arith.constant 0 : i32
    %c0_i32_0 = arith.constant 0 : i32
    %c0_i32_1 = arith.constant 0 : i32
    return %c0_i32, %c0_i32_0 : i32, i32
  }
  func.func @transform_4(%arg0: i32, %arg1: i32) -> (i32, i32) {
    %c0_i32 = arith.constant 0 : i32
    %c0_i32_0 = arith.constant 0 : i32
    %c0_i32_1 = arith.constant 0 : i32
    return %c0_i32, %c0_i32_0 : i32, i32
  }
  func.func @transform_5(%arg0: i32, %arg1: i32) -> (i32, i32) {
    %c0_i32 = arith.constant 0 : i32
    %c0_i32_0 = arith.constant 0 : i32
    %c0_i32_1 = arith.constant 0 : i32
    return %c0_i32, %c0_i32_0 : i32, i32
  }
  func.func @transform_6(%arg0: i32, %arg1: i32) -> (i32, i32, i32) {
    %c0_i32 = arith.constant 0 : i32
    %c0_i32_0 = arith.constant 0 : i32
    return %arg0, %arg1, %c0_i32 : i32, i32, i32
  }
}

module attributes {stable_mosaic.version = 14 : i64} {
  func.func @_pool_body(%arg0: i32, %arg1: i32, %arg2: memref<1x512x64xf32, #tpu.memory_space<vmem>>, %arg3: memref<1x512x64xf32, #tpu.memory_space<vmem>>, %arg4: memref<1x512x128xf32, #tpu.memory_space<vmem>>, %arg5: memref<1x512x256xf32, #tpu.memory_space<vmem>>, %arg6: memref<1024x512xf32, #tpu.memory_space<vmem>>, %arg7: memref<1x1024xf32, #tpu.memory_space<vmem>>, %arg8: memref<1x1x1024xf32, #tpu.memory_space<vmem>>, %arg9: memref<1x1x1024xf32, #tpu.memory_space<vmem>>) attributes {dimension_semantics = [#tpu.dimension_semantics<arbitrary>, #tpu.dimension_semantics<arbitrary>], iteration_bounds = array<i64: 8, 4>, scalar_prefetch = 0 : i64, scratch_operands = 0 : i64, tpu.core_type = #tpu.core_type<tc>, window_params = [{transform_indices = @transform_0, window_bounds = array<i64: 1, 512, 64>}, {transform_indices = @transform_1, window_bounds = array<i64: 1, 512, 64>}, {transform_indices = @transform_2, window_bounds = array<i64: 1, 512, 128>}, {transform_indices = @transform_3, window_bounds = array<i64: 1, 512, 256>}, {pipeline_mode = #tpu.pipeline_mode<synchronous>, transform_indices = @transform_4, window_bounds = array<i64: 1024, 512>}, {pipeline_mode = #tpu.pipeline_mode<synchronous>, transform_indices = @transform_5, window_bounds = array<i64: 1, 1024>}, {transform_indices = @transform_6, window_bounds = array<i64: 1, 1, 1024>}, {transform_indices = @transform_7, window_bounds = array<i64: 1, 1, 1024>}]} {
    %get3A = arith.constant 0 : index
    %get3A_0 = arith.constant 0 : index
    %get3A_1 = arith.constant 0 : index
    %get3A_2 = vector.load %arg2[%get3A, %get3A_0, %get3A_1] : memref<1x512x64xf32, #tpu.memory_space<vmem>>, vector<1x512x64xf32>
    %get3A_3 = vector.shape_cast %get3A_2 : vector<1x512x64xf32> to vector<512x64xf32>
    %get3A_4 = arith.constant 0 : index
    %get3A_5 = arith.constant 0 : index
    %get3A_6 = arith.constant 0 : index
    %get3A_7 = vector.load %arg3[%get3A_4, %get3A_5, %get3A_6] : memref<1x512x64xf32, #tpu.memory_space<vmem>>, vector<1x512x64xf32>
    %get3A_8 = vector.shape_cast %get3A_7 : vector<1x512x64xf32> to vector<512x64xf32>
    %get3A_9 = arith.constant 0 : index
    %get3A_10 = arith.constant 0 : index
    %get3A_11 = arith.constant 0 : index
    %get3A_12 = vector.load %arg4[%get3A_9, %get3A_10, %get3A_11] : memref<1x512x128xf32, #tpu.memory_space<vmem>>, vector<1x512x128xf32>
    %get3A_13 = vector.shape_cast %get3A_12 : vector<1x512x128xf32> to vector<512x128xf32>
    %get3A_14 = arith.constant 0 : index
    %get3A_15 = arith.constant 0 : index
    %get3A_16 = arith.constant 0 : index
    %get3A_17 = vector.load %arg5[%get3A_14, %get3A_15, %get3A_16] : memref<1x512x256xf32, #tpu.memory_space<vmem>>, vector<1x512x256xf32>
    %get3A_18 = vector.shape_cast %get3A_17 : vector<1x512x256xf32> to vector<512x256xf32>
    %concatenate3A = tpu.concatenate %get3A_3, %get3A_8, %get3A_13, %get3A_18 in 1 : vector<512x64xf32>, vector<512x64xf32>, vector<512x128xf32>, vector<512x256xf32> -> vector<512x512xf32>
    %get3A_19 = arith.constant 0 : index
    %get3A_20 = arith.constant 0 : index
    %get3A_21 = vector.load %arg6[%get3A_19, %get3A_20] : memref<1024x512xf32, #tpu.memory_space<vmem>>, vector<1024x512xf32>
    %dot_general3A = arith.constant dense<0.000000e+00> : vector<512x1024xf32>
    %dot_general3A_22 = tpu.matmul %concatenate3A, %get3A_21, %dot_general3A {dimension_numbers = #tpu.dot_dimension_numbers<[1], [1], [0], [0], [0, 0, 1, 0], [], []>, transpose_lhs_hint = false} : vector<512x512xf32>, vector<1024x512xf32>, vector<512x1024xf32> -> vector<512x1024xf32>
    %get3A_23 = arith.constant 0 : index
    %get3A_24 = arith.constant 0 : index
    %get3A_25 = vector.load %arg7[%get3A_23, %get3A_24] : memref<1x1024xf32, #tpu.memory_space<vmem>>, vector<1x1024xf32>
    %add3A = vector.broadcast %get3A_25 : vector<1x1024xf32> to vector<512x1024xf32>
    %add3A_26 = arith.addf %dot_general3A_22, %add3A : vector<512x1024xf32>
    %mul3A = arith.constant 2.000000e-01 : f32
    %mul3A_27 = vector.broadcast %mul3A : f32 to vector<512x1024xf32>
    %mul3A_28 = arith.mulf %mul3A_27, %add3A_26 : vector<512x1024xf32>
    %max3A = arith.maximumf %add3A_26, %mul3A_28 : vector<512x1024xf32>
    %reduce_max3A = arith.constant dense<0xFF800000> : vector<1024xf32>
    %reduce_max3A_29 = vector.multi_reduction <maximumf>, %max3A, %reduce_max3A [0] : vector<512x1024xf32> to vector<1024xf32>
    %broadcast_in_dim3A = vector.shape_cast %reduce_max3A_29 : vector<1024xf32> to vector<1x1024xf32>
    %reduce_sum3A = arith.constant dense<0.000000e+00> : vector<1024xf32>
    %reduce_sum3A_30 = vector.multi_reduction <add>, %max3A, %reduce_sum3A [0] : vector<512x1024xf32> to vector<1024xf32>
    %broadcast_in_dim3A_31 = vector.shape_cast %reduce_sum3A_30 : vector<1024xf32> to vector<1x1024xf32>
    %eq3A = arith.constant 0 : i32
    %eq3A_32 = arith.cmpi eq, %arg1, %eq3A : i32
    %convert_element_type3A = arith.extui %eq3A_32 : i1 to i32
    %cond3A = arith.constant 0 : i32
    %cond3A_33 = arith.cmpi ne, %convert_element_type3A, %cond3A : i32
    scf.if %cond3A_33 {
      %swap3A = arith.constant 0 : index
      %swap3A_38 = arith.constant 0 : index
      %swap3A_39 = arith.constant 0 : index
      %swap3A_40 = vector.load %arg8[%swap3A, %swap3A_38, %swap3A_39] : memref<1x1x1024xf32, #tpu.memory_space<vmem>>, vector<1x1x1024xf32>
      %swap3A_41 = vector.shape_cast %swap3A_40 : vector<1x1x1024xf32> to vector<1x1024xf32>
      %swap3A_42 = vector.shape_cast %broadcast_in_dim3A : vector<1x1024xf32> to vector<1x1x1024xf32>
      tpu.vector_store %arg8[%swap3A, %swap3A_38, %swap3A_39], %swap3A_42 {strides = array<i32>} : memref<1x1x1024xf32, #tpu.memory_space<vmem>>, vector<1x1x1024xf32>,
      %swap3A_43 = arith.constant 0 : index
      %swap3A_44 = arith.constant 0 : index
      %swap3A_45 = arith.constant 0 : index
      %swap3A_46 = vector.load %arg9[%swap3A_43, %swap3A_44, %swap3A_45] : memref<1x1x1024xf32, #tpu.memory_space<vmem>>, vector<1x1x1024xf32>
      %swap3A_47 = vector.shape_cast %swap3A_46 : vector<1x1x1024xf32> to vector<1x1024xf32>
      %swap3A_48 = vector.shape_cast %broadcast_in_dim3A_31 : vector<1x1024xf32> to vector<1x1x1024xf32>
      tpu.vector_store %arg9[%swap3A_43, %swap3A_44, %swap3A_45], %swap3A_48 {strides = array<i32>} : memref<1x1x1024xf32, #tpu.memory_space<vmem>>, vector<1x1x1024xf32>,
    } else {
    }
    %ne3A = arith.constant 0 : i32
    %ne3A_34 = arith.cmpi ne, %arg1, %ne3A : i32
    %convert_element_type3A_35 = arith.extui %ne3A_34 : i1 to i32
    %cond3A_36 = arith.constant 0 : i32
    %cond3A_37 = arith.cmpi ne, %convert_element_type3A_35, %cond3A_36 : i32
    scf.if %cond3A_37 {
      %get3A_38 = arith.constant 0 : index
      %get3A_39 = arith.constant 0 : index
      %get3A_40 = arith.constant 0 : index
      %get3A_41 = vector.load %arg8[%get3A_38, %get3A_39, %get3A_40] : memref<1x1x1024xf32, #tpu.memory_space<vmem>>, vector<1x1x1024xf32>
      %get3A_42 = vector.shape_cast %get3A_41 : vector<1x1x1024xf32> to vector<1x1024xf32>
      %max3A_43 = arith.maximumf %get3A_42, %broadcast_in_dim3A : vector<1x1024xf32>
      %swap3A = arith.constant 0 : index
      %swap3A_44 = arith.constant 0 : index
      %swap3A_45 = arith.constant 0 : index
      %swap3A_46 = vector.load %arg8[%swap3A, %swap3A_44, %swap3A_45] : memref<1x1x1024xf32, #tpu.memory_space<vmem>>, vector<1x1x1024xf32>
      %swap3A_47 = vector.shape_cast %swap3A_46 : vector<1x1x1024xf32> to vector<1x1024xf32>
      %swap3A_48 = vector.shape_cast %max3A_43 : vector<1x1024xf32> to vector<1x1x1024xf32>
      tpu.vector_store %arg8[%swap3A, %swap3A_44, %swap3A_45], %swap3A_48 {strides = array<i32>} : memref<1x1x1024xf32, #tpu.memory_space<vmem>>, vector<1x1x1024xf32>,
      %get3A_49 = arith.constant 0 : index
      %get3A_50 = arith.constant 0 : index
      %get3A_51 = arith.constant 0 : index
      %get3A_52 = vector.load %arg9[%get3A_49, %get3A_50, %get3A_51] : memref<1x1x1024xf32, #tpu.memory_space<vmem>>, vector<1x1x1024xf32>
      %get3A_53 = vector.shape_cast %get3A_52 : vector<1x1x1024xf32> to vector<1x1024xf32>
      %add3A_54 = arith.addf %get3A_53, %broadcast_in_dim3A_31 : vector<1x1024xf32>
      %swap3A_55 = arith.constant 0 : index
      %swap3A_56 = arith.constant 0 : index
      %swap3A_57 = arith.constant 0 : index
      %swap3A_58 = vector.load %arg9[%swap3A_55, %swap3A_56, %swap3A_57] : memref<1x1x1024xf32, #tpu.memory_space<vmem>>, vector<1x1x1024xf32>
      %swap3A_59 = vector.shape_cast %swap3A_58 : vector<1x1x1024xf32> to vector<1x1024xf32>
      %swap3A_60 = vector.shape_cast %add3A_54 : vector<1x1024xf32> to vector<1x1x1024xf32>
      tpu.vector_store %arg9[%swap3A_55, %swap3A_56, %swap3A_57], %swap3A_60 {strides = array<i32>} : memref<1x1x1024xf32, #tpu.memory_space<vmem>>, vector<1x1x1024xf32>,
    } else {
    }
    return
  }
  func.func @transform_0(%arg0: i32, %arg1: i32) -> (i32, i32, i32) {
    %c0_i32 = arith.constant 0 : i32
    %c0_i32_0 = arith.constant 0 : i32
    return %arg0, %arg1, %c0_i32 : i32, i32, i32
  }
  func.func @transform_1(%arg0: i32, %arg1: i32) -> (i32, i32, i32) {
    %c0_i32 = arith.constant 0 : i32
    %c0_i32_0 = arith.constant 0 : i32
    return %arg0, %arg1, %c0_i32 : i32, i32, i32
  }
  func.func @transform_2(%arg0: i32, %arg1: i32) -> (i32, i32, i32) {
    %c0_i32 = arith.constant 0 : i32
    %c0_i32_0 = arith.constant 0 : i32
    return %arg0, %arg1, %c0_i32 : i32, i32, i32
  }
  func.func @transform_3(%arg0: i32, %arg1: i32) -> (i32, i32, i32) {
    %c0_i32 = arith.constant 0 : i32
    %c0_i32_0 = arith.constant 0 : i32
    return %arg0, %arg1, %c0_i32 : i32, i32, i32
  }
  func.func @transform_4(%arg0: i32, %arg1: i32) -> (i32, i32) {
    %c0_i32 = arith.constant 0 : i32
    %c0_i32_0 = arith.constant 0 : i32
    %c0_i32_1 = arith.constant 0 : i32
    return %c0_i32, %c0_i32_0 : i32, i32
  }
  func.func @transform_5(%arg0: i32, %arg1: i32) -> (i32, i32) {
    %c0_i32 = arith.constant 0 : i32
    %c0_i32_0 = arith.constant 0 : i32
    %c0_i32_1 = arith.constant 0 : i32
    return %c0_i32, %c0_i32_0 : i32, i32
  }
  func.func @transform_6(%arg0: i32, %arg1: i32) -> (i32, i32, i32) {
    %c0_i32 = arith.constant 0 : i32
    %c0_i32_0 = arith.constant 0 : i32
    %c0_i32_1 = arith.constant 0 : i32
    return %arg0, %c0_i32, %c0_i32_0 : i32, i32, i32
  }
  func.func @transform_7(%arg0: i32, %arg1: i32) -> (i32, i32, i32) {
    %c0_i32 = arith.constant 0 : i32
    %c0_i32_0 = arith.constant 0 : i32
    %c0_i32_1 = arith.constant 0 : i32
    return %arg0, %c0_i32, %c0_i32_0 : i32, i32, i32
  }
}

module attributes {stable_mosaic.version = 14 : i64} {
  func.func @_mlp_body(%arg0: memref<8x1024xf32, #tpu.memory_space<vmem>>, %arg1: memref<8x1024xf32, #tpu.memory_space<vmem>>, %arg2: memref<2048x512xf32, #tpu.memory_space<vmem>>, %arg3: memref<1x512xf32, #tpu.memory_space<vmem>>, %arg4: memref<512x256xf32, #tpu.memory_space<vmem>>, %arg5: memref<1x256xf32, #tpu.memory_space<vmem>>, %arg6: memref<256x40xf32, #tpu.memory_space<vmem>>, %arg7: memref<1x40xf32, #tpu.memory_space<vmem>>, %arg8: memref<8x40xf32, #tpu.memory_space<vmem>>, %arg9: memref<8x2048xf32, #tpu.memory_space<vmem>>, %arg10: memref<8x512xf32, #tpu.memory_space<vmem>>, %arg11: memref<8x256xf32, #tpu.memory_space<vmem>>) attributes {dimension_semantics = [], scalar_prefetch = 0 : i64, scratch_operands = 0 : i64, tpu.core_type = #tpu.core_type<tc>} {
    %get3A = arith.constant 0 : index
    %get3A_0 = arith.constant 0 : index
    %get3A_1 = vector.load %arg0[%get3A, %get3A_0] : memref<8x1024xf32, #tpu.memory_space<vmem>>, vector<8x1024xf32>
    %get3A_2 = arith.constant 0 : index
    %get3A_3 = arith.constant 0 : index
    %get3A_4 = vector.load %arg1[%get3A_2, %get3A_3] : memref<8x1024xf32, #tpu.memory_space<vmem>>, vector<8x1024xf32>
    %mul3A = arith.constant 4.8828125E-4 : f32
    %mul3A_5 = vector.broadcast %mul3A : f32 to vector<8x1024xf32>
    %mul3A_6 = arith.mulf %get3A_4, %mul3A_5 : vector<8x1024xf32>
    %concatenate3A = tpu.concatenate %get3A_1, %mul3A_6 in 1 : vector<8x1024xf32>, vector<8x1024xf32> -> vector<8x2048xf32>
    %swap3A = arith.constant 0 : index
    %swap3A_7 = arith.constant 0 : index
    %swap3A_8 = vector.load %arg9[%swap3A, %swap3A_7] : memref<8x2048xf32, #tpu.memory_space<vmem>>, vector<8x2048xf32>
    tpu.vector_store %arg9[%swap3A, %swap3A_7], %concatenate3A {strides = array<i32>} : memref<8x2048xf32, #tpu.memory_space<vmem>>, vector<8x2048xf32>,
    %get3A_9 = arith.constant 0 : index
    %get3A_10 = arith.constant 0 : index
    %get3A_11 = vector.load %arg2[%get3A_9, %get3A_10] : memref<2048x512xf32, #tpu.memory_space<vmem>>, vector<2048x512xf32>
    %dot_general3A = arith.constant dense<0.000000e+00> : vector<8x512xf32>
    %dot_general3A_12 = tpu.matmul %concatenate3A, %get3A_11, %dot_general3A {dimension_numbers = #tpu.dot_dimension_numbers<[1], [0], [0], [1], [0, 0, 1, 1], [], []>, transpose_lhs_hint = false} : vector<8x2048xf32>, vector<2048x512xf32>, vector<8x512xf32> -> vector<8x512xf32>
    %get3A_13 = arith.constant 0 : index
    %get3A_14 = arith.constant 0 : index
    %get3A_15 = vector.load %arg3[%get3A_13, %get3A_14] : memref<1x512xf32, #tpu.memory_space<vmem>>, vector<1x512xf32>
    %add3A = vector.broadcast %get3A_15 : vector<1x512xf32> to vector<8x512xf32>
    %add3A_16 = arith.addf %dot_general3A_12, %add3A : vector<8x512xf32>
    %mul3A_17 = arith.constant 2.000000e-01 : f32
    %mul3A_18 = vector.broadcast %mul3A_17 : f32 to vector<8x512xf32>
    %mul3A_19 = arith.mulf %mul3A_18, %add3A_16 : vector<8x512xf32>
    %max3A = arith.maximumf %add3A_16, %mul3A_19 : vector<8x512xf32>
    %swap3A_20 = arith.constant 0 : index
    %swap3A_21 = arith.constant 0 : index
    %swap3A_22 = vector.load %arg10[%swap3A_20, %swap3A_21] : memref<8x512xf32, #tpu.memory_space<vmem>>, vector<8x512xf32>
    tpu.vector_store %arg10[%swap3A_20, %swap3A_21], %max3A {strides = array<i32>} : memref<8x512xf32, #tpu.memory_space<vmem>>, vector<8x512xf32>,
    %get3A_23 = arith.constant 0 : index
    %get3A_24 = arith.constant 0 : index
    %get3A_25 = vector.load %arg4[%get3A_23, %get3A_24] : memref<512x256xf32, #tpu.memory_space<vmem>>, vector<512x256xf32>
    %dot_general3A_26 = arith.constant dense<0.000000e+00> : vector<8x256xf32>
    %dot_general3A_27 = tpu.matmul %max3A, %get3A_25, %dot_general3A_26 {dimension_numbers = #tpu.dot_dimension_numbers<[1], [0], [0], [1], [0, 0, 1, 1], [], []>, transpose_lhs_hint = false} : vector<8x512xf32>, vector<512x256xf32>, vector<8x256xf32> -> vector<8x256xf32>
    %get3A_28 = arith.constant 0 : index
    %get3A_29 = arith.constant 0 : index
    %get3A_30 = vector.load %arg5[%get3A_28, %get3A_29] : memref<1x256xf32, #tpu.memory_space<vmem>>, vector<1x256xf32>
    %add3A_31 = vector.broadcast %get3A_30 : vector<1x256xf32> to vector<8x256xf32>
    %add3A_32 = arith.addf %dot_general3A_27, %add3A_31 : vector<8x256xf32>
    %mul3A_33 = arith.constant 2.000000e-01 : f32
    %mul3A_34 = vector.broadcast %mul3A_33 : f32 to vector<8x256xf32>
    %mul3A_35 = arith.mulf %mul3A_34, %add3A_32 : vector<8x256xf32>
    %max3A_36 = arith.maximumf %add3A_32, %mul3A_35 : vector<8x256xf32>
    %swap3A_37 = arith.constant 0 : index
    %swap3A_38 = arith.constant 0 : index
    %swap3A_39 = vector.load %arg11[%swap3A_37, %swap3A_38] : memref<8x256xf32, #tpu.memory_space<vmem>>, vector<8x256xf32>
    tpu.vector_store %arg11[%swap3A_37, %swap3A_38], %max3A_36 {strides = array<i32>} : memref<8x256xf32, #tpu.memory_space<vmem>>, vector<8x256xf32>,
    %get3A_40 = arith.constant 0 : index
    %get3A_41 = arith.constant 0 : index
    %get3A_42 = vector.load %arg6[%get3A_40, %get3A_41] : memref<256x40xf32, #tpu.memory_space<vmem>>, vector<256x40xf32>
    %dot_general3A_43 = arith.constant dense<0.000000e+00> : vector<8x40xf32>
    %dot_general3A_44 = tpu.matmul %max3A_36, %get3A_42, %dot_general3A_43 {dimension_numbers = #tpu.dot_dimension_numbers<[1], [0], [0], [1], [0, 0, 1, 1], [], []>, transpose_lhs_hint = false} : vector<8x256xf32>, vector<256x40xf32>, vector<8x40xf32> -> vector<8x40xf32>
    %get3A_45 = arith.constant 0 : index
    %get3A_46 = arith.constant 0 : index
    %get3A_47 = vector.load %arg7[%get3A_45, %get3A_46] : memref<1x40xf32, #tpu.memory_space<vmem>>, vector<1x40xf32>
    %add3A_48 = vector.broadcast %get3A_47 : vector<1x40xf32> to vector<8x40xf32>
    %add3A_49 = arith.addf %dot_general3A_44, %add3A_48 : vector<8x40xf32>
    %reduce_max3A = arith.constant dense<0xFF800000> : vector<8xf32>
    %reduce_max3A_50 = vector.multi_reduction <maximumf>, %add3A_49, %reduce_max3A [1] : vector<8x40xf32> to vector<8xf32>
    %broadcast_in_dim3A = vector.shape_cast %reduce_max3A_50 : vector<8xf32> to vector<8x1xf32>
    %sub3A = vector.broadcast %broadcast_in_dim3A : vector<8x1xf32> to vector<8x40xf32>
    %sub3A_51 = arith.subf %add3A_49, %sub3A : vector<8x40xf32>
    %exp3A = math.exp %sub3A_51 : vector<8x40xf32>
    %reduce_sum3A = arith.constant dense<0.000000e+00> : vector<8xf32>
    %reduce_sum3A_52 = vector.multi_reduction <add>, %exp3A, %reduce_sum3A [1] : vector<8x40xf32> to vector<8xf32>
    %broadcast_in_dim3A_53 = vector.shape_cast %reduce_sum3A_52 : vector<8xf32> to vector<8x1xf32>
    %log3A = math.log %broadcast_in_dim3A_53 : vector<8x1xf32>
    %sub3A_54 = vector.broadcast %log3A : vector<8x1xf32> to vector<8x40xf32>
    %sub3A_55 = arith.subf %sub3A_51, %sub3A_54 : vector<8x40xf32>
    %swap3A_56 = arith.constant 0 : index
    %swap3A_57 = arith.constant 0 : index
    %swap3A_58 = vector.load %arg8[%swap3A_56, %swap3A_57] : memref<8x40xf32, #tpu.memory_space<vmem>>, vector<8x40xf32>
    tpu.vector_store %arg8[%swap3A_56, %swap3A_57], %sub3A_55 {strides = array<i32>} : memref<8x40xf32, #tpu.memory_space<vmem>>, vector<8x40xf32>,
    return
  }
}

</mosaic_0001>

<sc_bundles>
// kernel: kernel.28.cloned.1.call-start
scs
__scs_entry_jumppad:
0x0: {  	(pc) =	sbr.rel $0x88, $3  }
0x1: {  	(tag) =	ssettag $0x0;
	lr =	simm.s32 $0x1  }
0x2: {  	[smem:$0x3F88] =	sst lr;
	_ =	strace $0xD0000000  }
0x3: {  	_ = 	snop  }
0x4: {  	_ = 	snop  }
0x5: {  	_ = 	snop  }
0x6: {  	_ = 	snop  }
0x7: {  	_ = 	snop  }
__scs_overlays_trampoline_lowered:
0x8: {  	[smem:$0x3F97] =	sst s0  }
0x9: {  	[smem:$0x3F98] =	sst s1  }
0xa: {  	[smem:$0x3F99] =	sst s2  }
0xb: {  	[smem:$0x3F9A] =	sst s3  }
0xc: {  	[smem:$0x3F9B] =	sst s4  }
0xd: {  	[smem:$0x3F9C] =	sst s5  }
0xe: {  	[smem:$0x3F9D] =	sst s6  }
0xf: {  	[smem:$0x3F9E] =	sst s7  }
0x10: {  	[smem:$0x3F9F] =	sst s8  }
0x11: {  	[smem:$0x3FA0] =	sst s9;
	s0 =	simm.s32 @!p0 $0x0  }
0x12: {  	s1 =	sld [smem:$0x3F86];
	s0 =	simm.s32 @p0 $0x1  }
0x13: {  	[smem:$0x3FA1] =	sst s0;
	s0 =	simm.s32 @!p1 $0x0  }
0x14: {  	s2 =	sld [smem:$0x3F85];
	s0 =	simm.s32 @p1 $0x1  }
0x15: {  	[smem:$0x3FA2] =	sst s0;
	s0 =	simm.s32 @!p2 $0x0  }
0x16: {  	s3 =	sld [smem:$0x3FDB];
	s0 =	simm.s32 @p2 $0x1  }
0x17: {  	s4 =	simm.s32 $0x1BF5;
	[smem:$0x3FA4] =	sst s0  }
0x18: {  	s0 =	sld [smem:$0x3F87];
	_ =	swait.ge [sflag:s4], $0x0  }
0x19: {  	s7 =	sld [smem:$0x3F88]  }
0x1a: {  	s8 =	sadd.s32 $0xFFFFE003, lr  }
0x1b: {  	s9 =	sadd.s32 $0xFFFFFEF7, lr;
	s5 =	simm.s32 $0xFFFFFFFF;
	p2 =	slt.u32 s8, $0xFFFFF086  }
0x1c: {  	p1 =	slt.u32 s9, $0xF7A;
	s5 =	simm.s32 @!p2 $0x0  }
0x1d: {  	s5 =	simm.s32 @p1 $0x1;
	p0 =	seq.s32 s7, s2  }
0x1e: {  	s7 =	smul.u32 @!p0 $0xF7A, s2;
	p2 =	seq.s32 @!p0 s5, $0x0  }
0x1f: {  	s9 =	smul.u32 $0xF7A, s1;
	s8 =	simm.s32 @!p0 $0x1BF5;
	p2 =	por !p2, p0  }
0x20: {  	[sflag:s8] =	ssyncset.s32 @!p0 $0xFFFFF086;
	s6 =	sadd.s32 @!p0 s3, s7;
	s7 =	simm.s32 @!p0 $0x108  }
0x21: {  	s3 =	sadd.s32 s3, s9;
	s6 =	sadd.s32 @!p0 $0x88, s6;
	s7 =	simm.s32 @p2 $0x1082  }
0x22: {  	[simem:s7], [sflag:s8] =	dma.local @!p0 [hbm:s6], $0xF7A  }
0x23: {  	s9 =	sor.u32 $0xD0000000, s2;
	s6 =	simm.s32 $0x108;
	_ =	swait.ge @!p0 [sflag:s8], $0x0  }
0x24: {  	s3 =	sadd.s32 $0x88, s3;
	s6 =	simm.s32 @!p1 $0x1082;
	[sflag:s4] =	ssyncset.s32 $0xFFFFF086  }
0x25: {  	[simem:s6], [sflag:s4] =	dma.local [hbm:s3], $0xF7A  }
0x26: {  	[smem:$0x3F88] =	sst s1;
	(tag) =	ssettag s2;
	_ =	strace s9  }
0x27: {  	s1 =	sld [smem:$0x3F98]  }
0x28: {  	s2 =	sld [smem:$0x3F99]  }
0x29: {  	s4 =	sld [smem:$0x3F9B]  }
0x2a: {  	p0 =	seq.s32 s5, $0x0;
	s5 =	sld [smem:$0x3F9C]  }
0x2b: {  	s6 =	sld [smem:$0x3F9D]  }
0x2c: {  	s7 =	sld [smem:$0x3F9E]  }
0x2d: {  	s3 =	simm.s32 $0x108;
	s8 =	sld [smem:$0x3F9F]  }
0x2e: {  	s3 =	simm.s32 @!p0 $0x1082;
	s9 =	sld [smem:$0x3FA0]  }
0x2f: {  	lr =	sadd.s32 s0, s3;
	s0 =	sld [smem:$0x3F97]  }
0x30: {  	s3 =	sld [smem:$0x3F9A]  }
0x31: {  	[smem:$0x3FA3] =	sst s10  }
0x32: {  	s10 =	sld [smem:$0x3FA1];
	_ =	sdelay $0x3  }
0x33: {  	p0 =	seq.s32 s10, $0x1;
	s10 =	sld [smem:$0x3FA3];
	_ =	sdelay $0x3  }
0x34: {  	[smem:$0x3FA3] =	sst s10  }
0x35: {  	s10 =	sld [smem:$0x3FA2];
	_ =	sdelay $0x3  }
0x36: {  	p1 =	seq.s32 s10, $0x1;
	s10 =	sld [smem:$0x3FA3];
	_ =	sdelay $0x3  }
0x37: {  	[smem:$0x3FA3] =	sst s10  }
0x38: {  	s10 =	sld [smem:$0x3FA4]  }
0x39: {  	_ = 	snop;
	(pc) =	sbr.ind lr, $3  }
0x3a: {  	_ = 	snop  }
0x3b: {  	_ = 	snop  }
0x3c: {  	p2 =	seq.s32 s10, $0x1;
	s10 =	sld [smem:$0x3FA3]  }
0x3d: {  	_ =	shalt  }
0x3e: {  	_ =	shalt  }
0x3f: {  	_ =	shalt  }
0x40: {  	_ =	shalt  }
0x41: {  	_ =	shalt  }
0x42: {  	_ =	shalt  }
0x43: {  	_ =	shalt  }
0x44: {  	_ =	shalt  }
0x45: {  	_ =	shalt  }
0x46: {  	_ =	shalt  }
0x47: {  	_ =	shalt  }
0x48: {  	_ =	shalt  }
0x49: {  	_ =	shalt  }
0x4a: {  	_ =	shalt  }
0x4b: {  	_ =	shalt  }
0x4c: {  	_ =	shalt  }
0x4d: {  	_ =	shalt  }
0x4e: {  	_ =	shalt  }
0x4f: {  	_ =	shalt  }
0x50: {  	_ =	shalt  }
0x51: {  	_ =	shalt  }
0x52: {  	_ =	shalt  }
0x53: {  	_ =	shalt  }
0x54: {  	_ =	shalt  }
0x55: {  	_ =	shalt  }
0x56: {  	_ =	shalt  }
0x57: {  	_ =	shalt  }
0x58: {  	_ =	shalt  }
0x59: {  	_ =	shalt  }
0x5a: {  	_ =	shalt  }
0x5b: {  	_ =	shalt  }
0x5c: {  	_ =	shalt  }
0x5d: {  	_ =	shalt  }
0x5e: {  	_ =	shalt  }
0x5f: {  	_ =	shalt  }
0x60: {  	_ =	shalt  }
0x61: {  	_ =	shalt  }
0x62: {  	_ =	shalt  }
0x63: {  	_ =	shalt  }
0x64: {  	_ =	shalt  }
0x65: {  	_ =	shalt  }
0x66: {  	_ =	shalt  }
0x67: {  	_ =	shalt  }
0x68: {  	_ =	shalt  }
0x69: {  	_ =	shalt  }
0x6a: {  	_ =	shalt  }
0x6b: {  	_ =	shalt  }
0x6c: {  	_ =	shalt  }
0x6d: {  	_ =	shalt  }
0x6e: {  	_ =	shalt  }
0x6f: {  	_ =	shalt  }
0x70: {  	_ =	shalt  }
0x71: {  	_ =	shalt  }
0x72: {  	_ =	shalt  }
0x73: {  	_ =	shalt  }
0x74: {  	_ =	shalt  }
0x75: {  	_ =	shalt  }
0x76: {  	_ =	shalt  }
0x77: {  	_ =	shalt  }
0x78: {  	_ =	shalt  }
0x79: {  	_ =	shalt  }
0x7a: {  	_ =	shalt  }
0x7b: {  	_ =	shalt  }
0x7c: {  	_ =	shalt  }
0x7d: {  	_ =	shalt  }
0x7e: {  	_ =	shalt  }
0x7f: {  	_ =	shalt  }
0x80: {  	_ =	shalt  }
0x81: {  	_ =	shalt  }
0x82: {  	_ =	shalt  }
0x83: {  	_ =	shalt  }
0x84: {  	_ =	shalt  }
0x85: {  	_ =	shalt  }
0x86: {  	_ =	shalt  }
0x87: {  	_ =	shalt  }
.Lfunc_end0:
.L_simem_size_0:
called_computation_lowered:
.L_overlay_start_0:
0x88: {  	s2 =	sld [smem:$0x3FD9]  }
0x89: {  	s3 =	sld [smem:$0x3FFE];
	_ =	sdelay $0x1  }
0x8a: {  	s1 =	srdreg.scid  }
0x8b: {  	s0 =	sand.u32 $0x1, s1  }
0x8c: {  	s16 =	sshll.u32 s0, $0xA;
	s2 =	sadd.s32 s3, s2  }
0x8d: {  	s2 =	sadd.s32 s2, s16  }
0x8e: {  	[smem:$0x3FAF] =	sst s2  }
0x8f: {  	_ = 	snop  }
0x90: {  	(tm) =	ssettm $0x1  }
0x91: {  	s17 =	sld [smem:$0x3FFB];
	_ =	sdelay $0x3  }
0x92: {  	_ =	strace s17  }
0x93: {  	s2 =	sld [smem:$0x3FFC];
	_ =	sdelay $0x3  }
0x94: {  	_ =	strace s2  }
0x95: {  	s2 =	sld [smem:$0x3FFD];
	_ =	sdelay $0x3  }
0x96: {  	_ =	strace s2  }
0x97: {  	_ =	strace $0x8FFFFFFF  }
0x98: {  	s18 =	sld [smem:$0x3FDB];
	_ =	sdelay $0x1  }
0x99: {  	s19 =	simm.s32 $_scs_section_size  }
0x9a: {  	s4 =	simm.s32 $_size__tile_overlayer_lowered;
	s5 =	simm.s32 $_tile_overlayer_lowered  }
0x9b: {  	s22 =	simm.s32 $0x1BFF;
	s21 =	sshll.u32 s5, $0x1;
	s2 =	sadd.s32 s19, s18  }
0x9c: {  	s6 =	simm.s32 $0x0;
	s20 =	sshll.u32 s4, $0x1;
	s4 =	sadd.s32 s21, s2  }
0x9d: {  	[timem:s6], [sflag:s22] =	dma.local [hbm:s4], s20  }
0x9e: {  	_ =	swait.ge [sflag:s22], s20  }
0x9f: {  	s3 =	ssub.s32 $0x0, s20;
	[sflag:s22] =	ssyncset.done $0x0  }
0xa0: {  	[sflag:s22] =	ssyncadd.s32 s3;
	_ =	sdelay $0x1  }
0xa1: {  	s23 =	simm.s32 $0x1B8B  }
0xa2: {  	_ =	swait.ge [sflag:s23], $0x1  }
0xa3: {  	[sflag:s23] =	ssyncset.done $0x0  }
0xa4: {  	s25 =	simm.s32 $0x1B8E;
	s24 =	sld [smem:$0x3FFE];
	[sflag:s23] =	ssyncadd.s32 $0xFFFFFFFF  }
0xa5: {  	s26 =	simm.s32 $execute0_lowered;
	[smem:$0x3FD2] =	sst s25  }
0xa6: {  	s4 =	sshll.u32 s26, $0x1;
	_ =	strace $0x80000046;
	[dreg:$0x1] =	wrdreg $0xFFFFFFFF  }
0xa7: {  	s28 =	simm.s32 $_size_execute0_lowered;
	s2 =	sadd.s32 s2, s4;
	[dreg:$0x0] =	wrdreg $0x0  }
0xa8: {  	s4 =	sshll.u32 s28, $0x1;
	[dreg:$0x2] =	wrdreg s2  }
0xa9: {  	[dreg:$0x3] =	wrdreg s4  }
0xaa: {  	[dreg:$0x4] =	wrdreg $0xC0  }
0xab: {  	_ =	task [dreg:s6], $0x5FFFF  }
0xac: {  	[dreg:$0x1] =	wrdreg $0xFFFFFFFF  }
0xad: {  	[dreg:$0x0] =	wrdreg $0x60  }
0xae: {  	[dreg:$0x2] =	wrdreg s24  }
0xaf: {  	[dreg:$0x3] =	wrdreg $0xA  }
0xb0: {  	_ =	task.clear_ibuf [dreg:s6], $0x4FFFF;
	_ =	strace $0x90000046  }
0xb1: {  	s29 =	simm.s32 $0xA;
	_ =	strace $0x80000048  }
0xb2: {  	_ =	swait.ge [sflag:s29], $0x1  }
0xb3: {  	[sflag:s29] =	ssyncadd.s32 $0xFFFFFFFF  }
0xb4: {  	_ =	strace $0x90000048  }
0xb5: {  	_ =	sfence  }
0xb6: {  	s30 =	sld [smem:$0x0];
	_ =	sdelay $0x2  }
0xb7: {  	s31 =	sshll.u32 s1, $0xD;
	s1 =	sshrl.u32 s1, $0x2  }
0xb8: {  	s3 =	sand.u32 $0x4000, s31;
	s1 =	sadd.s32 s1, s30  }
0xb9: {  	s0 =	sor.u32 s3, s0;
	s1 =	sshll.u32 s1, $0x11  }
0xba: {  	s0 =	sor.u32 s1, s0  }
0xbb: {  	s0 =	sadd.s32 $0x8F2B, s0  }
0xbc: {  	[sflag:s0] =	ssyncadd.remote.s32 $0x1  }
0xbd: {  	_ =	sfence.sel $0xFFFF  }
0xbe: {  	[dreg:$0x0] =	wrdreg $0xFFFFFFFF;
	(pc) =	sbr.abs _section_cstart, $3  }
0xbf: {  	[dreg:$0x1] =	wrdreg $0xFFFFFFFF  }
0xc0: {  	_ =	task.clear_ibuf [dreg:s6], $0x2FFFF;
	_ =	strace $0x9FFFFFFF  }
0xc1: {  	(tm) =	ssettm $0x7FFFFFFF  }
tec
execute0_lowered:
.L_overlay_start_1:
0x0: {  	(tag) =	ssettag $0x1  }
0x1: {  	s1 =	srdreg.scid;
	s0 =	stileid.u32  }
0x2: {  	s6 =	rddreg [dreg:$0x0];
	s2 =	simm.s32 $0x0;
	s12 =	simm.s32 $0x4800  }
0x3: {  	s13 =	simm.s32 $0x1;
	s14 =	simm.s32 $0x2;
	s15 =	simm.s32 $0x0  }
0x4: {  	s5 =	sand.u32 $0x1, s1;
	s26 =	sshll.u32 s0, $0x1;
	s1 =	rddreg [dreg:$0x1]  }
0x5: {  	[smem:$0x7FF] =	sst s2;
	s29 =	smul.u32 $0x30000, s0;
	s4 =	sor.u32 s5, s26  }
0x6: {  	s11 =	sadd.s32 $0x4EC00, s6;
	s8 =	ssub.s32 $0x2, s5;
	s3 =	smul.u32 $0x1800, s4  }
0x7: {  	_ =	strace $0x80000047;
	s9 =	sshrl.u32 s8, $0x1;
	s10 =	smul.u32 $0x18000, s4  }
0x8: {  	s31 =	smul.u32 $0x18000, s5;
	s28 =	ssub.s32 s8, s9;
	s8 =	sadd.s32 s29, s11  }
0x9: {  	s9 =	simm.s32 $0x3;
	s3 =	sshrl.u32 s3, $0x3;
	s30 =	sadd.s32 s11, s10  }
0xa: {  	s5 =	smax.u32 s28, $0x1;
	s8 =	sadd.s32 s31, s8;
	s10 =	simm.s32 $0x60  }
0xb: {  	s11 =	simm.s32 $0x1800;
	s7 =	sadd.s32 s3, s6;
	s3 =	sadd.s32 $0x2EC00, s6  }
0xc: {  	s6 =	sadd.s32 $0x17400, s30;
	s4 =	sadd.s32 $0x28C00, s7;
	s7 =	sadd.s32 $0x17A00, s30  }
.LBB2_1:
0xd: {  	[tilespmem:s2], [sflag:$0x3] =	stream.linear.gather [hbm4b:s4+s2], $0x1800, $0x38;
	[tilespmem:$0x7800] =	vst v63  }
0xe: {  	_ =	swait.ge [sflag:s9], $0x1800  }
0xf: {  	[sflag:s9] =	ssyncset.done $0x0  }
0x10: {  	[sflag:s9] =	ssyncadd.s32 $0xFFFFE800  }
0x11: {  	[tilespmem:s11], [sflag:$0x1] =	stream.indirect.gather [hbm4b:s3+s10], $0x80, s2, s10, $0xb8;
	[tilespmem:$0x7800] =	vst v63  }
0x12: {  	_ = 	snop  }
0x13: {  	[tilespmem:s12], [sflag:$0x2] =	stream.indirect.gather [hbm4b:s3+s10], $0x80, s10, s10, $0xb8;
	[tilespmem:$0x7800] =	vst v63  }
0x14: {  	_ =	swait.ge [sflag:s13], $0x3000  }
0x15: {  	[sflag:s13] =	ssyncset.done $0x0  }
0x16: {  	s16 =	sadd.s32 $0x0, s8;
	[sflag:s13] =	ssyncadd.s32 $0xFFFFD000  }
0x17: {  	[hbm4b:s16+s2] =	stream.linear.scatter [tilespmem:s11], [sflag:$0x3], $0x3000, $0x38;
	[tilespmem:$0x7800] =	vst v63  }
0x18: {  	_ =	swait.ge [sflag:s9], $0x3000  }
0x19: {  	[sflag:s9] =	ssyncset.done $0x0  }
0x1a: {  	s17 =	simm.s32 $0xC0;
	[sflag:s9] =	ssyncadd.s32 $0xFFFFD000  }
0x1b: {  	[tilespmem:s11], [sflag:$0x1] =	stream.indirect.gather [hbm4b:s3+s10], $0x80, s17, s10, $0xb8;
	[tilespmem:$0x7800] =	vst v63  }
0x1c: {  	_ =	swait.ge [sflag:s14], $0x3000  }
0x1d: {  	[sflag:s14] =	ssyncset.done $0x0  }
0x1e: {  	s16 =	sadd.s32 $0x600, s16;
	[sflag:s14] =	ssyncadd.s32 $0xFFFFD000  }
0x1f: {  	[hbm4b:s16+s2] =	stream.linear.scatter [tilespmem:s12], [sflag:$0x3], $0x3000, $0x38;
	[tilespmem:$0x7800] =	vst v63  }
0x20: {  	_ =	swait.ge [sflag:s9], $0x3000  }
0x21: {  	s18 =	simm.s32 $0x1E0;
	[sflag:s9] =	ssyncset.done $0x0  }
0x22: {  	s17 =	simm.s32 $0xC00;
	s16 =	simm.s32 $0x120;
	[sflag:s9] =	ssyncadd.s32 $0xFFFFD000  }
.LBB2_2:
0x23: {  	[tilespmem:s12], [sflag:$0x2] =	stream.indirect.gather [hbm4b:s3+s10], $0x80, s16, s10, $0xb8;
	[tilespmem:$0x7800] =	vst v63  }
0x24: {  	s19 =	smov.u32 s17;
	s16 =	smov.u32 s18  }
0x25: {  	p0 =	sne.s32 s17, $0x16800;
	s17 =	sadd.s32 $0xC00, s17;
	_ =	swait.ge [sflag:s13], $0x3000  }
0x26: {  	[sflag:s13] =	ssyncset.done $0x0  }
0x27: {  	s19 =	sadd.s32 s19, s8;
	[sflag:s13] =	ssyncadd.s32 $0xFFFFD000  }
0x28: {  	[hbm4b:s19+s2] =	stream.linear.scatter [tilespmem:s11], [sflag:$0x3], $0x3000, $0x38;
	[tilespmem:$0x7800] =	vst v63  }
0x29: {  	_ =	swait.ge [sflag:s9], $0x3000  }
0x2a: {  	[sflag:s9] =	ssyncset.done $0x0  }
0x2b: {  	s20 =	sadd.s32 $0xFFFFFFA0, s18;
	[sflag:s9] =	ssyncadd.s32 $0xFFFFD000  }
0x2c: {  	[tilespmem:s11], [sflag:$0x1] =	stream.indirect.gather [hbm4b:s3+s10], $0x80, s20, s10, $0xb8;
	[tilespmem:$0x7800] =	vst v63  }
0x2d: {  	_ =	swait.ge [sflag:s14], $0x3000  }
0x2e: {  	[sflag:s14] =	ssyncset.done $0x0  }
.Ltmp0:
0x2f: {  	s19 =	sadd.s32 $0x600, s19;
	[sflag:s14] =	ssyncadd.s32 $0xFFFFD000;
	(pc) =	sbr.rel @p0 .LBB2_2-.Ltmp0, $4  }
0x30: {  	[hbm4b:s19+s2] =	stream.linear.scatter [tilespmem:s12], [sflag:$0x3], $0x3000, $0x38;
	[tilespmem:$0x7800] =	vst v63  }
0x31: {  	_ =	swait.ge [sflag:s9], $0x3000  }
0x32: {  	[sflag:s9] =	ssyncset.done $0x0  }
0x33: {  	s18 =	sadd.s32 $0xC0, s18;
	[sflag:s9] =	ssyncadd.s32 $0xFFFFD000  }
0x34: {  	[tilespmem:s12], [sflag:$0x2] =	stream.indirect.gather [hbm4b:s3+s10], $0x80, s16, s10, $0xb8;
	[tilespmem:$0x7800] =	vst v63  }
0x35: {  	_ =	swait.ge [sflag:s13], $0x3000  }
0x36: {  	[sflag:s13] =	ssyncset.done $0x0  }
0x37: {  	[sflag:s13] =	ssyncadd.s32 $0xFFFFD000  }
0x38: {  	[hbm4b:s6+s2] =	stream.linear.scatter [tilespmem:s11], [sflag:$0x3], $0x3000, $0x38;
	[tilespmem:$0x7800] =	vst v63  }
0x39: {  	_ =	swait.ge [sflag:s9], $0x3000  }
0x3a: {  	[sflag:s9] =	ssyncset.done $0x0  }
0x3b: {  	[sflag:s9] =	ssyncadd.s32 $0xFFFFD000  }
0x3c: {  	s15 =	sadd.s32 $0x1, s15;
	_ =	swait.ge [sflag:s14], $0x3000  }
0x3d: {  	p0 =	sne.s32 s15, s5;
	[sflag:s14] =	ssyncset.done $0x0  }
.Ltmp1:
0x3e: {  	[sflag:s14] =	ssyncadd.s32 $0xFFFFD000;
	(pc) =	sbr.rel @p0 .LBB2_1-.Ltmp1, $4  }
0x3f: {  	[hbm4b:s7+s2] =	stream.linear.scatter [tilespmem:s12], [sflag:$0x3], $0x3000, $0x38;
	[tilespmem:$0x7800] =	vst v63  }
0x40: {  	_ =	swait.ge [sflag:s9], $0x3000  }
0x41: {  	[sflag:s9] =	ssyncset.done $0x0  }
0x42: {  	[sflag:s9] =	ssyncadd.s32 $0xFFFFD000  }
0x43: {  	_ =	sfence.sel $0x180000  }
0x44: {  	[bflag:$0x0] =	sbarrier.arrive $0xFFFF  }
0x45: {  	p0 =	sne.s32 s0, $0x0;
	_ =	strace $0x90000047  }
0x46: {  	s0 =	sadd.s32 @!p0 $0x100000, s1;
	[bflag:$0x2] =	sbarrier.arrive $0xFFFF  }
0x47: {  	[sflag:s0] =	ssyncadd.tile.s32 @!p0 $0x1;
	_ =	shalt  }
.Lfunc_end2:
_tile_overlayer_lowered:
.L_overlay_start_2:
0x48: {  	(tag) =	ssettag $0x2  }
0x49: {  	s0 =	rddreg [dreg:$0x0];
	s2 =	stileid.u32  }
0x4a: {  	s1 =	rddreg [dreg:$0x1];
	p0 =	sne.s32 s2, $0x0  }
0x4b: {  	s3 =	rddreg [dreg:$0x2];
	[bflag:$0x3] =	sbarrier.arrive $0xFFFF;
	s2 =	simm.s32 @!p0 $0x1C03  }
0x4c: {  	[timem:s3], [sflag:s2] =	dma.local @!p0 [hbm:s0], s1  }
0x4d: {  	s0 =	simm.s32 @!p0 $0x3  }
0x4e: {  	_ =	swait.ge @!p0 [sflag:s0], s1  }
0x4f: {  	s1 =	ssub.s32 @!p0 $0x0, s1;
	[sflag:s0] =	ssyncset.done @!p0 $0x0  }
0x50: {  	[sflag:s0] =	ssyncadd.s32 @!p0 s1  }
0x51: {  	[bflag:$0x3] =	sbarrier.arrive $0xFFFF  }
0x52: {  	_ =	shalt  }

// kernel: kernel.31.cloned.1.call-start
scs
__scs_entry_jumppad:
0x0: {  	(pc) =	sbr.rel $0x88, $3  }
0x1: {  	(tag) =	ssettag $0x0;
	lr =	simm.s32 $0x1  }
0x2: {  	[smem:$0x3F88] =	sst lr;
	_ =	strace $0xD0000000  }
0x3: {  	_ = 	snop  }
0x4: {  	_ = 	snop  }
0x5: {  	_ = 	snop  }
0x6: {  	_ = 	snop  }
0x7: {  	_ = 	snop  }
__scs_overlays_trampoline_lowered:
0x8: {  	[smem:$0x3F97] =	sst s0  }
0x9: {  	[smem:$0x3F98] =	sst s1  }
0xa: {  	[smem:$0x3F99] =	sst s2  }
0xb: {  	[smem:$0x3F9A] =	sst s3  }
0xc: {  	[smem:$0x3F9B] =	sst s4  }
0xd: {  	[smem:$0x3F9C] =	sst s5  }
0xe: {  	[smem:$0x3F9D] =	sst s6  }
0xf: {  	[smem:$0x3F9E] =	sst s7  }
0x10: {  	[smem:$0x3F9F] =	sst s8  }
0x11: {  	[smem:$0x3FA0] =	sst s9;
	s0 =	simm.s32 @!p0 $0x0  }
0x12: {  	s1 =	sld [smem:$0x3F86];
	s0 =	simm.s32 @p0 $0x1  }
0x13: {  	[smem:$0x3FA1] =	sst s0;
	s0 =	simm.s32 @!p1 $0x0  }
0x14: {  	s2 =	sld [smem:$0x3F85];
	s0 =	simm.s32 @p1 $0x1  }
0x15: {  	[smem:$0x3FA2] =	sst s0;
	s0 =	simm.s32 @!p2 $0x0  }
0x16: {  	s3 =	sld [smem:$0x3FDB];
	s0 =	simm.s32 @p2 $0x1  }
0x17: {  	s4 =	simm.s32 $0x1BF5;
	[smem:$0x3FA4] =	sst s0  }
0x18: {  	s0 =	sld [smem:$0x3F87];
	_ =	swait.ge [sflag:s4], $0x0  }
0x19: {  	s7 =	sld [smem:$0x3F88]  }
0x1a: {  	s8 =	sadd.s32 $0xFFFFE003, lr  }
0x1b: {  	s9 =	sadd.s32 $0xFFFFFEF7, lr;
	s5 =	simm.s32 $0xFFFFFFFF;
	p2 =	slt.u32 s8, $0xFFFFF086  }
0x1c: {  	p1 =	slt.u32 s9, $0xF7A;
	s5 =	simm.s32 @!p2 $0x0  }
0x1d: {  	s5 =	simm.s32 @p1 $0x1;
	p0 =	seq.s32 s7, s2  }
0x1e: {  	s7 =	smul.u32 @!p0 $0xF7A, s2;
	p2 =	seq.s32 @!p0 s5, $0x0  }
0x1f: {  	s9 =	smul.u32 $0xF7A, s1;
	s8 =	simm.s32 @!p0 $0x1BF5;
	p2 =	por !p2, p0  }
0x20: {  	[sflag:s8] =	ssyncset.s32 @!p0 $0xFFFFF086;
	s6 =	sadd.s32 @!p0 s3, s7;
	s7 =	simm.s32 @!p0 $0x108  }
0x21: {  	s3 =	sadd.s32 s3, s9;
	s6 =	sadd.s32 @!p0 $0x88, s6;
	s7 =	simm.s32 @p2 $0x1082  }
0x22: {  	[simem:s7], [sflag:s8] =	dma.local @!p0 [hbm:s6], $0xF7A  }
0x23: {  	s9 =	sor.u32 $0xD0000000, s2;
	s6 =	simm.s32 $0x108;
	_ =	swait.ge @!p0 [sflag:s8], $0x0  }
0x24: {  	s3 =	sadd.s32 $0x88, s3;
	s6 =	simm.s32 @!p1 $0x1082;
	[sflag:s4] =	ssyncset.s32 $0xFFFFF086  }
0x25: {  	[simem:s6], [sflag:s4] =	dma.local [hbm:s3], $0xF7A  }
0x26: {  	[smem:$0x3F88] =	sst s1;
	(tag) =	ssettag s2;
	_ =	strace s9  }
0x27: {  	s1 =	sld [smem:$0x3F98]  }
0x28: {  	s2 =	sld [smem:$0x3F99]  }
0x29: {  	s4 =	sld [smem:$0x3F9B]  }
0x2a: {  	p0 =	seq.s32 s5, $0x0;
	s5 =	sld [smem:$0x3F9C]  }
0x2b: {  	s6 =	sld [smem:$0x3F9D]  }
0x2c: {  	s7 =	sld [smem:$0x3F9E]  }
0x2d: {  	s3 =	simm.s32 $0x108;
	s8 =	sld [smem:$0x3F9F]  }
0x2e: {  	s3 =	simm.s32 @!p0 $0x1082;
	s9 =	sld [smem:$0x3FA0]  }
0x2f: {  	lr =	sadd.s32 s0, s3;
	s0 =	sld [smem:$0x3F97]  }
0x30: {  	s3 =	sld [smem:$0x3F9A]  }
0x31: {  	[smem:$0x3FA3] =	sst s10  }
0x32: {  	s10 =	sld [smem:$0x3FA1];
	_ =	sdelay $0x3  }
0x33: {  	p0 =	seq.s32 s10, $0x1;
	s10 =	sld [smem:$0x3FA3];
	_ =	sdelay $0x3  }
0x34: {  	[smem:$0x3FA3] =	sst s10  }
0x35: {  	s10 =	sld [smem:$0x3FA2];
	_ =	sdelay $0x3  }
0x36: {  	p1 =	seq.s32 s10, $0x1;
	s10 =	sld [smem:$0x3FA3];
	_ =	sdelay $0x3  }
0x37: {  	[smem:$0x3FA3] =	sst s10  }
0x38: {  	s10 =	sld [smem:$0x3FA4]  }
0x39: {  	_ = 	snop;
	(pc) =	sbr.ind lr, $3  }
0x3a: {  	_ = 	snop  }
0x3b: {  	_ = 	snop  }
0x3c: {  	p2 =	seq.s32 s10, $0x1;
	s10 =	sld [smem:$0x3FA3]  }
0x3d: {  	_ =	shalt  }
0x3e: {  	_ =	shalt  }
0x3f: {  	_ =	shalt  }
0x40: {  	_ =	shalt  }
0x41: {  	_ =	shalt  }
0x42: {  	_ =	shalt  }
0x43: {  	_ =	shalt  }
0x44: {  	_ =	shalt  }
0x45: {  	_ =	shalt  }
0x46: {  	_ =	shalt  }
0x47: {  	_ =	shalt  }
0x48: {  	_ =	shalt  }
0x49: {  	_ =	shalt  }
0x4a: {  	_ =	shalt  }
0x4b: {  	_ =	shalt  }
0x4c: {  	_ =	shalt  }
0x4d: {  	_ =	shalt  }
0x4e: {  	_ =	shalt  }
0x4f: {  	_ =	shalt  }
0x50: {  	_ =	shalt  }
0x51: {  	_ =	shalt  }
0x52: {  	_ =	shalt  }
0x53: {  	_ =	shalt  }
0x54: {  	_ =	shalt  }
0x55: {  	_ =	shalt  }
0x56: {  	_ =	shalt  }
0x57: {  	_ =	shalt  }
0x58: {  	_ =	shalt  }
0x59: {  	_ =	shalt  }
0x5a: {  	_ =	shalt  }
0x5b: {  	_ =	shalt  }
0x5c: {  	_ =	shalt  }
0x5d: {  	_ =	shalt  }
0x5e: {  	_ =	shalt  }
0x5f: {  	_ =	shalt  }
0x60: {  	_ =	shalt  }
0x61: {  	_ =	shalt  }
0x62: {  	_ =	shalt  }
0x63: {  	_ =	shalt  }
0x64: {  	_ =	shalt  }
0x65: {  	_ =	shalt  }
0x66: {  	_ =	shalt  }
0x67: {  	_ =	shalt  }
0x68: {  	_ =	shalt  }
0x69: {  	_ =	shalt  }
0x6a: {  	_ =	shalt  }
0x6b: {  	_ =	shalt  }
0x6c: {  	_ =	shalt  }
0x6d: {  	_ =	shalt  }
0x6e: {  	_ =	shalt  }
0x6f: {  	_ =	shalt  }
0x70: {  	_ =	shalt  }
0x71: {  	_ =	shalt  }
0x72: {  	_ =	shalt  }
0x73: {  	_ =	shalt  }
0x74: {  	_ =	shalt  }
0x75: {  	_ =	shalt  }
0x76: {  	_ =	shalt  }
0x77: {  	_ =	shalt  }
0x78: {  	_ =	shalt  }
0x79: {  	_ =	shalt  }
0x7a: {  	_ =	shalt  }
0x7b: {  	_ =	shalt  }
0x7c: {  	_ =	shalt  }
0x7d: {  	_ =	shalt  }
0x7e: {  	_ =	shalt  }
0x7f: {  	_ =	shalt  }
0x80: {  	_ =	shalt  }
0x81: {  	_ =	shalt  }
0x82: {  	_ =	shalt  }
0x83: {  	_ =	shalt  }
0x84: {  	_ =	shalt  }
0x85: {  	_ =	shalt  }
0x86: {  	_ =	shalt  }
0x87: {  	_ =	shalt  }
.Lfunc_end0:
.L_simem_size_0:
called_computation.1_lowered:
.L_overlay_start_0:
0x88: {  	s2 =	sld [smem:$0x3FD9]  }
0x89: {  	s3 =	sld [smem:$0x3FFE];
	_ =	sdelay $0x1  }
0x8a: {  	s1 =	srdreg.scid  }
0x8b: {  	s0 =	sand.u32 $0x1, s1  }
0x8c: {  	s17 =	sshll.u32 s0, $0xA;
	s2 =	sadd.s32 s3, s2  }
0x8d: {  	s2 =	sadd.s32 s2, s17  }
0x8e: {  	[smem:$0x3FAF] =	sst s2  }
0x8f: {  	_ = 	snop  }
0x90: {  	(tm) =	ssettm $0x1  }
0x91: {  	s18 =	sld [smem:$0x3FFB];
	_ =	sdelay $0x3  }
0x92: {  	_ =	strace s18  }
0x93: {  	s2 =	sld [smem:$0x3FFC];
	_ =	sdelay $0x3  }
0x94: {  	_ =	strace s2  }
0x95: {  	s2 =	sld [smem:$0x3FFD];
	_ =	sdelay $0x3  }
0x96: {  	_ =	strace s2  }
0x97: {  	_ =	strace $0x8FFFFFFF  }
0x98: {  	s19 =	sld [smem:$0x3FDB];
	_ =	sdelay $0x1  }
0x99: {  	s20 =	simm.s32 $_scs_section_size  }
0x9a: {  	s4 =	simm.s32 $_size__tile_overlayer_lowered;
	s5 =	simm.s32 $_tile_overlayer_lowered  }
0x9b: {  	s6 =	simm.s32 $0x1BFF;
	s21 =	sshll.u32 s5, $0x1;
	s3 =	sadd.s32 s20, s19  }
0x9c: {  	s22 =	simm.s32 $0x0;
	s4 =	sshll.u32 s4, $0x1;
	s5 =	sadd.s32 s21, s3  }
0x9d: {  	[timem:s22], [sflag:s6] =	dma.local [hbm:s5], s4  }
0x9e: {  	_ =	swait.ge [sflag:s6], s4  }
0x9f: {  	s4 =	ssub.s32 $0x0, s4;
	[sflag:s6] =	ssyncset.done $0x0  }
0xa0: {  	[sflag:s6] =	ssyncadd.s32 s4;
	_ =	sdelay $0x1  }
0xa1: {  	s23 =	simm.s32 $0x1B8B  }
0xa2: {  	_ =	swait.ge [sflag:s23], $0x1  }
0xa3: {  	[sflag:s23] =	ssyncset.done $0x0  }
0xa4: {  	[sflag:s23] =	ssyncadd.s32 $0xFFFFFFFF  }
0xa5: {  	s4 =	sld [smem:$0x0]  }
0xa6: {  	s5 =	sand.u32 $0xFFFFFFFE, s1  }
0xa7: {  	p0 =	sne.s32 s1, s5  }
0xa8: {  	s5 =	sshll.u32 @p0 s5, $0xE  }
0xa9: {  	s5 =	sadd.s32 @p0 $0x11B8D, s5;
	s6 =	sshll.u32 @p0 s4, $0x11  }
0xaa: {  	s5 =	sor.u32 @p0 s6, s5  }
0xab: {  	[sflag:s5] =	ssyncadd.remote.s32 @p0 $0x1;
	_ =	sdelay $0x1  }
0xac: {  	s5 =	simm.s32 @p0 $0x1B8D  }
0xad: {  	_ =	swait.eq @p0 [sflag:s5], $0x1  }
0xae: {  	[sflag:s5] =	ssyncadd.s32 @p0 $0xFFFFFFFF  }
0xaf: {  	s6 =	sshll.u32 @!p0 s1, $0xE  }
0xb0: {  	s6 =	sor.u32 @!p0 $0x4000, s6;
	s5 =	simm.s32 @!p0 $0x1B8D  }
0xb1: {  	s4 =	sshll.u32 @!p0 s4, $0x11;
	s6 =	sadd.s32 @!p0 $0x11B8D, s6;
	_ =	swait.eq @!p0 [sflag:s5], $0x1  }
0xb2: {  	s4 =	sor.u32 @!p0 s4, s6;
	[sflag:s5] =	ssyncadd.s32 @!p0 $0xFFFFFFFF  }
0xb3: {  	s25 =	simm.s32 $0x1B8E;
	s24 =	sld [smem:$0x3FFE];
	[sflag:s4] =	ssyncadd.remote.s32 @!p0 $0x1  }
0xb4: {  	s26 =	simm.s32 $execute0_lowered;
	[smem:$0x3FD2] =	sst s25  }
0xb5: {  	s5 =	sshll.u32 s26, $0x1;
	_ =	strace $0x80000049;
	[dreg:$0x1] =	wrdreg $0xFFFFFFFF  }
0xb6: {  	s28 =	simm.s32 $_size_execute0_lowered;
	s3 =	sadd.s32 s3, s5;
	[dreg:$0x0] =	wrdreg $0x0  }
0xb7: {  	s5 =	sshll.u32 s28, $0x1;
	[dreg:$0x2] =	wrdreg s3  }
0xb8: {  	[dreg:$0x3] =	wrdreg s5  }
0xb9: {  	[dreg:$0x4] =	wrdreg $0xC0  }
0xba: {  	_ =	task [dreg:s22], $0x5FFFF  }
0xbb: {  	[dreg:$0x1] =	wrdreg $0xFFFFFFFF  }
0xbc: {  	[dreg:$0x0] =	wrdreg $0x60  }
0xbd: {  	[dreg:$0x2] =	wrdreg s24  }
0xbe: {  	[dreg:$0x3] =	wrdreg $0x9  }
0xbf: {  	_ =	task.clear_ibuf [dreg:s22], $0x4FFFF;
	_ =	strace $0x90000049  }
0xc0: {  	s29 =	simm.s32 $0x9;
	_ =	strace $0x8000004B  }
0xc1: {  	_ =	swait.ge [sflag:s29], $0x1  }
0xc2: {  	[sflag:s29] =	ssyncadd.s32 $0xFFFFFFFF  }
0xc3: {  	_ =	strace $0x9000004B  }
0xc4: {  	_ =	sfence  }
0xc5: {  	s30 =	sld [smem:$0x0];
	_ =	sdelay $0x2  }
0xc6: {  	s31 =	sshll.u32 s1, $0xD;
	s1 =	sshrl.u32 s1, $0x2  }
0xc7: {  	s4 =	sand.u32 $0x4000, s31;
	s1 =	sadd.s32 s1, s30  }
0xc8: {  	s0 =	sor.u32 s4, s0;
	s1 =	sshll.u32 s1, $0x11  }
0xc9: {  	s0 =	sor.u32 s1, s0  }
0xca: {  	s0 =	sadd.s32 $0x8F2B, s0  }
0xcb: {  	[sflag:s0] =	ssyncadd.remote.s32 $0x1  }
0xcc: {  	_ =	sfence.sel $0xFFFF  }
0xcd: {  	[dreg:$0x0] =	wrdreg $0xFFFFFFFF;
	(pc) =	sbr.abs _section_cstart, $3  }
0xce: {  	[dreg:$0x1] =	wrdreg $0xFFFFFFFF  }
0xcf: {  	_ =	task.clear_ibuf [dreg:s22], $0x2FFFF;
	_ =	strace $0x9FFFFFFF  }
0xd0: {  	(tm) =	ssettm $0x7FFFFFFF  }
0xd1: {  	_ =	shalt  }
tec
execute0_lowered:
.L_overlay_start_1:
0x0: {  	(tag) =	ssettag $0x1  }
0x1: {  	s1 =	srdreg.scid;
	s0 =	stileid.u32  }
0x2: {  	s6 =	rddreg [dreg:$0x0];
	s2 =	simm.s32 $0x0;
	s12 =	simm.s32 $0x4800  }
0x3: {  	s13 =	simm.s32 $0x1;
	s14 =	simm.s32 $0x2;
	s15 =	simm.s32 $0x0  }
0x4: {  	s5 =	sand.u32 $0x1, s1;
	s26 =	sshll.u32 s0, $0x1;
	s1 =	rddreg [dreg:$0x1]  }
0x5: {  	[smem:$0x7FF] =	sst s2;
	s29 =	smul.u32 $0x30000, s0;
	s4 =	sor.u32 s5, s26  }
0x6: {  	s11 =	sadd.s32 $0x394C00, s6;
	s8 =	ssub.s32 $0x2, s5;
	s3 =	smul.u32 $0x1800, s4  }
0x7: {  	_ =	strace $0x8000004A;
	s9 =	sshrl.u32 s8, $0x1;
	s10 =	smul.u32 $0x18000, s4  }
0x8: {  	s31 =	smul.u32 $0x18000, s5;
	s28 =	ssub.s32 s8, s9;
	s8 =	sadd.s32 s29, s11  }
0x9: {  	s9 =	simm.s32 $0x3;
	s3 =	sshrl.u32 s3, $0x3;
	s30 =	sadd.s32 s11, s10  }
0xa: {  	s5 =	smax.u32 s28, $0x1;
	s8 =	sadd.s32 s31, s8;
	s10 =	simm.s32 $0x60  }
0xb: {  	s11 =	simm.s32 $0x1800;
	s7 =	sadd.s32 s3, s6;
	s3 =	sadd.s32 $0x374C00, s6  }
0xc: {  	s6 =	sadd.s32 $0x17400, s30;
	s4 =	sadd.s32 $0x36EC00, s7;
	s7 =	sadd.s32 $0x17A00, s30  }
.LBB2_1:
0xd: {  	[tilespmem:s2], [sflag:$0x3] =	stream.linear.gather [hbm4b:s4+s2], $0x1800, $0x38;
	[tilespmem:$0x7800] =	vst v63  }
0xe: {  	_ =	swait.ge [sflag:s9], $0x1800  }
0xf: {  	[sflag:s9] =	ssyncset.done $0x0  }
0x10: {  	[sflag:s9] =	ssyncadd.s32 $0xFFFFE800  }
0x11: {  	[tilespmem:s11], [sflag:$0x1] =	stream.indirect.gather [hbm4b:s3+s10], $0x80, s2, s10, $0xb8;
	[tilespmem:$0x7800] =	vst v63  }
0x12: {  	_ = 	snop  }
0x13: {  	[tilespmem:s12], [sflag:$0x2] =	stream.indirect.gather [hbm4b:s3+s10], $0x80, s10, s10, $0xb8;
	[tilespmem:$0x7800] =	vst v63  }
0x14: {  	_ =	swait.ge [sflag:s13], $0x3000  }
0x15: {  	[sflag:s13] =	ssyncset.done $0x0  }
0x16: {  	s16 =	sadd.s32 $0x0, s8;
	[sflag:s13] =	ssyncadd.s32 $0xFFFFD000  }
0x17: {  	[hbm4b:s16+s2] =	stream.linear.scatter [tilespmem:s11], [sflag:$0x3], $0x3000, $0x38;
	[tilespmem:$0x7800] =	vst v63  }
0x18: {  	_ =	swait.ge [sflag:s9], $0x3000  }
0x19: {  	[sflag:s9] =	ssyncset.done $0x0  }
0x1a: {  	s17 =	simm.s32 $0xC0;
	[sflag:s9] =	ssyncadd.s32 $0xFFFFD000  }
0x1b: {  	[tilespmem:s11], [sflag:$0x1] =	stream.indirect.gather [hbm4b:s3+s10], $0x80, s17, s10, $0xb8;
	[tilespmem:$0x7800] =	vst v63  }
0x1c: {  	_ =	swait.ge [sflag:s14], $0x3000  }
0x1d: {  	[sflag:s14] =	ssyncset.done $0x0  }
0x1e: {  	s16 =	sadd.s32 $0x600, s16;
	[sflag:s14] =	ssyncadd.s32 $0xFFFFD000  }
0x1f: {  	[hbm4b:s16+s2] =	stream.linear.scatter [tilespmem:s12], [sflag:$0x3], $0x3000, $0x38;
	[tilespmem:$0x7800] =	vst v63  }
0x20: {  	_ =	swait.ge [sflag:s9], $0x3000  }
0x21: {  	s18 =	simm.s32 $0x1E0;
	[sflag:s9] =	ssyncset.done $0x0  }
0x22: {  	s17 =	simm.s32 $0xC00;
	s16 =	simm.s32 $0x120;
	[sflag:s9] =	ssyncadd.s32 $0xFFFFD000  }
.LBB2_2:
0x23: {  	[tilespmem:s12], [sflag:$0x2] =	stream.indirect.gather [hbm4b:s3+s10], $0x80, s16, s10, $0xb8;
	[tilespmem:$0x7800] =	vst v63  }
0x24: {  	s19 =	smov.u32 s17;
	s16 =	smov.u32 s18  }
0x25: {  	p0 =	sne.s32 s17, $0x16800;
	s17 =	sadd.s32 $0xC00, s17;
	_ =	swait.ge [sflag:s13], $0x3000  }
0x26: {  	[sflag:s13] =	ssyncset.done $0x0  }
0x27: {  	s19 =	sadd.s32 s19, s8;
	[sflag:s13] =	ssyncadd.s32 $0xFFFFD000  }
0x28: {  	[hbm4b:s19+s2] =	stream.linear.scatter [tilespmem:s11], [sflag:$0x3], $0x3000, $0x38;
	[tilespmem:$0x7800] =	vst v63  }
0x29: {  	_ =	swait.ge [sflag:s9], $0x3000  }
0x2a: {  	[sflag:s9] =	ssyncset.done $0x0  }
0x2b: {  	s20 =	sadd.s32 $0xFFFFFFA0, s18;
	[sflag:s9] =	ssyncadd.s32 $0xFFFFD000  }
0x2c: {  	[tilespmem:s11], [sflag:$0x1] =	stream.indirect.gather [hbm4b:s3+s10], $0x80, s20, s10, $0xb8;
	[tilespmem:$0x7800] =	vst v63  }
0x2d: {  	_ =	swait.ge [sflag:s14], $0x3000  }
0x2e: {  	[sflag:s14] =	ssyncset.done $0x0  }
.Ltmp0:
0x2f: {  	s19 =	sadd.s32 $0x600, s19;
	[sflag:s14] =	ssyncadd.s32 $0xFFFFD000;
	(pc) =	sbr.rel @p0 .LBB2_2-.Ltmp0, $4  }
0x30: {  	[hbm4b:s19+s2] =	stream.linear.scatter [tilespmem:s12], [sflag:$0x3], $0x3000, $0x38;
	[tilespmem:$0x7800] =	vst v63  }
0x31: {  	_ =	swait.ge [sflag:s9], $0x3000  }
0x32: {  	[sflag:s9] =	ssyncset.done $0x0  }
0x33: {  	s18 =	sadd.s32 $0xC0, s18;
	[sflag:s9] =	ssyncadd.s32 $0xFFFFD000  }
0x34: {  	[tilespmem:s12], [sflag:$0x2] =	stream.indirect.gather [hbm4b:s3+s10], $0x80, s16, s10, $0xb8;
	[tilespmem:$0x7800] =	vst v63  }
0x35: {  	_ =	swait.ge [sflag:s13], $0x3000  }
0x36: {  	[sflag:s13] =	ssyncset.done $0x0  }
0x37: {  	[sflag:s13] =	ssyncadd.s32 $0xFFFFD000  }
0x38: {  	[hbm4b:s6+s2] =	stream.linear.scatter [tilespmem:s11], [sflag:$0x3], $0x3000, $0x38;
	[tilespmem:$0x7800] =	vst v63  }
0x39: {  	_ =	swait.ge [sflag:s9], $0x3000  }
0x3a: {  	[sflag:s9] =	ssyncset.done $0x0  }
0x3b: {  	[sflag:s9] =	ssyncadd.s32 $0xFFFFD000  }
0x3c: {  	s15 =	sadd.s32 $0x1, s15;
	_ =	swait.ge [sflag:s14], $0x3000  }
0x3d: {  	p0 =	sne.s32 s15, s5;
	[sflag:s14] =	ssyncset.done $0x0  }
.Ltmp1:
0x3e: {  	[sflag:s14] =	ssyncadd.s32 $0xFFFFD000;
	(pc) =	sbr.rel @p0 .LBB2_1-.Ltmp1, $4  }
0x3f: {  	[hbm4b:s7+s2] =	stream.linear.scatter [tilespmem:s12], [sflag:$0x3], $0x3000, $0x38;
	[tilespmem:$0x7800] =	vst v63  }
0x40: {  	_ =	swait.ge [sflag:s9], $0x3000  }
0x41: {  	[sflag:s9] =	ssyncset.done $0x0  }
0x42: {  	[sflag:s9] =	ssyncadd.s32 $0xFFFFD000  }
0x43: {  	_ =	sfence.sel $0x180000  }
0x44: {  	[bflag:$0x0] =	sbarrier.arrive $0xFFFF  }
0x45: {  	p0 =	sne.s32 s0, $0x0;
	_ =	strace $0x9000004A  }
0x46: {  	s0 =	sadd.s32 @!p0 $0x100000, s1;
	[bflag:$0x2] =	sbarrier.arrive $0xFFFF  }
0x47: {  	[sflag:s0] =	ssyncadd.tile.s32 @!p0 $0x1;
	_ =	shalt  }
.Lfunc_end2:
_tile_overlayer_lowered:
.L_overlay_start_2:
0x48: {  	(tag) =	ssettag $0x2  }
0x49: {  	s0 =	rddreg [dreg:$0x0];
	s2 =	stileid.u32  }
0x4a: {  	s1 =	rddreg [dreg:$0x1];
	p0 =	sne.s32 s2, $0x0  }
0x4b: {  	s3 =	rddreg [dreg:$0x2];
	[bflag:$0x3] =	sbarrier.arrive $0xFFFF;
	s2 =	simm.s32 @!p0 $0x1C03  }
0x4c: {  	[timem:s3], [sflag:s2] =	dma.local @!p0 [hbm:s0], s1  }
0x4d: {  	s0 =	simm.s32 @!p0 $0x3  }
0x4e: {  	_ =	swait.ge @!p0 [sflag:s0], s1  }
0x4f: {  	s1 =	ssub.s32 @!p0 $0x0, s1;
	[sflag:s0] =	ssyncset.done @!p0 $0x0  }
0x50: {  	[sflag:s0] =	ssyncadd.s32 @!p0 s1  }
0x51: {  	[bflag:$0x3] =	sbarrier.arrive $0xFFFF  }
0x52: {  	_ =	shalt  }

// kernel: kernel.34.cloned.1.call-start
scs
__scs_entry_jumppad:
0x0: {  	(pc) =	sbr.rel $0x88, $3  }
0x1: {  	(tag) =	ssettag $0x0;
	lr =	simm.s32 $0x1  }
0x2: {  	[smem:$0x3F88] =	sst lr;
	_ =	strace $0xD0000000  }
0x3: {  	_ = 	snop  }
0x4: {  	_ = 	snop  }
0x5: {  	_ = 	snop  }
0x6: {  	_ = 	snop  }
0x7: {  	_ = 	snop  }
__scs_overlays_trampoline_lowered:
0x8: {  	[smem:$0x3F97] =	sst s0  }
0x9: {  	[smem:$0x3F98] =	sst s1  }
0xa: {  	[smem:$0x3F99] =	sst s2  }
0xb: {  	[smem:$0x3F9A] =	sst s3  }
0xc: {  	[smem:$0x3F9B] =	sst s4  }
0xd: {  	[smem:$0x3F9C] =	sst s5  }
0xe: {  	[smem:$0x3F9D] =	sst s6  }
0xf: {  	[smem:$0x3F9E] =	sst s7  }
0x10: {  	[smem:$0x3F9F] =	sst s8  }
0x11: {  	[smem:$0x3FA0] =	sst s9;
	s0 =	simm.s32 @!p0 $0x0  }
0x12: {  	s1 =	sld [smem:$0x3F86];
	s0 =	simm.s32 @p0 $0x1  }
0x13: {  	[smem:$0x3FA1] =	sst s0;
	s0 =	simm.s32 @!p1 $0x0  }
0x14: {  	s2 =	sld [smem:$0x3F85];
	s0 =	simm.s32 @p1 $0x1  }
0x15: {  	[smem:$0x3FA2] =	sst s0;
	s0 =	simm.s32 @!p2 $0x0  }
0x16: {  	s3 =	sld [smem:$0x3FDB];
	s0 =	simm.s32 @p2 $0x1  }
0x17: {  	s4 =	simm.s32 $0x1BF5;
	[smem:$0x3FA4] =	sst s0  }
0x18: {  	s0 =	sld [smem:$0x3F87];
	_ =	swait.ge [sflag:s4], $0x0  }
0x19: {  	s7 =	sld [smem:$0x3F88]  }
0x1a: {  	s8 =	sadd.s32 $0xFFFFE003, lr  }
0x1b: {  	s9 =	sadd.s32 $0xFFFFFEF7, lr;
	s5 =	simm.s32 $0xFFFFFFFF;
	p2 =	slt.u32 s8, $0xFFFFF086  }
0x1c: {  	p1 =	slt.u32 s9, $0xF7A;
	s5 =	simm.s32 @!p2 $0x0  }
0x1d: {  	s5 =	simm.s32 @p1 $0x1;
	p0 =	seq.s32 s7, s2  }
0x1e: {  	s7 =	smul.u32 @!p0 $0xF7A, s2;
	p2 =	seq.s32 @!p0 s5, $0x0  }
0x1f: {  	s9 =	smul.u32 $0xF7A, s1;
	s8 =	simm.s32 @!p0 $0x1BF5;
	p2 =	por !p2, p0  }
0x20: {  	[sflag:s8] =	ssyncset.s32 @!p0 $0xFFFFF086;
	s6 =	sadd.s32 @!p0 s3, s7;
	s7 =	simm.s32 @!p0 $0x108  }
0x21: {  	s3 =	sadd.s32 s3, s9;
	s6 =	sadd.s32 @!p0 $0x88, s6;
	s7 =	simm.s32 @p2 $0x1082  }
0x22: {  	[simem:s7], [sflag:s8] =	dma.local @!p0 [hbm:s6], $0xF7A  }
0x23: {  	s9 =	sor.u32 $0xD0000000, s2;
	s6 =	simm.s32 $0x108;
	_ =	swait.ge @!p0 [sflag:s8], $0x0  }
0x24: {  	s3 =	sadd.s32 $0x88, s3;
	s6 =	simm.s32 @!p1 $0x1082;
	[sflag:s4] =	ssyncset.s32 $0xFFFFF086  }
0x25: {  	[simem:s6], [sflag:s4] =	dma.local [hbm:s3], $0xF7A  }
0x26: {  	[smem:$0x3F88] =	sst s1;
	(tag) =	ssettag s2;
	_ =	strace s9  }
0x27: {  	s1 =	sld [smem:$0x3F98]  }
0x28: {  	s2 =	sld [smem:$0x3F99]  }
0x29: {  	s4 =	sld [smem:$0x3F9B]  }
0x2a: {  	p0 =	seq.s32 s5, $0x0;
	s5 =	sld [smem:$0x3F9C]  }
0x2b: {  	s6 =	sld [smem:$0x3F9D]  }
0x2c: {  	s7 =	sld [smem:$0x3F9E]  }
0x2d: {  	s3 =	simm.s32 $0x108;
	s8 =	sld [smem:$0x3F9F]  }
0x2e: {  	s3 =	simm.s32 @!p0 $0x1082;
	s9 =	sld [smem:$0x3FA0]  }
0x2f: {  	lr =	sadd.s32 s0, s3;
	s0 =	sld [smem:$0x3F97]  }
0x30: {  	s3 =	sld [smem:$0x3F9A]  }
0x31: {  	[smem:$0x3FA3] =	sst s10  }
0x32: {  	s10 =	sld [smem:$0x3FA1];
	_ =	sdelay $0x3  }
0x33: {  	p0 =	seq.s32 s10, $0x1;
	s10 =	sld [smem:$0x3FA3];
	_ =	sdelay $0x3  }
0x34: {  	[smem:$0x3FA3] =	sst s10  }
0x35: {  	s10 =	sld [smem:$0x3FA2];
	_ =	sdelay $0x3  }
0x36: {  	p1 =	seq.s32 s10, $0x1;
	s10 =	sld [smem:$0x3FA3];
	_ =	sdelay $0x3  }
0x37: {  	[smem:$0x3FA3] =	sst s10  }
0x38: {  	s10 =	sld [smem:$0x3FA4]  }
0x39: {  	_ = 	snop;
	(pc) =	sbr.ind lr, $3  }
0x3a: {  	_ = 	snop  }
0x3b: {  	_ = 	snop  }
0x3c: {  	p2 =	seq.s32 s10, $0x1;
	s10 =	sld [smem:$0x3FA3]  }
0x3d: {  	_ =	shalt  }
0x3e: {  	_ =	shalt  }
0x3f: {  	_ =	shalt  }
0x40: {  	_ =	shalt  }
0x41: {  	_ =	shalt  }
0x42: {  	_ =	shalt  }
0x43: {  	_ =	shalt  }
0x44: {  	_ =	shalt  }
0x45: {  	_ =	shalt  }
0x46: {  	_ =	shalt  }
0x47: {  	_ =	shalt  }
0x48: {  	_ =	shalt  }
0x49: {  	_ =	shalt  }
0x4a: {  	_ =	shalt  }
0x4b: {  	_ =	shalt  }
0x4c: {  	_ =	shalt  }
0x4d: {  	_ =	shalt  }
0x4e: {  	_ =	shalt  }
0x4f: {  	_ =	shalt  }
0x50: {  	_ =	shalt  }
0x51: {  	_ =	shalt  }
0x52: {  	_ =	shalt  }
0x53: {  	_ =	shalt  }
0x54: {  	_ =	shalt  }
0x55: {  	_ =	shalt  }
0x56: {  	_ =	shalt  }
0x57: {  	_ =	shalt  }
0x58: {  	_ =	shalt  }
0x59: {  	_ =	shalt  }
0x5a: {  	_ =	shalt  }
0x5b: {  	_ =	shalt  }
0x5c: {  	_ =	shalt  }
0x5d: {  	_ =	shalt  }
0x5e: {  	_ =	shalt  }
0x5f: {  	_ =	shalt  }
0x60: {  	_ =	shalt  }
0x61: {  	_ =	shalt  }
0x62: {  	_ =	shalt  }
0x63: {  	_ =	shalt  }
0x64: {  	_ =	shalt  }
0x65: {  	_ =	shalt  }
0x66: {  	_ =	shalt  }
0x67: {  	_ =	shalt  }
0x68: {  	_ =	shalt  }
0x69: {  	_ =	shalt  }
0x6a: {  	_ =	shalt  }
0x6b: {  	_ =	shalt  }
0x6c: {  	_ =	shalt  }
0x6d: {  	_ =	shalt  }
0x6e: {  	_ =	shalt  }
0x6f: {  	_ =	shalt  }
0x70: {  	_ =	shalt  }
0x71: {  	_ =	shalt  }
0x72: {  	_ =	shalt  }
0x73: {  	_ =	shalt  }
0x74: {  	_ =	shalt  }
0x75: {  	_ =	shalt  }
0x76: {  	_ =	shalt  }
0x77: {  	_ =	shalt  }
0x78: {  	_ =	shalt  }
0x79: {  	_ =	shalt  }
0x7a: {  	_ =	shalt  }
0x7b: {  	_ =	shalt  }
0x7c: {  	_ =	shalt  }
0x7d: {  	_ =	shalt  }
0x7e: {  	_ =	shalt  }
0x7f: {  	_ =	shalt  }
0x80: {  	_ =	shalt  }
0x81: {  	_ =	shalt  }
0x82: {  	_ =	shalt  }
0x83: {  	_ =	shalt  }
0x84: {  	_ =	shalt  }
0x85: {  	_ =	shalt  }
0x86: {  	_ =	shalt  }
0x87: {  	_ =	shalt  }
.Lfunc_end0:
.L_simem_size_0:
called_computation.2_lowered:
.L_overlay_start_0:
0x88: {  	s2 =	sld [smem:$0x3FD9]  }
0x89: {  	s3 =	sld [smem:$0x3FFE];
	_ =	sdelay $0x1  }
0x8a: {  	s1 =	srdreg.scid  }
0x8b: {  	s0 =	sand.u32 $0x1, s1  }
0x8c: {  	s17 =	sshll.u32 s0, $0xA;
	s2 =	sadd.s32 s3, s2  }
0x8d: {  	s2 =	sadd.s32 s2, s17  }
0x8e: {  	[smem:$0x3FAF] =	sst s2  }
0x8f: {  	_ = 	snop  }
0x90: {  	(tm) =	ssettm $0x1  }
0x91: {  	s18 =	sld [smem:$0x3FFB];
	_ =	sdelay $0x3  }
0x92: {  	_ =	strace s18  }
0x93: {  	s2 =	sld [smem:$0x3FFC];
	_ =	sdelay $0x3  }
0x94: {  	_ =	strace s2  }
0x95: {  	s2 =	sld [smem:$0x3FFD];
	_ =	sdelay $0x3  }
0x96: {  	_ =	strace s2  }
0x97: {  	_ =	strace $0x8FFFFFFF  }
0x98: {  	s19 =	sld [smem:$0x3FDB];
	_ =	sdelay $0x1  }
0x99: {  	s20 =	simm.s32 $_scs_section_size  }
0x9a: {  	s4 =	simm.s32 $_size__tile_overlayer_lowered;
	s5 =	simm.s32 $_tile_overlayer_lowered  }
0x9b: {  	s6 =	simm.s32 $0x1BFF;
	s21 =	sshll.u32 s5, $0x1;
	s3 =	sadd.s32 s20, s19  }
0x9c: {  	s22 =	simm.s32 $0x0;
	s4 =	sshll.u32 s4, $0x1;
	s5 =	sadd.s32 s21, s3  }
0x9d: {  	[timem:s22], [sflag:s6] =	dma.local [hbm:s5], s4  }
0x9e: {  	_ =	swait.ge [sflag:s6], s4  }
0x9f: {  	s4 =	ssub.s32 $0x0, s4;
	[sflag:s6] =	ssyncset.done $0x0  }
0xa0: {  	[sflag:s6] =	ssyncadd.s32 s4;
	_ =	sdelay $0x1  }
0xa1: {  	s23 =	simm.s32 $0x1B8B  }
0xa2: {  	_ =	swait.ge [sflag:s23], $0x1  }
0xa3: {  	[sflag:s23] =	ssyncset.done $0x0  }
0xa4: {  	[sflag:s23] =	ssyncadd.s32 $0xFFFFFFFF  }
0xa5: {  	s4 =	sld [smem:$0x0]  }
0xa6: {  	s5 =	sand.u32 $0xFFFFFFFE, s1  }
0xa7: {  	p0 =	sne.s32 s1, s5  }
0xa8: {  	s5 =	sshll.u32 @p0 s5, $0xE  }
0xa9: {  	s5 =	sadd.s32 @p0 $0x11B8D, s5;
	s6 =	sshll.u32 @p0 s4, $0x11  }
0xaa: {  	s5 =	sor.u32 @p0 s6, s5  }
0xab: {  	[sflag:s5] =	ssyncadd.remote.s32 @p0 $0x1;
	_ =	sdelay $0x1  }
0xac: {  	s5 =	simm.s32 @p0 $0x1B8D  }
0xad: {  	_ =	swait.eq @p0 [sflag:s5], $0x1  }
0xae: {  	[sflag:s5] =	ssyncadd.s32 @p0 $0xFFFFFFFF  }
0xaf: {  	s6 =	sshll.u32 @!p0 s1, $0xE  }
0xb0: {  	s6 =	sor.u32 @!p0 $0x4000, s6;
	s5 =	simm.s32 @!p0 $0x1B8D  }
0xb1: {  	s4 =	sshll.u32 @!p0 s4, $0x11;
	s6 =	sadd.s32 @!p0 $0x11B8D, s6;
	_ =	swait.eq @!p0 [sflag:s5], $0x1  }
0xb2: {  	s4 =	sor.u32 @!p0 s4, s6;
	[sflag:s5] =	ssyncadd.s32 @!p0 $0xFFFFFFFF  }
0xb3: {  	s25 =	simm.s32 $0x1B8E;
	s24 =	sld [smem:$0x3FFE];
	[sflag:s4] =	ssyncadd.remote.s32 @!p0 $0x1  }
0xb4: {  	s26 =	simm.s32 $execute0_lowered;
	[smem:$0x3FD2] =	sst s25  }
0xb5: {  	s5 =	sshll.u32 s26, $0x1;
	_ =	strace $0x8000004C;
	[dreg:$0x1] =	wrdreg $0xFFFFFFFF  }
0xb6: {  	s28 =	simm.s32 $_size_execute0_lowered;
	s3 =	sadd.s32 s3, s5;
	[dreg:$0x0] =	wrdreg $0x0  }
0xb7: {  	s5 =	sshll.u32 s28, $0x1;
	[dreg:$0x2] =	wrdreg s3  }
0xb8: {  	[dreg:$0x3] =	wrdreg s5  }
0xb9: {  	[dreg:$0x4] =	wrdreg $0xC0  }
0xba: {  	_ =	task [dreg:s22], $0x5FFFF  }
0xbb: {  	[dreg:$0x1] =	wrdreg $0xFFFFFFFF  }
0xbc: {  	[dreg:$0x0] =	wrdreg $0x60  }
0xbd: {  	[dreg:$0x2] =	wrdreg s24  }
0xbe: {  	[dreg:$0x3] =	wrdreg $0xA  }
0xbf: {  	_ =	task.clear_ibuf [dreg:s22], $0x4FFFF;
	_ =	strace $0x9000004C  }
0xc0: {  	s29 =	simm.s32 $0xA;
	_ =	strace $0x8000004E  }
0xc1: {  	_ =	swait.ge [sflag:s29], $0x1  }
0xc2: {  	[sflag:s29] =	ssyncadd.s32 $0xFFFFFFFF  }
0xc3: {  	_ =	strace $0x9000004E  }
0xc4: {  	_ =	sfence  }
0xc5: {  	s30 =	sld [smem:$0x0];
	_ =	sdelay $0x2  }
0xc6: {  	s31 =	sshll.u32 s1, $0xD;
	s1 =	sshrl.u32 s1, $0x2  }
0xc7: {  	s4 =	sand.u32 $0x4000, s31;
	s1 =	sadd.s32 s1, s30  }
0xc8: {  	s0 =	sor.u32 s4, s0;
	s1 =	sshll.u32 s1, $0x11  }
0xc9: {  	s0 =	sor.u32 s1, s0  }
0xca: {  	s0 =	sadd.s32 $0x8F2B, s0  }
0xcb: {  	[sflag:s0] =	ssyncadd.remote.s32 $0x1  }
0xcc: {  	_ =	sfence.sel $0xFFFF  }
0xcd: {  	[dreg:$0x0] =	wrdreg $0xFFFFFFFF;
	(pc) =	sbr.abs _section_cstart, $3  }
0xce: {  	[dreg:$0x1] =	wrdreg $0xFFFFFFFF  }
0xcf: {  	_ =	task.clear_ibuf [dreg:s22], $0x2FFFF;
	_ =	strace $0x9FFFFFFF  }
0xd0: {  	(tm) =	ssettm $0x7FFFFFFF  }
0xd1: {  	_ =	shalt  }
tec
execute0_lowered:
.L_overlay_start_1:
0x0: {  	(tag) =	ssettag $0x1  }
0x1: {  	s1 =	srdreg.scid;
	s0 =	stileid.u32  }
0x2: {  	s6 =	rddreg [dreg:$0x0];
	s2 =	simm.s32 $0x0;
	s12 =	simm.s32 $0x4800  }
0x3: {  	s13 =	simm.s32 $0x1;
	s14 =	simm.s32 $0x2;
	s15 =	simm.s32 $0x0  }
0x4: {  	s5 =	sand.u32 $0x1, s1;
	s26 =	sshll.u32 s0, $0x1;
	s1 =	rddreg [dreg:$0x1]  }
0x5: {  	[smem:$0x7FF] =	sst s2;
	s29 =	smul.u32 $0x30000, s0;
	s4 =	sor.u32 s5, s26  }
0x6: {  	s11 =	sadd.s32 $0x4EC00, s6;
	s8 =	ssub.s32 $0x2, s5;
	s3 =	smul.u32 $0x1800, s4  }
0x7: {  	_ =	strace $0x8000004D;
	s9 =	sshrl.u32 s8, $0x1;
	s10 =	smul.u32 $0x18000, s4  }
0x8: {  	s31 =	smul.u32 $0x18000, s5;
	s28 =	ssub.s32 s8, s9;
	s8 =	sadd.s32 s29, s11  }
0x9: {  	s9 =	simm.s32 $0x3;
	s3 =	sshrl.u32 s3, $0x3;
	s30 =	sadd.s32 s11, s10  }
0xa: {  	s5 =	smax.u32 s28, $0x1;
	s8 =	sadd.s32 s31, s8;
	s10 =	simm.s32 $0x60  }
0xb: {  	s11 =	simm.s32 $0x1800;
	s7 =	sadd.s32 s3, s6;
	s3 =	sadd.s32 $0x2EC00, s6  }
0xc: {  	s6 =	sadd.s32 $0x17400, s30;
	s4 =	sadd.s32 $0x28C00, s7;
	s7 =	sadd.s32 $0x17A00, s30  }
.LBB2_1:
0xd: {  	[tilespmem:s2], [sflag:$0x3] =	stream.linear.gather [hbm4b:s4+s2], $0x1800, $0x38;
	[tilespmem:$0x7800] =	vst v63  }
0xe: {  	_ =	swait.ge [sflag:s9], $0x1800  }
0xf: {  	[sflag:s9] =	ssyncset.done $0x0  }
0x10: {  	[sflag:s9] =	ssyncadd.s32 $0xFFFFE800  }
0x11: {  	[tilespmem:s11], [sflag:$0x1] =	stream.indirect.gather [hbm4b:s3+s10], $0x80, s2, s10, $0xb8;
	[tilespmem:$0x7800] =	vst v63  }
0x12: {  	_ = 	snop  }
0x13: {  	[tilespmem:s12], [sflag:$0x2] =	stream.indirect.gather [hbm4b:s3+s10], $0x80, s10, s10, $0xb8;
	[tilespmem:$0x7800] =	vst v63  }
0x14: {  	_ =	swait.ge [sflag:s13], $0x3000  }
0x15: {  	[sflag:s13] =	ssyncset.done $0x0  }
0x16: {  	s16 =	sadd.s32 $0x0, s8;
	[sflag:s13] =	ssyncadd.s32 $0xFFFFD000  }
0x17: {  	[hbm4b:s16+s2] =	stream.linear.scatter [tilespmem:s11], [sflag:$0x3], $0x3000, $0x38;
	[tilespmem:$0x7800] =	vst v63  }
0x18: {  	_ =	swait.ge [sflag:s9], $0x3000  }
0x19: {  	[sflag:s9] =	ssyncset.done $0x0  }
0x1a: {  	s17 =	simm.s32 $0xC0;
	[sflag:s9] =	ssyncadd.s32 $0xFFFFD000  }
0x1b: {  	[tilespmem:s11], [sflag:$0x1] =	stream.indirect.gather [hbm4b:s3+s10], $0x80, s17, s10, $0xb8;
	[tilespmem:$0x7800] =	vst v63  }
0x1c: {  	_ =	swait.ge [sflag:s14], $0x3000  }
0x1d: {  	[sflag:s14] =	ssyncset.done $0x0  }
0x1e: {  	s16 =	sadd.s32 $0x600, s16;
	[sflag:s14] =	ssyncadd.s32 $0xFFFFD000  }
0x1f: {  	[hbm4b:s16+s2] =	stream.linear.scatter [tilespmem:s12], [sflag:$0x3], $0x3000, $0x38;
	[tilespmem:$0x7800] =	vst v63  }
0x20: {  	_ =	swait.ge [sflag:s9], $0x3000  }
0x21: {  	s18 =	simm.s32 $0x1E0;
	[sflag:s9] =	ssyncset.done $0x0  }
0x22: {  	s17 =	simm.s32 $0xC00;
	s16 =	simm.s32 $0x120;
	[sflag:s9] =	ssyncadd.s32 $0xFFFFD000  }
.LBB2_2:
0x23: {  	[tilespmem:s12], [sflag:$0x2] =	stream.indirect.gather [hbm4b:s3+s10], $0x80, s16, s10, $0xb8;
	[tilespmem:$0x7800] =	vst v63  }
0x24: {  	s19 =	smov.u32 s17;
	s16 =	smov.u32 s18  }
0x25: {  	p0 =	sne.s32 s17, $0x16800;
	s17 =	sadd.s32 $0xC00, s17;
	_ =	swait.ge [sflag:s13], $0x3000  }
0x26: {  	[sflag:s13] =	ssyncset.done $0x0  }
0x27: {  	s19 =	sadd.s32 s19, s8;
	[sflag:s13] =	ssyncadd.s32 $0xFFFFD000  }
0x28: {  	[hbm4b:s19+s2] =	stream.linear.scatter [tilespmem:s11], [sflag:$0x3], $0x3000, $0x38;
	[tilespmem:$0x7800] =	vst v63  }
0x29: {  	_ =	swait.ge [sflag:s9], $0x3000  }
0x2a: {  	[sflag:s9] =	ssyncset.done $0x0  }
0x2b: {  	s20 =	sadd.s32 $0xFFFFFFA0, s18;
	[sflag:s9] =	ssyncadd.s32 $0xFFFFD000  }
0x2c: {  	[tilespmem:s11], [sflag:$0x1] =	stream.indirect.gather [hbm4b:s3+s10], $0x80, s20, s10, $0xb8;
	[tilespmem:$0x7800] =	vst v63  }
0x2d: {  	_ =	swait.ge [sflag:s14], $0x3000  }
0x2e: {  	[sflag:s14] =	ssyncset.done $0x0  }
.Ltmp0:
0x2f: {  	s19 =	sadd.s32 $0x600, s19;
	[sflag:s14] =	ssyncadd.s32 $0xFFFFD000;
	(pc) =	sbr.rel @p0 .LBB2_2-.Ltmp0, $4  }
0x30: {  	[hbm4b:s19+s2] =	stream.linear.scatter [tilespmem:s12], [sflag:$0x3], $0x3000, $0x38;
	[tilespmem:$0x7800] =	vst v63  }
0x31: {  	_ =	swait.ge [sflag:s9], $0x3000  }
0x32: {  	[sflag:s9] =	ssyncset.done $0x0  }
0x33: {  	s18 =	sadd.s32 $0xC0, s18;
	[sflag:s9] =	ssyncadd.s32 $0xFFFFD000  }
0x34: {  	[tilespmem:s12], [sflag:$0x2] =	stream.indirect.gather [hbm4b:s3+s10], $0x80, s16, s10, $0xb8;
	[tilespmem:$0x7800] =	vst v63  }
0x35: {  	_ =	swait.ge [sflag:s13], $0x3000  }
0x36: {  	[sflag:s13] =	ssyncset.done $0x0  }
0x37: {  	[sflag:s13] =	ssyncadd.s32 $0xFFFFD000  }
0x38: {  	[hbm4b:s6+s2] =	stream.linear.scatter [tilespmem:s11], [sflag:$0x3], $0x3000, $0x38;
	[tilespmem:$0x7800] =	vst v63  }
0x39: {  	_ =	swait.ge [sflag:s9], $0x3000  }
0x3a: {  	[sflag:s9] =	ssyncset.done $0x0  }
0x3b: {  	[sflag:s9] =	ssyncadd.s32 $0xFFFFD000  }
0x3c: {  	s15 =	sadd.s32 $0x1, s15;
	_ =	swait.ge [sflag:s14], $0x3000  }
0x3d: {  	p0 =	sne.s32 s15, s5;
	[sflag:s14] =	ssyncset.done $0x0  }
.Ltmp1:
0x3e: {  	[sflag:s14] =	ssyncadd.s32 $0xFFFFD000;
	(pc) =	sbr.rel @p0 .LBB2_1-.Ltmp1, $4  }
0x3f: {  	[hbm4b:s7+s2] =	stream.linear.scatter [tilespmem:s12], [sflag:$0x3], $0x3000, $0x38;
	[tilespmem:$0x7800] =	vst v63  }
0x40: {  	_ =	swait.ge [sflag:s9], $0x3000  }
0x41: {  	[sflag:s9] =	ssyncset.done $0x0  }
0x42: {  	[sflag:s9] =	ssyncadd.s32 $0xFFFFD000  }
0x43: {  	_ =	sfence.sel $0x180000  }
0x44: {  	[bflag:$0x0] =	sbarrier.arrive $0xFFFF  }
0x45: {  	p0 =	sne.s32 s0, $0x0;
	_ =	strace $0x9000004D  }
0x46: {  	s0 =	sadd.s32 @!p0 $0x100000, s1;
	[bflag:$0x2] =	sbarrier.arrive $0xFFFF  }
0x47: {  	[sflag:s0] =	ssyncadd.tile.s32 @!p0 $0x1;
	_ =	shalt  }
.Lfunc_end2:
_tile_overlayer_lowered:
.L_overlay_start_2:
0x48: {  	(tag) =	ssettag $0x2  }
0x49: {  	s0 =	rddreg [dreg:$0x0];
	s2 =	stileid.u32  }
0x4a: {  	s1 =	rddreg [dreg:$0x1];
	p0 =	sne.s32 s2, $0x0  }
0x4b: {  	s3 =	rddreg [dreg:$0x2];
	[bflag:$0x3] =	sbarrier.arrive $0xFFFF;
	s2 =	simm.s32 @!p0 $0x1C03  }
0x4c: {  	[timem:s3], [sflag:s2] =	dma.local @!p0 [hbm:s0], s1  }
0x4d: {  	s0 =	simm.s32 @!p0 $0x3  }
0x4e: {  	_ =	swait.ge @!p0 [sflag:s0], s1  }
0x4f: {  	s1 =	ssub.s32 @!p0 $0x0, s1;
	[sflag:s0] =	ssyncset.done @!p0 $0x0  }
0x50: {  	[sflag:s0] =	ssyncadd.s32 @!p0 s1  }
0x51: {  	[bflag:$0x3] =	sbarrier.arrive $0xFFFF  }
0x52: {  	_ =	shalt  }

// kernel: kernel.37.cloned.1.call-start
scs
__scs_entry_jumppad:
0x0: {  	(pc) =	sbr.rel $0x88, $3  }
0x1: {  	(tag) =	ssettag $0x0;
	lr =	simm.s32 $0x1  }
0x2: {  	[smem:$0x3F88] =	sst lr;
	_ =	strace $0xD0000000  }
0x3: {  	_ = 	snop  }
0x4: {  	_ = 	snop  }
0x5: {  	_ = 	snop  }
0x6: {  	_ = 	snop  }
0x7: {  	_ = 	snop  }
__scs_overlays_trampoline_lowered:
0x8: {  	[smem:$0x3F97] =	sst s0  }
0x9: {  	[smem:$0x3F98] =	sst s1  }
0xa: {  	[smem:$0x3F99] =	sst s2  }
0xb: {  	[smem:$0x3F9A] =	sst s3  }
0xc: {  	[smem:$0x3F9B] =	sst s4  }
0xd: {  	[smem:$0x3F9C] =	sst s5  }
0xe: {  	[smem:$0x3F9D] =	sst s6  }
0xf: {  	[smem:$0x3F9E] =	sst s7  }
0x10: {  	[smem:$0x3F9F] =	sst s8  }
0x11: {  	[smem:$0x3FA0] =	sst s9;
	s0 =	simm.s32 @!p0 $0x0  }
0x12: {  	s1 =	sld [smem:$0x3F86];
	s0 =	simm.s32 @p0 $0x1  }
0x13: {  	[smem:$0x3FA1] =	sst s0;
	s0 =	simm.s32 @!p1 $0x0  }
0x14: {  	s2 =	sld [smem:$0x3F85];
	s0 =	simm.s32 @p1 $0x1  }
0x15: {  	[smem:$0x3FA2] =	sst s0;
	s0 =	simm.s32 @!p2 $0x0  }
0x16: {  	s3 =	sld [smem:$0x3FDB];
	s0 =	simm.s32 @p2 $0x1  }
0x17: {  	s4 =	simm.s32 $0x1BF5;
	[smem:$0x3FA4] =	sst s0  }
0x18: {  	s0 =	sld [smem:$0x3F87];
	_ =	swait.ge [sflag:s4], $0x0  }
0x19: {  	s7 =	sld [smem:$0x3F88]  }
0x1a: {  	s8 =	sadd.s32 $0xFFFFE003, lr  }
0x1b: {  	s9 =	sadd.s32 $0xFFFFFEF7, lr;
	s5 =	simm.s32 $0xFFFFFFFF;
	p2 =	slt.u32 s8, $0xFFFFF086  }
0x1c: {  	p1 =	slt.u32 s9, $0xF7A;
	s5 =	simm.s32 @!p2 $0x0  }
0x1d: {  	s5 =	simm.s32 @p1 $0x1;
	p0 =	seq.s32 s7, s2  }
0x1e: {  	s7 =	smul.u32 @!p0 $0xF7A, s2;
	p2 =	seq.s32 @!p0 s5, $0x0  }
0x1f: {  	s9 =	smul.u32 $0xF7A, s1;
	s8 =	simm.s32 @!p0 $0x1BF5;
	p2 =	por !p2, p0  }
0x20: {  	[sflag:s8] =	ssyncset.s32 @!p0 $0xFFFFF086;
	s6 =	sadd.s32 @!p0 s3, s7;
	s7 =	simm.s32 @!p0 $0x108  }
0x21: {  	s3 =	sadd.s32 s3, s9;
	s6 =	sadd.s32 @!p0 $0x88, s6;
	s7 =	simm.s32 @p2 $0x1082  }
0x22: {  	[simem:s7], [sflag:s8] =	dma.local @!p0 [hbm:s6], $0xF7A  }
0x23: {  	s9 =	sor.u32 $0xD0000000, s2;
	s6 =	simm.s32 $0x108;
	_ =	swait.ge @!p0 [sflag:s8], $0x0  }
0x24: {  	s3 =	sadd.s32 $0x88, s3;
	s6 =	simm.s32 @!p1 $0x1082;
	[sflag:s4] =	ssyncset.s32 $0xFFFFF086  }
0x25: {  	[simem:s6], [sflag:s4] =	dma.local [hbm:s3], $0xF7A  }
0x26: {  	[smem:$0x3F88] =	sst s1;
	(tag) =	ssettag s2;
	_ =	strace s9  }
0x27: {  	s1 =	sld [smem:$0x3F98]  }
0x28: {  	s2 =	sld [smem:$0x3F99]  }
0x29: {  	s4 =	sld [smem:$0x3F9B]  }
0x2a: {  	p0 =	seq.s32 s5, $0x0;
	s5 =	sld [smem:$0x3F9C]  }
0x2b: {  	s6 =	sld [smem:$0x3F9D]  }
0x2c: {  	s7 =	sld [smem:$0x3F9E]  }
0x2d: {  	s3 =	simm.s32 $0x108;
	s8 =	sld [smem:$0x3F9F]  }
0x2e: {  	s3 =	simm.s32 @!p0 $0x1082;
	s9 =	sld [smem:$0x3FA0]  }
0x2f: {  	lr =	sadd.s32 s0, s3;
	s0 =	sld [smem:$0x3F97]  }
0x30: {  	s3 =	sld [smem:$0x3F9A]  }
0x31: {  	[smem:$0x3FA3] =	sst s10  }
0x32: {  	s10 =	sld [smem:$0x3FA1];
	_ =	sdelay $0x3  }
0x33: {  	p0 =	seq.s32 s10, $0x1;
	s10 =	sld [smem:$0x3FA3];
	_ =	sdelay $0x3  }
0x34: {  	[smem:$0x3FA3] =	sst s10  }
0x35: {  	s10 =	sld [smem:$0x3FA2];
	_ =	sdelay $0x3  }
0x36: {  	p1 =	seq.s32 s10, $0x1;
	s10 =	sld [smem:$0x3FA3];
	_ =	sdelay $0x3  }
0x37: {  	[smem:$0x3FA3] =	sst s10  }
0x38: {  	s10 =	sld [smem:$0x3FA4]  }
0x39: {  	_ = 	snop;
	(pc) =	sbr.ind lr, $3  }
0x3a: {  	_ = 	snop  }
0x3b: {  	_ = 	snop  }
0x3c: {  	p2 =	seq.s32 s10, $0x1;
	s10 =	sld [smem:$0x3FA3]  }
0x3d: {  	_ =	shalt  }
0x3e: {  	_ =	shalt  }
0x3f: {  	_ =	shalt  }
0x40: {  	_ =	shalt  }
0x41: {  	_ =	shalt  }
0x42: {  	_ =	shalt  }
0x43: {  	_ =	shalt  }
0x44: {  	_ =	shalt  }
0x45: {  	_ =	shalt  }
0x46: {  	_ =	shalt  }
0x47: {  	_ =	shalt  }
0x48: {  	_ =	shalt  }
0x49: {  	_ =	shalt  }
0x4a: {  	_ =	shalt  }
0x4b: {  	_ =	shalt  }
0x4c: {  	_ =	shalt  }
0x4d: {  	_ =	shalt  }
0x4e: {  	_ =	shalt  }
0x4f: {  	_ =	shalt  }
0x50: {  	_ =	shalt  }
0x51: {  	_ =	shalt  }
0x52: {  	_ =	shalt  }
0x53: {  	_ =	shalt  }
0x54: {  	_ =	shalt  }
0x55: {  	_ =	shalt  }
0x56: {  	_ =	shalt  }
0x57: {  	_ =	shalt  }
0x58: {  	_ =	shalt  }
0x59: {  	_ =	shalt  }
0x5a: {  	_ =	shalt  }
0x5b: {  	_ =	shalt  }
0x5c: {  	_ =	shalt  }
0x5d: {  	_ =	shalt  }
0x5e: {  	_ =	shalt  }
0x5f: {  	_ =	shalt  }
0x60: {  	_ =	shalt  }
0x61: {  	_ =	shalt  }
0x62: {  	_ =	shalt  }
0x63: {  	_ =	shalt  }
0x64: {  	_ =	shalt  }
0x65: {  	_ =	shalt  }
0x66: {  	_ =	shalt  }
0x67: {  	_ =	shalt  }
0x68: {  	_ =	shalt  }
0x69: {  	_ =	shalt  }
0x6a: {  	_ =	shalt  }
0x6b: {  	_ =	shalt  }
0x6c: {  	_ =	shalt  }
0x6d: {  	_ =	shalt  }
0x6e: {  	_ =	shalt  }
0x6f: {  	_ =	shalt  }
0x70: {  	_ =	shalt  }
0x71: {  	_ =	shalt  }
0x72: {  	_ =	shalt  }
0x73: {  	_ =	shalt  }
0x74: {  	_ =	shalt  }
0x75: {  	_ =	shalt  }
0x76: {  	_ =	shalt  }
0x77: {  	_ =	shalt  }
0x78: {  	_ =	shalt  }
0x79: {  	_ =	shalt  }
0x7a: {  	_ =	shalt  }
0x7b: {  	_ =	shalt  }
0x7c: {  	_ =	shalt  }
0x7d: {  	_ =	shalt  }
0x7e: {  	_ =	shalt  }
0x7f: {  	_ =	shalt  }
0x80: {  	_ =	shalt  }
0x81: {  	_ =	shalt  }
0x82: {  	_ =	shalt  }
0x83: {  	_ =	shalt  }
0x84: {  	_ =	shalt  }
0x85: {  	_ =	shalt  }
0x86: {  	_ =	shalt  }
0x87: {  	_ =	shalt  }
.Lfunc_end0:
.L_simem_size_0:
called_computation.3_lowered:
.L_overlay_start_0:
0x88: {  	s2 =	sld [smem:$0x3FD9]  }
0x89: {  	s3 =	sld [smem:$0x3FFE];
	_ =	sdelay $0x1  }
0x8a: {  	s1 =	srdreg.scid  }
0x8b: {  	s0 =	sand.u32 $0x1, s1  }
0x8c: {  	s17 =	sshll.u32 s0, $0xA;
	s2 =	sadd.s32 s3, s2  }
0x8d: {  	s2 =	sadd.s32 s2, s17  }
0x8e: {  	[smem:$0x3FAF] =	sst s2  }
0x8f: {  	_ = 	snop  }
0x90: {  	(tm) =	ssettm $0x1  }
0x91: {  	s18 =	sld [smem:$0x3FFB];
	_ =	sdelay $0x3  }
0x92: {  	_ =	strace s18  }
0x93: {  	s2 =	sld [smem:$0x3FFC];
	_ =	sdelay $0x3  }
0x94: {  	_ =	strace s2  }
0x95: {  	s2 =	sld [smem:$0x3FFD];
	_ =	sdelay $0x3  }
0x96: {  	_ =	strace s2  }
0x97: {  	_ =	strace $0x8FFFFFFF  }
0x98: {  	s19 =	sld [smem:$0x3FDB];
	_ =	sdelay $0x1  }
0x99: {  	s20 =	simm.s32 $_scs_section_size  }
0x9a: {  	s4 =	simm.s32 $_size__tile_overlayer_lowered;
	s5 =	simm.s32 $_tile_overlayer_lowered  }
0x9b: {  	s6 =	simm.s32 $0x1BFF;
	s21 =	sshll.u32 s5, $0x1;
	s3 =	sadd.s32 s20, s19  }
0x9c: {  	s22 =	simm.s32 $0x0;
	s4 =	sshll.u32 s4, $0x1;
	s5 =	sadd.s32 s21, s3  }
0x9d: {  	[timem:s22], [sflag:s6] =	dma.local [hbm:s5], s4  }
0x9e: {  	_ =	swait.ge [sflag:s6], s4  }
0x9f: {  	s4 =	ssub.s32 $0x0, s4;
	[sflag:s6] =	ssyncset.done $0x0  }
0xa0: {  	[sflag:s6] =	ssyncadd.s32 s4;
	_ =	sdelay $0x1  }
0xa1: {  	s23 =	simm.s32 $0x1B8B  }
0xa2: {  	_ =	swait.ge [sflag:s23], $0x1  }
0xa3: {  	[sflag:s23] =	ssyncset.done $0x0  }
0xa4: {  	[sflag:s23] =	ssyncadd.s32 $0xFFFFFFFF  }
0xa5: {  	s4 =	sld [smem:$0x0]  }
0xa6: {  	s5 =	sand.u32 $0xFFFFFFFE, s1  }
0xa7: {  	p0 =	sne.s32 s1, s5  }
0xa8: {  	s5 =	sshll.u32 @p0 s5, $0xE  }
0xa9: {  	s5 =	sadd.s32 @p0 $0x11B8D, s5;
	s6 =	sshll.u32 @p0 s4, $0x11  }
0xaa: {  	s5 =	sor.u32 @p0 s6, s5  }
0xab: {  	[sflag:s5] =	ssyncadd.remote.s32 @p0 $0x1;
	_ =	sdelay $0x1  }
0xac: {  	s5 =	simm.s32 @p0 $0x1B8D  }
0xad: {  	_ =	swait.eq @p0 [sflag:s5], $0x1  }
0xae: {  	[sflag:s5] =	ssyncadd.s32 @p0 $0xFFFFFFFF  }
0xaf: {  	s6 =	sshll.u32 @!p0 s1, $0xE  }
0xb0: {  	s6 =	sor.u32 @!p0 $0x4000, s6;
	s5 =	simm.s32 @!p0 $0x1B8D  }
0xb1: {  	s4 =	sshll.u32 @!p0 s4, $0x11;
	s6 =	sadd.s32 @!p0 $0x11B8D, s6;
	_ =	swait.eq @!p0 [sflag:s5], $0x1  }
0xb2: {  	s4 =	sor.u32 @!p0 s4, s6;
	[sflag:s5] =	ssyncadd.s32 @!p0 $0xFFFFFFFF  }
0xb3: {  	s25 =	simm.s32 $0x1B8E;
	s24 =	sld [smem:$0x3FFE];
	[sflag:s4] =	ssyncadd.remote.s32 @!p0 $0x1  }
0xb4: {  	s26 =	simm.s32 $execute0_lowered;
	[smem:$0x3FD2] =	sst s25  }
0xb5: {  	s5 =	sshll.u32 s26, $0x1;
	_ =	strace $0x8000004F;
	[dreg:$0x1] =	wrdreg $0xFFFFFFFF  }
0xb6: {  	s28 =	simm.s32 $_size_execute0_lowered;
	s3 =	sadd.s32 s3, s5;
	[dreg:$0x0] =	wrdreg $0x0  }
0xb7: {  	s5 =	sshll.u32 s28, $0x1;
	[dreg:$0x2] =	wrdreg s3  }
0xb8: {  	[dreg:$0x3] =	wrdreg s5  }
0xb9: {  	[dreg:$0x4] =	wrdreg $0xC0  }
0xba: {  	_ =	task [dreg:s22], $0x5FFFF  }
0xbb: {  	[dreg:$0x1] =	wrdreg $0xFFFFFFFF  }
0xbc: {  	[dreg:$0x0] =	wrdreg $0x60  }
0xbd: {  	[dreg:$0x2] =	wrdreg s24  }
0xbe: {  	[dreg:$0x3] =	wrdreg $0x9  }
0xbf: {  	_ =	task.clear_ibuf [dreg:s22], $0x4FFFF;
	_ =	strace $0x9000004F  }
0xc0: {  	s29 =	simm.s32 $0x9;
	_ =	strace $0x80000051  }
0xc1: {  	_ =	swait.ge [sflag:s29], $0x1  }
0xc2: {  	[sflag:s29] =	ssyncadd.s32 $0xFFFFFFFF  }
0xc3: {  	_ =	strace $0x90000051  }
0xc4: {  	_ =	sfence  }
0xc5: {  	s30 =	sld [smem:$0x0];
	_ =	sdelay $0x2  }
0xc6: {  	s31 =	sshll.u32 s1, $0xD;
	s1 =	sshrl.u32 s1, $0x2  }
0xc7: {  	s4 =	sand.u32 $0x4000, s31;
	s1 =	sadd.s32 s1, s30  }
0xc8: {  	s0 =	sor.u32 s4, s0;
	s1 =	sshll.u32 s1, $0x11  }
0xc9: {  	s0 =	sor.u32 s1, s0  }
0xca: {  	s0 =	sadd.s32 $0x8F2B, s0  }
0xcb: {  	[sflag:s0] =	ssyncadd.remote.s32 $0x1  }
0xcc: {  	_ =	sfence.sel $0xFFFF  }
0xcd: {  	[dreg:$0x0] =	wrdreg $0xFFFFFFFF;
	(pc) =	sbr.abs _section_cstart, $3  }
0xce: {  	[dreg:$0x1] =	wrdreg $0xFFFFFFFF  }
0xcf: {  	_ =	task.clear_ibuf [dreg:s22], $0x2FFFF;
	_ =	strace $0x9FFFFFFF  }
0xd0: {  	(tm) =	ssettm $0x7FFFFFFF  }
0xd1: {  	_ =	shalt  }
tec
execute0_lowered:
.L_overlay_start_1:
0x0: {  	(tag) =	ssettag $0x1  }
0x1: {  	s1 =	srdreg.scid;
	s0 =	stileid.u32  }
0x2: {  	s6 =	rddreg [dreg:$0x0];
	s2 =	simm.s32 $0x0;
	s12 =	simm.s32 $0x4800  }
0x3: {  	s13 =	simm.s32 $0x1;
	s14 =	simm.s32 $0x2;
	s15 =	simm.s32 $0x0  }
0x4: {  	s5 =	sand.u32 $0x1, s1;
	s26 =	sshll.u32 s0, $0x1;
	s1 =	rddreg [dreg:$0x1]  }
0x5: {  	[smem:$0x7FF] =	sst s2;
	s29 =	smul.u32 $0x30000, s0;
	s4 =	sor.u32 s5, s26  }
0x6: {  	s11 =	sadd.s32 $0x394C00, s6;
	s8 =	ssub.s32 $0x2, s5;
	s3 =	smul.u32 $0x1800, s4  }
0x7: {  	_ =	strace $0x80000050;
	s9 =	sshrl.u32 s8, $0x1;
	s10 =	smul.u32 $0x18000, s4  }
0x8: {  	s31 =	smul.u32 $0x18000, s5;
	s28 =	ssub.s32 s8, s9;
	s8 =	sadd.s32 s29, s11  }
0x9: {  	s9 =	simm.s32 $0x3;
	s3 =	sshrl.u32 s3, $0x3;
	s30 =	sadd.s32 s11, s10  }
0xa: {  	s5 =	smax.u32 s28, $0x1;
	s8 =	sadd.s32 s31, s8;
	s10 =	simm.s32 $0x60  }
0xb: {  	s11 =	simm.s32 $0x1800;
	s7 =	sadd.s32 s3, s6;
	s3 =	sadd.s32 $0x374C00, s6  }
0xc: {  	s6 =	sadd.s32 $0x17400, s30;
	s4 =	sadd.s32 $0x36EC00, s7;
	s7 =	sadd.s32 $0x17A00, s30  }
.LBB2_1:
0xd: {  	[tilespmem:s2], [sflag:$0x3] =	stream.linear.gather [hbm4b:s4+s2], $0x1800, $0x38;
	[tilespmem:$0x7800] =	vst v63  }
0xe: {  	_ =	swait.ge [sflag:s9], $0x1800  }
0xf: {  	[sflag:s9] =	ssyncset.done $0x0  }
0x10: {  	[sflag:s9] =	ssyncadd.s32 $0xFFFFE800  }
0x11: {  	[tilespmem:s11], [sflag:$0x1] =	stream.indirect.gather [hbm4b:s3+s10], $0x80, s2, s10, $0xb8;
	[tilespmem:$0x7800] =	vst v63  }
0x12: {  	_ = 	snop  }
0x13: {  	[tilespmem:s12], [sflag:$0x2] =	stream.indirect.gather [hbm4b:s3+s10], $0x80, s10, s10, $0xb8;
	[tilespmem:$0x7800] =	vst v63  }
0x14: {  	_ =	swait.ge [sflag:s13], $0x3000  }
0x15: {  	[sflag:s13] =	ssyncset.done $0x0  }
0x16: {  	s16 =	sadd.s32 $0x0, s8;
	[sflag:s13] =	ssyncadd.s32 $0xFFFFD000  }
0x17: {  	[hbm4b:s16+s2] =	stream.linear.scatter [tilespmem:s11], [sflag:$0x3], $0x3000, $0x38;
	[tilespmem:$0x7800] =	vst v63  }
0x18: {  	_ =	swait.ge [sflag:s9], $0x3000  }
0x19: {  	[sflag:s9] =	ssyncset.done $0x0  }
0x1a: {  	s17 =	simm.s32 $0xC0;
	[sflag:s9] =	ssyncadd.s32 $0xFFFFD000  }
0x1b: {  	[tilespmem:s11], [sflag:$0x1] =	stream.indirect.gather [hbm4b:s3+s10], $0x80, s17, s10, $0xb8;
	[tilespmem:$0x7800] =	vst v63  }
0x1c: {  	_ =	swait.ge [sflag:s14], $0x3000  }
0x1d: {  	[sflag:s14] =	ssyncset.done $0x0  }
0x1e: {  	s16 =	sadd.s32 $0x600, s16;
	[sflag:s14] =	ssyncadd.s32 $0xFFFFD000  }
0x1f: {  	[hbm4b:s16+s2] =	stream.linear.scatter [tilespmem:s12], [sflag:$0x3], $0x3000, $0x38;
	[tilespmem:$0x7800] =	vst v63  }
0x20: {  	_ =	swait.ge [sflag:s9], $0x3000  }
0x21: {  	s18 =	simm.s32 $0x1E0;
	[sflag:s9] =	ssyncset.done $0x0  }
0x22: {  	s17 =	simm.s32 $0xC00;
	s16 =	simm.s32 $0x120;
	[sflag:s9] =	ssyncadd.s32 $0xFFFFD000  }
.LBB2_2:
0x23: {  	[tilespmem:s12], [sflag:$0x2] =	stream.indirect.gather [hbm4b:s3+s10], $0x80, s16, s10, $0xb8;
	[tilespmem:$0x7800] =	vst v63  }
0x24: {  	s19 =	smov.u32 s17;
	s16 =	smov.u32 s18  }
0x25: {  	p0 =	sne.s32 s17, $0x16800;
	s17 =	sadd.s32 $0xC00, s17;
	_ =	swait.ge [sflag:s13], $0x3000  }
0x26: {  	[sflag:s13] =	ssyncset.done $0x0  }
0x27: {  	s19 =	sadd.s32 s19, s8;
	[sflag:s13] =	ssyncadd.s32 $0xFFFFD000  }
0x28: {  	[hbm4b:s19+s2] =	stream.linear.scatter [tilespmem:s11], [sflag:$0x3], $0x3000, $0x38;
	[tilespmem:$0x7800] =	vst v63  }
0x29: {  	_ =	swait.ge [sflag:s9], $0x3000  }
0x2a: {  	[sflag:s9] =	ssyncset.done $0x0  }
0x2b: {  	s20 =	sadd.s32 $0xFFFFFFA0, s18;
	[sflag:s9] =	ssyncadd.s32 $0xFFFFD000  }
0x2c: {  	[tilespmem:s11], [sflag:$0x1] =	stream.indirect.gather [hbm4b:s3+s10], $0x80, s20, s10, $0xb8;
	[tilespmem:$0x7800] =	vst v63  }
0x2d: {  	_ =	swait.ge [sflag:s14], $0x3000  }
0x2e: {  	[sflag:s14] =	ssyncset.done $0x0  }
.Ltmp0:
0x2f: {  	s19 =	sadd.s32 $0x600, s19;
	[sflag:s14] =	ssyncadd.s32 $0xFFFFD000;
	(pc) =	sbr.rel @p0 .LBB2_2-.Ltmp0, $4  }
0x30: {  	[hbm4b:s19+s2] =	stream.linear.scatter [tilespmem:s12], [sflag:$0x3], $0x3000, $0x38;
	[tilespmem:$0x7800] =	vst v63  }
0x31: {  	_ =	swait.ge [sflag:s9], $0x3000  }
0x32: {  	[sflag:s9] =	ssyncset.done $0x0  }
0x33: {  	s18 =	sadd.s32 $0xC0, s18;
	[sflag:s9] =	ssyncadd.s32 $0xFFFFD000  }
0x34: {  	[tilespmem:s12], [sflag:$0x2] =	stream.indirect.gather [hbm4b:s3+s10], $0x80, s16, s10, $0xb8;
	[tilespmem:$0x7800] =	vst v63  }
0x35: {  	_ =	swait.ge [sflag:s13], $0x3000  }
0x36: {  	[sflag:s13] =	ssyncset.done $0x0  }
0x37: {  	[sflag:s13] =	ssyncadd.s32 $0xFFFFD000  }
0x38: {  	[hbm4b:s6+s2] =	stream.linear.scatter [tilespmem:s11], [sflag:$0x3], $0x3000, $0x38;
	[tilespmem:$0x7800] =	vst v63  }
0x39: {  	_ =	swait.ge [sflag:s9], $0x3000  }
0x3a: {  	[sflag:s9] =	ssyncset.done $0x0  }
0x3b: {  	[sflag:s9] =	ssyncadd.s32 $0xFFFFD000  }
0x3c: {  	s15 =	sadd.s32 $0x1, s15;
	_ =	swait.ge [sflag:s14], $0x3000  }
0x3d: {  	p0 =	sne.s32 s15, s5;
	[sflag:s14] =	ssyncset.done $0x0  }
.Ltmp1:
0x3e: {  	[sflag:s14] =	ssyncadd.s32 $0xFFFFD000;
	(pc) =	sbr.rel @p0 .LBB2_1-.Ltmp1, $4  }
0x3f: {  	[hbm4b:s7+s2] =	stream.linear.scatter [tilespmem:s12], [sflag:$0x3], $0x3000, $0x38;
	[tilespmem:$0x7800] =	vst v63  }
0x40: {  	_ =	swait.ge [sflag:s9], $0x3000  }
0x41: {  	[sflag:s9] =	ssyncset.done $0x0  }
0x42: {  	[sflag:s9] =	ssyncadd.s32 $0xFFFFD000  }
0x43: {  	_ =	sfence.sel $0x180000  }
0x44: {  	[bflag:$0x0] =	sbarrier.arrive $0xFFFF  }
0x45: {  	p0 =	sne.s32 s0, $0x0;
	_ =	strace $0x90000050  }
0x46: {  	s0 =	sadd.s32 @!p0 $0x100000, s1;
	[bflag:$0x2] =	sbarrier.arrive $0xFFFF  }
0x47: {  	[sflag:s0] =	ssyncadd.tile.s32 @!p0 $0x1;
	_ =	shalt  }
.Lfunc_end2:
_tile_overlayer_lowered:
.L_overlay_start_2:
0x48: {  	(tag) =	ssettag $0x2  }
0x49: {  	s0 =	rddreg [dreg:$0x0];
	s2 =	stileid.u32  }
0x4a: {  	s1 =	rddreg [dreg:$0x1];
	p0 =	sne.s32 s2, $0x0  }
0x4b: {  	s3 =	rddreg [dreg:$0x2];
	[bflag:$0x3] =	sbarrier.arrive $0xFFFF;
	s2 =	simm.s32 @!p0 $0x1C03  }
0x4c: {  	[timem:s3], [sflag:s2] =	dma.local @!p0 [hbm:s0], s1  }
0x4d: {  	s0 =	simm.s32 @!p0 $0x3  }
0x4e: {  	_ =	swait.ge @!p0 [sflag:s0], s1  }
0x4f: {  	s1 =	ssub.s32 @!p0 $0x0, s1;
	[sflag:s0] =	ssyncset.done @!p0 $0x0  }
0x50: {  	[sflag:s0] =	ssyncadd.s32 @!p0 s1  }
0x51: {  	[bflag:$0x3] =	sbarrier.arrive $0xFFFF  }
0x52: {  	_ =	shalt  }

// kernel: kernel.40.cloned.1.call-start
scs
__scs_entry_jumppad:
0x0: {  	(pc) =	sbr.rel $0x88, $3  }
0x1: {  	(tag) =	ssettag $0x0;
	lr =	simm.s32 $0x1  }
0x2: {  	[smem:$0x3F88] =	sst lr;
	_ =	strace $0xD0000000  }
0x3: {  	_ = 	snop  }
0x4: {  	_ = 	snop  }
0x5: {  	_ = 	snop  }
0x6: {  	_ = 	snop  }
0x7: {  	_ = 	snop  }
__scs_overlays_trampoline_lowered:
0x8: {  	[smem:$0x3F97] =	sst s0  }
0x9: {  	[smem:$0x3F98] =	sst s1  }
0xa: {  	[smem:$0x3F99] =	sst s2  }
0xb: {  	[smem:$0x3F9A] =	sst s3  }
0xc: {  	[smem:$0x3F9B] =	sst s4  }
0xd: {  	[smem:$0x3F9C] =	sst s5  }
0xe: {  	[smem:$0x3F9D] =	sst s6  }
0xf: {  	[smem:$0x3F9E] =	sst s7  }
0x10: {  	[smem:$0x3F9F] =	sst s8  }
0x11: {  	[smem:$0x3FA0] =	sst s9;
	s0 =	simm.s32 @!p0 $0x0  }
0x12: {  	s1 =	sld [smem:$0x3F86];
	s0 =	simm.s32 @p0 $0x1  }
0x13: {  	[smem:$0x3FA1] =	sst s0;
	s0 =	simm.s32 @!p1 $0x0  }
0x14: {  	s2 =	sld [smem:$0x3F85];
	s0 =	simm.s32 @p1 $0x1  }
0x15: {  	[smem:$0x3FA2] =	sst s0;
	s0 =	simm.s32 @!p2 $0x0  }
0x16: {  	s3 =	sld [smem:$0x3FDB];
	s0 =	simm.s32 @p2 $0x1  }
0x17: {  	s4 =	simm.s32 $0x1BF5;
	[smem:$0x3FA4] =	sst s0  }
0x18: {  	s0 =	sld [smem:$0x3F87];
	_ =	swait.ge [sflag:s4], $0x0  }
0x19: {  	s7 =	sld [smem:$0x3F88]  }
0x1a: {  	s8 =	sadd.s32 $0xFFFFE003, lr  }
0x1b: {  	s9 =	sadd.s32 $0xFFFFFEF7, lr;
	s5 =	simm.s32 $0xFFFFFFFF;
	p2 =	slt.u32 s8, $0xFFFFF086  }
0x1c: {  	p1 =	slt.u32 s9, $0xF7A;
	s5 =	simm.s32 @!p2 $0x0  }
0x1d: {  	s5 =	simm.s32 @p1 $0x1;
	p0 =	seq.s32 s7, s2  }
0x1e: {  	s7 =	smul.u32 @!p0 $0xF7A, s2;
	p2 =	seq.s32 @!p0 s5, $0x0  }
0x1f: {  	s9 =	smul.u32 $0xF7A, s1;
	s8 =	simm.s32 @!p0 $0x1BF5;
	p2 =	por !p2, p0  }
0x20: {  	[sflag:s8] =	ssyncset.s32 @!p0 $0xFFFFF086;
	s6 =	sadd.s32 @!p0 s3, s7;
	s7 =	simm.s32 @!p0 $0x108  }
0x21: {  	s3 =	sadd.s32 s3, s9;
	s6 =	sadd.s32 @!p0 $0x88, s6;
	s7 =	simm.s32 @p2 $0x1082  }
0x22: {  	[simem:s7], [sflag:s8] =	dma.local @!p0 [hbm:s6], $0xF7A  }
0x23: {  	s9 =	sor.u32 $0xD0000000, s2;
	s6 =	simm.s32 $0x108;
	_ =	swait.ge @!p0 [sflag:s8], $0x0  }
0x24: {  	s3 =	sadd.s32 $0x88, s3;
	s6 =	simm.s32 @!p1 $0x1082;
	[sflag:s4] =	ssyncset.s32 $0xFFFFF086  }
0x25: {  	[simem:s6], [sflag:s4] =	dma.local [hbm:s3], $0xF7A  }
0x26: {  	[smem:$0x3F88] =	sst s1;
	(tag) =	ssettag s2;
	_ =	strace s9  }
0x27: {  	s1 =	sld [smem:$0x3F98]  }
0x28: {  	s2 =	sld [smem:$0x3F99]  }
0x29: {  	s4 =	sld [smem:$0x3F9B]  }
0x2a: {  	p0 =	seq.s32 s5, $0x0;
	s5 =	sld [smem:$0x3F9C]  }
0x2b: {  	s6 =	sld [smem:$0x3F9D]  }
0x2c: {  	s7 =	sld [smem:$0x3F9E]  }
0x2d: {  	s3 =	simm.s32 $0x108;
	s8 =	sld [smem:$0x3F9F]  }
0x2e: {  	s3 =	simm.s32 @!p0 $0x1082;
	s9 =	sld [smem:$0x3FA0]  }
0x2f: {  	lr =	sadd.s32 s0, s3;
	s0 =	sld [smem:$0x3F97]  }
0x30: {  	s3 =	sld [smem:$0x3F9A]  }
0x31: {  	[smem:$0x3FA3] =	sst s10  }
0x32: {  	s10 =	sld [smem:$0x3FA1];
	_ =	sdelay $0x3  }
0x33: {  	p0 =	seq.s32 s10, $0x1;
	s10 =	sld [smem:$0x3FA3];
	_ =	sdelay $0x3  }
0x34: {  	[smem:$0x3FA3] =	sst s10  }
0x35: {  	s10 =	sld [smem:$0x3FA2];
	_ =	sdelay $0x3  }
0x36: {  	p1 =	seq.s32 s10, $0x1;
	s10 =	sld [smem:$0x3FA3];
	_ =	sdelay $0x3  }
0x37: {  	[smem:$0x3FA3] =	sst s10  }
0x38: {  	s10 =	sld [smem:$0x3FA4]  }
0x39: {  	_ = 	snop;
	(pc) =	sbr.ind lr, $3  }
0x3a: {  	_ = 	snop  }
0x3b: {  	_ = 	snop  }
0x3c: {  	p2 =	seq.s32 s10, $0x1;
	s10 =	sld [smem:$0x3FA3]  }
0x3d: {  	_ =	shalt  }
0x3e: {  	_ =	shalt  }
0x3f: {  	_ =	shalt  }
0x40: {  	_ =	shalt  }
0x41: {  	_ =	shalt  }
0x42: {  	_ =	shalt  }
0x43: {  	_ =	shalt  }
0x44: {  	_ =	shalt  }
0x45: {  	_ =	shalt  }
0x46: {  	_ =	shalt  }
0x47: {  	_ =	shalt  }
0x48: {  	_ =	shalt  }
0x49: {  	_ =	shalt  }
0x4a: {  	_ =	shalt  }
0x4b: {  	_ =	shalt  }
0x4c: {  	_ =	shalt  }
0x4d: {  	_ =	shalt  }
0x4e: {  	_ =	shalt  }
0x4f: {  	_ =	shalt  }
0x50: {  	_ =	shalt  }
0x51: {  	_ =	shalt  }
0x52: {  	_ =	shalt  }
0x53: {  	_ =	shalt  }
0x54: {  	_ =	shalt  }
0x55: {  	_ =	shalt  }
0x56: {  	_ =	shalt  }
0x57: {  	_ =	shalt  }
0x58: {  	_ =	shalt  }
0x59: {  	_ =	shalt  }
0x5a: {  	_ =	shalt  }
0x5b: {  	_ =	shalt  }
0x5c: {  	_ =	shalt  }
0x5d: {  	_ =	shalt  }
0x5e: {  	_ =	shalt  }
0x5f: {  	_ =	shalt  }
0x60: {  	_ =	shalt  }
0x61: {  	_ =	shalt  }
0x62: {  	_ =	shalt  }
0x63: {  	_ =	shalt  }
0x64: {  	_ =	shalt  }
0x65: {  	_ =	shalt  }
0x66: {  	_ =	shalt  }
0x67: {  	_ =	shalt  }
0x68: {  	_ =	shalt  }
0x69: {  	_ =	shalt  }
0x6a: {  	_ =	shalt  }
0x6b: {  	_ =	shalt  }
0x6c: {  	_ =	shalt  }
0x6d: {  	_ =	shalt  }
0x6e: {  	_ =	shalt  }
0x6f: {  	_ =	shalt  }
0x70: {  	_ =	shalt  }
0x71: {  	_ =	shalt  }
0x72: {  	_ =	shalt  }
0x73: {  	_ =	shalt  }
0x74: {  	_ =	shalt  }
0x75: {  	_ =	shalt  }
0x76: {  	_ =	shalt  }
0x77: {  	_ =	shalt  }
0x78: {  	_ =	shalt  }
0x79: {  	_ =	shalt  }
0x7a: {  	_ =	shalt  }
0x7b: {  	_ =	shalt  }
0x7c: {  	_ =	shalt  }
0x7d: {  	_ =	shalt  }
0x7e: {  	_ =	shalt  }
0x7f: {  	_ =	shalt  }
0x80: {  	_ =	shalt  }
0x81: {  	_ =	shalt  }
0x82: {  	_ =	shalt  }
0x83: {  	_ =	shalt  }
0x84: {  	_ =	shalt  }
0x85: {  	_ =	shalt  }
0x86: {  	_ =	shalt  }
0x87: {  	_ =	shalt  }
.Lfunc_end0:
.L_simem_size_0:
called_computation.4_lowered:
.L_overlay_start_0:
0x88: {  	s2 =	sld [smem:$0x3FD9]  }
0x89: {  	s3 =	sld [smem:$0x3FFE];
	_ =	sdelay $0x1  }
0x8a: {  	s1 =	srdreg.scid  }
0x8b: {  	s0 =	sand.u32 $0x1, s1  }
0x8c: {  	s17 =	sshll.u32 s0, $0xA;
	s2 =	sadd.s32 s3, s2  }
0x8d: {  	s2 =	sadd.s32 s2, s17  }
0x8e: {  	[smem:$0x3FAF] =	sst s2  }
0x8f: {  	_ = 	snop  }
0x90: {  	(tm) =	ssettm $0x1  }
0x91: {  	s18 =	sld [smem:$0x3FFB];
	_ =	sdelay $0x3  }
0x92: {  	_ =	strace s18  }
0x93: {  	s2 =	sld [smem:$0x3FFC];
	_ =	sdelay $0x3  }
0x94: {  	_ =	strace s2  }
0x95: {  	s2 =	sld [smem:$0x3FFD];
	_ =	sdelay $0x3  }
0x96: {  	_ =	strace s2  }
0x97: {  	_ =	strace $0x8FFFFFFF  }
0x98: {  	s19 =	sld [smem:$0x3FDB];
	_ =	sdelay $0x1  }
0x99: {  	s20 =	simm.s32 $_scs_section_size  }
0x9a: {  	s4 =	simm.s32 $_size__tile_overlayer_lowered;
	s5 =	simm.s32 $_tile_overlayer_lowered  }
0x9b: {  	s6 =	simm.s32 $0x1BFF;
	s21 =	sshll.u32 s5, $0x1;
	s3 =	sadd.s32 s20, s19  }
0x9c: {  	s22 =	simm.s32 $0x0;
	s4 =	sshll.u32 s4, $0x1;
	s5 =	sadd.s32 s21, s3  }
0x9d: {  	[timem:s22], [sflag:s6] =	dma.local [hbm:s5], s4  }
0x9e: {  	_ =	swait.ge [sflag:s6], s4  }
0x9f: {  	s4 =	ssub.s32 $0x0, s4;
	[sflag:s6] =	ssyncset.done $0x0  }
0xa0: {  	[sflag:s6] =	ssyncadd.s32 s4;
	_ =	sdelay $0x1  }
0xa1: {  	s23 =	simm.s32 $0x1B8B  }
0xa2: {  	_ =	swait.ge [sflag:s23], $0x1  }
0xa3: {  	[sflag:s23] =	ssyncset.done $0x0  }
0xa4: {  	[sflag:s23] =	ssyncadd.s32 $0xFFFFFFFF  }
0xa5: {  	s4 =	sld [smem:$0x0]  }
0xa6: {  	s5 =	sand.u32 $0xFFFFFFFE, s1  }
0xa7: {  	p0 =	sne.s32 s1, s5  }
0xa8: {  	s5 =	sshll.u32 @p0 s5, $0xE  }
0xa9: {  	s5 =	sadd.s32 @p0 $0x11B8D, s5;
	s6 =	sshll.u32 @p0 s4, $0x11  }
0xaa: {  	s5 =	sor.u32 @p0 s6, s5  }
0xab: {  	[sflag:s5] =	ssyncadd.remote.s32 @p0 $0x1;
	_ =	sdelay $0x1  }
0xac: {  	s5 =	simm.s32 @p0 $0x1B8D  }
0xad: {  	_ =	swait.eq @p0 [sflag:s5], $0x1  }
0xae: {  	[sflag:s5] =	ssyncadd.s32 @p0 $0xFFFFFFFF  }
0xaf: {  	s6 =	sshll.u32 @!p0 s1, $0xE  }
0xb0: {  	s6 =	sor.u32 @!p0 $0x4000, s6;
	s5 =	simm.s32 @!p0 $0x1B8D  }
0xb1: {  	s4 =	sshll.u32 @!p0 s4, $0x11;
	s6 =	sadd.s32 @!p0 $0x11B8D, s6;
	_ =	swait.eq @!p0 [sflag:s5], $0x1  }
0xb2: {  	s4 =	sor.u32 @!p0 s4, s6;
	[sflag:s5] =	ssyncadd.s32 @!p0 $0xFFFFFFFF  }
0xb3: {  	s25 =	simm.s32 $0x1B8E;
	s24 =	sld [smem:$0x3FFE];
	[sflag:s4] =	ssyncadd.remote.s32 @!p0 $0x1  }
0xb4: {  	s26 =	simm.s32 $execute0_lowered;
	[smem:$0x3FD2] =	sst s25  }
0xb5: {  	s5 =	sshll.u32 s26, $0x1;
	_ =	strace $0x80000052;
	[dreg:$0x1] =	wrdreg $0xFFFFFFFF  }
0xb6: {  	s28 =	simm.s32 $_size_execute0_lowered;
	s3 =	sadd.s32 s3, s5;
	[dreg:$0x0] =	wrdreg $0x0  }
0xb7: {  	s5 =	sshll.u32 s28, $0x1;
	[dreg:$0x2] =	wrdreg s3  }
0xb8: {  	[dreg:$0x3] =	wrdreg s5  }
0xb9: {  	[dreg:$0x4] =	wrdreg $0xC0  }
0xba: {  	_ =	task [dreg:s22], $0x5FFFF  }
0xbb: {  	[dreg:$0x1] =	wrdreg $0xFFFFFFFF  }
0xbc: {  	[dreg:$0x0] =	wrdreg $0x60  }
0xbd: {  	[dreg:$0x2] =	wrdreg s24  }
0xbe: {  	[dreg:$0x3] =	wrdreg $0xA  }
0xbf: {  	_ =	task.clear_ibuf [dreg:s22], $0x4FFFF;
	_ =	strace $0x90000052  }
0xc0: {  	s29 =	simm.s32 $0xA;
	_ =	strace $0x80000054  }
0xc1: {  	_ =	swait.ge [sflag:s29], $0x1  }
0xc2: {  	[sflag:s29] =	ssyncadd.s32 $0xFFFFFFFF  }
0xc3: {  	_ =	strace $0x90000054  }
0xc4: {  	_ =	sfence  }
0xc5: {  	s30 =	sld [smem:$0x0];
	_ =	sdelay $0x2  }
0xc6: {  	s31 =	sshll.u32 s1, $0xD;
	s1 =	sshrl.u32 s1, $0x2  }
0xc7: {  	s4 =	sand.u32 $0x4000, s31;
	s1 =	sadd.s32 s1, s30  }
0xc8: {  	s0 =	sor.u32 s4, s0;
	s1 =	sshll.u32 s1, $0x11  }
0xc9: {  	s0 =	sor.u32 s1, s0  }
0xca: {  	s0 =	sadd.s32 $0x8F2B, s0  }
0xcb: {  	[sflag:s0] =	ssyncadd.remote.s32 $0x1  }
0xcc: {  	_ =	sfence.sel $0xFFFF  }
0xcd: {  	[dreg:$0x0] =	wrdreg $0xFFFFFFFF;
	(pc) =	sbr.abs _section_cstart, $3  }
0xce: {  	[dreg:$0x1] =	wrdreg $0xFFFFFFFF  }
0xcf: {  	_ =	task.clear_ibuf [dreg:s22], $0x2FFFF;
	_ =	strace $0x9FFFFFFF  }
0xd0: {  	(tm) =	ssettm $0x7FFFFFFF  }
0xd1: {  	_ =	shalt  }
tec
execute0_lowered:
.L_overlay_start_1:
0x0: {  	(tag) =	ssettag $0x1  }
0x1: {  	s1 =	srdreg.scid;
	s0 =	stileid.u32  }
0x2: {  	s6 =	rddreg [dreg:$0x0];
	s2 =	simm.s32 $0x0;
	s12 =	simm.s32 $0x4800  }
0x3: {  	s13 =	simm.s32 $0x1;
	s14 =	simm.s32 $0x2;
	s15 =	simm.s32 $0x0  }
0x4: {  	s5 =	sand.u32 $0x1, s1;
	s26 =	sshll.u32 s0, $0x1;
	s1 =	rddreg [dreg:$0x1]  }
0x5: {  	[smem:$0x7FF] =	sst s2;
	s29 =	smul.u32 $0x30000, s0;
	s4 =	sor.u32 s5, s26  }
0x6: {  	s11 =	sadd.s32 $0x694C00, s6;
	s8 =	ssub.s32 $0x2, s5;
	s3 =	smul.u32 $0x1800, s4  }
0x7: {  	_ =	strace $0x80000053;
	s9 =	sshrl.u32 s8, $0x1;
	s10 =	smul.u32 $0x18000, s4  }
0x8: {  	s31 =	smul.u32 $0x18000, s5;
	s28 =	ssub.s32 s8, s9;
	s8 =	sadd.s32 s29, s11  }
0x9: {  	s9 =	simm.s32 $0x3;
	s3 =	sshrl.u32 s3, $0x3;
	s30 =	sadd.s32 s11, s10  }
0xa: {  	s5 =	smax.u32 s28, $0x1;
	s8 =	sadd.s32 s31, s8;
	s10 =	simm.s32 $0x60  }
0xb: {  	s11 =	simm.s32 $0x1800;
	s7 =	sadd.s32 s3, s6;
	s3 =	sadd.s32 $0x4EC00, s6  }
0xc: {  	s6 =	sadd.s32 $0x17400, s30;
	s4 =	sadd.s32 $0x48C00, s7;
	s7 =	sadd.s32 $0x17A00, s30  }
.LBB2_1:
0xd: {  	[tilespmem:s2], [sflag:$0x3] =	stream.linear.gather [hbm4b:s4+s2], $0x1800, $0x38;
	[tilespmem:$0x7800] =	vst v63  }
0xe: {  	_ =	swait.ge [sflag:s9], $0x1800  }
0xf: {  	[sflag:s9] =	ssyncset.done $0x0  }
0x10: {  	[sflag:s9] =	ssyncadd.s32 $0xFFFFE800  }
0x11: {  	[tilespmem:s11], [sflag:$0x1] =	stream.indirect.gather [hbm4b:s3+s10], $0x80, s2, s10, $0xb8;
	[tilespmem:$0x7800] =	vst v63  }
0x12: {  	_ = 	snop  }
0x13: {  	[tilespmem:s12], [sflag:$0x2] =	stream.indirect.gather [hbm4b:s3+s10], $0x80, s10, s10, $0xb8;
	[tilespmem:$0x7800] =	vst v63  }
0x14: {  	_ =	swait.ge [sflag:s13], $0x3000  }
0x15: {  	[sflag:s13] =	ssyncset.done $0x0  }
0x16: {  	s16 =	sadd.s32 $0x0, s8;
	[sflag:s13] =	ssyncadd.s32 $0xFFFFD000  }
0x17: {  	[hbm4b:s16+s2] =	stream.linear.scatter [tilespmem:s11], [sflag:$0x3], $0x3000, $0x38;
	[tilespmem:$0x7800] =	vst v63  }
0x18: {  	_ =	swait.ge [sflag:s9], $0x3000  }
0x19: {  	[sflag:s9] =	ssyncset.done $0x0  }
0x1a: {  	s17 =	simm.s32 $0xC0;
	[sflag:s9] =	ssyncadd.s32 $0xFFFFD000  }
0x1b: {  	[tilespmem:s11], [sflag:$0x1] =	stream.indirect.gather [hbm4b:s3+s10], $0x80, s17, s10, $0xb8;
	[tilespmem:$0x7800] =	vst v63  }
0x1c: {  	_ =	swait.ge [sflag:s14], $0x3000  }
0x1d: {  	[sflag:s14] =	ssyncset.done $0x0  }
0x1e: {  	s16 =	sadd.s32 $0x600, s16;
	[sflag:s14] =	ssyncadd.s32 $0xFFFFD000  }
0x1f: {  	[hbm4b:s16+s2] =	stream.linear.scatter [tilespmem:s12], [sflag:$0x3], $0x3000, $0x38;
	[tilespmem:$0x7800] =	vst v63  }
0x20: {  	_ =	swait.ge [sflag:s9], $0x3000  }
0x21: {  	s18 =	simm.s32 $0x1E0;
	[sflag:s9] =	ssyncset.done $0x0  }
0x22: {  	s17 =	simm.s32 $0xC00;
	s16 =	simm.s32 $0x120;
	[sflag:s9] =	ssyncadd.s32 $0xFFFFD000  }
.LBB2_2:
0x23: {  	[tilespmem:s12], [sflag:$0x2] =	stream.indirect.gather [hbm4b:s3+s10], $0x80, s16, s10, $0xb8;
	[tilespmem:$0x7800] =	vst v63  }
0x24: {  	s19 =	smov.u32 s17;
	s16 =	smov.u32 s18  }
0x25: {  	p0 =	sne.s32 s17, $0x16800;
	s17 =	sadd.s32 $0xC00, s17;
	_ =	swait.ge [sflag:s13], $0x3000  }
0x26: {  	[sflag:s13] =	ssyncset.done $0x0  }
0x27: {  	s19 =	sadd.s32 s19, s8;
	[sflag:s13] =	ssyncadd.s32 $0xFFFFD000  }
0x28: {  	[hbm4b:s19+s2] =	stream.linear.scatter [tilespmem:s11], [sflag:$0x3], $0x3000, $0x38;
	[tilespmem:$0x7800] =	vst v63  }
0x29: {  	_ =	swait.ge [sflag:s9], $0x3000  }
0x2a: {  	[sflag:s9] =	ssyncset.done $0x0  }
0x2b: {  	s20 =	sadd.s32 $0xFFFFFFA0, s18;
	[sflag:s9] =	ssyncadd.s32 $0xFFFFD000  }
0x2c: {  	[tilespmem:s11], [sflag:$0x1] =	stream.indirect.gather [hbm4b:s3+s10], $0x80, s20, s10, $0xb8;
	[tilespmem:$0x7800] =	vst v63  }
0x2d: {  	_ =	swait.ge [sflag:s14], $0x3000  }
0x2e: {  	[sflag:s14] =	ssyncset.done $0x0  }
.Ltmp0:
0x2f: {  	s19 =	sadd.s32 $0x600, s19;
	[sflag:s14] =	ssyncadd.s32 $0xFFFFD000;
	(pc) =	sbr.rel @p0 .LBB2_2-.Ltmp0, $4  }
0x30: {  	[hbm4b:s19+s2] =	stream.linear.scatter [tilespmem:s12], [sflag:$0x3], $0x3000, $0x38;
	[tilespmem:$0x7800] =	vst v63  }
0x31: {  	_ =	swait.ge [sflag:s9], $0x3000  }
0x32: {  	[sflag:s9] =	ssyncset.done $0x0  }
0x33: {  	s18 =	sadd.s32 $0xC0, s18;
	[sflag:s9] =	ssyncadd.s32 $0xFFFFD000  }
0x34: {  	[tilespmem:s12], [sflag:$0x2] =	stream.indirect.gather [hbm4b:s3+s10], $0x80, s16, s10, $0xb8;
	[tilespmem:$0x7800] =	vst v63  }
0x35: {  	_ =	swait.ge [sflag:s13], $0x3000  }
0x36: {  	[sflag:s13] =	ssyncset.done $0x0  }
0x37: {  	[sflag:s13] =	ssyncadd.s32 $0xFFFFD000  }
0x38: {  	[hbm4b:s6+s2] =	stream.linear.scatter [tilespmem:s11], [sflag:$0x3], $0x3000, $0x38;
	[tilespmem:$0x7800] =	vst v63  }
0x39: {  	_ =	swait.ge [sflag:s9], $0x3000  }
0x3a: {  	[sflag:s9] =	ssyncset.done $0x0  }
0x3b: {  	[sflag:s9] =	ssyncadd.s32 $0xFFFFD000  }
0x3c: {  	s15 =	sadd.s32 $0x1, s15;
	_ =	swait.ge [sflag:s14], $0x3000  }
0x3d: {  	p0 =	sne.s32 s15, s5;
	[sflag:s14] =	ssyncset.done $0x0  }
.Ltmp1:
0x3e: {  	[sflag:s14] =	ssyncadd.s32 $0xFFFFD000;
	(pc) =	sbr.rel @p0 .LBB2_1-.Ltmp1, $4  }
0x3f: {  	[hbm4b:s7+s2] =	stream.linear.scatter [tilespmem:s12], [sflag:$0x3], $0x3000, $0x38;
	[tilespmem:$0x7800] =	vst v63  }
0x40: {  	_ =	swait.ge [sflag:s9], $0x3000  }
0x41: {  	[sflag:s9] =	ssyncset.done $0x0  }
0x42: {  	[sflag:s9] =	ssyncadd.s32 $0xFFFFD000  }
0x43: {  	_ =	sfence.sel $0x180000  }
0x44: {  	[bflag:$0x0] =	sbarrier.arrive $0xFFFF  }
0x45: {  	p0 =	sne.s32 s0, $0x0;
	_ =	strace $0x90000053  }
0x46: {  	s0 =	sadd.s32 @!p0 $0x100000, s1;
	[bflag:$0x2] =	sbarrier.arrive $0xFFFF  }
0x47: {  	[sflag:s0] =	ssyncadd.tile.s32 @!p0 $0x1;
	_ =	shalt  }
.Lfunc_end2:
_tile_overlayer_lowered:
.L_overlay_start_2:
0x48: {  	(tag) =	ssettag $0x2  }
0x49: {  	s0 =	rddreg [dreg:$0x0];
	s2 =	stileid.u32  }
0x4a: {  	s1 =	rddreg [dreg:$0x1];
	p0 =	sne.s32 s2, $0x0  }
0x4b: {  	s3 =	rddreg [dreg:$0x2];
	[bflag:$0x3] =	sbarrier.arrive $0xFFFF;
	s2 =	simm.s32 @!p0 $0x1C03  }
0x4c: {  	[timem:s3], [sflag:s2] =	dma.local @!p0 [hbm:s0], s1  }
0x4d: {  	s0 =	simm.s32 @!p0 $0x3  }
0x4e: {  	_ =	swait.ge @!p0 [sflag:s0], s1  }
0x4f: {  	s1 =	ssub.s32 @!p0 $0x0, s1;
	[sflag:s0] =	ssyncset.done @!p0 $0x0  }
0x50: {  	[sflag:s0] =	ssyncadd.s32 @!p0 s1  }
0x51: {  	[bflag:$0x3] =	sbarrier.arrive $0xFFFF  }
0x52: {  	_ =	shalt  }

// kernel: kernel.43.cloned.1.call-start
scs
__scs_entry_jumppad:
0x0: {  	(pc) =	sbr.rel $0x88, $3  }
0x1: {  	(tag) =	ssettag $0x0;
	lr =	simm.s32 $0x1  }
0x2: {  	[smem:$0x3F88] =	sst lr;
	_ =	strace $0xD0000000  }
0x3: {  	_ = 	snop  }
0x4: {  	_ = 	snop  }
0x5: {  	_ = 	snop  }
0x6: {  	_ = 	snop  }
0x7: {  	_ = 	snop  }
__scs_overlays_trampoline_lowered:
0x8: {  	[smem:$0x3F97] =	sst s0  }
0x9: {  	[smem:$0x3F98] =	sst s1  }
0xa: {  	[smem:$0x3F99] =	sst s2  }
0xb: {  	[smem:$0x3F9A] =	sst s3  }
0xc: {  	[smem:$0x3F9B] =	sst s4  }
0xd: {  	[smem:$0x3F9C] =	sst s5  }
0xe: {  	[smem:$0x3F9D] =	sst s6  }
0xf: {  	[smem:$0x3F9E] =	sst s7  }
0x10: {  	[smem:$0x3F9F] =	sst s8  }
0x11: {  	[smem:$0x3FA0] =	sst s9;
	s0 =	simm.s32 @!p0 $0x0  }
0x12: {  	s1 =	sld [smem:$0x3F86];
	s0 =	simm.s32 @p0 $0x1  }
0x13: {  	[smem:$0x3FA1] =	sst s0;
	s0 =	simm.s32 @!p1 $0x0  }
0x14: {  	s2 =	sld [smem:$0x3F85];
	s0 =	simm.s32 @p1 $0x1  }
0x15: {  	[smem:$0x3FA2] =	sst s0;
	s0 =	simm.s32 @!p2 $0x0  }
0x16: {  	s3 =	sld [smem:$0x3FDB];
	s0 =	simm.s32 @p2 $0x1  }
0x17: {  	s4 =	simm.s32 $0x1BF5;
	[smem:$0x3FA4] =	sst s0  }
0x18: {  	s0 =	sld [smem:$0x3F87];
	_ =	swait.ge [sflag:s4], $0x0  }
0x19: {  	s7 =	sld [smem:$0x3F88]  }
0x1a: {  	s8 =	sadd.s32 $0xFFFFE003, lr  }
0x1b: {  	s9 =	sadd.s32 $0xFFFFFEF7, lr;
	s5 =	simm.s32 $0xFFFFFFFF;
	p2 =	slt.u32 s8, $0xFFFFF086  }
0x1c: {  	p1 =	slt.u32 s9, $0xF7A;
	s5 =	simm.s32 @!p2 $0x0  }
0x1d: {  	s5 =	simm.s32 @p1 $0x1;
	p0 =	seq.s32 s7, s2  }
0x1e: {  	s7 =	smul.u32 @!p0 $0xF7A, s2;
	p2 =	seq.s32 @!p0 s5, $0x0  }
0x1f: {  	s9 =	smul.u32 $0xF7A, s1;
	s8 =	simm.s32 @!p0 $0x1BF5;
	p2 =	por !p2, p0  }
0x20: {  	[sflag:s8] =	ssyncset.s32 @!p0 $0xFFFFF086;
	s6 =	sadd.s32 @!p0 s3, s7;
	s7 =	simm.s32 @!p0 $0x108  }
0x21: {  	s3 =	sadd.s32 s3, s9;
	s6 =	sadd.s32 @!p0 $0x88, s6;
	s7 =	simm.s32 @p2 $0x1082  }
0x22: {  	[simem:s7], [sflag:s8] =	dma.local @!p0 [hbm:s6], $0xF7A  }
0x23: {  	s9 =	sor.u32 $0xD0000000, s2;
	s6 =	simm.s32 $0x108;
	_ =	swait.ge @!p0 [sflag:s8], $0x0  }
0x24: {  	s3 =	sadd.s32 $0x88, s3;
	s6 =	simm.s32 @!p1 $0x1082;
	[sflag:s4] =	ssyncset.s32 $0xFFFFF086  }
0x25: {  	[simem:s6], [sflag:s4] =	dma.local [hbm:s3], $0xF7A  }
0x26: {  	[smem:$0x3F88] =	sst s1;
	(tag) =	ssettag s2;
	_ =	strace s9  }
0x27: {  	s1 =	sld [smem:$0x3F98]  }
0x28: {  	s2 =	sld [smem:$0x3F99]  }
0x29: {  	s4 =	sld [smem:$0x3F9B]  }
0x2a: {  	p0 =	seq.s32 s5, $0x0;
	s5 =	sld [smem:$0x3F9C]  }
0x2b: {  	s6 =	sld [smem:$0x3F9D]  }
0x2c: {  	s7 =	sld [smem:$0x3F9E]  }
0x2d: {  	s3 =	simm.s32 $0x108;
	s8 =	sld [smem:$0x3F9F]  }
0x2e: {  	s3 =	simm.s32 @!p0 $0x1082;
	s9 =	sld [smem:$0x3FA0]  }
0x2f: {  	lr =	sadd.s32 s0, s3;
	s0 =	sld [smem:$0x3F97]  }
0x30: {  	s3 =	sld [smem:$0x3F9A]  }
0x31: {  	[smem:$0x3FA3] =	sst s10  }
0x32: {  	s10 =	sld [smem:$0x3FA1];
	_ =	sdelay $0x3  }
0x33: {  	p0 =	seq.s32 s10, $0x1;
	s10 =	sld [smem:$0x3FA3];
	_ =	sdelay $0x3  }
0x34: {  	[smem:$0x3FA3] =	sst s10  }
0x35: {  	s10 =	sld [smem:$0x3FA2];
	_ =	sdelay $0x3  }
0x36: {  	p1 =	seq.s32 s10, $0x1;
	s10 =	sld [smem:$0x3FA3];
	_ =	sdelay $0x3  }
0x37: {  	[smem:$0x3FA3] =	sst s10  }
0x38: {  	s10 =	sld [smem:$0x3FA4]  }
0x39: {  	_ = 	snop;
	(pc) =	sbr.ind lr, $3  }
0x3a: {  	_ = 	snop  }
0x3b: {  	_ = 	snop  }
0x3c: {  	p2 =	seq.s32 s10, $0x1;
	s10 =	sld [smem:$0x3FA3]  }
0x3d: {  	_ =	shalt  }
0x3e: {  	_ =	shalt  }
0x3f: {  	_ =	shalt  }
0x40: {  	_ =	shalt  }
0x41: {  	_ =	shalt  }
0x42: {  	_ =	shalt  }
0x43: {  	_ =	shalt  }
0x44: {  	_ =	shalt  }
0x45: {  	_ =	shalt  }
0x46: {  	_ =	shalt  }
0x47: {  	_ =	shalt  }
0x48: {  	_ =	shalt  }
0x49: {  	_ =	shalt  }
0x4a: {  	_ =	shalt  }
0x4b: {  	_ =	shalt  }
0x4c: {  	_ =	shalt  }
0x4d: {  	_ =	shalt  }
0x4e: {  	_ =	shalt  }
0x4f: {  	_ =	shalt  }
0x50: {  	_ =	shalt  }
0x51: {  	_ =	shalt  }
0x52: {  	_ =	shalt  }
0x53: {  	_ =	shalt  }
0x54: {  	_ =	shalt  }
0x55: {  	_ =	shalt  }
0x56: {  	_ =	shalt  }
0x57: {  	_ =	shalt  }
0x58: {  	_ =	shalt  }
0x59: {  	_ =	shalt  }
0x5a: {  	_ =	shalt  }
0x5b: {  	_ =	shalt  }
0x5c: {  	_ =	shalt  }
0x5d: {  	_ =	shalt  }
0x5e: {  	_ =	shalt  }
0x5f: {  	_ =	shalt  }
0x60: {  	_ =	shalt  }
0x61: {  	_ =	shalt  }
0x62: {  	_ =	shalt  }
0x63: {  	_ =	shalt  }
0x64: {  	_ =	shalt  }
0x65: {  	_ =	shalt  }
0x66: {  	_ =	shalt  }
0x67: {  	_ =	shalt  }
0x68: {  	_ =	shalt  }
0x69: {  	_ =	shalt  }
0x6a: {  	_ =	shalt  }
0x6b: {  	_ =	shalt  }
0x6c: {  	_ =	shalt  }
0x6d: {  	_ =	shalt  }
0x6e: {  	_ =	shalt  }
0x6f: {  	_ =	shalt  }
0x70: {  	_ =	shalt  }
0x71: {  	_ =	shalt  }
0x72: {  	_ =	shalt  }
0x73: {  	_ =	shalt  }
0x74: {  	_ =	shalt  }
0x75: {  	_ =	shalt  }
0x76: {  	_ =	shalt  }
0x77: {  	_ =	shalt  }
0x78: {  	_ =	shalt  }
0x79: {  	_ =	shalt  }
0x7a: {  	_ =	shalt  }
0x7b: {  	_ =	shalt  }
0x7c: {  	_ =	shalt  }
0x7d: {  	_ =	shalt  }
0x7e: {  	_ =	shalt  }
0x7f: {  	_ =	shalt  }
0x80: {  	_ =	shalt  }
0x81: {  	_ =	shalt  }
0x82: {  	_ =	shalt  }
0x83: {  	_ =	shalt  }
0x84: {  	_ =	shalt  }
0x85: {  	_ =	shalt  }
0x86: {  	_ =	shalt  }
0x87: {  	_ =	shalt  }
.Lfunc_end0:
.L_simem_size_0:
called_computation.5_lowered:
.L_overlay_start_0:
0x88: {  	s2 =	sld [smem:$0x3FD9]  }
0x89: {  	s3 =	sld [smem:$0x3FFE];
	_ =	sdelay $0x1  }
0x8a: {  	s1 =	srdreg.scid  }
0x8b: {  	s0 =	sand.u32 $0x1, s1  }
0x8c: {  	s17 =	sshll.u32 s0, $0xA;
	s2 =	sadd.s32 s3, s2  }
0x8d: {  	s2 =	sadd.s32 s2, s17  }
0x8e: {  	[smem:$0x3FAF] =	sst s2  }
0x8f: {  	_ = 	snop  }
0x90: {  	(tm) =	ssettm $0x1  }
0x91: {  	s18 =	sld [smem:$0x3FFB];
	_ =	sdelay $0x3  }
0x92: {  	_ =	strace s18  }
0x93: {  	s2 =	sld [smem:$0x3FFC];
	_ =	sdelay $0x3  }
0x94: {  	_ =	strace s2  }
0x95: {  	s2 =	sld [smem:$0x3FFD];
	_ =	sdelay $0x3  }
0x96: {  	_ =	strace s2  }
0x97: {  	_ =	strace $0x8FFFFFFF  }
0x98: {  	s19 =	sld [smem:$0x3FDB];
	_ =	sdelay $0x1  }
0x99: {  	s20 =	simm.s32 $_scs_section_size  }
0x9a: {  	s4 =	simm.s32 $_size__tile_overlayer_lowered;
	s5 =	simm.s32 $_tile_overlayer_lowered  }
0x9b: {  	s6 =	simm.s32 $0x1BFF;
	s21 =	sshll.u32 s5, $0x1;
	s3 =	sadd.s32 s20, s19  }
0x9c: {  	s22 =	simm.s32 $0x0;
	s4 =	sshll.u32 s4, $0x1;
	s5 =	sadd.s32 s21, s3  }
0x9d: {  	[timem:s22], [sflag:s6] =	dma.local [hbm:s5], s4  }
0x9e: {  	_ =	swait.ge [sflag:s6], s4  }
0x9f: {  	s4 =	ssub.s32 $0x0, s4;
	[sflag:s6] =	ssyncset.done $0x0  }
0xa0: {  	[sflag:s6] =	ssyncadd.s32 s4;
	_ =	sdelay $0x1  }
0xa1: {  	s23 =	simm.s32 $0x1B8B  }
0xa2: {  	_ =	swait.ge [sflag:s23], $0x1  }
0xa3: {  	[sflag:s23] =	ssyncset.done $0x0  }
0xa4: {  	[sflag:s23] =	ssyncadd.s32 $0xFFFFFFFF  }
0xa5: {  	s4 =	sld [smem:$0x0]  }
0xa6: {  	s5 =	sand.u32 $0xFFFFFFFE, s1  }
0xa7: {  	p0 =	sne.s32 s1, s5  }
0xa8: {  	s5 =	sshll.u32 @p0 s5, $0xE  }
0xa9: {  	s5 =	sadd.s32 @p0 $0x11B8D, s5;
	s6 =	sshll.u32 @p0 s4, $0x11  }
0xaa: {  	s5 =	sor.u32 @p0 s6, s5  }
0xab: {  	[sflag:s5] =	ssyncadd.remote.s32 @p0 $0x1;
	_ =	sdelay $0x1  }
0xac: {  	s5 =	simm.s32 @p0 $0x1B8D  }
0xad: {  	_ =	swait.eq @p0 [sflag:s5], $0x1  }
0xae: {  	[sflag:s5] =	ssyncadd.s32 @p0 $0xFFFFFFFF  }
0xaf: {  	s6 =	sshll.u32 @!p0 s1, $0xE  }
0xb0: {  	s6 =	sor.u32 @!p0 $0x4000, s6;
	s5 =	simm.s32 @!p0 $0x1B8D  }
0xb1: {  	s4 =	sshll.u32 @!p0 s4, $0x11;
	s6 =	sadd.s32 @!p0 $0x11B8D, s6;
	_ =	swait.eq @!p0 [sflag:s5], $0x1  }
0xb2: {  	s4 =	sor.u32 @!p0 s4, s6;
	[sflag:s5] =	ssyncadd.s32 @!p0 $0xFFFFFFFF  }
0xb3: {  	s25 =	simm.s32 $0x1B8E;
	s24 =	sld [smem:$0x3FFE];
	[sflag:s4] =	ssyncadd.remote.s32 @!p0 $0x1  }
0xb4: {  	s26 =	simm.s32 $execute0_lowered;
	[smem:$0x3FD2] =	sst s25  }
0xb5: {  	s5 =	sshll.u32 s26, $0x1;
	_ =	strace $0x80000055;
	[dreg:$0x1] =	wrdreg $0xFFFFFFFF  }
0xb6: {  	s28 =	simm.s32 $_size_execute0_lowered;
	s3 =	sadd.s32 s3, s5;
	[dreg:$0x0] =	wrdreg $0x0  }
0xb7: {  	s5 =	sshll.u32 s28, $0x1;
	[dreg:$0x2] =	wrdreg s3  }
0xb8: {  	[dreg:$0x3] =	wrdreg s5  }
0xb9: {  	[dreg:$0x4] =	wrdreg $0xC0  }
0xba: {  	_ =	task [dreg:s22], $0x5FFFF  }
0xbb: {  	[dreg:$0x1] =	wrdreg $0xFFFFFFFF  }
0xbc: {  	[dreg:$0x0] =	wrdreg $0x60  }
0xbd: {  	[dreg:$0x2] =	wrdreg s24  }
0xbe: {  	[dreg:$0x3] =	wrdreg $0x9  }
0xbf: {  	_ =	task.clear_ibuf [dreg:s22], $0x4FFFF;
	_ =	strace $0x90000055  }
0xc0: {  	s29 =	simm.s32 $0x9;
	_ =	strace $0x80000057  }
0xc1: {  	_ =	swait.ge [sflag:s29], $0x1  }
0xc2: {  	[sflag:s29] =	ssyncadd.s32 $0xFFFFFFFF  }
0xc3: {  	_ =	strace $0x90000057  }
0xc4: {  	_ =	sfence  }
0xc5: {  	s30 =	sld [smem:$0x0];
	_ =	sdelay $0x2  }
0xc6: {  	s31 =	sshll.u32 s1, $0xD;
	s1 =	sshrl.u32 s1, $0x2  }
0xc7: {  	s4 =	sand.u32 $0x4000, s31;
	s1 =	sadd.s32 s1, s30  }
0xc8: {  	s0 =	sor.u32 s4, s0;
	s1 =	sshll.u32 s1, $0x11  }
0xc9: {  	s0 =	sor.u32 s1, s0  }
0xca: {  	s0 =	sadd.s32 $0x8F2B, s0  }
0xcb: {  	[sflag:s0] =	ssyncadd.remote.s32 $0x1  }
0xcc: {  	_ =	sfence.sel $0xFFFF  }
0xcd: {  	[dreg:$0x0] =	wrdreg $0xFFFFFFFF;
	(pc) =	sbr.abs _section_cstart, $3  }
0xce: {  	[dreg:$0x1] =	wrdreg $0xFFFFFFFF  }
0xcf: {  	_ =	task.clear_ibuf [dreg:s22], $0x2FFFF;
	_ =	strace $0x9FFFFFFF  }
0xd0: {  	(tm) =	ssettm $0x7FFFFFFF  }
0xd1: {  	_ =	shalt  }
tec
execute0_lowered:
.L_overlay_start_1:
0x0: {  	(tag) =	ssettag $0x1  }
0x1: {  	s1 =	srdreg.scid;
	s0 =	stileid.u32  }
0x2: {  	s6 =	rddreg [dreg:$0x0];
	s2 =	simm.s32 $0x0;
	s12 =	simm.s32 $0x4800  }
0x3: {  	s13 =	simm.s32 $0x1;
	s14 =	simm.s32 $0x2;
	s15 =	simm.s32 $0x0  }
0x4: {  	s5 =	sand.u32 $0x1, s1;
	s26 =	sshll.u32 s0, $0x1;
	s1 =	rddreg [dreg:$0x1]  }
0x5: {  	[smem:$0x7FF] =	sst s2;
	s29 =	smul.u32 $0x30000, s0;
	s4 =	sor.u32 s5, s26  }
0x6: {  	s11 =	sadd.s32 $0x36EC00, s6;
	s8 =	ssub.s32 $0x2, s5;
	s3 =	smul.u32 $0x1800, s4  }
0x7: {  	_ =	strace $0x80000056;
	s9 =	sshrl.u32 s8, $0x1;
	s10 =	smul.u32 $0x18000, s4  }
0x8: {  	s31 =	smul.u32 $0x18000, s5;
	s28 =	ssub.s32 s8, s9;
	s8 =	sadd.s32 s29, s11  }
0x9: {  	s9 =	simm.s32 $0x3;
	s3 =	sshrl.u32 s3, $0x3;
	s30 =	sadd.s32 s11, s10  }
0xa: {  	s5 =	smax.u32 s28, $0x1;
	s8 =	sadd.s32 s31, s8;
	s10 =	simm.s32 $0x60  }
0xb: {  	s11 =	simm.s32 $0x1800;
	s7 =	sadd.s32 s3, s6;
	s3 =	sadd.s32 $0x94C00, s6  }
0xc: {  	s6 =	sadd.s32 $0x17400, s30;
	s4 =	sadd.s32 $0x8EC00, s7;
	s7 =	sadd.s32 $0x17A00, s30  }
.LBB2_1:
0xd: {  	[tilespmem:s2], [sflag:$0x3] =	stream.linear.gather [hbm4b:s4+s2], $0x1800, $0x38;
	[tilespmem:$0x7800] =	vst v63  }
0xe: {  	_ =	swait.ge [sflag:s9], $0x1800  }
0xf: {  	[sflag:s9] =	ssyncset.done $0x0  }
0x10: {  	[sflag:s9] =	ssyncadd.s32 $0xFFFFE800  }
0x11: {  	[tilespmem:s11], [sflag:$0x1] =	stream.indirect.gather [hbm4b:s3+s10], $0x80, s2, s10, $0xb8;
	[tilespmem:$0x7800] =	vst v63  }
0x12: {  	_ = 	snop  }
0x13: {  	[tilespmem:s12], [sflag:$0x2] =	stream.indirect.gather [hbm4b:s3+s10], $0x80, s10, s10, $0xb8;
	[tilespmem:$0x7800] =	vst v63  }
0x14: {  	_ =	swait.ge [sflag:s13], $0x3000  }
0x15: {  	[sflag:s13] =	ssyncset.done $0x0  }
0x16: {  	s16 =	sadd.s32 $0x0, s8;
	[sflag:s13] =	ssyncadd.s32 $0xFFFFD000  }
0x17: {  	[hbm4b:s16+s2] =	stream.linear.scatter [tilespmem:s11], [sflag:$0x3], $0x3000, $0x38;
	[tilespmem:$0x7800] =	vst v63  }
0x18: {  	_ =	swait.ge [sflag:s9], $0x3000  }
0x19: {  	[sflag:s9] =	ssyncset.done $0x0  }
0x1a: {  	s17 =	simm.s32 $0xC0;
	[sflag:s9] =	ssyncadd.s32 $0xFFFFD000  }
0x1b: {  	[tilespmem:s11], [sflag:$0x1] =	stream.indirect.gather [hbm4b:s3+s10], $0x80, s17, s10, $0xb8;
	[tilespmem:$0x7800] =	vst v63  }
0x1c: {  	_ =	swait.ge [sflag:s14], $0x3000  }
0x1d: {  	[sflag:s14] =	ssyncset.done $0x0  }
0x1e: {  	s16 =	sadd.s32 $0x600, s16;
	[sflag:s14] =	ssyncadd.s32 $0xFFFFD000  }
0x1f: {  	[hbm4b:s16+s2] =	stream.linear.scatter [tilespmem:s12], [sflag:$0x3], $0x3000, $0x38;
	[tilespmem:$0x7800] =	vst v63  }
0x20: {  	_ =	swait.ge [sflag:s9], $0x3000  }
0x21: {  	s18 =	simm.s32 $0x1E0;
	[sflag:s9] =	ssyncset.done $0x0  }
0x22: {  	s17 =	simm.s32 $0xC00;
	s16 =	simm.s32 $0x120;
	[sflag:s9] =	ssyncadd.s32 $0xFFFFD000  }
.LBB2_2:
0x23: {  	[tilespmem:s12], [sflag:$0x2] =	stream.indirect.gather [hbm4b:s3+s10], $0x80, s16, s10, $0xb8;
	[tilespmem:$0x7800] =	vst v63  }
0x24: {  	s19 =	smov.u32 s17;
	s16 =	smov.u32 s18  }
0x25: {  	p0 =	sne.s32 s17, $0x16800;
	s17 =	sadd.s32 $0xC00, s17;
	_ =	swait.ge [sflag:s13], $0x3000  }
0x26: {  	[sflag:s13] =	ssyncset.done $0x0  }
0x27: {  	s19 =	sadd.s32 s19, s8;
	[sflag:s13] =	ssyncadd.s32 $0xFFFFD000  }
0x28: {  	[hbm4b:s19+s2] =	stream.linear.scatter [tilespmem:s11], [sflag:$0x3], $0x3000, $0x38;
	[tilespmem:$0x7800] =	vst v63  }
0x29: {  	_ =	swait.ge [sflag:s9], $0x3000  }
0x2a: {  	[sflag:s9] =	ssyncset.done $0x0  }
0x2b: {  	s20 =	sadd.s32 $0xFFFFFFA0, s18;
	[sflag:s9] =	ssyncadd.s32 $0xFFFFD000  }
0x2c: {  	[tilespmem:s11], [sflag:$0x1] =	stream.indirect.gather [hbm4b:s3+s10], $0x80, s20, s10, $0xb8;
	[tilespmem:$0x7800] =	vst v63  }
0x2d: {  	_ =	swait.ge [sflag:s14], $0x3000  }
0x2e: {  	[sflag:s14] =	ssyncset.done $0x0  }
.Ltmp0:
0x2f: {  	s19 =	sadd.s32 $0x600, s19;
	[sflag:s14] =	ssyncadd.s32 $0xFFFFD000;
	(pc) =	sbr.rel @p0 .LBB2_2-.Ltmp0, $4  }
0x30: {  	[hbm4b:s19+s2] =	stream.linear.scatter [tilespmem:s12], [sflag:$0x3], $0x3000, $0x38;
	[tilespmem:$0x7800] =	vst v63  }
0x31: {  	_ =	swait.ge [sflag:s9], $0x3000  }
0x32: {  	[sflag:s9] =	ssyncset.done $0x0  }
0x33: {  	s18 =	sadd.s32 $0xC0, s18;
	[sflag:s9] =	ssyncadd.s32 $0xFFFFD000  }
0x34: {  	[tilespmem:s12], [sflag:$0x2] =	stream.indirect.gather [hbm4b:s3+s10], $0x80, s16, s10, $0xb8;
	[tilespmem:$0x7800] =	vst v63  }
0x35: {  	_ =	swait.ge [sflag:s13], $0x3000  }
0x36: {  	[sflag:s13] =	ssyncset.done $0x0  }
0x37: {  	[sflag:s13] =	ssyncadd.s32 $0xFFFFD000  }
0x38: {  	[hbm4b:s6+s2] =	stream.linear.scatter [tilespmem:s11], [sflag:$0x3], $0x3000, $0x38;
	[tilespmem:$0x7800] =	vst v63  }
0x39: {  	_ =	swait.ge [sflag:s9], $0x3000  }
0x3a: {  	[sflag:s9] =	ssyncset.done $0x0  }
0x3b: {  	[sflag:s9] =	ssyncadd.s32 $0xFFFFD000  }
0x3c: {  	s15 =	sadd.s32 $0x1, s15;
	_ =	swait.ge [sflag:s14], $0x3000  }
0x3d: {  	p0 =	sne.s32 s15, s5;
	[sflag:s14] =	ssyncset.done $0x0  }
.Ltmp1:
0x3e: {  	[sflag:s14] =	ssyncadd.s32 $0xFFFFD000;
	(pc) =	sbr.rel @p0 .LBB2_1-.Ltmp1, $4  }
0x3f: {  	[hbm4b:s7+s2] =	stream.linear.scatter [tilespmem:s12], [sflag:$0x3], $0x3000, $0x38;
	[tilespmem:$0x7800] =	vst v63  }
0x40: {  	_ =	swait.ge [sflag:s9], $0x3000  }
0x41: {  	[sflag:s9] =	ssyncset.done $0x0  }
0x42: {  	[sflag:s9] =	ssyncadd.s32 $0xFFFFD000  }
0x43: {  	_ =	sfence.sel $0x180000  }
0x44: {  	[bflag:$0x0] =	sbarrier.arrive $0xFFFF  }
0x45: {  	p0 =	sne.s32 s0, $0x0;
	_ =	strace $0x90000056  }
0x46: {  	s0 =	sadd.s32 @!p0 $0x100000, s1;
	[bflag:$0x2] =	sbarrier.arrive $0xFFFF  }
0x47: {  	[sflag:s0] =	ssyncadd.tile.s32 @!p0 $0x1;
	_ =	shalt  }
.Lfunc_end2:
_tile_overlayer_lowered:
.L_overlay_start_2:
0x48: {  	(tag) =	ssettag $0x2  }
0x49: {  	s0 =	rddreg [dreg:$0x0];
	s2 =	stileid.u32  }
0x4a: {  	s1 =	rddreg [dreg:$0x1];
	p0 =	sne.s32 s2, $0x0  }
0x4b: {  	s3 =	rddreg [dreg:$0x2];
	[bflag:$0x3] =	sbarrier.arrive $0xFFFF;
	s2 =	simm.s32 @!p0 $0x1C03  }
0x4c: {  	[timem:s3], [sflag:s2] =	dma.local @!p0 [hbm:s0], s1  }
0x4d: {  	s0 =	simm.s32 @!p0 $0x3  }
0x4e: {  	_ =	swait.ge @!p0 [sflag:s0], s1  }
0x4f: {  	s1 =	ssub.s32 @!p0 $0x0, s1;
	[sflag:s0] =	ssyncset.done @!p0 $0x0  }
0x50: {  	[sflag:s0] =	ssyncadd.s32 @!p0 s1  }
0x51: {  	[bflag:$0x3] =	sbarrier.arrive $0xFFFF  }
0x52: {  	_ =	shalt  }

// kernel: kernel.46.cloned.1.call-start
scs
__scs_entry_jumppad:
0x0: {  	(pc) =	sbr.rel $0x88, $3  }
0x1: {  	(tag) =	ssettag $0x0;
	lr =	simm.s32 $0x1  }
0x2: {  	[smem:$0x3F88] =	sst lr;
	_ =	strace $0xD0000000  }
0x3: {  	_ = 	snop  }
0x4: {  	_ = 	snop  }
0x5: {  	_ = 	snop  }
0x6: {  	_ = 	snop  }
0x7: {  	_ = 	snop  }
__scs_overlays_trampoline_lowered:
0x8: {  	[smem:$0x3F97] =	sst s0  }
0x9: {  	[smem:$0x3F98] =	sst s1  }
0xa: {  	[smem:$0x3F99] =	sst s2  }
0xb: {  	[smem:$0x3F9A] =	sst s3  }
0xc: {  	[smem:$0x3F9B] =	sst s4  }
0xd: {  	[smem:$0x3F9C] =	sst s5  }
0xe: {  	[smem:$0x3F9D] =	sst s6  }
0xf: {  	[smem:$0x3F9E] =	sst s7  }
0x10: {  	[smem:$0x3F9F] =	sst s8  }
0x11: {  	[smem:$0x3FA0] =	sst s9;
	s0 =	simm.s32 @!p0 $0x0  }
0x12: {  	s1 =	sld [smem:$0x3F86];
	s0 =	simm.s32 @p0 $0x1  }
0x13: {  	[smem:$0x3FA1] =	sst s0;
	s0 =	simm.s32 @!p1 $0x0  }
0x14: {  	s2 =	sld [smem:$0x3F85];
	s0 =	simm.s32 @p1 $0x1  }
0x15: {  	[smem:$0x3FA2] =	sst s0;
	s0 =	simm.s32 @!p2 $0x0  }
0x16: {  	s3 =	sld [smem:$0x3FDB];
	s0 =	simm.s32 @p2 $0x1  }
0x17: {  	s4 =	simm.s32 $0x1BF5;
	[smem:$0x3FA4] =	sst s0  }
0x18: {  	s0 =	sld [smem:$0x3F87];
	_ =	swait.ge [sflag:s4], $0x0  }
0x19: {  	s7 =	sld [smem:$0x3F88]  }
0x1a: {  	s8 =	sadd.s32 $0xFFFFE003, lr  }
0x1b: {  	s9 =	sadd.s32 $0xFFFFFEF7, lr;
	s5 =	simm.s32 $0xFFFFFFFF;
	p2 =	slt.u32 s8, $0xFFFFF086  }
0x1c: {  	p1 =	slt.u32 s9, $0xF7A;
	s5 =	simm.s32 @!p2 $0x0  }
0x1d: {  	s5 =	simm.s32 @p1 $0x1;
	p0 =	seq.s32 s7, s2  }
0x1e: {  	s7 =	smul.u32 @!p0 $0xF7A, s2;
	p2 =	seq.s32 @!p0 s5, $0x0  }
0x1f: {  	s9 =	smul.u32 $0xF7A, s1;
	s8 =	simm.s32 @!p0 $0x1BF5;
	p2 =	por !p2, p0  }
0x20: {  	[sflag:s8] =	ssyncset.s32 @!p0 $0xFFFFF086;
	s6 =	sadd.s32 @!p0 s3, s7;
	s7 =	simm.s32 @!p0 $0x108  }
0x21: {  	s3 =	sadd.s32 s3, s9;
	s6 =	sadd.s32 @!p0 $0x88, s6;
	s7 =	simm.s32 @p2 $0x1082  }
0x22: {  	[simem:s7], [sflag:s8] =	dma.local @!p0 [hbm:s6], $0xF7A  }
0x23: {  	s9 =	sor.u32 $0xD0000000, s2;
	s6 =	simm.s32 $0x108;
	_ =	swait.ge @!p0 [sflag:s8], $0x0  }
0x24: {  	s3 =	sadd.s32 $0x88, s3;
	s6 =	simm.s32 @!p1 $0x1082;
	[sflag:s4] =	ssyncset.s32 $0xFFFFF086  }
0x25: {  	[simem:s6], [sflag:s4] =	dma.local [hbm:s3], $0xF7A  }
0x26: {  	[smem:$0x3F88] =	sst s1;
	(tag) =	ssettag s2;
	_ =	strace s9  }
0x27: {  	s1 =	sld [smem:$0x3F98]  }
0x28: {  	s2 =	sld [smem:$0x3F99]  }
0x29: {  	s4 =	sld [smem:$0x3F9B]  }
0x2a: {  	p0 =	seq.s32 s5, $0x0;
	s5 =	sld [smem:$0x3F9C]  }
0x2b: {  	s6 =	sld [smem:$0x3F9D]  }
0x2c: {  	s7 =	sld [smem:$0x3F9E]  }
0x2d: {  	s3 =	simm.s32 $0x108;
	s8 =	sld [smem:$0x3F9F]  }
0x2e: {  	s3 =	simm.s32 @!p0 $0x1082;
	s9 =	sld [smem:$0x3FA0]  }
0x2f: {  	lr =	sadd.s32 s0, s3;
	s0 =	sld [smem:$0x3F97]  }
0x30: {  	s3 =	sld [smem:$0x3F9A]  }
0x31: {  	[smem:$0x3FA3] =	sst s10  }
0x32: {  	s10 =	sld [smem:$0x3FA1];
	_ =	sdelay $0x3  }
0x33: {  	p0 =	seq.s32 s10, $0x1;
	s10 =	sld [smem:$0x3FA3];
	_ =	sdelay $0x3  }
0x34: {  	[smem:$0x3FA3] =	sst s10  }
0x35: {  	s10 =	sld [smem:$0x3FA2];
	_ =	sdelay $0x3  }
0x36: {  	p1 =	seq.s32 s10, $0x1;
	s10 =	sld [smem:$0x3FA3];
	_ =	sdelay $0x3  }
0x37: {  	[smem:$0x3FA3] =	sst s10  }
0x38: {  	s10 =	sld [smem:$0x3FA4]  }
0x39: {  	_ = 	snop;
	(pc) =	sbr.ind lr, $3  }
0x3a: {  	_ = 	snop  }
0x3b: {  	_ = 	snop  }
0x3c: {  	p2 =	seq.s32 s10, $0x1;
	s10 =	sld [smem:$0x3FA3]  }
0x3d: {  	_ =	shalt  }
0x3e: {  	_ =	shalt  }
0x3f: {  	_ =	shalt  }
0x40: {  	_ =	shalt  }
0x41: {  	_ =	shalt  }
0x42: {  	_ =	shalt  }
0x43: {  	_ =	shalt  }
0x44: {  	_ =	shalt  }
0x45: {  	_ =	shalt  }
0x46: {  	_ =	shalt  }
0x47: {  	_ =	shalt  }
0x48: {  	_ =	shalt  }
0x49: {  	_ =	shalt  }
0x4a: {  	_ =	shalt  }
0x4b: {  	_ =	shalt  }
0x4c: {  	_ =	shalt  }
0x4d: {  	_ =	shalt  }
0x4e: {  	_ =	shalt  }
0x4f: {  	_ =	shalt  }
0x50: {  	_ =	shalt  }
0x51: {  	_ =	shalt  }
0x52: {  	_ =	shalt  }
0x53: {  	_ =	shalt  }
0x54: {  	_ =	shalt  }
0x55: {  	_ =	shalt  }
0x56: {  	_ =	shalt  }
0x57: {  	_ =	shalt  }
0x58: {  	_ =	shalt  }
0x59: {  	_ =	shalt  }
0x5a: {  	_ =	shalt  }
0x5b: {  	_ =	shalt  }
0x5c: {  	_ =	shalt  }
0x5d: {  	_ =	shalt  }
0x5e: {  	_ =	shalt  }
0x5f: {  	_ =	shalt  }
0x60: {  	_ =	shalt  }
0x61: {  	_ =	shalt  }
0x62: {  	_ =	shalt  }
0x63: {  	_ =	shalt  }
0x64: {  	_ =	shalt  }
0x65: {  	_ =	shalt  }
0x66: {  	_ =	shalt  }
0x67: {  	_ =	shalt  }
0x68: {  	_ =	shalt  }
0x69: {  	_ =	shalt  }
0x6a: {  	_ =	shalt  }
0x6b: {  	_ =	shalt  }
0x6c: {  	_ =	shalt  }
0x6d: {  	_ =	shalt  }
0x6e: {  	_ =	shalt  }
0x6f: {  	_ =	shalt  }
0x70: {  	_ =	shalt  }
0x71: {  	_ =	shalt  }
0x72: {  	_ =	shalt  }
0x73: {  	_ =	shalt  }
0x74: {  	_ =	shalt  }
0x75: {  	_ =	shalt  }
0x76: {  	_ =	shalt  }
0x77: {  	_ =	shalt  }
0x78: {  	_ =	shalt  }
0x79: {  	_ =	shalt  }
0x7a: {  	_ =	shalt  }
0x7b: {  	_ =	shalt  }
0x7c: {  	_ =	shalt  }
0x7d: {  	_ =	shalt  }
0x7e: {  	_ =	shalt  }
0x7f: {  	_ =	shalt  }
0x80: {  	_ =	shalt  }
0x81: {  	_ =	shalt  }
0x82: {  	_ =	shalt  }
0x83: {  	_ =	shalt  }
0x84: {  	_ =	shalt  }
0x85: {  	_ =	shalt  }
0x86: {  	_ =	shalt  }
0x87: {  	_ =	shalt  }
.Lfunc_end0:
.L_simem_size_0:
called_computation.6_lowered:
.L_overlay_start_0:
0x88: {  	s2 =	sld [smem:$0x3FD9]  }
0x89: {  	s3 =	sld [smem:$0x3FFE];
	_ =	sdelay $0x1  }
0x8a: {  	s1 =	srdreg.scid  }
0x8b: {  	s0 =	sand.u32 $0x1, s1  }
0x8c: {  	s17 =	sshll.u32 s0, $0xA;
	s2 =	sadd.s32 s3, s2  }
0x8d: {  	s2 =	sadd.s32 s2, s17  }
0x8e: {  	[smem:$0x3FAF] =	sst s2  }
0x8f: {  	_ = 	snop  }
0x90: {  	(tm) =	ssettm $0x1  }
0x91: {  	s18 =	sld [smem:$0x3FFB];
	_ =	sdelay $0x3  }
0x92: {  	_ =	strace s18  }
0x93: {  	s2 =	sld [smem:$0x3FFC];
	_ =	sdelay $0x3  }
0x94: {  	_ =	strace s2  }
0x95: {  	s2 =	sld [smem:$0x3FFD];
	_ =	sdelay $0x3  }
0x96: {  	_ =	strace s2  }
0x97: {  	_ =	strace $0x8FFFFFFF  }
0x98: {  	s19 =	sld [smem:$0x3FDB];
	_ =	sdelay $0x1  }
0x99: {  	s20 =	simm.s32 $_scs_section_size  }
0x9a: {  	s4 =	simm.s32 $_size__tile_overlayer_lowered;
	s5 =	simm.s32 $_tile_overlayer_lowered  }
0x9b: {  	s6 =	simm.s32 $0x1BFF;
	s21 =	sshll.u32 s5, $0x1;
	s3 =	sadd.s32 s20, s19  }
0x9c: {  	s22 =	simm.s32 $0x0;
	s4 =	sshll.u32 s4, $0x1;
	s5 =	sadd.s32 s21, s3  }
0x9d: {  	[timem:s22], [sflag:s6] =	dma.local [hbm:s5], s4  }
0x9e: {  	_ =	swait.ge [sflag:s6], s4  }
0x9f: {  	s4 =	ssub.s32 $0x0, s4;
	[sflag:s6] =	ssyncset.done $0x0  }
0xa0: {  	[sflag:s6] =	ssyncadd.s32 s4;
	_ =	sdelay $0x1  }
0xa1: {  	s23 =	simm.s32 $0x1B8B  }
0xa2: {  	_ =	swait.ge [sflag:s23], $0x1  }
0xa3: {  	[sflag:s23] =	ssyncset.done $0x0  }
0xa4: {  	[sflag:s23] =	ssyncadd.s32 $0xFFFFFFFF  }
0xa5: {  	s4 =	sld [smem:$0x0]  }
0xa6: {  	s5 =	sand.u32 $0xFFFFFFFE, s1  }
0xa7: {  	p0 =	sne.s32 s1, s5  }
0xa8: {  	s5 =	sshll.u32 @p0 s5, $0xE  }
0xa9: {  	s5 =	sadd.s32 @p0 $0x11B8D, s5;
	s6 =	sshll.u32 @p0 s4, $0x11  }
0xaa: {  	s5 =	sor.u32 @p0 s6, s5  }
0xab: {  	[sflag:s5] =	ssyncadd.remote.s32 @p0 $0x1;
	_ =	sdelay $0x1  }
0xac: {  	s5 =	simm.s32 @p0 $0x1B8D  }
0xad: {  	_ =	swait.eq @p0 [sflag:s5], $0x1  }
0xae: {  	[sflag:s5] =	ssyncadd.s32 @p0 $0xFFFFFFFF  }
0xaf: {  	s6 =	sshll.u32 @!p0 s1, $0xE  }
0xb0: {  	s6 =	sor.u32 @!p0 $0x4000, s6;
	s5 =	simm.s32 @!p0 $0x1B8D  }
0xb1: {  	s4 =	sshll.u32 @!p0 s4, $0x11;
	s6 =	sadd.s32 @!p0 $0x11B8D, s6;
	_ =	swait.eq @!p0 [sflag:s5], $0x1  }
0xb2: {  	s4 =	sor.u32 @!p0 s4, s6;
	[sflag:s5] =	ssyncadd.s32 @!p0 $0xFFFFFFFF  }
0xb3: {  	s25 =	simm.s32 $0x1B8E;
	s24 =	sld [smem:$0x3FFE];
	[sflag:s4] =	ssyncadd.remote.s32 @!p0 $0x1  }
0xb4: {  	s26 =	simm.s32 $execute0_lowered;
	[smem:$0x3FD2] =	sst s25  }
0xb5: {  	s5 =	sshll.u32 s26, $0x1;
	_ =	strace $0x80000058;
	[dreg:$0x1] =	wrdreg $0xFFFFFFFF  }
0xb6: {  	s28 =	simm.s32 $_size_execute0_lowered;
	s3 =	sadd.s32 s3, s5;
	[dreg:$0x0] =	wrdreg $0x0  }
0xb7: {  	s5 =	sshll.u32 s28, $0x1;
	[dreg:$0x2] =	wrdreg s3  }
0xb8: {  	[dreg:$0x3] =	wrdreg s5  }
0xb9: {  	[dreg:$0x4] =	wrdreg $0xC0  }
0xba: {  	_ =	task [dreg:s22], $0x5FFFF  }
0xbb: {  	[dreg:$0x1] =	wrdreg $0xFFFFFFFF  }
0xbc: {  	[dreg:$0x0] =	wrdreg $0x60  }
0xbd: {  	[dreg:$0x2] =	wrdreg s24  }
0xbe: {  	[dreg:$0x3] =	wrdreg $0xA  }
0xbf: {  	_ =	task.clear_ibuf [dreg:s22], $0x4FFFF;
	_ =	strace $0x90000058  }
0xc0: {  	s29 =	simm.s32 $0xA;
	_ =	strace $0x8000005A  }
0xc1: {  	_ =	swait.ge [sflag:s29], $0x1  }
0xc2: {  	[sflag:s29] =	ssyncadd.s32 $0xFFFFFFFF  }
0xc3: {  	_ =	strace $0x9000005A  }
0xc4: {  	_ =	sfence  }
0xc5: {  	s30 =	sld [smem:$0x0];
	_ =	sdelay $0x2  }
0xc6: {  	s31 =	sshll.u32 s1, $0xD;
	s1 =	sshrl.u32 s1, $0x2  }
0xc7: {  	s4 =	sand.u32 $0x4000, s31;
	s1 =	sadd.s32 s1, s30  }
0xc8: {  	s0 =	sor.u32 s4, s0;
	s1 =	sshll.u32 s1, $0x11  }
0xc9: {  	s0 =	sor.u32 s1, s0  }
0xca: {  	s0 =	sadd.s32 $0x8F2B, s0  }
0xcb: {  	[sflag:s0] =	ssyncadd.remote.s32 $0x1  }
0xcc: {  	_ =	sfence.sel $0xFFFF  }
0xcd: {  	[dreg:$0x0] =	wrdreg $0xFFFFFFFF;
	(pc) =	sbr.abs _section_cstart, $3  }
0xce: {  	[dreg:$0x1] =	wrdreg $0xFFFFFFFF  }
0xcf: {  	_ =	task.clear_ibuf [dreg:s22], $0x2FFFF;
	_ =	strace $0x9FFFFFFF  }
0xd0: {  	(tm) =	ssettm $0x7FFFFFFF  }
0xd1: {  	_ =	shalt  }
tec
execute0_lowered:
.L_overlay_start_1:
0x0: {  	(tag) =	ssettag $0x1  }
0x1: {  	s1 =	srdreg.scid;
	s0 =	stileid.u32  }
0x2: {  	s6 =	rddreg [dreg:$0x0];
	s2 =	simm.s32 $0x0;
	s12 =	simm.s32 $0x4800  }
0x3: {  	s13 =	simm.s32 $0x1;
	s14 =	simm.s32 $0x2;
	s15 =	simm.s32 $0x0  }
0x4: {  	s5 =	sand.u32 $0x1, s1;
	s26 =	sshll.u32 s0, $0x1;
	s1 =	rddreg [dreg:$0x1]  }
0x5: {  	[smem:$0x7FF] =	sst s2;
	s29 =	smul.u32 $0x30000, s0;
	s4 =	sor.u32 s5, s26  }
0x6: {  	s11 =	sadd.s32 $0x66EC00, s6;
	s8 =	ssub.s32 $0x2, s5;
	s3 =	smul.u32 $0x1800, s4  }
0x7: {  	_ =	strace $0x80000059;
	s9 =	sshrl.u32 s8, $0x1;
	s10 =	smul.u32 $0x18000, s4  }
0x8: {  	s31 =	smul.u32 $0x18000, s5;
	s28 =	ssub.s32 s8, s9;
	s8 =	sadd.s32 s29, s11  }
0x9: {  	s9 =	simm.s32 $0x3;
	s3 =	sshrl.u32 s3, $0x3;
	s30 =	sadd.s32 s11, s10  }
0xa: {  	s5 =	smax.u32 s28, $0x1;
	s8 =	sadd.s32 s31, s8;
	s10 =	simm.s32 $0x60  }
0xb: {  	s11 =	simm.s32 $0x1800;
	s7 =	sadd.s32 s3, s6;
	s3 =	sadd.s32 $0x48C00, s6  }
0xc: {  	s6 =	sadd.s32 $0x17400, s30;
	s4 =	sadd.s32 $0x68C00, s7;
	s7 =	sadd.s32 $0x17A00, s30  }
.LBB2_1:
0xd: {  	[tilespmem:s2], [sflag:$0x3] =	stream.linear.gather [hbm4b:s4+s2], $0x1800, $0x38;
	[tilespmem:$0x7800] =	vst v63  }
0xe: {  	_ =	swait.ge [sflag:s9], $0x1800  }
0xf: {  	[sflag:s9] =	ssyncset.done $0x0  }
0x10: {  	[sflag:s9] =	ssyncadd.s32 $0xFFFFE800  }
0x11: {  	[tilespmem:s11], [sflag:$0x1] =	stream.indirect.gather [hbm4b:s3+s10], $0x80, s2, s10, $0xb8;
	[tilespmem:$0x7800] =	vst v63  }
0x12: {  	_ = 	snop  }
0x13: {  	[tilespmem:s12], [sflag:$0x2] =	stream.indirect.gather [hbm4b:s3+s10], $0x80, s10, s10, $0xb8;
	[tilespmem:$0x7800] =	vst v63  }
0x14: {  	_ =	swait.ge [sflag:s13], $0x3000  }
0x15: {  	[sflag:s13] =	ssyncset.done $0x0  }
0x16: {  	s16 =	sadd.s32 $0x0, s8;
	[sflag:s13] =	ssyncadd.s32 $0xFFFFD000  }
0x17: {  	[hbm4b:s16+s2] =	stream.linear.scatter [tilespmem:s11], [sflag:$0x3], $0x3000, $0x38;
	[tilespmem:$0x7800] =	vst v63  }
0x18: {  	_ =	swait.ge [sflag:s9], $0x3000  }
0x19: {  	[sflag:s9] =	ssyncset.done $0x0  }
0x1a: {  	s17 =	simm.s32 $0xC0;
	[sflag:s9] =	ssyncadd.s32 $0xFFFFD000  }
0x1b: {  	[tilespmem:s11], [sflag:$0x1] =	stream.indirect.gather [hbm4b:s3+s10], $0x80, s17, s10, $0xb8;
	[tilespmem:$0x7800] =	vst v63  }
0x1c: {  	_ =	swait.ge [sflag:s14], $0x3000  }
0x1d: {  	[sflag:s14] =	ssyncset.done $0x0  }
0x1e: {  	s16 =	sadd.s32 $0x600, s16;
	[sflag:s14] =	ssyncadd.s32 $0xFFFFD000  }
0x1f: {  	[hbm4b:s16+s2] =	stream.linear.scatter [tilespmem:s12], [sflag:$0x3], $0x3000, $0x38;
	[tilespmem:$0x7800] =	vst v63  }
0x20: {  	_ =	swait.ge [sflag:s9], $0x3000  }
0x21: {  	s18 =	simm.s32 $0x1E0;
	[sflag:s9] =	ssyncset.done $0x0  }
0x22: {  	s17 =	simm.s32 $0xC00;
	s16 =	simm.s32 $0x120;
	[sflag:s9] =	ssyncadd.s32 $0xFFFFD000  }
.LBB2_2:
0x23: {  	[tilespmem:s12], [sflag:$0x2] =	stream.indirect.gather [hbm4b:s3+s10], $0x80, s16, s10, $0xb8;
	[tilespmem:$0x7800] =	vst v63  }
0x24: {  	s19 =	smov.u32 s17;
	s16 =	smov.u32 s18  }
0x25: {  	p0 =	sne.s32 s17, $0x16800;
	s17 =	sadd.s32 $0xC00, s17;
	_ =	swait.ge [sflag:s13], $0x3000  }
0x26: {  	[sflag:s13] =	ssyncset.done $0x0  }
0x27: {  	s19 =	sadd.s32 s19, s8;
	[sflag:s13] =	ssyncadd.s32 $0xFFFFD000  }
0x28: {  	[hbm4b:s19+s2] =	stream.linear.scatter [tilespmem:s11], [sflag:$0x3], $0x3000, $0x38;
	[tilespmem:$0x7800] =	vst v63  }
0x29: {  	_ =	swait.ge [sflag:s9], $0x3000  }
0x2a: {  	[sflag:s9] =	ssyncset.done $0x0  }
0x2b: {  	s20 =	sadd.s32 $0xFFFFFFA0, s18;
	[sflag:s9] =	ssyncadd.s32 $0xFFFFD000  }
0x2c: {  	[tilespmem:s11], [sflag:$0x1] =	stream.indirect.gather [hbm4b:s3+s10], $0x80, s20, s10, $0xb8;
	[tilespmem:$0x7800] =	vst v63  }
0x2d: {  	_ =	swait.ge [sflag:s14], $0x3000  }
0x2e: {  	[sflag:s14] =	ssyncset.done $0x0  }
.Ltmp0:
0x2f: {  	s19 =	sadd.s32 $0x600, s19;
	[sflag:s14] =	ssyncadd.s32 $0xFFFFD000;
	(pc) =	sbr.rel @p0 .LBB2_2-.Ltmp0, $4  }
0x30: {  	[hbm4b:s19+s2] =	stream.linear.scatter [tilespmem:s12], [sflag:$0x3], $0x3000, $0x38;
	[tilespmem:$0x7800] =	vst v63  }
0x31: {  	_ =	swait.ge [sflag:s9], $0x3000  }
0x32: {  	[sflag:s9] =	ssyncset.done $0x0  }
0x33: {  	s18 =	sadd.s32 $0xC0, s18;
	[sflag:s9] =	ssyncadd.s32 $0xFFFFD000  }
0x34: {  	[tilespmem:s12], [sflag:$0x2] =	stream.indirect.gather [hbm4b:s3+s10], $0x80, s16, s10, $0xb8;
	[tilespmem:$0x7800] =	vst v63  }
0x35: {  	_ =	swait.ge [sflag:s13], $0x3000  }
0x36: {  	[sflag:s13] =	ssyncset.done $0x0  }
0x37: {  	[sflag:s13] =	ssyncadd.s32 $0xFFFFD000  }
0x38: {  	[hbm4b:s6+s2] =	stream.linear.scatter [tilespmem:s11], [sflag:$0x3], $0x3000, $0x38;
	[tilespmem:$0x7800] =	vst v63  }
0x39: {  	_ =	swait.ge [sflag:s9], $0x3000  }
0x3a: {  	[sflag:s9] =	ssyncset.done $0x0  }
0x3b: {  	[sflag:s9] =	ssyncadd.s32 $0xFFFFD000  }
0x3c: {  	s15 =	sadd.s32 $0x1, s15;
	_ =	swait.ge [sflag:s14], $0x3000  }
0x3d: {  	p0 =	sne.s32 s15, s5;
	[sflag:s14] =	ssyncset.done $0x0  }
.Ltmp1:
0x3e: {  	[sflag:s14] =	ssyncadd.s32 $0xFFFFD000;
	(pc) =	sbr.rel @p0 .LBB2_1-.Ltmp1, $4  }
0x3f: {  	[hbm4b:s7+s2] =	stream.linear.scatter [tilespmem:s12], [sflag:$0x3], $0x3000, $0x38;
	[tilespmem:$0x7800] =	vst v63  }
0x40: {  	_ =	swait.ge [sflag:s9], $0x3000  }
0x41: {  	[sflag:s9] =	ssyncset.done $0x0  }
0x42: {  	[sflag:s9] =	ssyncadd.s32 $0xFFFFD000  }
0x43: {  	_ =	sfence.sel $0x180000  }
0x44: {  	[bflag:$0x0] =	sbarrier.arrive $0xFFFF  }
0x45: {  	p0 =	sne.s32 s0, $0x0;
	_ =	strace $0x90000059  }
0x46: {  	s0 =	sadd.s32 @!p0 $0x100000, s1;
	[bflag:$0x2] =	sbarrier.arrive $0xFFFF  }
0x47: {  	[sflag:s0] =	ssyncadd.tile.s32 @!p0 $0x1;
	_ =	shalt  }
.Lfunc_end2:
_tile_overlayer_lowered:
.L_overlay_start_2:
0x48: {  	(tag) =	ssettag $0x2  }
0x49: {  	s0 =	rddreg [dreg:$0x0];
	s2 =	stileid.u32  }
0x4a: {  	s1 =	rddreg [dreg:$0x1];
	p0 =	sne.s32 s2, $0x0  }
0x4b: {  	s3 =	rddreg [dreg:$0x2];
	[bflag:$0x3] =	sbarrier.arrive $0xFFFF;
	s2 =	simm.s32 @!p0 $0x1C03  }
0x4c: {  	[timem:s3], [sflag:s2] =	dma.local @!p0 [hbm:s0], s1  }
0x4d: {  	s0 =	simm.s32 @!p0 $0x3  }
0x4e: {  	_ =	swait.ge @!p0 [sflag:s0], s1  }
0x4f: {  	s1 =	ssub.s32 @!p0 $0x0, s1;
	[sflag:s0] =	ssyncset.done @!p0 $0x0  }
0x50: {  	[sflag:s0] =	ssyncadd.s32 @!p0 s1  }
0x51: {  	[bflag:$0x3] =	sbarrier.arrive $0xFFFF  }
0x52: {  	_ =	shalt  }

// kernel: kernel.49.cloned.1.call-start
scs
__scs_entry_jumppad:
0x0: {  	(pc) =	sbr.rel $0x88, $3  }
0x1: {  	(tag) =	ssettag $0x0;
	lr =	simm.s32 $0x1  }
0x2: {  	[smem:$0x3F88] =	sst lr;
	_ =	strace $0xD0000000  }
0x3: {  	_ = 	snop  }
0x4: {  	_ = 	snop  }
0x5: {  	_ = 	snop  }
0x6: {  	_ = 	snop  }
0x7: {  	_ = 	snop  }
__scs_overlays_trampoline_lowered:
0x8: {  	[smem:$0x3F97] =	sst s0  }
0x9: {  	[smem:$0x3F98] =	sst s1  }
0xa: {  	[smem:$0x3F99] =	sst s2  }
0xb: {  	[smem:$0x3F9A] =	sst s3  }
0xc: {  	[smem:$0x3F9B] =	sst s4  }
0xd: {  	[smem:$0x3F9C] =	sst s5  }
0xe: {  	[smem:$0x3F9D] =	sst s6  }
0xf: {  	[smem:$0x3F9E] =	sst s7  }
0x10: {  	[smem:$0x3F9F] =	sst s8  }
0x11: {  	[smem:$0x3FA0] =	sst s9;
	s0 =	simm.s32 @!p0 $0x0  }
0x12: {  	s1 =	sld [smem:$0x3F86];
	s0 =	simm.s32 @p0 $0x1  }
0x13: {  	[smem:$0x3FA1] =	sst s0;
	s0 =	simm.s32 @!p1 $0x0  }
0x14: {  	s2 =	sld [smem:$0x3F85];
	s0 =	simm.s32 @p1 $0x1  }
0x15: {  	[smem:$0x3FA2] =	sst s0;
	s0 =	simm.s32 @!p2 $0x0  }
0x16: {  	s3 =	sld [smem:$0x3FDB];
	s0 =	simm.s32 @p2 $0x1  }
0x17: {  	s4 =	simm.s32 $0x1BF5;
	[smem:$0x3FA4] =	sst s0  }
0x18: {  	s0 =	sld [smem:$0x3F87];
	_ =	swait.ge [sflag:s4], $0x0  }
0x19: {  	s7 =	sld [smem:$0x3F88]  }
0x1a: {  	s8 =	sadd.s32 $0xFFFFE003, lr  }
0x1b: {  	s9 =	sadd.s32 $0xFFFFFEF7, lr;
	s5 =	simm.s32 $0xFFFFFFFF;
	p2 =	slt.u32 s8, $0xFFFFF086  }
0x1c: {  	p1 =	slt.u32 s9, $0xF7A;
	s5 =	simm.s32 @!p2 $0x0  }
0x1d: {  	s5 =	simm.s32 @p1 $0x1;
	p0 =	seq.s32 s7, s2  }
0x1e: {  	s7 =	smul.u32 @!p0 $0xF7A, s2;
	p2 =	seq.s32 @!p0 s5, $0x0  }
0x1f: {  	s9 =	smul.u32 $0xF7A, s1;
	s8 =	simm.s32 @!p0 $0x1BF5;
	p2 =	por !p2, p0  }
0x20: {  	[sflag:s8] =	ssyncset.s32 @!p0 $0xFFFFF086;
	s6 =	sadd.s32 @!p0 s3, s7;
	s7 =	simm.s32 @!p0 $0x108  }
0x21: {  	s3 =	sadd.s32 s3, s9;
	s6 =	sadd.s32 @!p0 $0x88, s6;
	s7 =	simm.s32 @p2 $0x1082  }
0x22: {  	[simem:s7], [sflag:s8] =	dma.local @!p0 [hbm:s6], $0xF7A  }
0x23: {  	s9 =	sor.u32 $0xD0000000, s2;
	s6 =	simm.s32 $0x108;
	_ =	swait.ge @!p0 [sflag:s8], $0x0  }
0x24: {  	s3 =	sadd.s32 $0x88, s3;
	s6 =	simm.s32 @!p1 $0x1082;
	[sflag:s4] =	ssyncset.s32 $0xFFFFF086  }
0x25: {  	[simem:s6], [sflag:s4] =	dma.local [hbm:s3], $0xF7A  }
0x26: {  	[smem:$0x3F88] =	sst s1;
	(tag) =	ssettag s2;
	_ =	strace s9  }
0x27: {  	s1 =	sld [smem:$0x3F98]  }
0x28: {  	s2 =	sld [smem:$0x3F99]  }
0x29: {  	s4 =	sld [smem:$0x3F9B]  }
0x2a: {  	p0 =	seq.s32 s5, $0x0;
	s5 =	sld [smem:$0x3F9C]  }
0x2b: {  	s6 =	sld [smem:$0x3F9D]  }
0x2c: {  	s7 =	sld [smem:$0x3F9E]  }
0x2d: {  	s3 =	simm.s32 $0x108;
	s8 =	sld [smem:$0x3F9F]  }
0x2e: {  	s3 =	simm.s32 @!p0 $0x1082;
	s9 =	sld [smem:$0x3FA0]  }
0x2f: {  	lr =	sadd.s32 s0, s3;
	s0 =	sld [smem:$0x3F97]  }
0x30: {  	s3 =	sld [smem:$0x3F9A]  }
0x31: {  	[smem:$0x3FA3] =	sst s10  }
0x32: {  	s10 =	sld [smem:$0x3FA1];
	_ =	sdelay $0x3  }
0x33: {  	p0 =	seq.s32 s10, $0x1;
	s10 =	sld [smem:$0x3FA3];
	_ =	sdelay $0x3  }
0x34: {  	[smem:$0x3FA3] =	sst s10  }
0x35: {  	s10 =	sld [smem:$0x3FA2];
	_ =	sdelay $0x3  }
0x36: {  	p1 =	seq.s32 s10, $0x1;
	s10 =	sld [smem:$0x3FA3];
	_ =	sdelay $0x3  }
0x37: {  	[smem:$0x3FA3] =	sst s10  }
0x38: {  	s10 =	sld [smem:$0x3FA4]  }
0x39: {  	_ = 	snop;
	(pc) =	sbr.ind lr, $3  }
0x3a: {  	_ = 	snop  }
0x3b: {  	_ = 	snop  }
0x3c: {  	p2 =	seq.s32 s10, $0x1;
	s10 =	sld [smem:$0x3FA3]  }
0x3d: {  	_ =	shalt  }
0x3e: {  	_ =	shalt  }
0x3f: {  	_ =	shalt  }
0x40: {  	_ =	shalt  }
0x41: {  	_ =	shalt  }
0x42: {  	_ =	shalt  }
0x43: {  	_ =	shalt  }
0x44: {  	_ =	shalt  }
0x45: {  	_ =	shalt  }
0x46: {  	_ =	shalt  }
0x47: {  	_ =	shalt  }
0x48: {  	_ =	shalt  }
0x49: {  	_ =	shalt  }
0x4a: {  	_ =	shalt  }
0x4b: {  	_ =	shalt  }
0x4c: {  	_ =	shalt  }
0x4d: {  	_ =	shalt  }
0x4e: {  	_ =	shalt  }
0x4f: {  	_ =	shalt  }
0x50: {  	_ =	shalt  }
0x51: {  	_ =	shalt  }
0x52: {  	_ =	shalt  }
0x53: {  	_ =	shalt  }
0x54: {  	_ =	shalt  }
0x55: {  	_ =	shalt  }
0x56: {  	_ =	shalt  }
0x57: {  	_ =	shalt  }
0x58: {  	_ =	shalt  }
0x59: {  	_ =	shalt  }
0x5a: {  	_ =	shalt  }
0x5b: {  	_ =	shalt  }
0x5c: {  	_ =	shalt  }
0x5d: {  	_ =	shalt  }
0x5e: {  	_ =	shalt  }
0x5f: {  	_ =	shalt  }
0x60: {  	_ =	shalt  }
0x61: {  	_ =	shalt  }
0x62: {  	_ =	shalt  }
0x63: {  	_ =	shalt  }
0x64: {  	_ =	shalt  }
0x65: {  	_ =	shalt  }
0x66: {  	_ =	shalt  }
0x67: {  	_ =	shalt  }
0x68: {  	_ =	shalt  }
0x69: {  	_ =	shalt  }
0x6a: {  	_ =	shalt  }
0x6b: {  	_ =	shalt  }
0x6c: {  	_ =	shalt  }
0x6d: {  	_ =	shalt  }
0x6e: {  	_ =	shalt  }
0x6f: {  	_ =	shalt  }
0x70: {  	_ =	shalt  }
0x71: {  	_ =	shalt  }
0x72: {  	_ =	shalt  }
0x73: {  	_ =	shalt  }
0x74: {  	_ =	shalt  }
0x75: {  	_ =	shalt  }
0x76: {  	_ =	shalt  }
0x77: {  	_ =	shalt  }
0x78: {  	_ =	shalt  }
0x79: {  	_ =	shalt  }
0x7a: {  	_ =	shalt  }
0x7b: {  	_ =	shalt  }
0x7c: {  	_ =	shalt  }
0x7d: {  	_ =	shalt  }
0x7e: {  	_ =	shalt  }
0x7f: {  	_ =	shalt  }
0x80: {  	_ =	shalt  }
0x81: {  	_ =	shalt  }
0x82: {  	_ =	shalt  }
0x83: {  	_ =	shalt  }
0x84: {  	_ =	shalt  }
0x85: {  	_ =	shalt  }
0x86: {  	_ =	shalt  }
0x87: {  	_ =	shalt  }
.Lfunc_end0:
.L_simem_size_0:
called_computation.7_lowered:
.L_overlay_start_0:
0x88: {  	s2 =	sld [smem:$0x3FD9]  }
0x89: {  	s3 =	sld [smem:$0x3FFE];
	_ =	sdelay $0x1  }
0x8a: {  	s1 =	srdreg.scid  }
0x8b: {  	s0 =	sand.u32 $0x1, s1  }
0x8c: {  	s17 =	sshll.u32 s0, $0xA;
	s2 =	sadd.s32 s3, s2  }
0x8d: {  	s2 =	sadd.s32 s2, s17  }
0x8e: {  	[smem:$0x3FAF] =	sst s2  }
0x8f: {  	_ = 	snop  }
0x90: {  	(tm) =	ssettm $0x1  }
0x91: {  	s18 =	sld [smem:$0x3FFB];
	_ =	sdelay $0x3  }
0x92: {  	_ =	strace s18  }
0x93: {  	s2 =	sld [smem:$0x3FFC];
	_ =	sdelay $0x3  }
0x94: {  	_ =	strace s2  }
0x95: {  	s2 =	sld [smem:$0x3FFD];
	_ =	sdelay $0x3  }
0x96: {  	_ =	strace s2  }
0x97: {  	_ =	strace $0x8FFFFFFF  }
0x98: {  	s19 =	sld [smem:$0x3FDB];
	_ =	sdelay $0x1  }
0x99: {  	s20 =	simm.s32 $_scs_section_size  }
0x9a: {  	s4 =	simm.s32 $_size__tile_overlayer_lowered;
	s5 =	simm.s32 $_tile_overlayer_lowered  }
0x9b: {  	s6 =	simm.s32 $0x1BFF;
	s21 =	sshll.u32 s5, $0x1;
	s3 =	sadd.s32 s20, s19  }
0x9c: {  	s22 =	simm.s32 $0x0;
	s4 =	sshll.u32 s4, $0x1;
	s5 =	sadd.s32 s21, s3  }
0x9d: {  	[timem:s22], [sflag:s6] =	dma.local [hbm:s5], s4  }
0x9e: {  	_ =	swait.ge [sflag:s6], s4  }
0x9f: {  	s4 =	ssub.s32 $0x0, s4;
	[sflag:s6] =	ssyncset.done $0x0  }
0xa0: {  	[sflag:s6] =	ssyncadd.s32 s4;
	_ =	sdelay $0x1  }
0xa1: {  	s23 =	simm.s32 $0x1B8B  }
0xa2: {  	_ =	swait.ge [sflag:s23], $0x1  }
0xa3: {  	[sflag:s23] =	ssyncset.done $0x0  }
0xa4: {  	[sflag:s23] =	ssyncadd.s32 $0xFFFFFFFF  }
0xa5: {  	s4 =	sld [smem:$0x0]  }
0xa6: {  	s5 =	sand.u32 $0xFFFFFFFE, s1  }
0xa7: {  	p0 =	sne.s32 s1, s5  }
0xa8: {  	s5 =	sshll.u32 @p0 s5, $0xE  }
0xa9: {  	s5 =	sadd.s32 @p0 $0x11B8D, s5;
	s6 =	sshll.u32 @p0 s4, $0x11  }
0xaa: {  	s5 =	sor.u32 @p0 s6, s5  }
0xab: {  	[sflag:s5] =	ssyncadd.remote.s32 @p0 $0x1;
	_ =	sdelay $0x1  }
0xac: {  	s5 =	simm.s32 @p0 $0x1B8D  }
0xad: {  	_ =	swait.eq @p0 [sflag:s5], $0x1  }
0xae: {  	[sflag:s5] =	ssyncadd.s32 @p0 $0xFFFFFFFF  }
0xaf: {  	s6 =	sshll.u32 @!p0 s1, $0xE  }
0xb0: {  	s6 =	sor.u32 @!p0 $0x4000, s6;
	s5 =	simm.s32 @!p0 $0x1B8D  }
0xb1: {  	s4 =	sshll.u32 @!p0 s4, $0x11;
	s6 =	sadd.s32 @!p0 $0x11B8D, s6;
	_ =	swait.eq @!p0 [sflag:s5], $0x1  }
0xb2: {  	s4 =	sor.u32 @!p0 s4, s6;
	[sflag:s5] =	ssyncadd.s32 @!p0 $0xFFFFFFFF  }
0xb3: {  	s25 =	simm.s32 $0x1B8E;
	s24 =	sld [smem:$0x3FFE];
	[sflag:s4] =	ssyncadd.remote.s32 @!p0 $0x1  }
0xb4: {  	s26 =	simm.s32 $execute0_lowered;
	[smem:$0x3FD2] =	sst s25  }
0xb5: {  	s5 =	sshll.u32 s26, $0x1;
	_ =	strace $0x8000005B;
	[dreg:$0x1] =	wrdreg $0xFFFFFFFF  }
0xb6: {  	s28 =	simm.s32 $_size_execute0_lowered;
	s3 =	sadd.s32 s3, s5;
	[dreg:$0x0] =	wrdreg $0x0  }
0xb7: {  	s5 =	sshll.u32 s28, $0x1;
	[dreg:$0x2] =	wrdreg s3  }
0xb8: {  	[dreg:$0x3] =	wrdreg s5  }
0xb9: {  	[dreg:$0x4] =	wrdreg $0xC0  }
0xba: {  	_ =	task [dreg:s22], $0x5FFFF  }
0xbb: {  	[dreg:$0x1] =	wrdreg $0xFFFFFFFF  }
0xbc: {  	[dreg:$0x0] =	wrdreg $0x60  }
0xbd: {  	[dreg:$0x2] =	wrdreg s24  }
0xbe: {  	[dreg:$0x3] =	wrdreg $0x9  }
0xbf: {  	_ =	task.clear_ibuf [dreg:s22], $0x4FFFF;
	_ =	strace $0x9000005B  }
0xc0: {  	s29 =	simm.s32 $0x9;
	_ =	strace $0x8000005D  }
0xc1: {  	_ =	swait.ge [sflag:s29], $0x1  }
0xc2: {  	[sflag:s29] =	ssyncadd.s32 $0xFFFFFFFF  }
0xc3: {  	_ =	strace $0x9000005D  }
0xc4: {  	_ =	sfence  }
0xc5: {  	s30 =	sld [smem:$0x0];
	_ =	sdelay $0x2  }
0xc6: {  	s31 =	sshll.u32 s1, $0xD;
	s1 =	sshrl.u32 s1, $0x2  }
0xc7: {  	s4 =	sand.u32 $0x4000, s31;
	s1 =	sadd.s32 s1, s30  }
0xc8: {  	s0 =	sor.u32 s4, s0;
	s1 =	sshll.u32 s1, $0x11  }
0xc9: {  	s0 =	sor.u32 s1, s0  }
0xca: {  	s0 =	sadd.s32 $0x8F2B, s0  }
0xcb: {  	[sflag:s0] =	ssyncadd.remote.s32 $0x1  }
0xcc: {  	_ =	sfence.sel $0xFFFF  }
0xcd: {  	[dreg:$0x0] =	wrdreg $0xFFFFFFFF;
	(pc) =	sbr.abs _section_cstart, $3  }
0xce: {  	[dreg:$0x1] =	wrdreg $0xFFFFFFFF  }
0xcf: {  	_ =	task.clear_ibuf [dreg:s22], $0x2FFFF;
	_ =	strace $0x9FFFFFFF  }
0xd0: {  	(tm) =	ssettm $0x7FFFFFFF  }
0xd1: {  	_ =	shalt  }
tec
execute0_lowered:
.L_overlay_start_1:
0x0: {  	(tag) =	ssettag $0x1  }
0x1: {  	s1 =	srdreg.scid;
	s0 =	stileid.u32  }
0x2: {  	s6 =	rddreg [dreg:$0x0];
	s2 =	simm.s32 $0x0;
	s12 =	simm.s32 $0x4800  }
0x3: {  	s13 =	simm.s32 $0x1;
	s14 =	simm.s32 $0x2;
	s15 =	simm.s32 $0x0  }
0x4: {  	s5 =	sand.u32 $0x1, s1;
	s26 =	sshll.u32 s0, $0x1;
	s1 =	rddreg [dreg:$0x1]  }
0x5: {  	[smem:$0x7FF] =	sst s2;
	s29 =	smul.u32 $0x30000, s0;
	s4 =	sor.u32 s5, s26  }
0x6: {  	s11 =	sadd.s32 $0x36EC00, s6;
	s8 =	ssub.s32 $0x2, s5;
	s3 =	smul.u32 $0x1800, s4  }
0x7: {  	_ =	strace $0x8000005C;
	s9 =	sshrl.u32 s8, $0x1;
	s10 =	smul.u32 $0x18000, s4  }
0x8: {  	s31 =	smul.u32 $0x18000, s5;
	s28 =	ssub.s32 s8, s9;
	s8 =	sadd.s32 s29, s11  }
0x9: {  	s9 =	simm.s32 $0x3;
	s3 =	sshrl.u32 s3, $0x3;
	s30 =	sadd.s32 s11, s10  }
0xa: {  	s5 =	smax.u32 s28, $0x1;
	s8 =	sadd.s32 s31, s8;
	s10 =	simm.s32 $0x60  }
0xb: {  	s11 =	simm.s32 $0x1800;
	s7 =	sadd.s32 s3, s6;
	s3 =	sadd.s32 $0x6EC00, s6  }
0xc: {  	s6 =	sadd.s32 $0x17400, s30;
	s4 =	sadd.s32 $0x8EC00, s7;
	s7 =	sadd.s32 $0x17A00, s30  }
.LBB2_1:
0xd: {  	[tilespmem:s2], [sflag:$0x3] =	stream.linear.gather [hbm4b:s4+s2], $0x1800, $0x38;
	[tilespmem:$0x7800] =	vst v63  }
0xe: {  	_ =	swait.ge [sflag:s9], $0x1800  }
0xf: {  	[sflag:s9] =	ssyncset.done $0x0  }
0x10: {  	[sflag:s9] =	ssyncadd.s32 $0xFFFFE800  }
0x11: {  	[tilespmem:s11], [sflag:$0x1] =	stream.indirect.gather [hbm4b:s3+s10], $0x80, s2, s10, $0xb8;
	[tilespmem:$0x7800] =	vst v63  }
0x12: {  	_ = 	snop  }
0x13: {  	[tilespmem:s12], [sflag:$0x2] =	stream.indirect.gather [hbm4b:s3+s10], $0x80, s10, s10, $0xb8;
	[tilespmem:$0x7800] =	vst v63  }
0x14: {  	_ =	swait.ge [sflag:s13], $0x3000  }
0x15: {  	[sflag:s13] =	ssyncset.done $0x0  }
0x16: {  	s16 =	sadd.s32 $0x0, s8;
	[sflag:s13] =	ssyncadd.s32 $0xFFFFD000  }
0x17: {  	[hbm4b:s16+s2] =	stream.linear.scatter [tilespmem:s11], [sflag:$0x3], $0x3000, $0x38;
	[tilespmem:$0x7800] =	vst v63  }
0x18: {  	_ =	swait.ge [sflag:s9], $0x3000  }
0x19: {  	[sflag:s9] =	ssyncset.done $0x0  }
0x1a: {  	s17 =	simm.s32 $0xC0;
	[sflag:s9] =	ssyncadd.s32 $0xFFFFD000  }
0x1b: {  	[tilespmem:s11], [sflag:$0x1] =	stream.indirect.gather [hbm4b:s3+s10], $0x80, s17, s10, $0xb8;
	[tilespmem:$0x7800] =	vst v63  }
0x1c: {  	_ =	swait.ge [sflag:s14], $0x3000  }
0x1d: {  	[sflag:s14] =	ssyncset.done $0x0  }
0x1e: {  	s16 =	sadd.s32 $0x600, s16;
	[sflag:s14] =	ssyncadd.s32 $0xFFFFD000  }
0x1f: {  	[hbm4b:s16+s2] =	stream.linear.scatter [tilespmem:s12], [sflag:$0x3], $0x3000, $0x38;
	[tilespmem:$0x7800] =	vst v63  }
0x20: {  	_ =	swait.ge [sflag:s9], $0x3000  }
0x21: {  	s18 =	simm.s32 $0x1E0;
	[sflag:s9] =	ssyncset.done $0x0  }
0x22: {  	s17 =	simm.s32 $0xC00;
	s16 =	simm.s32 $0x120;
	[sflag:s9] =	ssyncadd.s32 $0xFFFFD000  }
.LBB2_2:
0x23: {  	[tilespmem:s12], [sflag:$0x2] =	stream.indirect.gather [hbm4b:s3+s10], $0x80, s16, s10, $0xb8;
	[tilespmem:$0x7800] =	vst v63  }
0x24: {  	s19 =	smov.u32 s17;
	s16 =	smov.u32 s18  }
0x25: {  	p0 =	sne.s32 s17, $0x16800;
	s17 =	sadd.s32 $0xC00, s17;
	_ =	swait.ge [sflag:s13], $0x3000  }
0x26: {  	[sflag:s13] =	ssyncset.done $0x0  }
0x27: {  	s19 =	sadd.s32 s19, s8;
	[sflag:s13] =	ssyncadd.s32 $0xFFFFD000  }
0x28: {  	[hbm4b:s19+s2] =	stream.linear.scatter [tilespmem:s11], [sflag:$0x3], $0x3000, $0x38;
	[tilespmem:$0x7800] =	vst v63  }
0x29: {  	_ =	swait.ge [sflag:s9], $0x3000  }
0x2a: {  	[sflag:s9] =	ssyncset.done $0x0  }
0x2b: {  	s20 =	sadd.s32 $0xFFFFFFA0, s18;
	[sflag:s9] =	ssyncadd.s32 $0xFFFFD000  }
0x2c: {  	[tilespmem:s11], [sflag:$0x1] =	stream.indirect.gather [hbm4b:s3+s10], $0x80, s20, s10, $0xb8;
	[tilespmem:$0x7800] =	vst v63  }
0x2d: {  	_ =	swait.ge [sflag:s14], $0x3000  }
0x2e: {  	[sflag:s14] =	ssyncset.done $0x0  }
.Ltmp0:
0x2f: {  	s19 =	sadd.s32 $0x600, s19;
	[sflag:s14] =	ssyncadd.s32 $0xFFFFD000;
	(pc) =	sbr.rel @p0 .LBB2_2-.Ltmp0, $4  }
0x30: {  	[hbm4b:s19+s2] =	stream.linear.scatter [tilespmem:s12], [sflag:$0x3], $0x3000, $0x38;
	[tilespmem:$0x7800] =	vst v63  }
0x31: {  	_ =	swait.ge [sflag:s9], $0x3000  }
0x32: {  	[sflag:s9] =	ssyncset.done $0x0  }
0x33: {  	s18 =	sadd.s32 $0xC0, s18;
	[sflag:s9] =	ssyncadd.s32 $0xFFFFD000  }
0x34: {  	[tilespmem:s12], [sflag:$0x2] =	stream.indirect.gather [hbm4b:s3+s10], $0x80, s16, s10, $0xb8;
	[tilespmem:$0x7800] =	vst v63  }
0x35: {  	_ =	swait.ge [sflag:s13], $0x3000  }
0x36: {  	[sflag:s13] =	ssyncset.done $0x0  }
0x37: {  	[sflag:s13] =	ssyncadd.s32 $0xFFFFD000  }
0x38: {  	[hbm4b:s6+s2] =	stream.linear.scatter [tilespmem:s11], [sflag:$0x3], $0x3000, $0x38;
	[tilespmem:$0x7800] =	vst v63  }
0x39: {  	_ =	swait.ge [sflag:s9], $0x3000  }
0x3a: {  	[sflag:s9] =	ssyncset.done $0x0  }
0x3b: {  	[sflag:s9] =	ssyncadd.s32 $0xFFFFD000  }
0x3c: {  	s15 =	sadd.s32 $0x1, s15;
	_ =	swait.ge [sflag:s14], $0x3000  }
0x3d: {  	p0 =	sne.s32 s15, s5;
	[sflag:s14] =	ssyncset.done $0x0  }
.Ltmp1:
0x3e: {  	[sflag:s14] =	ssyncadd.s32 $0xFFFFD000;
	(pc) =	sbr.rel @p0 .LBB2_1-.Ltmp1, $4  }
0x3f: {  	[hbm4b:s7+s2] =	stream.linear.scatter [tilespmem:s12], [sflag:$0x3], $0x3000, $0x38;
	[tilespmem:$0x7800] =	vst v63  }
0x40: {  	_ =	swait.ge [sflag:s9], $0x3000  }
0x41: {  	[sflag:s9] =	ssyncset.done $0x0  }
0x42: {  	[sflag:s9] =	ssyncadd.s32 $0xFFFFD000  }
0x43: {  	_ =	sfence.sel $0x180000  }
0x44: {  	[bflag:$0x0] =	sbarrier.arrive $0xFFFF  }
0x45: {  	p0 =	sne.s32 s0, $0x0;
	_ =	strace $0x9000005C  }
0x46: {  	s0 =	sadd.s32 @!p0 $0x100000, s1;
	[bflag:$0x2] =	sbarrier.arrive $0xFFFF  }
0x47: {  	[sflag:s0] =	ssyncadd.tile.s32 @!p0 $0x1;
	_ =	shalt  }
.Lfunc_end2:
_tile_overlayer_lowered:
.L_overlay_start_2:
0x48: {  	(tag) =	ssettag $0x2  }
0x49: {  	s0 =	rddreg [dreg:$0x0];
	s2 =	stileid.u32  }
0x4a: {  	s1 =	rddreg [dreg:$0x1];
	p0 =	sne.s32 s2, $0x0  }
0x4b: {  	s3 =	rddreg [dreg:$0x2];
	[bflag:$0x3] =	sbarrier.arrive $0xFFFF;
	s2 =	simm.s32 @!p0 $0x1C03  }
0x4c: {  	[timem:s3], [sflag:s2] =	dma.local @!p0 [hbm:s0], s1  }
0x4d: {  	s0 =	simm.s32 @!p0 $0x3  }
0x4e: {  	_ =	swait.ge @!p0 [sflag:s0], s1  }
0x4f: {  	s1 =	ssub.s32 @!p0 $0x0, s1;
	[sflag:s0] =	ssyncset.done @!p0 $0x0  }
0x50: {  	[sflag:s0] =	ssyncadd.s32 @!p0 s1  }
0x51: {  	[bflag:$0x3] =	sbarrier.arrive $0xFFFF  }
0x52: {  	_ =	shalt  }

</sc_bundles>
